<compile_context>
chip_gen: v7x
topology: tpu7x:2x2x1
jax: 0.10.2.dev20260603
libtpu: 0.0.44.dev20260713+nightly
codegen_flags: <defaults>
</compile_context>

<pallas_src>
import functools

import jax
import jax.numpy as jnp
from jax import lax
from jax.experimental import pallas as pl
from jax.experimental.pallas import tpu as pltpu
from jax.experimental.pallas import tpu_sc as plsc

N = 10000
E = 160000
D_IN = 256
D_HID = 256
D_OUT = 128

NC = 2
NS = 16
LANES = 16

N_PAD = 10240
E_PAD = 163840
EB = 128
NB_ALL = E_PAD // EB
ROW_BLK = 5120
GRID_R = N_PAD // ROW_BLK

_MESH = plsc.VectorSubcoreMesh(
    core_axis_name="c", subcore_axis_name="s", num_cores=NC, num_subcores=NS
)


def _zero_rows(rows, nrow, ncol):
    zero16 = jnp.zeros((LANES,), jnp.float32)

    def _zr(i, carry):
        def _zc(j, carry2):
            rows[i, pl.ds(j * LANES, LANES)] = zero16
            return carry2

        return lax.fori_loop(0, ncol // LANES, _zc, carry)

    lax.fori_loop(0, nrow, _zr, 0)


CHUNK = 40


def _stage_idx(src2_hbm, dst2_hbm, boff, sidx2, didx2):
    pltpu.sync_copy(src2_hbm.at[pl.ds(boff, CHUNK)], sidx2)
    pltpu.sync_copy(dst2_hbm.at[pl.ds(boff, CHUNK)], didx2)


def _edge_pipeline(t_hbm, src2_hbm, dst2_hbm, batch0, nb,
                   sidx2, didx2, dbuf, rows0, rows1, sem0, sem1, acc):

    def _scatter(b, rows):
        for j in range(EB // LANES):
            dbuf[pl.ds(j * LANES, LANES)] = didx2[b, pl.ds(j * LANES, LANES)]
        pltpu.sync_copy(rows, acc.at[dbuf], add=True)

    def _run_chunk():
        pltpu.async_copy(t_hbm.at[sidx2.at[0]], rows0, sem0)

        def _body(b2, carry2):
            b = b2 * 2
            pltpu.async_copy(t_hbm.at[sidx2.at[b + 1]], rows1, sem1)
            pltpu.make_async_copy(t_hbm.at[sidx2.at[b]], rows0, sem0).wait()
            _scatter(b, rows0)
            pltpu.async_copy(t_hbm.at[sidx2.at[b + 2]], rows0, sem0)
            pltpu.make_async_copy(
                t_hbm.at[sidx2.at[b + 1]], rows1, sem1).wait()
            _scatter(b + 1, rows1)
            return carry2

        lax.fori_loop(0, CHUNK // 2 - 1, _body, 0)
        b = CHUNK - 2
        pltpu.async_copy(t_hbm.at[sidx2.at[b + 1]], rows1, sem1)
        pltpu.make_async_copy(t_hbm.at[sidx2.at[b]], rows0, sem0).wait()
        _scatter(b, rows0)
        pltpu.make_async_copy(t_hbm.at[sidx2.at[b + 1]], rows1, sem1).wait()
        _scatter(b + 1, rows1)

    _run_chunk()
    for ci in range(1, nb // CHUNK):
        _stage_idx(src2_hbm, dst2_hbm, batch0 + ci * CHUNK, sidx2, didx2)
        _run_chunk()


@functools.partial(
    pl.kernel,
    out_type=jax.ShapeDtypeStruct((NC, N_PAD), jnp.float32),
    mesh=_MESH,
    scratch_types=[
        pltpu.VMEM((NB_ALL // (NC * NS), EB), jnp.int32),
        pltpu.VMEM((EB,), jnp.int32),
        pltpu.VMEM((EB,), jnp.float32),
        pltpu.VMEM((N_PAD // NS,), jnp.float32),
        pltpu.VMEM_SHARED((N_PAD,), jnp.float32),
        pltpu.SemaphoreType.DMA,
    ],
)
def _deg_sc(dst2_hbm, cnt_hbm, didx2, dbuf, ones_v, bounce, acc, sem):
    c = lax.axis_index("c")
    s = lax.axis_index("s")
    rpt = N_PAD // NS
    nb = NB_ALL // (NC * NS)

    one16 = jnp.ones((LANES,), jnp.float32)
    zero16 = jnp.zeros((LANES,), jnp.float32)
    for j in range(EB // LANES):
        ones_v[pl.ds(j * LANES, LANES)] = one16

    def _zb(i, carry):
        bounce[pl.ds(i * LANES, LANES)] = zero16
        return carry

    lax.fori_loop(0, rpt // LANES, _zb, 0)
    w = c * NS + s
    pltpu.sync_copy(dst2_hbm.at[pl.ds(w * nb, nb)], didx2)
    pltpu.sync_copy(bounce, acc.at[pl.ds(s * rpt, rpt)])
    plsc.subcore_barrier()

    def _body(b, carry):
        for j in range(EB // LANES):
            dbuf[pl.ds(j * LANES, LANES)] = didx2[b, pl.ds(j * LANES, LANES)]
        pltpu.sync_copy(ones_v, acc.at[dbuf], add=True)
        return carry

    lax.fori_loop(0, nb, _body, 0)
    plsc.subcore_barrier()

    pltpu.sync_copy(acc.at[pl.ds(s * rpt, rpt)], bounce)
    pltpu.sync_copy(bounce, cnt_hbm.at[c, pl.ds(s * rpt, rpt)])


_DH1 = D_HID // 2
_NB1 = E_PAD // (NS * EB)


@functools.partial(
    pl.kernel,
    out_type=(
        jax.ShapeDtypeStruct((N_PAD, _DH1), jnp.float32),
        jax.ShapeDtypeStruct((N_PAD, _DH1), jnp.float32),
    ),
    mesh=_MESH,
    scratch_types=[
        pltpu.VMEM((CHUNK, EB), jnp.int32),
        pltpu.VMEM((CHUNK, EB), jnp.int32),
        pltpu.VMEM((EB,), jnp.int32),
        pltpu.VMEM((EB, _DH1), jnp.float32),
        pltpu.VMEM((EB, _DH1), jnp.float32),
        pltpu.VMEM_SHARED((N_PAD, _DH1), jnp.float32),
        pltpu.SemaphoreType.DMA,
        pltpu.SemaphoreType.DMA,
    ],
)
def _prop_l1(src2_hbm, dst2_hbm, ta_hbm, tb_hbm, outa_hbm, outb_hbm,
             sidx2, didx2, dbuf, rows0, rows1, acc, sem0, sem1):
    c = lax.axis_index("c")
    s = lax.axis_index("s")
    rpt = N_PAD // NS

    _zero_rows(rows0, EB, _DH1)
    base = s * rpt
    zd = [
        pltpu.async_copy(rows0, acc.at[pl.ds(base + k * EB, EB)], sem1)
        for k in range(rpt // EB)
    ]
    _stage_idx(src2_hbm, dst2_hbm, s * _NB1, sidx2, didx2)
    for d in zd:
        d.wait()
    plsc.subcore_barrier()

    @pl.when(c == 0)
    def _():
        _edge_pipeline(ta_hbm, src2_hbm, dst2_hbm, s * _NB1, _NB1,
                       sidx2, didx2, dbuf, rows0, rows1, sem0, sem1, acc)

    @pl.when(c == 1)
    def _():
        _edge_pipeline(tb_hbm, src2_hbm, dst2_hbm, s * _NB1, _NB1,
                       sidx2, didx2, dbuf, rows0, rows1, sem0, sem1, acc)

    plsc.subcore_barrier()

    def _drain(out_hbm):
        pltpu.sync_copy(acc.at[pl.ds(base, rpt)], out_hbm.at[pl.ds(base, rpt)])

    @pl.when(c == 0)
    def _():
        _drain(outa_hbm)

    @pl.when(c == 1)
    def _():
        _drain(outb_hbm)


_NB2 = E_PAD // (NC * NS * EB)


@functools.partial(
    pl.kernel,
    out_type=(
        jax.ShapeDtypeStruct((N_PAD, D_OUT), jnp.float32),
        jax.ShapeDtypeStruct((N_PAD, D_OUT), jnp.float32),
    ),
    mesh=_MESH,
    scratch_types=[
        pltpu.VMEM((CHUNK, EB), jnp.int32),
        pltpu.VMEM((CHUNK, EB), jnp.int32),
        pltpu.VMEM((EB,), jnp.int32),
        pltpu.VMEM((EB, D_OUT), jnp.float32),
        pltpu.VMEM((EB, D_OUT), jnp.float32),
        pltpu.VMEM_SHARED((N_PAD, D_OUT), jnp.float32),
        pltpu.SemaphoreType.DMA,
        pltpu.SemaphoreType.DMA,
    ],
)
def _prop_l2(src2_hbm, dst2_hbm, t_hbm, outa_hbm, outb_hbm,
             sidx2, didx2, dbuf, rows0, rows1, acc, sem0, sem1):
    c = lax.axis_index("c")
    s = lax.axis_index("s")
    rpt = N_PAD // NS

    _zero_rows(rows0, EB, D_OUT)
    w = c * NS + s
    base = s * rpt
    zd = [
        pltpu.async_copy(rows0, acc.at[pl.ds(base + k * EB, EB)], sem1)
        for k in range(rpt // EB)
    ]
    _stage_idx(src2_hbm, dst2_hbm, w * _NB2, sidx2, didx2)
    for d in zd:
        d.wait()
    plsc.subcore_barrier()

    _edge_pipeline(t_hbm, src2_hbm, dst2_hbm, w * _NB2, _NB2,
                   sidx2, didx2, dbuf, rows0, rows1, sem0, sem1, acc)

    plsc.subcore_barrier()

    def _drain(out_hbm):
        pltpu.sync_copy(acc.at[pl.ds(base, rpt)], out_hbm.at[pl.ds(base, rpt)])

    @pl.when(c == 0)
    def _():
        _drain(outa_hbm)

    @pl.when(c == 1)
    def _():
        _drain(outb_hbm)


def _mm1_body(x_ref, w_ref, cnt_ref, ta_ref, tb_ref, dinv_ref):
    cnt = cnt_ref[0, :] + cnt_ref[1, :]
    dinv = lax.rsqrt(1.0 + cnt)
    h = jnp.dot(x_ref[...], w_ref[...], preferred_element_type=jnp.float32)
    h = h * dinv[:, None]
    ta_ref[...] = h[:, : D_HID // 2]
    tb_ref[...] = h[:, D_HID // 2 :]
    dinv_ref[...] = dinv


def _mm1(x_p, w1, cnt):
    return pl.pallas_call(
        _mm1_body,
        grid=(GRID_R,),
        in_specs=[
            pl.BlockSpec((ROW_BLK, D_IN), lambda i: (i, 0)),
            pl.BlockSpec((D_IN, D_HID), lambda i: (0, 0)),
            pl.BlockSpec((NC, ROW_BLK), lambda i: (0, i)),
        ],
        compiler_params=pltpu.CompilerParams(
            dimension_semantics=("arbitrary",),
        ),
        out_specs=[
            pl.BlockSpec((ROW_BLK, D_HID // 2), lambda i: (i, 0)),
            pl.BlockSpec((ROW_BLK, D_HID // 2), lambda i: (i, 0)),
            pl.BlockSpec((ROW_BLK,), lambda i: (i,)),
        ],
        out_shape=[
            jax.ShapeDtypeStruct((N_PAD, D_HID // 2), jnp.float32),
            jax.ShapeDtypeStruct((N_PAD, D_HID // 2), jnp.float32),
            jax.ShapeDtypeStruct((N_PAD,), jnp.float32),
        ],
    )(x_p, w1, cnt)


def _mm2_body(aa_ref, ab_ref, ta_ref, tb_ref, dinv_ref, b1_ref, w2_ref,
              t2_ref):
    dinv = dinv_ref[...]
    h1 = jnp.concatenate(
        [aa_ref[...] + ta_ref[...], ab_ref[...] + tb_ref[...]], axis=1
    )
    out1 = jnp.maximum(h1 * dinv[:, None] + b1_ref[...][None, :], 0.0)
    h2 = jnp.dot(out1, w2_ref[...], preferred_element_type=jnp.float32)
    t2_ref[...] = h2 * dinv[:, None]


def _mm2(aa, ab, ta, tb, dinv, b1, w2):
    return pl.pallas_call(
        _mm2_body,
        grid=(GRID_R,),
        in_specs=[
            pl.BlockSpec((ROW_BLK, D_HID // 2), lambda i: (i, 0)),
            pl.BlockSpec((ROW_BLK, D_HID // 2), lambda i: (i, 0)),
            pl.BlockSpec((ROW_BLK, D_HID // 2), lambda i: (i, 0)),
            pl.BlockSpec((ROW_BLK, D_HID // 2), lambda i: (i, 0)),
            pl.BlockSpec((ROW_BLK,), lambda i: (i,)),
            pl.BlockSpec((D_HID,), lambda i: (0,)),
            pl.BlockSpec((D_HID, D_OUT), lambda i: (0, 0)),
        ],
        out_specs=pl.BlockSpec((ROW_BLK, D_OUT), lambda i: (i, 0)),
        out_shape=jax.ShapeDtypeStruct((N_PAD, D_OUT), jnp.float32),
    )(aa, ab, ta, tb, dinv, b1, w2)


def _final_body(aa_ref, ab_ref, t2_ref, dinv_ref, b2_ref, out_ref):
    dinv = dinv_ref[...]
    h = aa_ref[...] + ab_ref[...] + t2_ref[...]
    out_ref[...] = h * dinv[:, None] + b2_ref[...][None, :]


def _final(aa, ab, t2, dinv, b2):
    return pl.pallas_call(
        _final_body,
        grid=(GRID_R,),
        in_specs=[
            pl.BlockSpec((ROW_BLK, D_OUT), lambda i: (i, 0)),
            pl.BlockSpec((ROW_BLK, D_OUT), lambda i: (i, 0)),
            pl.BlockSpec((ROW_BLK, D_OUT), lambda i: (i, 0)),
            pl.BlockSpec((ROW_BLK,), lambda i: (i,)),
            pl.BlockSpec((D_OUT,), lambda i: (0,)),
        ],
        out_specs=pl.BlockSpec((ROW_BLK, D_OUT), lambda i: (i, 0)),
        out_shape=jax.ShapeDtypeStruct((N, D_OUT), jnp.float32),
    )(aa, ab, t2, dinv, b2)


def kernel(x, edge_index, W1, b1, W2, b2):
    src = edge_index[0]
    dst = edge_index[1]
    pad_e = E_PAD - E
    pad_i = jnp.arange(pad_e, dtype=jnp.int32)
    src_p = jnp.concatenate([src, pad_i % N]).reshape(NB_ALL, EB)
    dst_p = jnp.concatenate(
        [dst, N + pad_i % (N_PAD - N)]
    ).reshape(NB_ALL, EB)
    cnt = _deg_sc(dst_p)
    ta, tb, dinv = _mm1(x, W1, cnt)
    aa, ab = _prop_l1(src_p, dst_p, ta, tb)
    t2 = _mm2(aa, ab, ta, tb, dinv, b1, W2)
    a2a, a2b = _prop_l2(src_p, dst_p, t2)
    out = _final(a2a, a2b, t2, dinv, b2)
    return out

# --- scband reference (transcript-rebuilt; emitter-appended) ---
"""Pipeline reference for scband-gnn-44006234914920 (READ-ONLY COPY).

The authoritative reference and input builder live on the scoring server;
editing this copy changes nothing except your own understanding.
"""

import jax, jax.numpy as jnp
import numpy as np

N = 10000
E = 160000
D_IN = 256
D_HID = 256
D_OUT = 128


def gcn_conv(x, src, dst, W, b, num_nodes):
    # linear transform
    h = x @ W
    # add self loops
    loop = jnp.arange(num_nodes, dtype=src.dtype)
    src_sl = jnp.concatenate([src, loop])
    dst_sl = jnp.concatenate([dst, loop])
    # symmetric normalization D^{-1/2} A D^{-1/2}
    deg = jnp.zeros((num_nodes,), dtype=h.dtype).at[dst_sl].add(1.0)
    dinv = jnp.where(deg > 0, deg ** -0.5, 0.0)
    norm = dinv[src_sl] * dinv[dst_sl]
    # gather messages from source nodes, scale, scatter-add to dst
    msg = h[src_sl] * norm[:, None]
    out = jax.ops.segment_sum(msg, dst_sl, num_segments=num_nodes)
    return out + b


def setup_inputs(seed: int = 0) -> dict:
    key = jax.random.key(seed)
    k1, k2, k3, k4, k5, k6 = jax.random.split(key, 6)
    x = jax.random.normal(k1, (N, D_IN), dtype=jnp.float32)
    edge_index = jax.random.randint(k2, (2, E), 0, N, dtype=jnp.int32)
    # GCNConv layer parameters (glorot-style scaling)
    W1 = jax.random.normal(k3, (D_IN, D_HID), dtype=jnp.float32) * (1.0 / np.sqrt(D_IN))
    b1 = jnp.zeros((D_HID,), dtype=jnp.float32)
    W2 = jax.random.normal(k4, (D_HID, D_OUT), dtype=jnp.float32) * (1.0 / np.sqrt(D_HID))
    b2 = jnp.zeros((D_OUT,), dtype=jnp.float32)
    return {"x": x, "edge_index": edge_index, "W1": W1, "b1": b1, "W2": W2, "b2": b2}


def reference(x, edge_index, W1, b1, W2, b2):
    src = edge_index[0]
    dst = edge_index[1]
    h = gcn_conv(x, src, dst, W1, b1, N)
    h = jax.nn.relu(h)
    out = gcn_conv(h, src, dst, W2, b2, N)
    return out

if __name__ == "__main__":
    import jax
    _d = setup_inputs()
    print(jax.jit(kernel)(*tuple(_d.values())))

</pallas_src>

<mosaic_0001>
#map = affine_map<(d0, d1) -> (0, 0)>
module attributes {stable_mosaic.version = 14 : i64} {
  func.func @_deg_sc(%arg0: i32, %arg1: i32, %arg2: memref<1280x128xi32, #tpu.memory_space<hbm>>, %arg3: memref<2x10240xf32, #tpu.memory_space<hbm>>, %arg4: memref<40x128xi32, #tpu.memory_space<vmem>>, %arg5: memref<128xi32, #tpu.memory_space<vmem>>, %arg6: memref<128xf32, #tpu.memory_space<vmem>>, %arg7: memref<640xf32, #tpu.memory_space<vmem>>, %arg8: memref<10240xf32, #tpu.memory_space<vmem_shared>>, %arg9: memref<!tpu.dma_semaphore, #tpu.memory_space<semaphore_mem>>) attributes {dimension_semantics = [#tpu.dimension_semantics<core_parallel>, #tpu.dimension_semantics<subcore_parallel>], iteration_bounds = array<i64: 2, 16>, scalar_prefetch = 0 : i64, scratch_operands = 6 : i64, tpu.core_type = #tpu.core_type<sc_vector_subcore>, window_params = [{transform_indices = #map}, {transform_indices = #map}]} {
    %broadcast_in_dim3A = arith.constant 1.000000e+00 : f32
    %broadcast_in_dim3A_0 = vector.broadcast %broadcast_in_dim3A : f32 to vector<16xf32>
    %broadcast_in_dim3A_1 = arith.constant 0.000000e+00 : f32
    %broadcast_in_dim3A_2 = vector.broadcast %broadcast_in_dim3A_1 : f32 to vector<16xf32>
    %swap3A = arith.constant 0 : index
    %swap3A_3 = tpu.vector_load %arg6[%swap3A] {strides = array<i32>} : memref<128xf32, #tpu.memory_space<vmem>>, vector<16xf32>,
    %swap3A_4 = vector.shape_cast %swap3A_3 : vector<16xf32> to vector<16xf32>
    %swap3A_5 = vector.shape_cast %broadcast_in_dim3A_0 : vector<16xf32> to vector<16xf32>
    tpu.vector_store %arg6[%swap3A], %swap3A_5 {strides = array<i32>} : memref<128xf32, #tpu.memory_space<vmem>>, vector<16xf32>,
    %swap3A_6 = arith.constant 16 : index
    %swap3A_7 = tpu.vector_load %arg6[%swap3A_6] {strides = array<i32>} : memref<128xf32, #tpu.memory_space<vmem>>, vector<16xf32>,
    %swap3A_8 = vector.shape_cast %swap3A_7 : vector<16xf32> to vector<16xf32>
    %swap3A_9 = vector.shape_cast %broadcast_in_dim3A_0 : vector<16xf32> to vector<16xf32>
    tpu.vector_store %arg6[%swap3A_6], %swap3A_9 {strides = array<i32>} : memref<128xf32, #tpu.memory_space<vmem>>, vector<16xf32>,
    %swap3A_10 = arith.constant 32 : index
    %swap3A_11 = tpu.vector_load %arg6[%swap3A_10] {strides = array<i32>} : memref<128xf32, #tpu.memory_space<vmem>>, vector<16xf32>,
    %swap3A_12 = vector.shape_cast %swap3A_11 : vector<16xf32> to vector<16xf32>
    %swap3A_13 = vector.shape_cast %broadcast_in_dim3A_0 : vector<16xf32> to vector<16xf32>
    tpu.vector_store %arg6[%swap3A_10], %swap3A_13 {strides = array<i32>} : memref<128xf32, #tpu.memory_space<vmem>>, vector<16xf32>,
    %swap3A_14 = arith.constant 48 : index
    %swap3A_15 = tpu.vector_load %arg6[%swap3A_14] {strides = array<i32>} : memref<128xf32, #tpu.memory_space<vmem>>, vector<16xf32>,
    %swap3A_16 = vector.shape_cast %swap3A_15 : vector<16xf32> to vector<16xf32>
    %swap3A_17 = vector.shape_cast %broadcast_in_dim3A_0 : vector<16xf32> to vector<16xf32>
    tpu.vector_store %arg6[%swap3A_14], %swap3A_17 {strides = array<i32>} : memref<128xf32, #tpu.memory_space<vmem>>, vector<16xf32>,
    %swap3A_18 = arith.constant 64 : index
    %swap3A_19 = tpu.vector_load %arg6[%swap3A_18] {strides = array<i32>} : memref<128xf32, #tpu.memory_space<vmem>>, vector<16xf32>,
    %swap3A_20 = vector.shape_cast %swap3A_19 : vector<16xf32> to vector<16xf32>
    %swap3A_21 = vector.shape_cast %broadcast_in_dim3A_0 : vector<16xf32> to vector<16xf32>
    tpu.vector_store %arg6[%swap3A_18], %swap3A_21 {strides = array<i32>} : memref<128xf32, #tpu.memory_space<vmem>>, vector<16xf32>,
    %swap3A_22 = arith.constant 80 : index
    %swap3A_23 = tpu.vector_load %arg6[%swap3A_22] {strides = array<i32>} : memref<128xf32, #tpu.memory_space<vmem>>, vector<16xf32>,
    %swap3A_24 = vector.shape_cast %swap3A_23 : vector<16xf32> to vector<16xf32>
    %swap3A_25 = vector.shape_cast %broadcast_in_dim3A_0 : vector<16xf32> to vector<16xf32>
    tpu.vector_store %arg6[%swap3A_22], %swap3A_25 {strides = array<i32>} : memref<128xf32, #tpu.memory_space<vmem>>, vector<16xf32>,
    %swap3A_26 = arith.constant 96 : index
    %swap3A_27 = tpu.vector_load %arg6[%swap3A_26] {strides = array<i32>} : memref<128xf32, #tpu.memory_space<vmem>>, vector<16xf32>,
    %swap3A_28 = vector.shape_cast %swap3A_27 : vector<16xf32> to vector<16xf32>
    %swap3A_29 = vector.shape_cast %broadcast_in_dim3A_0 : vector<16xf32> to vector<16xf32>
    tpu.vector_store %arg6[%swap3A_26], %swap3A_29 {strides = array<i32>} : memref<128xf32, #tpu.memory_space<vmem>>, vector<16xf32>,
    %swap3A_30 = arith.constant 112 : index
    %swap3A_31 = tpu.vector_load %arg6[%swap3A_30] {strides = array<i32>} : memref<128xf32, #tpu.memory_space<vmem>>, vector<16xf32>,
    %swap3A_32 = vector.shape_cast %swap3A_31 : vector<16xf32> to vector<16xf32>
    %swap3A_33 = vector.shape_cast %broadcast_in_dim3A_0 : vector<16xf32> to vector<16xf32>
    tpu.vector_store %arg6[%swap3A_30], %swap3A_33 {strides = array<i32>} : memref<128xf32, #tpu.memory_space<vmem>>, vector<16xf32>,
    %scan3A = arith.constant 0 : i32
    %scan3A_34 = arith.constant 0 : i32
    %scan3A_35 = arith.constant 40 : i32
    %scan3A_36 = arith.addi %scan3A_34, %scan3A_35 : i32
    %scan3A_37 = arith.constant 1 : i32
    scf.for %scan3A_55 = %scan3A_34 to %scan3A_36 step %scan3A_37  : i32 {
      %mul3A_56 = arith.constant 16 : i32
      %mul3A_57 = arith.muli %scan3A_55, %mul3A_56 : i32
      %swap3A_58 = arith.index_cast %mul3A_57 : i32 to index
      %swap3A_59 = tpu.vector_load %arg7[%swap3A_58] {strides = array<i32>} : memref<640xf32, #tpu.memory_space<vmem>>, vector<16xf32>,
      %swap3A_60 = vector.shape_cast %swap3A_59 : vector<16xf32> to vector<16xf32>
      %swap3A_61 = vector.shape_cast %broadcast_in_dim3A_2 : vector<16xf32> to vector<16xf32>
      tpu.vector_store %arg7[%swap3A_58], %swap3A_61 {strides = array<i32>} : memref<640xf32, #tpu.memory_space<vmem>>, vector<16xf32>,
    }
    %scan3A_38 = arith.constant 40 : i32
    %mul3A = arith.constant 16 : i32
    %mul3A_39 = arith.muli %arg0, %mul3A : i32
    %add3A = arith.addi %mul3A_39, %arg1 : i32
    %mul3A_40 = arith.constant 40 : i32
    %mul3A_41 = arith.muli %add3A, %mul3A_40 : i32
    "tpu.region"() ({
      %run_scoped3A = tpu.sem_alloc : memref<!tpu.dma_semaphore, #tpu.memory_space<semaphore_mem>>
      %dma_start3A = arith.constant 0 : i32
      %dma_start3A_55 = tpu.memref_slice %arg2[%mul3A_41, %dma_start3A] : memref<1280x128xi32, #tpu.memory_space<hbm>> -> memref<40x128xi32, #tpu.memory_space<hbm>>
      %dma_start3A_56 = arith.constant 0 : i32
      %dma_start3A_57 = tpu.memref_slice %arg2[%mul3A_41, %dma_start3A_56] : memref<1280x128xi32, #tpu.memory_space<hbm>> -> memref<40x128xi32, #tpu.memory_space<hbm>>
      tpu.enqueue_dma source(%dma_start3A_57 : memref<40x128xi32, #tpu.memory_space<hbm>>) target(%arg4 : memref<40x128xi32, #tpu.memory_space<vmem>>) target_semaphore(%run_scoped3A : memref<!tpu.dma_semaphore, #tpu.memory_space<semaphore_mem>>)
      %dma_wait3A = arith.constant 0 : i32
      %dma_wait3A_58 = tpu.memref_slice %arg2[%mul3A_41, %dma_wait3A] : memref<1280x128xi32, #tpu.memory_space<hbm>> -> memref<40x128xi32, #tpu.memory_space<hbm>>
      %dma_wait3A_59 = arith.constant 0 : i32
      %dma_wait3A_60 = tpu.memref_slice %arg2[%mul3A_41, %dma_wait3A_59] : memref<1280x128xi32, #tpu.memory_space<hbm>> -> memref<40x128xi32, #tpu.memory_space<hbm>>
      tpu.wait_dma2 semaphore(%run_scoped3A : memref<!tpu.dma_semaphore, #tpu.memory_space<semaphore_mem>>) src(%dma_wait3A_60 : memref<40x128xi32, #tpu.memory_space<hbm>>) dst(%arg4 : memref<40x128xi32, #tpu.memory_space<vmem>>)
      tpu.yield
    }) : () -> ()
    %mul3A_42 = arith.constant 640 : i32
    %mul3A_43 = arith.muli %arg1, %mul3A_42 : i32
    "tpu.region"() ({
      %run_scoped3A = tpu.sem_alloc : memref<!tpu.dma_semaphore, #tpu.memory_space<semaphore_mem>>
      %dma_start3A = tpu.memref_slice %arg8[%mul3A_43] : memref<10240xf32, #tpu.memory_space<vmem_shared>> -> memref<640xf32, #tpu.memory_space<vmem_shared>>
      %dma_start3A_55 = tpu.memref_slice %arg8[%mul3A_43] : memref<10240xf32, #tpu.memory_space<vmem_shared>> -> memref<640xf32, #tpu.memory_space<vmem_shared>>
      tpu.enqueue_dma source(%arg7 : memref<640xf32, #tpu.memory_space<vmem>>) target(%dma_start3A_55 : memref<640xf32, #tpu.memory_space<vmem_shared>>) target_semaphore(%run_scoped3A : memref<!tpu.dma_semaphore, #tpu.memory_space<semaphore_mem>>)
      %dma_wait3A = tpu.memref_slice %arg8[%mul3A_43] : memref<10240xf32, #tpu.memory_space<vmem_shared>> -> memref<640xf32, #tpu.memory_space<vmem_shared>>
      %dma_wait3A_56 = tpu.memref_slice %arg8[%mul3A_43] : memref<10240xf32, #tpu.memory_space<vmem_shared>> -> memref<640xf32, #tpu.memory_space<vmem_shared>>
      tpu.wait_dma2 semaphore(%run_scoped3A : memref<!tpu.dma_semaphore, #tpu.memory_space<semaphore_mem>>) src(%arg7 : memref<640xf32, #tpu.memory_space<vmem>>) dst(%dma_wait3A_56 : memref<640xf32, #tpu.memory_space<vmem_shared>>)
      tpu.yield
    }) : () -> ()
    %barrier3A = arith.constant 0 : index
    tpu.barrier barrier_id(%barrier3A)
    %scan3A_44 = arith.constant 0 : i32
    %scan3A_45 = arith.constant 0 : i32
    %scan3A_46 = arith.constant 40 : i32
    %scan3A_47 = arith.addi %scan3A_45, %scan3A_46 : i32
    %scan3A_48 = arith.constant 1 : i32
    scf.for %scan3A_55 = %scan3A_45 to %scan3A_47 step %scan3A_48  : i32 {
      %get3A = arith.index_cast %scan3A_55 : i32 to index
      %get3A_56 = arith.constant 0 : index
      %get3A_57 = tpu.vector_load %arg4[%get3A, %get3A_56] {strides = array<i32>} : memref<40x128xi32, #tpu.memory_space<vmem>>, vector<1x16xi32>,
      %get3A_58 = vector.shape_cast %get3A_57 : vector<1x16xi32> to vector<16xi32>
      %swap3A_59 = arith.constant 0 : index
      %swap3A_60 = tpu.vector_load %arg5[%swap3A_59] {strides = array<i32>} : memref<128xi32, #tpu.memory_space<vmem>>, vector<16xi32>,
      %swap3A_61 = vector.shape_cast %swap3A_60 : vector<16xi32> to vector<16xi32>
      %swap3A_62 = vector.shape_cast %get3A_58 : vector<16xi32> to vector<16xi32>
      tpu.vector_store %arg5[%swap3A_59], %swap3A_62 {strides = array<i32>} : memref<128xi32, #tpu.memory_space<vmem>>, vector<16xi32>,
      %get3A_63 = arith.index_cast %scan3A_55 : i32 to index
      %get3A_64 = arith.constant 16 : index
      %get3A_65 = tpu.vector_load %arg4[%get3A_63, %get3A_64] {strides = array<i32>} : memref<40x128xi32, #tpu.memory_space<vmem>>, vector<1x16xi32>,
      %get3A_66 = vector.shape_cast %get3A_65 : vector<1x16xi32> to vector<16xi32>
      %swap3A_67 = arith.constant 16 : index
      %swap3A_68 = tpu.vector_load %arg5[%swap3A_67] {strides = array<i32>} : memref<128xi32, #tpu.memory_space<vmem>>, vector<16xi32>,
      %swap3A_69 = vector.shape_cast %swap3A_68 : vector<16xi32> to vector<16xi32>
      %swap3A_70 = vector.shape_cast %get3A_66 : vector<16xi32> to vector<16xi32>
      tpu.vector_store %arg5[%swap3A_67], %swap3A_70 {strides = array<i32>} : memref<128xi32, #tpu.memory_space<vmem>>, vector<16xi32>,
      %get3A_71 = arith.index_cast %scan3A_55 : i32 to index
      %get3A_72 = arith.constant 32 : index
      %get3A_73 = tpu.vector_load %arg4[%get3A_71, %get3A_72] {strides = array<i32>} : memref<40x128xi32, #tpu.memory_space<vmem>>, vector<1x16xi32>,
      %get3A_74 = vector.shape_cast %get3A_73 : vector<1x16xi32> to vector<16xi32>
      %swap3A_75 = arith.constant 32 : index
      %swap3A_76 = tpu.vector_load %arg5[%swap3A_75] {strides = array<i32>} : memref<128xi32, #tpu.memory_space<vmem>>, vector<16xi32>,
      %swap3A_77 = vector.shape_cast %swap3A_76 : vector<16xi32> to vector<16xi32>
      %swap3A_78 = vector.shape_cast %get3A_74 : vector<16xi32> to vector<16xi32>
      tpu.vector_store %arg5[%swap3A_75], %swap3A_78 {strides = array<i32>} : memref<128xi32, #tpu.memory_space<vmem>>, vector<16xi32>,
      %get3A_79 = arith.index_cast %scan3A_55 : i32 to index
      %get3A_80 = arith.constant 48 : index
      %get3A_81 = tpu.vector_load %arg4[%get3A_79, %get3A_80] {strides = array<i32>} : memref<40x128xi32, #tpu.memory_space<vmem>>, vector<1x16xi32>,
      %get3A_82 = vector.shape_cast %get3A_81 : vector<1x16xi32> to vector<16xi32>
      %swap3A_83 = arith.constant 48 : index
      %swap3A_84 = tpu.vector_load %arg5[%swap3A_83] {strides = array<i32>} : memref<128xi32, #tpu.memory_space<vmem>>, vector<16xi32>,
      %swap3A_85 = vector.shape_cast %swap3A_84 : vector<16xi32> to vector<16xi32>
      %swap3A_86 = vector.shape_cast %get3A_82 : vector<16xi32> to vector<16xi32>
      tpu.vector_store %arg5[%swap3A_83], %swap3A_86 {strides = array<i32>} : memref<128xi32, #tpu.memory_space<vmem>>, vector<16xi32>,
      %get3A_87 = arith.index_cast %scan3A_55 : i32 to index
      %get3A_88 = arith.constant 64 : index
      %get3A_89 = tpu.vector_load %arg4[%get3A_87, %get3A_88] {strides = array<i32>} : memref<40x128xi32, #tpu.memory_space<vmem>>, vector<1x16xi32>,
      %get3A_90 = vector.shape_cast %get3A_89 : vector<1x16xi32> to vector<16xi32>
      %swap3A_91 = arith.constant 64 : index
      %swap3A_92 = tpu.vector_load %arg5[%swap3A_91] {strides = array<i32>} : memref<128xi32, #tpu.memory_space<vmem>>, vector<16xi32>,
      %swap3A_93 = vector.shape_cast %swap3A_92 : vector<16xi32> to vector<16xi32>
      %swap3A_94 = vector.shape_cast %get3A_90 : vector<16xi32> to vector<16xi32>
      tpu.vector_store %arg5[%swap3A_91], %swap3A_94 {strides = array<i32>} : memref<128xi32, #tpu.memory_space<vmem>>, vector<16xi32>,
      %get3A_95 = arith.index_cast %scan3A_55 : i32 to index
      %get3A_96 = arith.constant 80 : index
      %get3A_97 = tpu.vector_load %arg4[%get3A_95, %get3A_96] {strides = array<i32>} : memref<40x128xi32, #tpu.memory_space<vmem>>, vector<1x16xi32>,
      %get3A_98 = vector.shape_cast %get3A_97 : vector<1x16xi32> to vector<16xi32>
      %swap3A_99 = arith.constant 80 : index
      %swap3A_100 = tpu.vector_load %arg5[%swap3A_99] {strides = array<i32>} : memref<128xi32, #tpu.memory_space<vmem>>, vector<16xi32>,
      %swap3A_101 = vector.shape_cast %swap3A_100 : vector<16xi32> to vector<16xi32>
      %swap3A_102 = vector.shape_cast %get3A_98 : vector<16xi32> to vector<16xi32>
      tpu.vector_store %arg5[%swap3A_99], %swap3A_102 {strides = array<i32>} : memref<128xi32, #tpu.memory_space<vmem>>, vector<16xi32>,
      %get3A_103 = arith.index_cast %scan3A_55 : i32 to index
      %get3A_104 = arith.constant 96 : index
      %get3A_105 = tpu.vector_load %arg4[%get3A_103, %get3A_104] {strides = array<i32>} : memref<40x128xi32, #tpu.memory_space<vmem>>, vector<1x16xi32>,
      %get3A_106 = vector.shape_cast %get3A_105 : vector<1x16xi32> to vector<16xi32>
      %swap3A_107 = arith.constant 96 : index
      %swap3A_108 = tpu.vector_load %arg5[%swap3A_107] {strides = array<i32>} : memref<128xi32, #tpu.memory_space<vmem>>, vector<16xi32>,
      %swap3A_109 = vector.shape_cast %swap3A_108 : vector<16xi32> to vector<16xi32>
      %swap3A_110 = vector.shape_cast %get3A_106 : vector<16xi32> to vector<16xi32>
      tpu.vector_store %arg5[%swap3A_107], %swap3A_110 {strides = array<i32>} : memref<128xi32, #tpu.memory_space<vmem>>, vector<16xi32>,
      %get3A_111 = arith.index_cast %scan3A_55 : i32 to index
      %get3A_112 = arith.constant 112 : index
      %get3A_113 = tpu.vector_load %arg4[%get3A_111, %get3A_112] {strides = array<i32>} : memref<40x128xi32, #tpu.memory_space<vmem>>, vector<1x16xi32>,
      %get3A_114 = vector.shape_cast %get3A_113 : vector<1x16xi32> to vector<16xi32>
      %swap3A_115 = arith.constant 112 : index
      %swap3A_116 = tpu.vector_load %arg5[%swap3A_115] {strides = array<i32>} : memref<128xi32, #tpu.memory_space<vmem>>, vector<16xi32>,
      %swap3A_117 = vector.shape_cast %swap3A_116 : vector<16xi32> to vector<16xi32>
      %swap3A_118 = vector.shape_cast %get3A_114 : vector<16xi32> to vector<16xi32>
      tpu.vector_store %arg5[%swap3A_115], %swap3A_118 {strides = array<i32>} : memref<128xi32, #tpu.memory_space<vmem>>, vector<16xi32>,
      "tpu.region"() ({
        %run_scoped3A = tpu.sem_alloc : memref<!tpu.dma_semaphore, #tpu.memory_space<semaphore_mem>>
        %dma_start3A = arith.constant 0 : i32
        %dma_start3A_119 = tpu.memref_slice %arg8[%dma_start3A] : memref<10240xf32, #tpu.memory_space<vmem_shared>> -> memref<10240xf32, #tpu.memory_space<vmem_shared>>
        tpu.enqueue_indirect_dma source(%arg6 : memref<128xf32, #tpu.memory_space<vmem>>) target(%dma_start3A_119 : memref<10240xf32, #tpu.memory_space<vmem_shared>>) offsets(%arg5 : memref<128xi32, #tpu.memory_space<vmem>>) semaphore(%run_scoped3A : memref<!tpu.dma_semaphore, #tpu.memory_space<semaphore_mem>>) {add = true}
        %dma_wait3A = arith.constant 0 : i32
        %dma_wait3A_120 = tpu.memref_slice %arg8[%dma_wait3A] : memref<10240xf32, #tpu.memory_space<vmem_shared>> -> memref<10240xf32, #tpu.memory_space<vmem_shared>>
        tpu.wait_indirect_dma semaphore(%run_scoped3A : memref<!tpu.dma_semaphore, #tpu.memory_space<semaphore_mem>>) src(%arg6 : memref<128xf32, #tpu.memory_space<vmem>>) dst(%dma_wait3A_120 : memref<10240xf32, #tpu.memory_space<vmem_shared>>)
        tpu.yield
      }) : () -> ()
    }
    %scan3A_49 = arith.constant 40 : i32
    %barrier3A_50 = arith.constant 0 : index
    tpu.barrier barrier_id(%barrier3A_50)
    %mul3A_51 = arith.constant 640 : i32
    %mul3A_52 = arith.muli %arg1, %mul3A_51 : i32
    "tpu.region"() ({
      %run_scoped3A = tpu.sem_alloc : memref<!tpu.dma_semaphore, #tpu.memory_space<semaphore_mem>>
      %dma_start3A = tpu.memref_slice %arg8[%mul3A_52] : memref<10240xf32, #tpu.memory_space<vmem_shared>> -> memref<640xf32, #tpu.memory_space<vmem_shared>>
      %dma_start3A_55 = tpu.memref_slice %arg8[%mul3A_52] : memref<10240xf32, #tpu.memory_space<vmem_shared>> -> memref<640xf32, #tpu.memory_space<vmem_shared>>
      tpu.enqueue_dma source(%dma_start3A_55 : memref<640xf32, #tpu.memory_space<vmem_shared>>) target(%arg7 : memref<640xf32, #tpu.memory_space<vmem>>) target_semaphore(%run_scoped3A : memref<!tpu.dma_semaphore, #tpu.memory_space<semaphore_mem>>)
      %dma_wait3A = tpu.memref_slice %arg8[%mul3A_52] : memref<10240xf32, #tpu.memory_space<vmem_shared>> -> memref<640xf32, #tpu.memory_space<vmem_shared>>
      %dma_wait3A_56 = tpu.memref_slice %arg8[%mul3A_52] : memref<10240xf32, #tpu.memory_space<vmem_shared>> -> memref<640xf32, #tpu.memory_space<vmem_shared>>
      tpu.wait_dma2 semaphore(%run_scoped3A : memref<!tpu.dma_semaphore, #tpu.memory_space<semaphore_mem>>) src(%dma_wait3A_56 : memref<640xf32, #tpu.memory_space<vmem_shared>>) dst(%arg7 : memref<640xf32, #tpu.memory_space<vmem>>)
      tpu.yield
    }) : () -> ()
    %mul3A_53 = arith.constant 640 : i32
    %mul3A_54 = arith.muli %arg1, %mul3A_53 : i32
    "tpu.region"() ({
      %run_scoped3A = tpu.sem_alloc : memref<!tpu.dma_semaphore, #tpu.memory_space<semaphore_mem>>
      %dma_start3A = tpu.memref_slice %arg3[%arg0, %mul3A_54] : memref<2x10240xf32, #tpu.memory_space<hbm>> -> memref<1x640xf32, #tpu.memory_space<hbm>>
      %dma_start3A_55 = tpu.memref_squeeze %dma_start3A : memref<1x640xf32, #tpu.memory_space<hbm>> -> memref<640xf32, #tpu.memory_space<hbm>>
      %dma_start3A_56 = tpu.memref_slice %arg3[%arg0, %mul3A_54] : memref<2x10240xf32, #tpu.memory_space<hbm>> -> memref<1x640xf32, #tpu.memory_space<hbm>>
      %dma_start3A_57 = tpu.memref_squeeze %dma_start3A_56 : memref<1x640xf32, #tpu.memory_space<hbm>> -> memref<640xf32, #tpu.memory_space<hbm>>
      tpu.enqueue_dma source(%arg7 : memref<640xf32, #tpu.memory_space<vmem>>) target(%dma_start3A_57 : memref<640xf32, #tpu.memory_space<hbm>>) target_semaphore(%run_scoped3A : memref<!tpu.dma_semaphore, #tpu.memory_space<semaphore_mem>>)
      %dma_wait3A = tpu.memref_slice %arg3[%arg0, %mul3A_54] : memref<2x10240xf32, #tpu.memory_space<hbm>> -> memref<1x640xf32, #tpu.memory_space<hbm>>
      %dma_wait3A_58 = tpu.memref_squeeze %dma_wait3A : memref<1x640xf32, #tpu.memory_space<hbm>> -> memref<640xf32, #tpu.memory_space<hbm>>
      %dma_wait3A_59 = tpu.memref_slice %arg3[%arg0, %mul3A_54] : memref<2x10240xf32, #tpu.memory_space<hbm>> -> memref<1x640xf32, #tpu.memory_space<hbm>>
      %dma_wait3A_60 = tpu.memref_squeeze %dma_wait3A_59 : memref<1x640xf32, #tpu.memory_space<hbm>> -> memref<640xf32, #tpu.memory_space<hbm>>
      tpu.wait_dma2 semaphore(%run_scoped3A : memref<!tpu.dma_semaphore, #tpu.memory_space<semaphore_mem>>) src(%arg7 : memref<640xf32, #tpu.memory_space<vmem>>) dst(%dma_wait3A_60 : memref<640xf32, #tpu.memory_space<hbm>>)
      tpu.yield
    }) : () -> ()
    return
  }
}

#map = affine_map<(d0, d1) -> (0, 0)>
module attributes {stable_mosaic.version = 14 : i64} {
  func.func @_prop_l1(%arg0: i32, %arg1: i32, %arg2: memref<1280x128xi32, #tpu.memory_space<hbm>>, %arg3: memref<1280x128xi32, #tpu.memory_space<hbm>>, %arg4: memref<10240x128xf32, #tpu.memory_space<hbm>>, %arg5: memref<10240x128xf32, #tpu.memory_space<hbm>>, %arg6: memref<10240x128xf32, #tpu.memory_space<hbm>>, %arg7: memref<10240x128xf32, #tpu.memory_space<hbm>>, %arg8: memref<40x128xi32, #tpu.memory_space<vmem>>, %arg9: memref<40x128xi32, #tpu.memory_space<vmem>>, %arg10: memref<128xi32, #tpu.memory_space<vmem>>, %arg11: memref<128x128xf32, #tpu.memory_space<vmem>>, %arg12: memref<128x128xf32, #tpu.memory_space<vmem>>, %arg13: memref<10240x128xf32, #tpu.memory_space<vmem_shared>>, %arg14: memref<!tpu.dma_semaphore, #tpu.memory_space<semaphore_mem>>, %arg15: memref<!tpu.dma_semaphore, #tpu.memory_space<semaphore_mem>>) attributes {dimension_semantics = [#tpu.dimension_semantics<core_parallel>, #tpu.dimension_semantics<subcore_parallel>], iteration_bounds = array<i64: 2, 16>, scalar_prefetch = 0 : i64, scratch_operands = 8 : i64, tpu.core_type = #tpu.core_type<sc_vector_subcore>, window_params = [{transform_indices = #map}, {transform_indices = #map}, {transform_indices = #map}, {transform_indices = #map}, {transform_indices = #map}, {transform_indices = #map}]} {
    %broadcast_in_dim3A = arith.constant 0.000000e+00 : f32
    %broadcast_in_dim3A_0 = vector.broadcast %broadcast_in_dim3A : f32 to vector<16xf32>
    %scan3A = arith.constant 0 : i32
    %scan3A_1 = arith.constant 0 : i32
    %scan3A_2 = arith.constant 128 : i32
    %scan3A_3 = arith.addi %scan3A_1, %scan3A_2 : i32
    %scan3A_4 = arith.constant 1 : i32
    scf.for %scan3A_74 = %scan3A_1 to %scan3A_3 step %scan3A_4  : i32 {
      %scan3A_75 = arith.constant 0 : i32
      %scan3A_76 = arith.constant 8 : i32
      %scan3A_77 = arith.addi %scan3A_75, %scan3A_76 : i32
      %scan3A_78 = arith.constant 1 : i32
      scf.for %scan3A_80 = %scan3A_75 to %scan3A_77 step %scan3A_78  : i32 {
        %mul3A_81 = arith.constant 16 : i32
        %mul3A_82 = arith.muli %scan3A_80, %mul3A_81 : i32
        %swap3A = arith.index_cast %scan3A_74 : i32 to index
        %swap3A_83 = arith.index_cast %mul3A_82 : i32 to index
        %swap3A_84 = tpu.vector_load %arg11[%swap3A, %swap3A_83] {strides = array<i32>} : memref<128x128xf32, #tpu.memory_space<vmem>>, vector<1x16xf32>,
        %swap3A_85 = vector.shape_cast %swap3A_84 : vector<1x16xf32> to vector<16xf32>
        %swap3A_86 = vector.shape_cast %broadcast_in_dim3A_0 : vector<16xf32> to vector<1x16xf32>
        tpu.vector_store %arg11[%swap3A, %swap3A_83], %swap3A_86 {strides = array<i32>} : memref<128x128xf32, #tpu.memory_space<vmem>>, vector<1x16xf32>,
      }
      %scan3A_79 = arith.constant 8 : i32
    }
    %scan3A_5 = arith.constant 128 : i32
    %mul3A = arith.constant 640 : i32
    %mul3A_6 = arith.muli %arg1, %mul3A : i32
    %add3A = arith.constant 0 : i32
    %add3A_7 = arith.addi %mul3A_6, %add3A : i32
    %dma_start3A = arith.constant 0 : i32
    %dma_start3A_8 = tpu.memref_slice %arg13[%add3A_7, %dma_start3A] : memref<10240x128xf32, #tpu.memory_space<vmem_shared>> -> memref<128x128xf32, #tpu.memory_space<vmem_shared>>
    %dma_start3A_9 = arith.constant 0 : i32
    %dma_start3A_10 = tpu.memref_slice %arg13[%add3A_7, %dma_start3A_9] : memref<10240x128xf32, #tpu.memory_space<vmem_shared>> -> memref<128x128xf32, #tpu.memory_space<vmem_shared>>
    tpu.enqueue_dma source(%arg11 : memref<128x128xf32, #tpu.memory_space<vmem>>) target(%dma_start3A_10 : memref<128x128xf32, #tpu.memory_space<vmem_shared>>) target_semaphore(%arg15 : memref<!tpu.dma_semaphore, #tpu.memory_space<semaphore_mem>>)
    %add3A_11 = arith.constant 128 : i32
    %add3A_12 = arith.addi %mul3A_6, %add3A_11 : i32
    %dma_start3A_13 = arith.constant 0 : i32
    %dma_start3A_14 = tpu.memref_slice %arg13[%add3A_12, %dma_start3A_13] : memref<10240x128xf32, #tpu.memory_space<vmem_shared>> -> memref<128x128xf32, #tpu.memory_space<vmem_shared>>
    %dma_start3A_15 = arith.constant 0 : i32
    %dma_start3A_16 = tpu.memref_slice %arg13[%add3A_12, %dma_start3A_15] : memref<10240x128xf32, #tpu.memory_space<vmem_shared>> -> memref<128x128xf32, #tpu.memory_space<vmem_shared>>
    tpu.enqueue_dma source(%arg11 : memref<128x128xf32, #tpu.memory_space<vmem>>) target(%dma_start3A_16 : memref<128x128xf32, #tpu.memory_space<vmem_shared>>) target_semaphore(%arg15 : memref<!tpu.dma_semaphore, #tpu.memory_space<semaphore_mem>>)
    %add3A_17 = arith.constant 256 : i32
    %add3A_18 = arith.addi %mul3A_6, %add3A_17 : i32
    %dma_start3A_19 = arith.constant 0 : i32
    %dma_start3A_20 = tpu.memref_slice %arg13[%add3A_18, %dma_start3A_19] : memref<10240x128xf32, #tpu.memory_space<vmem_shared>> -> memref<128x128xf32, #tpu.memory_space<vmem_shared>>
    %dma_start3A_21 = arith.constant 0 : i32
    %dma_start3A_22 = tpu.memref_slice %arg13[%add3A_18, %dma_start3A_21] : memref<10240x128xf32, #tpu.memory_space<vmem_shared>> -> memref<128x128xf32, #tpu.memory_space<vmem_shared>>
    tpu.enqueue_dma source(%arg11 : memref<128x128xf32, #tpu.memory_space<vmem>>) target(%dma_start3A_22 : memref<128x128xf32, #tpu.memory_space<vmem_shared>>) target_semaphore(%arg15 : memref<!tpu.dma_semaphore, #tpu.memory_space<semaphore_mem>>)
    %add3A_23 = arith.constant 384 : i32
    %add3A_24 = arith.addi %mul3A_6, %add3A_23 : i32
    %dma_start3A_25 = arith.constant 0 : i32
    %dma_start3A_26 = tpu.memref_slice %arg13[%add3A_24, %dma_start3A_25] : memref<10240x128xf32, #tpu.memory_space<vmem_shared>> -> memref<128x128xf32, #tpu.memory_space<vmem_shared>>
    %dma_start3A_27 = arith.constant 0 : i32
    %dma_start3A_28 = tpu.memref_slice %arg13[%add3A_24, %dma_start3A_27] : memref<10240x128xf32, #tpu.memory_space<vmem_shared>> -> memref<128x128xf32, #tpu.memory_space<vmem_shared>>
    tpu.enqueue_dma source(%arg11 : memref<128x128xf32, #tpu.memory_space<vmem>>) target(%dma_start3A_28 : memref<128x128xf32, #tpu.memory_space<vmem_shared>>) target_semaphore(%arg15 : memref<!tpu.dma_semaphore, #tpu.memory_space<semaphore_mem>>)
    %add3A_29 = arith.constant 512 : i32
    %add3A_30 = arith.addi %mul3A_6, %add3A_29 : i32
    %dma_start3A_31 = arith.constant 0 : i32
    %dma_start3A_32 = tpu.memref_slice %arg13[%add3A_30, %dma_start3A_31] : memref<10240x128xf32, #tpu.memory_space<vmem_shared>> -> memref<128x128xf32, #tpu.memory_space<vmem_shared>>
    %dma_start3A_33 = arith.constant 0 : i32
    %dma_start3A_34 = tpu.memref_slice %arg13[%add3A_30, %dma_start3A_33] : memref<10240x128xf32, #tpu.memory_space<vmem_shared>> -> memref<128x128xf32, #tpu.memory_space<vmem_shared>>
    tpu.enqueue_dma source(%arg11 : memref<128x128xf32, #tpu.memory_space<vmem>>) target(%dma_start3A_34 : memref<128x128xf32, #tpu.memory_space<vmem_shared>>) target_semaphore(%arg15 : memref<!tpu.dma_semaphore, #tpu.memory_space<semaphore_mem>>)
    %mul3A_35 = arith.constant 80 : i32
    %mul3A_36 = arith.muli %arg1, %mul3A_35 : i32
    "tpu.region"() ({
      %run_scoped3A = tpu.sem_alloc : memref<!tpu.dma_semaphore, #tpu.memory_space<semaphore_mem>>
      %dma_start3A_74 = arith.constant 0 : i32
      %dma_start3A_75 = tpu.memref_slice %arg2[%mul3A_36, %dma_start3A_74] : memref<1280x128xi32, #tpu.memory_space<hbm>> -> memref<40x128xi32, #tpu.memory_space<hbm>>
      %dma_start3A_76 = arith.constant 0 : i32
      %dma_start3A_77 = tpu.memref_slice %arg2[%mul3A_36, %dma_start3A_76] : memref<1280x128xi32, #tpu.memory_space<hbm>> -> memref<40x128xi32, #tpu.memory_space<hbm>>
      tpu.enqueue_dma source(%dma_start3A_77 : memref<40x128xi32, #tpu.memory_space<hbm>>) target(%arg8 : memref<40x128xi32, #tpu.memory_space<vmem>>) target_semaphore(%run_scoped3A : memref<!tpu.dma_semaphore, #tpu.memory_space<semaphore_mem>>)
      %dma_wait3A_78 = arith.constant 0 : i32
      %dma_wait3A_79 = tpu.memref_slice %arg2[%mul3A_36, %dma_wait3A_78] : memref<1280x128xi32, #tpu.memory_space<hbm>> -> memref<40x128xi32, #tpu.memory_space<hbm>>
      %dma_wait3A_80 = arith.constant 0 : i32
      %dma_wait3A_81 = tpu.memref_slice %arg2[%mul3A_36, %dma_wait3A_80] : memref<1280x128xi32, #tpu.memory_space<hbm>> -> memref<40x128xi32, #tpu.memory_space<hbm>>
      tpu.wait_dma2 semaphore(%run_scoped3A : memref<!tpu.dma_semaphore, #tpu.memory_space<semaphore_mem>>) src(%dma_wait3A_81 : memref<40x128xi32, #tpu.memory_space<hbm>>) dst(%arg8 : memref<40x128xi32, #tpu.memory_space<vmem>>)
      tpu.yield
    }) : () -> ()
    "tpu.region"() ({
      %run_scoped3A = tpu.sem_alloc : memref<!tpu.dma_semaphore, #tpu.memory_space<semaphore_mem>>
      %dma_start3A_74 = arith.constant 0 : i32
      %dma_start3A_75 = tpu.memref_slice %arg3[%mul3A_36, %dma_start3A_74] : memref<1280x128xi32, #tpu.memory_space<hbm>> -> memref<40x128xi32, #tpu.memory_space<hbm>>
      %dma_start3A_76 = arith.constant 0 : i32
      %dma_start3A_77 = tpu.memref_slice %arg3[%mul3A_36, %dma_start3A_76] : memref<1280x128xi32, #tpu.memory_space<hbm>> -> memref<40x128xi32, #tpu.memory_space<hbm>>
      tpu.enqueue_dma source(%dma_start3A_77 : memref<40x128xi32, #tpu.memory_space<hbm>>) target(%arg9 : memref<40x128xi32, #tpu.memory_space<vmem>>) target_semaphore(%run_scoped3A : memref<!tpu.dma_semaphore, #tpu.memory_space<semaphore_mem>>)
      %dma_wait3A_78 = arith.constant 0 : i32
      %dma_wait3A_79 = tpu.memref_slice %arg3[%mul3A_36, %dma_wait3A_78] : memref<1280x128xi32, #tpu.memory_space<hbm>> -> memref<40x128xi32, #tpu.memory_space<hbm>>
      %dma_wait3A_80 = arith.constant 0 : i32
      %dma_wait3A_81 = tpu.memref_slice %arg3[%mul3A_36, %dma_wait3A_80] : memref<1280x128xi32, #tpu.memory_space<hbm>> -> memref<40x128xi32, #tpu.memory_space<hbm>>
      tpu.wait_dma2 semaphore(%run_scoped3A : memref<!tpu.dma_semaphore, #tpu.memory_space<semaphore_mem>>) src(%dma_wait3A_81 : memref<40x128xi32, #tpu.memory_space<hbm>>) dst(%arg9 : memref<40x128xi32, #tpu.memory_space<vmem>>)
      tpu.yield
    }) : () -> ()
    %dma_wait3A = arith.constant 0 : i32
    %dma_wait3A_37 = tpu.memref_slice %arg13[%add3A_7, %dma_wait3A] : memref<10240x128xf32, #tpu.memory_space<vmem_shared>> -> memref<128x128xf32, #tpu.memory_space<vmem_shared>>
    %dma_wait3A_38 = arith.constant 0 : i32
    %dma_wait3A_39 = tpu.memref_slice %arg13[%add3A_7, %dma_wait3A_38] : memref<10240x128xf32, #tpu.memory_space<vmem_shared>> -> memref<128x128xf32, #tpu.memory_space<vmem_shared>>
    tpu.wait_dma2 semaphore(%arg15 : memref<!tpu.dma_semaphore, #tpu.memory_space<semaphore_mem>>) src(%arg11 : memref<128x128xf32, #tpu.memory_space<vmem>>) dst(%dma_wait3A_39 : memref<128x128xf32, #tpu.memory_space<vmem_shared>>)
    %dma_wait3A_40 = arith.constant 0 : i32
    %dma_wait3A_41 = tpu.memref_slice %arg13[%add3A_12, %dma_wait3A_40] : memref<10240x128xf32, #tpu.memory_space<vmem_shared>> -> memref<128x128xf32, #tpu.memory_space<vmem_shared>>
    %dma_wait3A_42 = arith.constant 0 : i32
    %dma_wait3A_43 = tpu.memref_slice %arg13[%add3A_12, %dma_wait3A_42] : memref<10240x128xf32, #tpu.memory_space<vmem_shared>> -> memref<128x128xf32, #tpu.memory_space<vmem_shared>>
    tpu.wait_dma2 semaphore(%arg15 : memref<!tpu.dma_semaphore, #tpu.memory_space<semaphore_mem>>) src(%arg11 : memref<128x128xf32, #tpu.memory_space<vmem>>) dst(%dma_wait3A_43 : memref<128x128xf32, #tpu.memory_space<vmem_shared>>)
    %dma_wait3A_44 = arith.constant 0 : i32
    %dma_wait3A_45 = tpu.memref_slice %arg13[%add3A_18, %dma_wait3A_44] : memref<10240x128xf32, #tpu.memory_space<vmem_shared>> -> memref<128x128xf32, #tpu.memory_space<vmem_shared>>
    %dma_wait3A_46 = arith.constant 0 : i32
    %dma_wait3A_47 = tpu.memref_slice %arg13[%add3A_18, %dma_wait3A_46] : memref<10240x128xf32, #tpu.memory_space<vmem_shared>> -> memref<128x128xf32, #tpu.memory_space<vmem_shared>>
    tpu.wait_dma2 semaphore(%arg15 : memref<!tpu.dma_semaphore, #tpu.memory_space<semaphore_mem>>) src(%arg11 : memref<128x128xf32, #tpu.memory_space<vmem>>) dst(%dma_wait3A_47 : memref<128x128xf32, #tpu.memory_space<vmem_shared>>)
    %dma_wait3A_48 = arith.constant 0 : i32
    %dma_wait3A_49 = tpu.memref_slice %arg13[%add3A_24, %dma_wait3A_48] : memref<10240x128xf32, #tpu.memory_space<vmem_shared>> -> memref<128x128xf32, #tpu.memory_space<vmem_shared>>
    %dma_wait3A_50 = arith.constant 0 : i32
    %dma_wait3A_51 = tpu.memref_slice %arg13[%add3A_24, %dma_wait3A_50] : memref<10240x128xf32, #tpu.memory_space<vmem_shared>> -> memref<128x128xf32, #tpu.memory_space<vmem_shared>>
    tpu.wait_dma2 semaphore(%arg15 : memref<!tpu.dma_semaphore, #tpu.memory_space<semaphore_mem>>) src(%arg11 : memref<128x128xf32, #tpu.memory_space<vmem>>) dst(%dma_wait3A_51 : memref<128x128xf32, #tpu.memory_space<vmem_shared>>)
    %dma_wait3A_52 = arith.constant 0 : i32
    %dma_wait3A_53 = tpu.memref_slice %arg13[%add3A_30, %dma_wait3A_52] : memref<10240x128xf32, #tpu.memory_space<vmem_shared>> -> memref<128x128xf32, #tpu.memory_space<vmem_shared>>
    %dma_wait3A_54 = arith.constant 0 : i32
    %dma_wait3A_55 = tpu.memref_slice %arg13[%add3A_30, %dma_wait3A_54] : memref<10240x128xf32, #tpu.memory_space<vmem_shared>> -> memref<128x128xf32, #tpu.memory_space<vmem_shared>>
    tpu.wait_dma2 semaphore(%arg15 : memref<!tpu.dma_semaphore, #tpu.memory_space<semaphore_mem>>) src(%arg11 : memref<128x128xf32, #tpu.memory_space<vmem>>) dst(%dma_wait3A_55 : memref<128x128xf32, #tpu.memory_space<vmem_shared>>)
    %barrier3A = arith.constant 0 : index
    tpu.barrier barrier_id(%barrier3A)
    %eq3A = arith.constant 0 : i32
    %eq3A_56 = arith.cmpi eq, %arg0, %eq3A : i32
    %convert_element_type3A = arith.extui %eq3A_56 : i1 to i32
    %cond3A = arith.constant 0 : i32
    %cond3A_57 = arith.cmpi ne, %convert_element_type3A, %cond3A : i32
    scf.if %cond3A_57 {
      %mul3A_74 = arith.constant 80 : i32
      %mul3A_75 = arith.muli %arg1, %mul3A_74 : i32
      %dma_start3A_76 = arith.constant 0 : i32
      %dma_start3A_77 = arith.constant 0 : i32
      %dma_start3A_78 = tpu.memref_slice %arg8[%dma_start3A_76, %dma_start3A_77] : memref<40x128xi32, #tpu.memory_space<vmem>> -> memref<1x128xi32, #tpu.memory_space<vmem>>
      %dma_start3A_79 = tpu.memref_squeeze %dma_start3A_78 : memref<1x128xi32, #tpu.memory_space<vmem>> -> memref<128xi32, #tpu.memory_space<vmem>>
      %dma_start3A_80 = arith.constant 0 : i32
      %dma_start3A_81 = arith.constant 0 : i32
      %dma_start3A_82 = tpu.memref_slice %arg4[%dma_start3A_80, %dma_start3A_81] : memref<10240x128xf32, #tpu.memory_space<hbm>> -> memref<10240x128xf32, #tpu.memory_space<hbm>>
      tpu.enqueue_indirect_dma source(%dma_start3A_82 : memref<10240x128xf32, #tpu.memory_space<hbm>>) target(%arg11 : memref<128x128xf32, #tpu.memory_space<vmem>>) offsets(%dma_start3A_79 : memref<128xi32, #tpu.memory_space<vmem>>) semaphore(%arg14 : memref<!tpu.dma_semaphore, #tpu.memory_space<semaphore_mem>>)
      %scan3A_83 = arith.constant 0 : i32
      %scan3A_84 = arith.constant 0 : i32
      %scan3A_85 = arith.constant 19 : i32
      %scan3A_86 = arith.addi %scan3A_84, %scan3A_85 : i32
      %scan3A_87 = arith.constant 1 : i32
      scf.for %scan3A_432 = %scan3A_84 to %scan3A_86 step %scan3A_87  : i32 {
        %mul3A_433 = arith.constant 2 : i32
        %mul3A_434 = arith.muli %scan3A_432, %mul3A_433 : i32
        %add3A_435 = arith.constant 1 : i32
        %add3A_436 = arith.addi %mul3A_434, %add3A_435 : i32
        %dma_start3A_437 = arith.constant 0 : i32
        %dma_start3A_438 = tpu.memref_slice %arg8[%add3A_436, %dma_start3A_437] : memref<40x128xi32, #tpu.memory_space<vmem>> -> memref<1x128xi32, #tpu.memory_space<vmem>>
        %dma_start3A_439 = tpu.memref_squeeze %dma_start3A_438 : memref<1x128xi32, #tpu.memory_space<vmem>> -> memref<128xi32, #tpu.memory_space<vmem>>
        %dma_start3A_440 = arith.constant 0 : i32
        %dma_start3A_441 = arith.constant 0 : i32
        %dma_start3A_442 = tpu.memref_slice %arg4[%dma_start3A_440, %dma_start3A_441] : memref<10240x128xf32, #tpu.memory_space<hbm>> -> memref<10240x128xf32, #tpu.memory_space<hbm>>
        tpu.enqueue_indirect_dma source(%dma_start3A_442 : memref<10240x128xf32, #tpu.memory_space<hbm>>) target(%arg12 : memref<128x128xf32, #tpu.memory_space<vmem>>) offsets(%dma_start3A_439 : memref<128xi32, #tpu.memory_space<vmem>>) semaphore(%arg15 : memref<!tpu.dma_semaphore, #tpu.memory_space<semaphore_mem>>)
        %dma_wait3A_443 = arith.constant 0 : i32
        %dma_wait3A_444 = tpu.memref_slice %arg8[%mul3A_434, %dma_wait3A_443] : memref<40x128xi32, #tpu.memory_space<vmem>> -> memref<1x128xi32, #tpu.memory_space<vmem>>
        %dma_wait3A_445 = tpu.memref_squeeze %dma_wait3A_444 : memref<1x128xi32, #tpu.memory_space<vmem>> -> memref<128xi32, #tpu.memory_space<vmem>>
        %dma_wait3A_446 = arith.constant 0 : i32
        %dma_wait3A_447 = arith.constant 0 : i32
        %dma_wait3A_448 = tpu.memref_slice %arg4[%dma_wait3A_446, %dma_wait3A_447] : memref<10240x128xf32, #tpu.memory_space<hbm>> -> memref<10240x128xf32, #tpu.memory_space<hbm>>
        tpu.wait_indirect_dma semaphore(%arg14 : memref<!tpu.dma_semaphore, #tpu.memory_space<semaphore_mem>>) src(%dma_wait3A_448 : memref<10240x128xf32, #tpu.memory_space<hbm>>) dst(%arg11 : memref<128x128xf32, #tpu.memory_space<vmem>>)
        %get3A_449 = arith.index_cast %mul3A_434 : i32 to index
        %get3A_450 = arith.constant 0 : index
        %get3A_451 = tpu.vector_load %arg9[%get3A_449, %get3A_450] {strides = array<i32>} : memref<40x128xi32, #tpu.memory_space<vmem>>, vector<1x16xi32>,
        %get3A_452 = vector.shape_cast %get3A_451 : vector<1x16xi32> to vector<16xi32>
        %swap3A_453 = arith.constant 0 : index
        %swap3A_454 = tpu.vector_load %arg10[%swap3A_453] {strides = array<i32>} : memref<128xi32, #tpu.memory_space<vmem>>, vector<16xi32>,
        %swap3A_455 = vector.shape_cast %swap3A_454 : vector<16xi32> to vector<16xi32>
        %swap3A_456 = vector.shape_cast %get3A_452 : vector<16xi32> to vector<16xi32>
        tpu.vector_store %arg10[%swap3A_453], %swap3A_456 {strides = array<i32>} : memref<128xi32, #tpu.memory_space<vmem>>, vector<16xi32>,
        %get3A_457 = arith.index_cast %mul3A_434 : i32 to index
        %get3A_458 = arith.constant 16 : index
        %get3A_459 = tpu.vector_load %arg9[%get3A_457, %get3A_458] {strides = array<i32>} : memref<40x128xi32, #tpu.memory_space<vmem>>, vector<1x16xi32>,
        %get3A_460 = vector.shape_cast %get3A_459 : vector<1x16xi32> to vector<16xi32>
        %swap3A_461 = arith.constant 16 : index
        %swap3A_462 = tpu.vector_load %arg10[%swap3A_461] {strides = array<i32>} : memref<128xi32, #tpu.memory_space<vmem>>, vector<16xi32>,
        %swap3A_463 = vector.shape_cast %swap3A_462 : vector<16xi32> to vector<16xi32>
        %swap3A_464 = vector.shape_cast %get3A_460 : vector<16xi32> to vector<16xi32>
        tpu.vector_store %arg10[%swap3A_461], %swap3A_464 {strides = array<i32>} : memref<128xi32, #tpu.memory_space<vmem>>, vector<16xi32>,
        %get3A_465 = arith.index_cast %mul3A_434 : i32 to index
        %get3A_466 = arith.constant 32 : index
        %get3A_467 = tpu.vector_load %arg9[%get3A_465, %get3A_466] {strides = array<i32>} : memref<40x128xi32, #tpu.memory_space<vmem>>, vector<1x16xi32>,
        %get3A_468 = vector.shape_cast %get3A_467 : vector<1x16xi32> to vector<16xi32>
        %swap3A_469 = arith.constant 32 : index
        %swap3A_470 = tpu.vector_load %arg10[%swap3A_469] {strides = array<i32>} : memref<128xi32, #tpu.memory_space<vmem>>, vector<16xi32>,
        %swap3A_471 = vector.shape_cast %swap3A_470 : vector<16xi32> to vector<16xi32>
        %swap3A_472 = vector.shape_cast %get3A_468 : vector<16xi32> to vector<16xi32>
        tpu.vector_store %arg10[%swap3A_469], %swap3A_472 {strides = array<i32>} : memref<128xi32, #tpu.memory_space<vmem>>, vector<16xi32>,
        %get3A_473 = arith.index_cast %mul3A_434 : i32 to index
        %get3A_474 = arith.constant 48 : index
        %get3A_475 = tpu.vector_load %arg9[%get3A_473, %get3A_474] {strides = array<i32>} : memref<40x128xi32, #tpu.memory_space<vmem>>, vector<1x16xi32>,
        %get3A_476 = vector.shape_cast %get3A_475 : vector<1x16xi32> to vector<16xi32>
        %swap3A_477 = arith.constant 48 : index
        %swap3A_478 = tpu.vector_load %arg10[%swap3A_477] {strides = array<i32>} : memref<128xi32, #tpu.memory_space<vmem>>, vector<16xi32>,
        %swap3A_479 = vector.shape_cast %swap3A_478 : vector<16xi32> to vector<16xi32>
        %swap3A_480 = vector.shape_cast %get3A_476 : vector<16xi32> to vector<16xi32>
        tpu.vector_store %arg10[%swap3A_477], %swap3A_480 {strides = array<i32>} : memref<128xi32, #tpu.memory_space<vmem>>, vector<16xi32>,
        %get3A_481 = arith.index_cast %mul3A_434 : i32 to index
        %get3A_482 = arith.constant 64 : index
        %get3A_483 = tpu.vector_load %arg9[%get3A_481, %get3A_482] {strides = array<i32>} : memref<40x128xi32, #tpu.memory_space<vmem>>, vector<1x16xi32>,
        %get3A_484 = vector.shape_cast %get3A_483 : vector<1x16xi32> to vector<16xi32>
        %swap3A_485 = arith.constant 64 : index
        %swap3A_486 = tpu.vector_load %arg10[%swap3A_485] {strides = array<i32>} : memref<128xi32, #tpu.memory_space<vmem>>, vector<16xi32>,
        %swap3A_487 = vector.shape_cast %swap3A_486 : vector<16xi32> to vector<16xi32>
        %swap3A_488 = vector.shape_cast %get3A_484 : vector<16xi32> to vector<16xi32>
        tpu.vector_store %arg10[%swap3A_485], %swap3A_488 {strides = array<i32>} : memref<128xi32, #tpu.memory_space<vmem>>, vector<16xi32>,
        %get3A_489 = arith.index_cast %mul3A_434 : i32 to index
        %get3A_490 = arith.constant 80 : index
        %get3A_491 = tpu.vector_load %arg9[%get3A_489, %get3A_490] {strides = array<i32>} : memref<40x128xi32, #tpu.memory_space<vmem>>, vector<1x16xi32>,
        %get3A_492 = vector.shape_cast %get3A_491 : vector<1x16xi32> to vector<16xi32>
        %swap3A_493 = arith.constant 80 : index
        %swap3A_494 = tpu.vector_load %arg10[%swap3A_493] {strides = array<i32>} : memref<128xi32, #tpu.memory_space<vmem>>, vector<16xi32>,
        %swap3A_495 = vector.shape_cast %swap3A_494 : vector<16xi32> to vector<16xi32>
        %swap3A_496 = vector.shape_cast %get3A_492 : vector<16xi32> to vector<16xi32>
        tpu.vector_store %arg10[%swap3A_493], %swap3A_496 {strides = array<i32>} : memref<128xi32, #tpu.memory_space<vmem>>, vector<16xi32>,
        %get3A_497 = arith.index_cast %mul3A_434 : i32 to index
        %get3A_498 = arith.constant 96 : index
        %get3A_499 = tpu.vector_load %arg9[%get3A_497, %get3A_498] {strides = array<i32>} : memref<40x128xi32, #tpu.memory_space<vmem>>, vector<1x16xi32>,
        %get3A_500 = vector.shape_cast %get3A_499 : vector<1x16xi32> to vector<16xi32>
        %swap3A_501 = arith.constant 96 : index
        %swap3A_502 = tpu.vector_load %arg10[%swap3A_501] {strides = array<i32>} : memref<128xi32, #tpu.memory_space<vmem>>, vector<16xi32>,
        %swap3A_503 = vector.shape_cast %swap3A_502 : vector<16xi32> to vector<16xi32>
        %swap3A_504 = vector.shape_cast %get3A_500 : vector<16xi32> to vector<16xi32>
        tpu.vector_store %arg10[%swap3A_501], %swap3A_504 {strides = array<i32>} : memref<128xi32, #tpu.memory_space<vmem>>, vector<16xi32>,
        %get3A_505 = arith.index_cast %mul3A_434 : i32 to index
        %get3A_506 = arith.constant 112 : index
        %get3A_507 = tpu.vector_load %arg9[%get3A_505, %get3A_506] {strides = array<i32>} : memref<40x128xi32, #tpu.memory_space<vmem>>, vector<1x16xi32>,
        %get3A_508 = vector.shape_cast %get3A_507 : vector<1x16xi32> to vector<16xi32>
        %swap3A_509 = arith.constant 112 : index
        %swap3A_510 = tpu.vector_load %arg10[%swap3A_509] {strides = array<i32>} : memref<128xi32, #tpu.memory_space<vmem>>, vector<16xi32>,
        %swap3A_511 = vector.shape_cast %swap3A_510 : vector<16xi32> to vector<16xi32>
        %swap3A_512 = vector.shape_cast %get3A_508 : vector<16xi32> to vector<16xi32>
        tpu.vector_store %arg10[%swap3A_509], %swap3A_512 {strides = array<i32>} : memref<128xi32, #tpu.memory_space<vmem>>, vector<16xi32>,
        "tpu.region"() ({
          %run_scoped3A = tpu.sem_alloc : memref<!tpu.dma_semaphore, #tpu.memory_space<semaphore_mem>>
          %dma_start3A_595 = arith.constant 0 : i32
          %dma_start3A_596 = arith.constant 0 : i32
          %dma_start3A_597 = tpu.memref_slice %arg13[%dma_start3A_595, %dma_start3A_596] : memref<10240x128xf32, #tpu.memory_space<vmem_shared>> -> memref<10240x128xf32, #tpu.memory_space<vmem_shared>>
          tpu.enqueue_indirect_dma source(%arg11 : memref<128x128xf32, #tpu.memory_space<vmem>>) target(%dma_start3A_597 : memref<10240x128xf32, #tpu.memory_space<vmem_shared>>) offsets(%arg10 : memref<128xi32, #tpu.memory_space<vmem>>) semaphore(%run_scoped3A : memref<!tpu.dma_semaphore, #tpu.memory_space<semaphore_mem>>) {add = true}
          %dma_wait3A_598 = arith.constant 0 : i32
          %dma_wait3A_599 = arith.constant 0 : i32
          %dma_wait3A_600 = tpu.memref_slice %arg13[%dma_wait3A_598, %dma_wait3A_599] : memref<10240x128xf32, #tpu.memory_space<vmem_shared>> -> memref<10240x128xf32, #tpu.memory_space<vmem_shared>>
          tpu.wait_indirect_dma semaphore(%run_scoped3A : memref<!tpu.dma_semaphore, #tpu.memory_space<semaphore_mem>>) src(%arg11 : memref<128x128xf32, #tpu.memory_space<vmem>>) dst(%dma_wait3A_600 : memref<10240x128xf32, #tpu.memory_space<vmem_shared>>)
          tpu.yield
        }) : () -> ()
        %add3A_513 = arith.constant 2 : i32
        %add3A_514 = arith.addi %mul3A_434, %add3A_513 : i32
        %dma_start3A_515 = arith.constant 0 : i32
        %dma_start3A_516 = tpu.memref_slice %arg8[%add3A_514, %dma_start3A_515] : memref<40x128xi32, #tpu.memory_space<vmem>> -> memref<1x128xi32, #tpu.memory_space<vmem>>
        %dma_start3A_517 = tpu.memref_squeeze %dma_start3A_516 : memref<1x128xi32, #tpu.memory_space<vmem>> -> memref<128xi32, #tpu.memory_space<vmem>>
        %dma_start3A_518 = arith.constant 0 : i32
        %dma_start3A_519 = arith.constant 0 : i32
        %dma_start3A_520 = tpu.memref_slice %arg4[%dma_start3A_518, %dma_start3A_519] : memref<10240x128xf32, #tpu.memory_space<hbm>> -> memref<10240x128xf32, #tpu.memory_space<hbm>>
        tpu.enqueue_indirect_dma source(%dma_start3A_520 : memref<10240x128xf32, #tpu.memory_space<hbm>>) target(%arg11 : memref<128x128xf32, #tpu.memory_space<vmem>>) offsets(%dma_start3A_517 : memref<128xi32, #tpu.memory_space<vmem>>) semaphore(%arg14 : memref<!tpu.dma_semaphore, #tpu.memory_space<semaphore_mem>>)
        %add3A_521 = arith.constant 1 : i32
        %add3A_522 = arith.addi %mul3A_434, %add3A_521 : i32
        %dma_wait3A_523 = arith.constant 0 : i32
        %dma_wait3A_524 = tpu.memref_slice %arg8[%add3A_522, %dma_wait3A_523] : memref<40x128xi32, #tpu.memory_space<vmem>> -> memref<1x128xi32, #tpu.memory_space<vmem>>
        %dma_wait3A_525 = tpu.memref_squeeze %dma_wait3A_524 : memref<1x128xi32, #tpu.memory_space<vmem>> -> memref<128xi32, #tpu.memory_space<vmem>>
        %dma_wait3A_526 = arith.constant 0 : i32
        %dma_wait3A_527 = arith.constant 0 : i32
        %dma_wait3A_528 = tpu.memref_slice %arg4[%dma_wait3A_526, %dma_wait3A_527] : memref<10240x128xf32, #tpu.memory_space<hbm>> -> memref<10240x128xf32, #tpu.memory_space<hbm>>
        tpu.wait_indirect_dma semaphore(%arg15 : memref<!tpu.dma_semaphore, #tpu.memory_space<semaphore_mem>>) src(%dma_wait3A_528 : memref<10240x128xf32, #tpu.memory_space<hbm>>) dst(%arg12 : memref<128x128xf32, #tpu.memory_space<vmem>>)
        %add3A_529 = arith.constant 1 : i32
        %add3A_530 = arith.addi %mul3A_434, %add3A_529 : i32
        %get3A_531 = arith.index_cast %add3A_530 : i32 to index
        %get3A_532 = arith.constant 0 : index
        %get3A_533 = tpu.vector_load %arg9[%get3A_531, %get3A_532] {strides = array<i32>} : memref<40x128xi32, #tpu.memory_space<vmem>>, vector<1x16xi32>,
        %get3A_534 = vector.shape_cast %get3A_533 : vector<1x16xi32> to vector<16xi32>
        %swap3A_535 = arith.constant 0 : index
        %swap3A_536 = tpu.vector_load %arg10[%swap3A_535] {strides = array<i32>} : memref<128xi32, #tpu.memory_space<vmem>>, vector<16xi32>,
        %swap3A_537 = vector.shape_cast %swap3A_536 : vector<16xi32> to vector<16xi32>
        %swap3A_538 = vector.shape_cast %get3A_534 : vector<16xi32> to vector<16xi32>
        tpu.vector_store %arg10[%swap3A_535], %swap3A_538 {strides = array<i32>} : memref<128xi32, #tpu.memory_space<vmem>>, vector<16xi32>,
        %get3A_539 = arith.index_cast %add3A_530 : i32 to index
        %get3A_540 = arith.constant 16 : index
        %get3A_541 = tpu.vector_load %arg9[%get3A_539, %get3A_540] {strides = array<i32>} : memref<40x128xi32, #tpu.memory_space<vmem>>, vector<1x16xi32>,
        %get3A_542 = vector.shape_cast %get3A_541 : vector<1x16xi32> to vector<16xi32>
        %swap3A_543 = arith.constant 16 : index
        %swap3A_544 = tpu.vector_load %arg10[%swap3A_543] {strides = array<i32>} : memref<128xi32, #tpu.memory_space<vmem>>, vector<16xi32>,
        %swap3A_545 = vector.shape_cast %swap3A_544 : vector<16xi32> to vector<16xi32>
        %swap3A_546 = vector.shape_cast %get3A_542 : vector<16xi32> to vector<16xi32>
        tpu.vector_store %arg10[%swap3A_543], %swap3A_546 {strides = array<i32>} : memref<128xi32, #tpu.memory_space<vmem>>, vector<16xi32>,
        %get3A_547 = arith.index_cast %add3A_530 : i32 to index
        %get3A_548 = arith.constant 32 : index
        %get3A_549 = tpu.vector_load %arg9[%get3A_547, %get3A_548] {strides = array<i32>} : memref<40x128xi32, #tpu.memory_space<vmem>>, vector<1x16xi32>,
        %get3A_550 = vector.shape_cast %get3A_549 : vector<1x16xi32> to vector<16xi32>
        %swap3A_551 = arith.constant 32 : index
        %swap3A_552 = tpu.vector_load %arg10[%swap3A_551] {strides = array<i32>} : memref<128xi32, #tpu.memory_space<vmem>>, vector<16xi32>,
        %swap3A_553 = vector.shape_cast %swap3A_552 : vector<16xi32> to vector<16xi32>
        %swap3A_554 = vector.shape_cast %get3A_550 : vector<16xi32> to vector<16xi32>
        tpu.vector_store %arg10[%swap3A_551], %swap3A_554 {strides = array<i32>} : memref<128xi32, #tpu.memory_space<vmem>>, vector<16xi32>,
        %get3A_555 = arith.index_cast %add3A_530 : i32 to index
        %get3A_556 = arith.constant 48 : index
        %get3A_557 = tpu.vector_load %arg9[%get3A_555, %get3A_556] {strides = array<i32>} : memref<40x128xi32, #tpu.memory_space<vmem>>, vector<1x16xi32>,
        %get3A_558 = vector.shape_cast %get3A_557 : vector<1x16xi32> to vector<16xi32>
        %swap3A_559 = arith.constant 48 : index
        %swap3A_560 = tpu.vector_load %arg10[%swap3A_559] {strides = array<i32>} : memref<128xi32, #tpu.memory_space<vmem>>, vector<16xi32>,
        %swap3A_561 = vector.shape_cast %swap3A_560 : vector<16xi32> to vector<16xi32>
        %swap3A_562 = vector.shape_cast %get3A_558 : vector<16xi32> to vector<16xi32>
        tpu.vector_store %arg10[%swap3A_559], %swap3A_562 {strides = array<i32>} : memref<128xi32, #tpu.memory_space<vmem>>, vector<16xi32>,
        %get3A_563 = arith.index_cast %add3A_530 : i32 to index
        %get3A_564 = arith.constant 64 : index
        %get3A_565 = tpu.vector_load %arg9[%get3A_563, %get3A_564] {strides = array<i32>} : memref<40x128xi32, #tpu.memory_space<vmem>>, vector<1x16xi32>,
        %get3A_566 = vector.shape_cast %get3A_565 : vector<1x16xi32> to vector<16xi32>
        %swap3A_567 = arith.constant 64 : index
        %swap3A_568 = tpu.vector_load %arg10[%swap3A_567] {strides = array<i32>} : memref<128xi32, #tpu.memory_space<vmem>>, vector<16xi32>,
        %swap3A_569 = vector.shape_cast %swap3A_568 : vector<16xi32> to vector<16xi32>
        %swap3A_570 = vector.shape_cast %get3A_566 : vector<16xi32> to vector<16xi32>
        tpu.vector_store %arg10[%swap3A_567], %swap3A_570 {strides = array<i32>} : memref<128xi32, #tpu.memory_space<vmem>>, vector<16xi32>,
        %get3A_571 = arith.index_cast %add3A_530 : i32 to index
        %get3A_572 = arith.constant 80 : index
        %get3A_573 = tpu.vector_load %arg9[%get3A_571, %get3A_572] {strides = array<i32>} : memref<40x128xi32, #tpu.memory_space<vmem>>, vector<1x16xi32>,
        %get3A_574 = vector.shape_cast %get3A_573 : vector<1x16xi32> to vector<16xi32>
        %swap3A_575 = arith.constant 80 : index
        %swap3A_576 = tpu.vector_load %arg10[%swap3A_575] {strides = array<i32>} : memref<128xi32, #tpu.memory_space<vmem>>, vector<16xi32>,
        %swap3A_577 = vector.shape_cast %swap3A_576 : vector<16xi32> to vector<16xi32>
        %swap3A_578 = vector.shape_cast %get3A_574 : vector<16xi32> to vector<16xi32>
        tpu.vector_store %arg10[%swap3A_575], %swap3A_578 {strides = array<i32>} : memref<128xi32, #tpu.memory_space<vmem>>, vector<16xi32>,
        %get3A_579 = arith.index_cast %add3A_530 : i32 to index
        %get3A_580 = arith.constant 96 : index
        %get3A_581 = tpu.vector_load %arg9[%get3A_579, %get3A_580] {strides = array<i32>} : memref<40x128xi32, #tpu.memory_space<vmem>>, vector<1x16xi32>,
        %get3A_582 = vector.shape_cast %get3A_581 : vector<1x16xi32> to vector<16xi32>
        %swap3A_583 = arith.constant 96 : index
        %swap3A_584 = tpu.vector_load %arg10[%swap3A_583] {strides = array<i32>} : memref<128xi32, #tpu.memory_space<vmem>>, vector<16xi32>,
        %swap3A_585 = vector.shape_cast %swap3A_584 : vector<16xi32> to vector<16xi32>
        %swap3A_586 = vector.shape_cast %get3A_582 : vector<16xi32> to vector<16xi32>
        tpu.vector_store %arg10[%swap3A_583], %swap3A_586 {strides = array<i32>} : memref<128xi32, #tpu.memory_space<vmem>>, vector<16xi32>,
        %get3A_587 = arith.index_cast %add3A_530 : i32 to index
        %get3A_588 = arith.constant 112 : index
        %get3A_589 = tpu.vector_load %arg9[%get3A_587, %get3A_588] {strides = array<i32>} : memref<40x128xi32, #tpu.memory_space<vmem>>, vector<1x16xi32>,
        %get3A_590 = vector.shape_cast %get3A_589 : vector<1x16xi32> to vector<16xi32>
        %swap3A_591 = arith.constant 112 : index
        %swap3A_592 = tpu.vector_load %arg10[%swap3A_591] {strides = array<i32>} : memref<128xi32, #tpu.memory_space<vmem>>, vector<16xi32>,
        %swap3A_593 = vector.shape_cast %swap3A_592 : vector<16xi32> to vector<16xi32>
        %swap3A_594 = vector.shape_cast %get3A_590 : vector<16xi32> to vector<16xi32>
        tpu.vector_store %arg10[%swap3A_591], %swap3A_594 {strides = array<i32>} : memref<128xi32, #tpu.memory_space<vmem>>, vector<16xi32>,
        "tpu.region"() ({
          %run_scoped3A = tpu.sem_alloc : memref<!tpu.dma_semaphore, #tpu.memory_space<semaphore_mem>>
          %dma_start3A_595 = arith.constant 0 : i32
          %dma_start3A_596 = arith.constant 0 : i32
          %dma_start3A_597 = tpu.memref_slice %arg13[%dma_start3A_595, %dma_start3A_596] : memref<10240x128xf32, #tpu.memory_space<vmem_shared>> -> memref<10240x128xf32, #tpu.memory_space<vmem_shared>>
          tpu.enqueue_indirect_dma source(%arg12 : memref<128x128xf32, #tpu.memory_space<vmem>>) target(%dma_start3A_597 : memref<10240x128xf32, #tpu.memory_space<vmem_shared>>) offsets(%arg10 : memref<128xi32, #tpu.memory_space<vmem>>) semaphore(%run_scoped3A : memref<!tpu.dma_semaphore, #tpu.memory_space<semaphore_mem>>) {add = true}
          %dma_wait3A_598 = arith.constant 0 : i32
          %dma_wait3A_599 = arith.constant 0 : i32
          %dma_wait3A_600 = tpu.memref_slice %arg13[%dma_wait3A_598, %dma_wait3A_599] : memref<10240x128xf32, #tpu.memory_space<vmem_shared>> -> memref<10240x128xf32, #tpu.memory_space<vmem_shared>>
          tpu.wait_indirect_dma semaphore(%run_scoped3A : memref<!tpu.dma_semaphore, #tpu.memory_space<semaphore_mem>>) src(%arg12 : memref<128x128xf32, #tpu.memory_space<vmem>>) dst(%dma_wait3A_600 : memref<10240x128xf32, #tpu.memory_space<vmem_shared>>)
          tpu.yield
        }) : () -> ()
      }
      %scan3A_88 = arith.constant 19 : i32
      %dma_start3A_89 = arith.constant 39 : i32
      %dma_start3A_90 = arith.constant 0 : i32
      %dma_start3A_91 = tpu.memref_slice %arg8[%dma_start3A_89, %dma_start3A_90] : memref<40x128xi32, #tpu.memory_space<vmem>> -> memref<1x128xi32, #tpu.memory_space<vmem>>
      %dma_start3A_92 = tpu.memref_squeeze %dma_start3A_91 : memref<1x128xi32, #tpu.memory_space<vmem>> -> memref<128xi32, #tpu.memory_space<vmem>>
      %dma_start3A_93 = arith.constant 0 : i32
      %dma_start3A_94 = arith.constant 0 : i32
      %dma_start3A_95 = tpu.memref_slice %arg4[%dma_start3A_93, %dma_start3A_94] : memref<10240x128xf32, #tpu.memory_space<hbm>> -> memref<10240x128xf32, #tpu.memory_space<hbm>>
      tpu.enqueue_indirect_dma source(%dma_start3A_95 : memref<10240x128xf32, #tpu.memory_space<hbm>>) target(%arg12 : memref<128x128xf32, #tpu.memory_space<vmem>>) offsets(%dma_start3A_92 : memref<128xi32, #tpu.memory_space<vmem>>) semaphore(%arg15 : memref<!tpu.dma_semaphore, #tpu.memory_space<semaphore_mem>>)
      %dma_wait3A_96 = arith.constant 38 : i32
      %dma_wait3A_97 = arith.constant 0 : i32
      %dma_wait3A_98 = tpu.memref_slice %arg8[%dma_wait3A_96, %dma_wait3A_97] : memref<40x128xi32, #tpu.memory_space<vmem>> -> memref<1x128xi32, #tpu.memory_space<vmem>>
      %dma_wait3A_99 = tpu.memref_squeeze %dma_wait3A_98 : memref<1x128xi32, #tpu.memory_space<vmem>> -> memref<128xi32, #tpu.memory_space<vmem>>
      %dma_wait3A_100 = arith.constant 0 : i32
      %dma_wait3A_101 = arith.constant 0 : i32
      %dma_wait3A_102 = tpu.memref_slice %arg4[%dma_wait3A_100, %dma_wait3A_101] : memref<10240x128xf32, #tpu.memory_space<hbm>> -> memref<10240x128xf32, #tpu.memory_space<hbm>>
      tpu.wait_indirect_dma semaphore(%arg14 : memref<!tpu.dma_semaphore, #tpu.memory_space<semaphore_mem>>) src(%dma_wait3A_102 : memref<10240x128xf32, #tpu.memory_space<hbm>>) dst(%arg11 : memref<128x128xf32, #tpu.memory_space<vmem>>)
      %get3A = arith.constant 38 : i32
      %get3A_103 = arith.index_cast %get3A : i32 to index
      %get3A_104 = arith.constant 0 : index
      %get3A_105 = tpu.vector_load %arg9[%get3A_103, %get3A_104] {strides = array<i32>} : memref<40x128xi32, #tpu.memory_space<vmem>>, vector<1x16xi32>,
      %get3A_106 = vector.shape_cast %get3A_105 : vector<1x16xi32> to vector<16xi32>
      %swap3A = arith.constant 0 : index
      %swap3A_107 = tpu.vector_load %arg10[%swap3A] {strides = array<i32>} : memref<128xi32, #tpu.memory_space<vmem>>, vector<16xi32>,
      %swap3A_108 = vector.shape_cast %swap3A_107 : vector<16xi32> to vector<16xi32>
      %swap3A_109 = vector.shape_cast %get3A_106 : vector<16xi32> to vector<16xi32>
      tpu.vector_store %arg10[%swap3A], %swap3A_109 {strides = array<i32>} : memref<128xi32, #tpu.memory_space<vmem>>, vector<16xi32>,
      %get3A_110 = arith.constant 38 : i32
      %get3A_111 = arith.index_cast %get3A_110 : i32 to index
      %get3A_112 = arith.constant 16 : index
      %get3A_113 = tpu.vector_load %arg9[%get3A_111, %get3A_112] {strides = array<i32>} : memref<40x128xi32, #tpu.memory_space<vmem>>, vector<1x16xi32>,
      %get3A_114 = vector.shape_cast %get3A_113 : vector<1x16xi32> to vector<16xi32>
      %swap3A_115 = arith.constant 16 : index
      %swap3A_116 = tpu.vector_load %arg10[%swap3A_115] {strides = array<i32>} : memref<128xi32, #tpu.memory_space<vmem>>, vector<16xi32>,
      %swap3A_117 = vector.shape_cast %swap3A_116 : vector<16xi32> to vector<16xi32>
      %swap3A_118 = vector.shape_cast %get3A_114 : vector<16xi32> to vector<16xi32>
      tpu.vector_store %arg10[%swap3A_115], %swap3A_118 {strides = array<i32>} : memref<128xi32, #tpu.memory_space<vmem>>, vector<16xi32>,
      %get3A_119 = arith.constant 38 : i32
      %get3A_120 = arith.index_cast %get3A_119 : i32 to index
      %get3A_121 = arith.constant 32 : index
      %get3A_122 = tpu.vector_load %arg9[%get3A_120, %get3A_121] {strides = array<i32>} : memref<40x128xi32, #tpu.memory_space<vmem>>, vector<1x16xi32>,
      %get3A_123 = vector.shape_cast %get3A_122 : vector<1x16xi32> to vector<16xi32>
      %swap3A_124 = arith.constant 32 : index
      %swap3A_125 = tpu.vector_load %arg10[%swap3A_124] {strides = array<i32>} : memref<128xi32, #tpu.memory_space<vmem>>, vector<16xi32>,
      %swap3A_126 = vector.shape_cast %swap3A_125 : vector<16xi32> to vector<16xi32>
      %swap3A_127 = vector.shape_cast %get3A_123 : vector<16xi32> to vector<16xi32>
      tpu.vector_store %arg10[%swap3A_124], %swap3A_127 {strides = array<i32>} : memref<128xi32, #tpu.memory_space<vmem>>, vector<16xi32>,
      %get3A_128 = arith.constant 38 : i32
      %get3A_129 = arith.index_cast %get3A_128 : i32 to index
      %get3A_130 = arith.constant 48 : index
      %get3A_131 = tpu.vector_load %arg9[%get3A_129, %get3A_130] {strides = array<i32>} : memref<40x128xi32, #tpu.memory_space<vmem>>, vector<1x16xi32>,
      %get3A_132 = vector.shape_cast %get3A_131 : vector<1x16xi32> to vector<16xi32>
      %swap3A_133 = arith.constant 48 : index
      %swap3A_134 = tpu.vector_load %arg10[%swap3A_133] {strides = array<i32>} : memref<128xi32, #tpu.memory_space<vmem>>, vector<16xi32>,
      %swap3A_135 = vector.shape_cast %swap3A_134 : vector<16xi32> to vector<16xi32>
      %swap3A_136 = vector.shape_cast %get3A_132 : vector<16xi32> to vector<16xi32>
      tpu.vector_store %arg10[%swap3A_133], %swap3A_136 {strides = array<i32>} : memref<128xi32, #tpu.memory_space<vmem>>, vector<16xi32>,
      %get3A_137 = arith.constant 38 : i32
      %get3A_138 = arith.index_cast %get3A_137 : i32 to index
      %get3A_139 = arith.constant 64 : index
      %get3A_140 = tpu.vector_load %arg9[%get3A_138, %get3A_139] {strides = array<i32>} : memref<40x128xi32, #tpu.memory_space<vmem>>, vector<1x16xi32>,
      %get3A_141 = vector.shape_cast %get3A_140 : vector<1x16xi32> to vector<16xi32>
      %swap3A_142 = arith.constant 64 : index
      %swap3A_143 = tpu.vector_load %arg10[%swap3A_142] {strides = array<i32>} : memref<128xi32, #tpu.memory_space<vmem>>, vector<16xi32>,
      %swap3A_144 = vector.shape_cast %swap3A_143 : vector<16xi32> to vector<16xi32>
      %swap3A_145 = vector.shape_cast %get3A_141 : vector<16xi32> to vector<16xi32>
      tpu.vector_store %arg10[%swap3A_142], %swap3A_145 {strides = array<i32>} : memref<128xi32, #tpu.memory_space<vmem>>, vector<16xi32>,
      %get3A_146 = arith.constant 38 : i32
      %get3A_147 = arith.index_cast %get3A_146 : i32 to index
      %get3A_148 = arith.constant 80 : index
      %get3A_149 = tpu.vector_load %arg9[%get3A_147, %get3A_148] {strides = array<i32>} : memref<40x128xi32, #tpu.memory_space<vmem>>, vector<1x16xi32>,
      %get3A_150 = vector.shape_cast %get3A_149 : vector<1x16xi32> to vector<16xi32>
      %swap3A_151 = arith.constant 80 : index
      %swap3A_152 = tpu.vector_load %arg10[%swap3A_151] {strides = array<i32>} : memref<128xi32, #tpu.memory_space<vmem>>, vector<16xi32>,
      %swap3A_153 = vector.shape_cast %swap3A_152 : vector<16xi32> to vector<16xi32>
      %swap3A_154 = vector.shape_cast %get3A_150 : vector<16xi32> to vector<16xi32>
      tpu.vector_store %arg10[%swap3A_151], %swap3A_154 {strides = array<i32>} : memref<128xi32, #tpu.memory_space<vmem>>, vector<16xi32>,
      %get3A_155 = arith.constant 38 : i32
      %get3A_156 = arith.index_cast %get3A_155 : i32 to index
      %get3A_157 = arith.constant 96 : index
      %get3A_158 = tpu.vector_load %arg9[%get3A_156, %get3A_157] {strides = array<i32>} : memref<40x128xi32, #tpu.memory_space<vmem>>, vector<1x16xi32>,
      %get3A_159 = vector.shape_cast %get3A_158 : vector<1x16xi32> to vector<16xi32>
      %swap3A_160 = arith.constant 96 : index
      %swap3A_161 = tpu.vector_load %arg10[%swap3A_160] {strides = array<i32>} : memref<128xi32, #tpu.memory_space<vmem>>, vector<16xi32>,
      %swap3A_162 = vector.shape_cast %swap3A_161 : vector<16xi32> to vector<16xi32>
      %swap3A_163 = vector.shape_cast %get3A_159 : vector<16xi32> to vector<16xi32>
      tpu.vector_store %arg10[%swap3A_160], %swap3A_163 {strides = array<i32>} : memref<128xi32, #tpu.memory_space<vmem>>, vector<16xi32>,
      %get3A_164 = arith.constant 38 : i32
      %get3A_165 = arith.index_cast %get3A_164 : i32 to index
      %get3A_166 = arith.constant 112 : index
      %get3A_167 = tpu.vector_load %arg9[%get3A_165, %get3A_166] {strides = array<i32>} : memref<40x128xi32, #tpu.memory_space<vmem>>, vector<1x16xi32>,
      %get3A_168 = vector.shape_cast %get3A_167 : vector<1x16xi32> to vector<16xi32>
      %swap3A_169 = arith.constant 112 : index
      %swap3A_170 = tpu.vector_load %arg10[%swap3A_169] {strides = array<i32>} : memref<128xi32, #tpu.memory_space<vmem>>, vector<16xi32>,
      %swap3A_171 = vector.shape_cast %swap3A_170 : vector<16xi32> to vector<16xi32>
      %swap3A_172 = vector.shape_cast %get3A_168 : vector<16xi32> to vector<16xi32>
      tpu.vector_store %arg10[%swap3A_169], %swap3A_172 {strides = array<i32>} : memref<128xi32, #tpu.memory_space<vmem>>, vector<16xi32>,
      "tpu.region"() ({
        %run_scoped3A = tpu.sem_alloc : memref<!tpu.dma_semaphore, #tpu.memory_space<semaphore_mem>>
        %dma_start3A_432 = arith.constant 0 : i32
        %dma_start3A_433 = arith.constant 0 : i32
        %dma_start3A_434 = tpu.memref_slice %arg13[%dma_start3A_432, %dma_start3A_433] : memref<10240x128xf32, #tpu.memory_space<vmem_shared>> -> memref<10240x128xf32, #tpu.memory_space<vmem_shared>>
        tpu.enqueue_indirect_dma source(%arg11 : memref<128x128xf32, #tpu.memory_space<vmem>>) target(%dma_start3A_434 : memref<10240x128xf32, #tpu.memory_space<vmem_shared>>) offsets(%arg10 : memref<128xi32, #tpu.memory_space<vmem>>) semaphore(%run_scoped3A : memref<!tpu.dma_semaphore, #tpu.memory_space<semaphore_mem>>) {add = true}
        %dma_wait3A_435 = arith.constant 0 : i32
        %dma_wait3A_436 = arith.constant 0 : i32
        %dma_wait3A_437 = tpu.memref_slice %arg13[%dma_wait3A_435, %dma_wait3A_436] : memref<10240x128xf32, #tpu.memory_space<vmem_shared>> -> memref<10240x128xf32, #tpu.memory_space<vmem_shared>>
        tpu.wait_indirect_dma semaphore(%run_scoped3A : memref<!tpu.dma_semaphore, #tpu.memory_space<semaphore_mem>>) src(%arg11 : memref<128x128xf32, #tpu.memory_space<vmem>>) dst(%dma_wait3A_437 : memref<10240x128xf32, #tpu.memory_space<vmem_shared>>)
        tpu.yield
      }) : () -> ()
      %dma_wait3A_173 = arith.constant 39 : i32
      %dma_wait3A_174 = arith.constant 0 : i32
      %dma_wait3A_175 = tpu.memref_slice %arg8[%dma_wait3A_173, %dma_wait3A_174] : memref<40x128xi32, #tpu.memory_space<vmem>> -> memref<1x128xi32, #tpu.memory_space<vmem>>
      %dma_wait3A_176 = tpu.memref_squeeze %dma_wait3A_175 : memref<1x128xi32, #tpu.memory_space<vmem>> -> memref<128xi32, #tpu.memory_space<vmem>>
      %dma_wait3A_177 = arith.constant 0 : i32
      %dma_wait3A_178 = arith.constant 0 : i32
      %dma_wait3A_179 = tpu.memref_slice %arg4[%dma_wait3A_177, %dma_wait3A_178] : memref<10240x128xf32, #tpu.memory_space<hbm>> -> memref<10240x128xf32, #tpu.memory_space<hbm>>
      tpu.wait_indirect_dma semaphore(%arg15 : memref<!tpu.dma_semaphore, #tpu.memory_space<semaphore_mem>>) src(%dma_wait3A_179 : memref<10240x128xf32, #tpu.memory_space<hbm>>) dst(%arg12 : memref<128x128xf32, #tpu.memory_space<vmem>>)
      %get3A_180 = arith.constant 39 : i32
      %get3A_181 = arith.index_cast %get3A_180 : i32 to index
      %get3A_182 = arith.constant 0 : index
      %get3A_183 = tpu.vector_load %arg9[%get3A_181, %get3A_182] {strides = array<i32>} : memref<40x128xi32, #tpu.memory_space<vmem>>, vector<1x16xi32>,
      %get3A_184 = vector.shape_cast %get3A_183 : vector<1x16xi32> to vector<16xi32>
      %swap3A_185 = arith.constant 0 : index
      %swap3A_186 = tpu.vector_load %arg10[%swap3A_185] {strides = array<i32>} : memref<128xi32, #tpu.memory_space<vmem>>, vector<16xi32>,
      %swap3A_187 = vector.shape_cast %swap3A_186 : vector<16xi32> to vector<16xi32>
      %swap3A_188 = vector.shape_cast %get3A_184 : vector<16xi32> to vector<16xi32>
      tpu.vector_store %arg10[%swap3A_185], %swap3A_188 {strides = array<i32>} : memref<128xi32, #tpu.memory_space<vmem>>, vector<16xi32>,
      %get3A_189 = arith.constant 39 : i32
      %get3A_190 = arith.index_cast %get3A_189 : i32 to index
      %get3A_191 = arith.constant 16 : index
      %get3A_192 = tpu.vector_load %arg9[%get3A_190, %get3A_191] {strides = array<i32>} : memref<40x128xi32, #tpu.memory_space<vmem>>, vector<1x16xi32>,
      %get3A_193 = vector.shape_cast %get3A_192 : vector<1x16xi32> to vector<16xi32>
      %swap3A_194 = arith.constant 16 : index
      %swap3A_195 = tpu.vector_load %arg10[%swap3A_194] {strides = array<i32>} : memref<128xi32, #tpu.memory_space<vmem>>, vector<16xi32>,
      %swap3A_196 = vector.shape_cast %swap3A_195 : vector<16xi32> to vector<16xi32>
      %swap3A_197 = vector.shape_cast %get3A_193 : vector<16xi32> to vector<16xi32>
      tpu.vector_store %arg10[%swap3A_194], %swap3A_197 {strides = array<i32>} : memref<128xi32, #tpu.memory_space<vmem>>, vector<16xi32>,
      %get3A_198 = arith.constant 39 : i32
      %get3A_199 = arith.index_cast %get3A_198 : i32 to index
      %get3A_200 = arith.constant 32 : index
      %get3A_201 = tpu.vector_load %arg9[%get3A_199, %get3A_200] {strides = array<i32>} : memref<40x128xi32, #tpu.memory_space<vmem>>, vector<1x16xi32>,
      %get3A_202 = vector.shape_cast %get3A_201 : vector<1x16xi32> to vector<16xi32>
      %swap3A_203 = arith.constant 32 : index
      %swap3A_204 = tpu.vector_load %arg10[%swap3A_203] {strides = array<i32>} : memref<128xi32, #tpu.memory_space<vmem>>, vector<16xi32>,
      %swap3A_205 = vector.shape_cast %swap3A_204 : vector<16xi32> to vector<16xi32>
      %swap3A_206 = vector.shape_cast %get3A_202 : vector<16xi32> to vector<16xi32>
      tpu.vector_store %arg10[%swap3A_203], %swap3A_206 {strides = array<i32>} : memref<128xi32, #tpu.memory_space<vmem>>, vector<16xi32>,
      %get3A_207 = arith.constant 39 : i32
      %get3A_208 = arith.index_cast %get3A_207 : i32 to index
      %get3A_209 = arith.constant 48 : index
      %get3A_210 = tpu.vector_load %arg9[%get3A_208, %get3A_209] {strides = array<i32>} : memref<40x128xi32, #tpu.memory_space<vmem>>, vector<1x16xi32>,
      %get3A_211 = vector.shape_cast %get3A_210 : vector<1x16xi32> to vector<16xi32>
      %swap3A_212 = arith.constant 48 : index
      %swap3A_213 = tpu.vector_load %arg10[%swap3A_212] {strides = array<i32>} : memref<128xi32, #tpu.memory_space<vmem>>, vector<16xi32>,
      %swap3A_214 = vector.shape_cast %swap3A_213 : vector<16xi32> to vector<16xi32>
      %swap3A_215 = vector.shape_cast %get3A_211 : vector<16xi32> to vector<16xi32>
      tpu.vector_store %arg10[%swap3A_212], %swap3A_215 {strides = array<i32>} : memref<128xi32, #tpu.memory_space<vmem>>, vector<16xi32>,
      %get3A_216 = arith.constant 39 : i32
      %get3A_217 = arith.index_cast %get3A_216 : i32 to index
      %get3A_218 = arith.constant 64 : index
      %get3A_219 = tpu.vector_load %arg9[%get3A_217, %get3A_218] {strides = array<i32>} : memref<40x128xi32, #tpu.memory_space<vmem>>, vector<1x16xi32>,
      %get3A_220 = vector.shape_cast %get3A_219 : vector<1x16xi32> to vector<16xi32>
      %swap3A_221 = arith.constant 64 : index
      %swap3A_222 = tpu.vector_load %arg10[%swap3A_221] {strides = array<i32>} : memref<128xi32, #tpu.memory_space<vmem>>, vector<16xi32>,
      %swap3A_223 = vector.shape_cast %swap3A_222 : vector<16xi32> to vector<16xi32>
      %swap3A_224 = vector.shape_cast %get3A_220 : vector<16xi32> to vector<16xi32>
      tpu.vector_store %arg10[%swap3A_221], %swap3A_224 {strides = array<i32>} : memref<128xi32, #tpu.memory_space<vmem>>, vector<16xi32>,
      %get3A_225 = arith.constant 39 : i32
      %get3A_226 = arith.index_cast %get3A_225 : i32 to index
      %get3A_227 = arith.constant 80 : index
      %get3A_228 = tpu.vector_load %arg9[%get3A_226, %get3A_227] {strides = array<i32>} : memref<40x128xi32, #tpu.memory_space<vmem>>, vector<1x16xi32>,
      %get3A_229 = vector.shape_cast %get3A_228 : vector<1x16xi32> to vector<16xi32>
      %swap3A_230 = arith.constant 80 : index
      %swap3A_231 = tpu.vector_load %arg10[%swap3A_230] {strides = array<i32>} : memref<128xi32, #tpu.memory_space<vmem>>, vector<16xi32>,
      %swap3A_232 = vector.shape_cast %swap3A_231 : vector<16xi32> to vector<16xi32>
      %swap3A_233 = vector.shape_cast %get3A_229 : vector<16xi32> to vector<16xi32>
      tpu.vector_store %arg10[%swap3A_230], %swap3A_233 {strides = array<i32>} : memref<128xi32, #tpu.memory_space<vmem>>, vector<16xi32>,
      %get3A_234 = arith.constant 39 : i32
      %get3A_235 = arith.index_cast %get3A_234 : i32 to index
      %get3A_236 = arith.constant 96 : index
      %get3A_237 = tpu.vector_load %arg9[%get3A_235, %get3A_236] {strides = array<i32>} : memref<40x128xi32, #tpu.memory_space<vmem>>, vector<1x16xi32>,
      %get3A_238 = vector.shape_cast %get3A_237 : vector<1x16xi32> to vector<16xi32>
      %swap3A_239 = arith.constant 96 : index
      %swap3A_240 = tpu.vector_load %arg10[%swap3A_239] {strides = array<i32>} : memref<128xi32, #tpu.memory_space<vmem>>, vector<16xi32>,
      %swap3A_241 = vector.shape_cast %swap3A_240 : vector<16xi32> to vector<16xi32>
      %swap3A_242 = vector.shape_cast %get3A_238 : vector<16xi32> to vector<16xi32>
      tpu.vector_store %arg10[%swap3A_239], %swap3A_242 {strides = array<i32>} : memref<128xi32, #tpu.memory_space<vmem>>, vector<16xi32>,
      %get3A_243 = arith.constant 39 : i32
      %get3A_244 = arith.index_cast %get3A_243 : i32 to index
      %get3A_245 = arith.constant 112 : index
      %get3A_246 = tpu.vector_load %arg9[%get3A_244, %get3A_245] {strides = array<i32>} : memref<40x128xi32, #tpu.memory_space<vmem>>, vector<1x16xi32>,
      %get3A_247 = vector.shape_cast %get3A_246 : vector<1x16xi32> to vector<16xi32>
      %swap3A_248 = arith.constant 112 : index
      %swap3A_249 = tpu.vector_load %arg10[%swap3A_248] {strides = array<i32>} : memref<128xi32, #tpu.memory_space<vmem>>, vector<16xi32>,
      %swap3A_250 = vector.shape_cast %swap3A_249 : vector<16xi32> to vector<16xi32>
      %swap3A_251 = vector.shape_cast %get3A_247 : vector<16xi32> to vector<16xi32>
      tpu.vector_store %arg10[%swap3A_248], %swap3A_251 {strides = array<i32>} : memref<128xi32, #tpu.memory_space<vmem>>, vector<16xi32>,
      "tpu.region"() ({
        %run_scoped3A = tpu.sem_alloc : memref<!tpu.dma_semaphore, #tpu.memory_space<semaphore_mem>>
        %dma_start3A_432 = arith.constant 0 : i32
        %dma_start3A_433 = arith.constant 0 : i32
        %dma_start3A_434 = tpu.memref_slice %arg13[%dma_start3A_432, %dma_start3A_433] : memref<10240x128xf32, #tpu.memory_space<vmem_shared>> -> memref<10240x128xf32, #tpu.memory_space<vmem_shared>>
        tpu.enqueue_indirect_dma source(%arg12 : memref<128x128xf32, #tpu.memory_space<vmem>>) target(%dma_start3A_434 : memref<10240x128xf32, #tpu.memory_space<vmem_shared>>) offsets(%arg10 : memref<128xi32, #tpu.memory_space<vmem>>) semaphore(%run_scoped3A : memref<!tpu.dma_semaphore, #tpu.memory_space<semaphore_mem>>) {add = true}
        %dma_wait3A_435 = arith.constant 0 : i32
        %dma_wait3A_436 = arith.constant 0 : i32
        %dma_wait3A_437 = tpu.memref_slice %arg13[%dma_wait3A_435, %dma_wait3A_436] : memref<10240x128xf32, #tpu.memory_space<vmem_shared>> -> memref<10240x128xf32, #tpu.memory_space<vmem_shared>>
        tpu.wait_indirect_dma semaphore(%run_scoped3A : memref<!tpu.dma_semaphore, #tpu.memory_space<semaphore_mem>>) src(%arg12 : memref<128x128xf32, #tpu.memory_space<vmem>>) dst(%dma_wait3A_437 : memref<10240x128xf32, #tpu.memory_space<vmem_shared>>)
        tpu.yield
      }) : () -> ()
      %add3A_252 = arith.constant 40 : i32
      %add3A_253 = arith.addi %mul3A_75, %add3A_252 : i32
      "tpu.region"() ({
        %run_scoped3A = tpu.sem_alloc : memref<!tpu.dma_semaphore, #tpu.memory_space<semaphore_mem>>
        %dma_start3A_432 = arith.constant 0 : i32
        %dma_start3A_433 = tpu.memref_slice %arg2[%add3A_253, %dma_start3A_432] : memref<1280x128xi32, #tpu.memory_space<hbm>> -> memref<40x128xi32, #tpu.memory_space<hbm>>
        %dma_start3A_434 = arith.constant 0 : i32
        %dma_start3A_435 = tpu.memref_slice %arg2[%add3A_253, %dma_start3A_434] : memref<1280x128xi32, #tpu.memory_space<hbm>> -> memref<40x128xi32, #tpu.memory_space<hbm>>
        tpu.enqueue_dma source(%dma_start3A_435 : memref<40x128xi32, #tpu.memory_space<hbm>>) target(%arg8 : memref<40x128xi32, #tpu.memory_space<vmem>>) target_semaphore(%run_scoped3A : memref<!tpu.dma_semaphore, #tpu.memory_space<semaphore_mem>>)
        %dma_wait3A_436 = arith.constant 0 : i32
        %dma_wait3A_437 = tpu.memref_slice %arg2[%add3A_253, %dma_wait3A_436] : memref<1280x128xi32, #tpu.memory_space<hbm>> -> memref<40x128xi32, #tpu.memory_space<hbm>>
        %dma_wait3A_438 = arith.constant 0 : i32
        %dma_wait3A_439 = tpu.memref_slice %arg2[%add3A_253, %dma_wait3A_438] : memref<1280x128xi32, #tpu.memory_space<hbm>> -> memref<40x128xi32, #tpu.memory_space<hbm>>
        tpu.wait_dma2 semaphore(%run_scoped3A : memref<!tpu.dma_semaphore, #tpu.memory_space<semaphore_mem>>) src(%dma_wait3A_439 : memref<40x128xi32, #tpu.memory_space<hbm>>) dst(%arg8 : memref<40x128xi32, #tpu.memory_space<vmem>>)
        tpu.yield
      }) : () -> ()
      "tpu.region"() ({
        %run_scoped3A = tpu.sem_alloc : memref<!tpu.dma_semaphore, #tpu.memory_space<semaphore_mem>>
        %dma_start3A_432 = arith.constant 0 : i32
        %dma_start3A_433 = tpu.memref_slice %arg3[%add3A_253, %dma_start3A_432] : memref<1280x128xi32, #tpu.memory_space<hbm>> -> memref<40x128xi32, #tpu.memory_space<hbm>>
        %dma_start3A_434 = arith.constant 0 : i32
        %dma_start3A_435 = tpu.memref_slice %arg3[%add3A_253, %dma_start3A_434] : memref<1280x128xi32, #tpu.memory_space<hbm>> -> memref<40x128xi32, #tpu.memory_space<hbm>>
        tpu.enqueue_dma source(%dma_start3A_435 : memref<40x128xi32, #tpu.memory_space<hbm>>) target(%arg9 : memref<40x128xi32, #tpu.memory_space<vmem>>) target_semaphore(%run_scoped3A : memref<!tpu.dma_semaphore, #tpu.memory_space<semaphore_mem>>)
        %dma_wait3A_436 = arith.constant 0 : i32
        %dma_wait3A_437 = tpu.memref_slice %arg3[%add3A_253, %dma_wait3A_436] : memref<1280x128xi32, #tpu.memory_space<hbm>> -> memref<40x128xi32, #tpu.memory_space<hbm>>
        %dma_wait3A_438 = arith.constant 0 : i32
        %dma_wait3A_439 = tpu.memref_slice %arg3[%add3A_253, %dma_wait3A_438] : memref<1280x128xi32, #tpu.memory_space<hbm>> -> memref<40x128xi32, #tpu.memory_space<hbm>>
        tpu.wait_dma2 semaphore(%run_scoped3A : memref<!tpu.dma_semaphore, #tpu.memory_space<semaphore_mem>>) src(%dma_wait3A_439 : memref<40x128xi32, #tpu.memory_space<hbm>>) dst(%arg9 : memref<40x128xi32, #tpu.memory_space<vmem>>)
        tpu.yield
      }) : () -> ()
      %dma_start3A_254 = arith.constant 0 : i32
      %dma_start3A_255 = arith.constant 0 : i32
      %dma_start3A_256 = tpu.memref_slice %arg8[%dma_start3A_254, %dma_start3A_255] : memref<40x128xi32, #tpu.memory_space<vmem>> -> memref<1x128xi32, #tpu.memory_space<vmem>>
      %dma_start3A_257 = tpu.memref_squeeze %dma_start3A_256 : memref<1x128xi32, #tpu.memory_space<vmem>> -> memref<128xi32, #tpu.memory_space<vmem>>
      %dma_start3A_258 = arith.constant 0 : i32
      %dma_start3A_259 = arith.constant 0 : i32
      %dma_start3A_260 = tpu.memref_slice %arg4[%dma_start3A_258, %dma_start3A_259] : memref<10240x128xf32, #tpu.memory_space<hbm>> -> memref<10240x128xf32, #tpu.memory_space<hbm>>
      tpu.enqueue_indirect_dma source(%dma_start3A_260 : memref<10240x128xf32, #tpu.memory_space<hbm>>) target(%arg11 : memref<128x128xf32, #tpu.memory_space<vmem>>) offsets(%dma_start3A_257 : memref<128xi32, #tpu.memory_space<vmem>>) semaphore(%arg14 : memref<!tpu.dma_semaphore, #tpu.memory_space<semaphore_mem>>)
      %scan3A_261 = arith.constant 0 : i32
      %scan3A_262 = arith.constant 0 : i32
      %scan3A_263 = arith.constant 19 : i32
      %scan3A_264 = arith.addi %scan3A_262, %scan3A_263 : i32
      %scan3A_265 = arith.constant 1 : i32
      scf.for %scan3A_432 = %scan3A_262 to %scan3A_264 step %scan3A_265  : i32 {
        %mul3A_433 = arith.constant 2 : i32
        %mul3A_434 = arith.muli %scan3A_432, %mul3A_433 : i32
        %add3A_435 = arith.constant 1 : i32
        %add3A_436 = arith.addi %mul3A_434, %add3A_435 : i32
        %dma_start3A_437 = arith.constant 0 : i32
        %dma_start3A_438 = tpu.memref_slice %arg8[%add3A_436, %dma_start3A_437] : memref<40x128xi32, #tpu.memory_space<vmem>> -> memref<1x128xi32, #tpu.memory_space<vmem>>
        %dma_start3A_439 = tpu.memref_squeeze %dma_start3A_438 : memref<1x128xi32, #tpu.memory_space<vmem>> -> memref<128xi32, #tpu.memory_space<vmem>>
        %dma_start3A_440 = arith.constant 0 : i32
        %dma_start3A_441 = arith.constant 0 : i32
        %dma_start3A_442 = tpu.memref_slice %arg4[%dma_start3A_440, %dma_start3A_441] : memref<10240x128xf32, #tpu.memory_space<hbm>> -> memref<10240x128xf32, #tpu.memory_space<hbm>>
        tpu.enqueue_indirect_dma source(%dma_start3A_442 : memref<10240x128xf32, #tpu.memory_space<hbm>>) target(%arg12 : memref<128x128xf32, #tpu.memory_space<vmem>>) offsets(%dma_start3A_439 : memref<128xi32, #tpu.memory_space<vmem>>) semaphore(%arg15 : memref<!tpu.dma_semaphore, #tpu.memory_space<semaphore_mem>>)
        %dma_wait3A_443 = arith.constant 0 : i32
        %dma_wait3A_444 = tpu.memref_slice %arg8[%mul3A_434, %dma_wait3A_443] : memref<40x128xi32, #tpu.memory_space<vmem>> -> memref<1x128xi32, #tpu.memory_space<vmem>>
        %dma_wait3A_445 = tpu.memref_squeeze %dma_wait3A_444 : memref<1x128xi32, #tpu.memory_space<vmem>> -> memref<128xi32, #tpu.memory_space<vmem>>
        %dma_wait3A_446 = arith.constant 0 : i32
        %dma_wait3A_447 = arith.constant 0 : i32
        %dma_wait3A_448 = tpu.memref_slice %arg4[%dma_wait3A_446, %dma_wait3A_447] : memref<10240x128xf32, #tpu.memory_space<hbm>> -> memref<10240x128xf32, #tpu.memory_space<hbm>>
        tpu.wait_indirect_dma semaphore(%arg14 : memref<!tpu.dma_semaphore, #tpu.memory_space<semaphore_mem>>) src(%dma_wait3A_448 : memref<10240x128xf32, #tpu.memory_space<hbm>>) dst(%arg11 : memref<128x128xf32, #tpu.memory_space<vmem>>)
        %get3A_449 = arith.index_cast %mul3A_434 : i32 to index
        %get3A_450 = arith.constant 0 : index
        %get3A_451 = tpu.vector_load %arg9[%get3A_449, %get3A_450] {strides = array<i32>} : memref<40x128xi32, #tpu.memory_space<vmem>>, vector<1x16xi32>,
        %get3A_452 = vector.shape_cast %get3A_451 : vector<1x16xi32> to vector<16xi32>
        %swap3A_453 = arith.constant 0 : index
        %swap3A_454 = tpu.vector_load %arg10[%swap3A_453] {strides = array<i32>} : memref<128xi32, #tpu.memory_space<vmem>>, vector<16xi32>,
        %swap3A_455 = vector.shape_cast %swap3A_454 : vector<16xi32> to vector<16xi32>
        %swap3A_456 = vector.shape_cast %get3A_452 : vector<16xi32> to vector<16xi32>
        tpu.vector_store %arg10[%swap3A_453], %swap3A_456 {strides = array<i32>} : memref<128xi32, #tpu.memory_space<vmem>>, vector<16xi32>,
        %get3A_457 = arith.index_cast %mul3A_434 : i32 to index
        %get3A_458 = arith.constant 16 : index
        %get3A_459 = tpu.vector_load %arg9[%get3A_457, %get3A_458] {strides = array<i32>} : memref<40x128xi32, #tpu.memory_space<vmem>>, vector<1x16xi32>,
        %get3A_460 = vector.shape_cast %get3A_459 : vector<1x16xi32> to vector<16xi32>
        %swap3A_461 = arith.constant 16 : index
        %swap3A_462 = tpu.vector_load %arg10[%swap3A_461] {strides = array<i32>} : memref<128xi32, #tpu.memory_space<vmem>>, vector<16xi32>,
        %swap3A_463 = vector.shape_cast %swap3A_462 : vector<16xi32> to vector<16xi32>
        %swap3A_464 = vector.shape_cast %get3A_460 : vector<16xi32> to vector<16xi32>
        tpu.vector_store %arg10[%swap3A_461], %swap3A_464 {strides = array<i32>} : memref<128xi32, #tpu.memory_space<vmem>>, vector<16xi32>,
        %get3A_465 = arith.index_cast %mul3A_434 : i32 to index
        %get3A_466 = arith.constant 32 : index
        %get3A_467 = tpu.vector_load %arg9[%get3A_465, %get3A_466] {strides = array<i32>} : memref<40x128xi32, #tpu.memory_space<vmem>>, vector<1x16xi32>,
        %get3A_468 = vector.shape_cast %get3A_467 : vector<1x16xi32> to vector<16xi32>
        %swap3A_469 = arith.constant 32 : index
        %swap3A_470 = tpu.vector_load %arg10[%swap3A_469] {strides = array<i32>} : memref<128xi32, #tpu.memory_space<vmem>>, vector<16xi32>,
        %swap3A_471 = vector.shape_cast %swap3A_470 : vector<16xi32> to vector<16xi32>
        %swap3A_472 = vector.shape_cast %get3A_468 : vector<16xi32> to vector<16xi32>
        tpu.vector_store %arg10[%swap3A_469], %swap3A_472 {strides = array<i32>} : memref<128xi32, #tpu.memory_space<vmem>>, vector<16xi32>,
        %get3A_473 = arith.index_cast %mul3A_434 : i32 to index
        %get3A_474 = arith.constant 48 : index
        %get3A_475 = tpu.vector_load %arg9[%get3A_473, %get3A_474] {strides = array<i32>} : memref<40x128xi32, #tpu.memory_space<vmem>>, vector<1x16xi32>,
        %get3A_476 = vector.shape_cast %get3A_475 : vector<1x16xi32> to vector<16xi32>
        %swap3A_477 = arith.constant 48 : index
        %swap3A_478 = tpu.vector_load %arg10[%swap3A_477] {strides = array<i32>} : memref<128xi32, #tpu.memory_space<vmem>>, vector<16xi32>,
        %swap3A_479 = vector.shape_cast %swap3A_478 : vector<16xi32> to vector<16xi32>
        %swap3A_480 = vector.shape_cast %get3A_476 : vector<16xi32> to vector<16xi32>
        tpu.vector_store %arg10[%swap3A_477], %swap3A_480 {strides = array<i32>} : memref<128xi32, #tpu.memory_space<vmem>>, vector<16xi32>,
        %get3A_481 = arith.index_cast %mul3A_434 : i32 to index
        %get3A_482 = arith.constant 64 : index
        %get3A_483 = tpu.vector_load %arg9[%get3A_481, %get3A_482] {strides = array<i32>} : memref<40x128xi32, #tpu.memory_space<vmem>>, vector<1x16xi32>,
        %get3A_484 = vector.shape_cast %get3A_483 : vector<1x16xi32> to vector<16xi32>
        %swap3A_485 = arith.constant 64 : index
        %swap3A_486 = tpu.vector_load %arg10[%swap3A_485] {strides = array<i32>} : memref<128xi32, #tpu.memory_space<vmem>>, vector<16xi32>,
        %swap3A_487 = vector.shape_cast %swap3A_486 : vector<16xi32> to vector<16xi32>
        %swap3A_488 = vector.shape_cast %get3A_484 : vector<16xi32> to vector<16xi32>
        tpu.vector_store %arg10[%swap3A_485], %swap3A_488 {strides = array<i32>} : memref<128xi32, #tpu.memory_space<vmem>>, vector<16xi32>,
        %get3A_489 = arith.index_cast %mul3A_434 : i32 to index
        %get3A_490 = arith.constant 80 : index
        %get3A_491 = tpu.vector_load %arg9[%get3A_489, %get3A_490] {strides = array<i32>} : memref<40x128xi32, #tpu.memory_space<vmem>>, vector<1x16xi32>,
        %get3A_492 = vector.shape_cast %get3A_491 : vector<1x16xi32> to vector<16xi32>
        %swap3A_493 = arith.constant 80 : index
        %swap3A_494 = tpu.vector_load %arg10[%swap3A_493] {strides = array<i32>} : memref<128xi32, #tpu.memory_space<vmem>>, vector<16xi32>,
        %swap3A_495 = vector.shape_cast %swap3A_494 : vector<16xi32> to vector<16xi32>
        %swap3A_496 = vector.shape_cast %get3A_492 : vector<16xi32> to vector<16xi32>
        tpu.vector_store %arg10[%swap3A_493], %swap3A_496 {strides = array<i32>} : memref<128xi32, #tpu.memory_space<vmem>>, vector<16xi32>,
        %get3A_497 = arith.index_cast %mul3A_434 : i32 to index
        %get3A_498 = arith.constant 96 : index
        %get3A_499 = tpu.vector_load %arg9[%get3A_497, %get3A_498] {strides = array<i32>} : memref<40x128xi32, #tpu.memory_space<vmem>>, vector<1x16xi32>,
        %get3A_500 = vector.shape_cast %get3A_499 : vector<1x16xi32> to vector<16xi32>
        %swap3A_501 = arith.constant 96 : index
        %swap3A_502 = tpu.vector_load %arg10[%swap3A_501] {strides = array<i32>} : memref<128xi32, #tpu.memory_space<vmem>>, vector<16xi32>,
        %swap3A_503 = vector.shape_cast %swap3A_502 : vector<16xi32> to vector<16xi32>
        %swap3A_504 = vector.shape_cast %get3A_500 : vector<16xi32> to vector<16xi32>
        tpu.vector_store %arg10[%swap3A_501], %swap3A_504 {strides = array<i32>} : memref<128xi32, #tpu.memory_space<vmem>>, vector<16xi32>,
        %get3A_505 = arith.index_cast %mul3A_434 : i32 to index
        %get3A_506 = arith.constant 112 : index
        %get3A_507 = tpu.vector_load %arg9[%get3A_505, %get3A_506] {strides = array<i32>} : memref<40x128xi32, #tpu.memory_space<vmem>>, vector<1x16xi32>,
        %get3A_508 = vector.shape_cast %get3A_507 : vector<1x16xi32> to vector<16xi32>
        %swap3A_509 = arith.constant 112 : index
        %swap3A_510 = tpu.vector_load %arg10[%swap3A_509] {strides = array<i32>} : memref<128xi32, #tpu.memory_space<vmem>>, vector<16xi32>,
        %swap3A_511 = vector.shape_cast %swap3A_510 : vector<16xi32> to vector<16xi32>
        %swap3A_512 = vector.shape_cast %get3A_508 : vector<16xi32> to vector<16xi32>
        tpu.vector_store %arg10[%swap3A_509], %swap3A_512 {strides = array<i32>} : memref<128xi32, #tpu.memory_space<vmem>>, vector<16xi32>,
        "tpu.region"() ({
          %run_scoped3A = tpu.sem_alloc : memref<!tpu.dma_semaphore, #tpu.memory_space<semaphore_mem>>
          %dma_start3A_595 = arith.constant 0 : i32
          %dma_start3A_596 = arith.constant 0 : i32
          %dma_start3A_597 = tpu.memref_slice %arg13[%dma_start3A_595, %dma_start3A_596] : memref<10240x128xf32, #tpu.memory_space<vmem_shared>> -> memref<10240x128xf32, #tpu.memory_space<vmem_shared>>
          tpu.enqueue_indirect_dma source(%arg11 : memref<128x128xf32, #tpu.memory_space<vmem>>) target(%dma_start3A_597 : memref<10240x128xf32, #tpu.memory_space<vmem_shared>>) offsets(%arg10 : memref<128xi32, #tpu.memory_space<vmem>>) semaphore(%run_scoped3A : memref<!tpu.dma_semaphore, #tpu.memory_space<semaphore_mem>>) {add = true}
          %dma_wait3A_598 = arith.constant 0 : i32
          %dma_wait3A_599 = arith.constant 0 : i32
          %dma_wait3A_600 = tpu.memref_slice %arg13[%dma_wait3A_598, %dma_wait3A_599] : memref<10240x128xf32, #tpu.memory_space<vmem_shared>> -> memref<10240x128xf32, #tpu.memory_space<vmem_shared>>
          tpu.wait_indirect_dma semaphore(%run_scoped3A : memref<!tpu.dma_semaphore, #tpu.memory_space<semaphore_mem>>) src(%arg11 : memref<128x128xf32, #tpu.memory_space<vmem>>) dst(%dma_wait3A_600 : memref<10240x128xf32, #tpu.memory_space<vmem_shared>>)
          tpu.yield
        }) : () -> ()
        %add3A_513 = arith.constant 2 : i32
        %add3A_514 = arith.addi %mul3A_434, %add3A_513 : i32
        %dma_start3A_515 = arith.constant 0 : i32
        %dma_start3A_516 = tpu.memref_slice %arg8[%add3A_514, %dma_start3A_515] : memref<40x128xi32, #tpu.memory_space<vmem>> -> memref<1x128xi32, #tpu.memory_space<vmem>>
        %dma_start3A_517 = tpu.memref_squeeze %dma_start3A_516 : memref<1x128xi32, #tpu.memory_space<vmem>> -> memref<128xi32, #tpu.memory_space<vmem>>
        %dma_start3A_518 = arith.constant 0 : i32
        %dma_start3A_519 = arith.constant 0 : i32
        %dma_start3A_520 = tpu.memref_slice %arg4[%dma_start3A_518, %dma_start3A_519] : memref<10240x128xf32, #tpu.memory_space<hbm>> -> memref<10240x128xf32, #tpu.memory_space<hbm>>
        tpu.enqueue_indirect_dma source(%dma_start3A_520 : memref<10240x128xf32, #tpu.memory_space<hbm>>) target(%arg11 : memref<128x128xf32, #tpu.memory_space<vmem>>) offsets(%dma_start3A_517 : memref<128xi32, #tpu.memory_space<vmem>>) semaphore(%arg14 : memref<!tpu.dma_semaphore, #tpu.memory_space<semaphore_mem>>)
        %add3A_521 = arith.constant 1 : i32
        %add3A_522 = arith.addi %mul3A_434, %add3A_521 : i32
        %dma_wait3A_523 = arith.constant 0 : i32
        %dma_wait3A_524 = tpu.memref_slice %arg8[%add3A_522, %dma_wait3A_523] : memref<40x128xi32, #tpu.memory_space<vmem>> -> memref<1x128xi32, #tpu.memory_space<vmem>>
        %dma_wait3A_525 = tpu.memref_squeeze %dma_wait3A_524 : memref<1x128xi32, #tpu.memory_space<vmem>> -> memref<128xi32, #tpu.memory_space<vmem>>
        %dma_wait3A_526 = arith.constant 0 : i32
        %dma_wait3A_527 = arith.constant 0 : i32
        %dma_wait3A_528 = tpu.memref_slice %arg4[%dma_wait3A_526, %dma_wait3A_527] : memref<10240x128xf32, #tpu.memory_space<hbm>> -> memref<10240x128xf32, #tpu.memory_space<hbm>>
        tpu.wait_indirect_dma semaphore(%arg15 : memref<!tpu.dma_semaphore, #tpu.memory_space<semaphore_mem>>) src(%dma_wait3A_528 : memref<10240x128xf32, #tpu.memory_space<hbm>>) dst(%arg12 : memref<128x128xf32, #tpu.memory_space<vmem>>)
        %add3A_529 = arith.constant 1 : i32
        %add3A_530 = arith.addi %mul3A_434, %add3A_529 : i32
        %get3A_531 = arith.index_cast %add3A_530 : i32 to index
        %get3A_532 = arith.constant 0 : index
        %get3A_533 = tpu.vector_load %arg9[%get3A_531, %get3A_532] {strides = array<i32>} : memref<40x128xi32, #tpu.memory_space<vmem>>, vector<1x16xi32>,
        %get3A_534 = vector.shape_cast %get3A_533 : vector<1x16xi32> to vector<16xi32>
        %swap3A_535 = arith.constant 0 : index
        %swap3A_536 = tpu.vector_load %arg10[%swap3A_535] {strides = array<i32>} : memref<128xi32, #tpu.memory_space<vmem>>, vector<16xi32>,
        %swap3A_537 = vector.shape_cast %swap3A_536 : vector<16xi32> to vector<16xi32>
        %swap3A_538 = vector.shape_cast %get3A_534 : vector<16xi32> to vector<16xi32>
        tpu.vector_store %arg10[%swap3A_535], %swap3A_538 {strides = array<i32>} : memref<128xi32, #tpu.memory_space<vmem>>, vector<16xi32>,
        %get3A_539 = arith.index_cast %add3A_530 : i32 to index
        %get3A_540 = arith.constant 16 : index
        %get3A_541 = tpu.vector_load %arg9[%get3A_539, %get3A_540] {strides = array<i32>} : memref<40x128xi32, #tpu.memory_space<vmem>>, vector<1x16xi32>,
        %get3A_542 = vector.shape_cast %get3A_541 : vector<1x16xi32> to vector<16xi32>
        %swap3A_543 = arith.constant 16 : index
        %swap3A_544 = tpu.vector_load %arg10[%swap3A_543] {strides = array<i32>} : memref<128xi32, #tpu.memory_space<vmem>>, vector<16xi32>,
        %swap3A_545 = vector.shape_cast %swap3A_544 : vector<16xi32> to vector<16xi32>
        %swap3A_546 = vector.shape_cast %get3A_542 : vector<16xi32> to vector<16xi32>
        tpu.vector_store %arg10[%swap3A_543], %swap3A_546 {strides = array<i32>} : memref<128xi32, #tpu.memory_space<vmem>>, vector<16xi32>,
        %get3A_547 = arith.index_cast %add3A_530 : i32 to index
        %get3A_548 = arith.constant 32 : index
        %get3A_549 = tpu.vector_load %arg9[%get3A_547, %get3A_548] {strides = array<i32>} : memref<40x128xi32, #tpu.memory_space<vmem>>, vector<1x16xi32>,
        %get3A_550 = vector.shape_cast %get3A_549 : vector<1x16xi32> to vector<16xi32>
        %swap3A_551 = arith.constant 32 : index
        %swap3A_552 = tpu.vector_load %arg10[%swap3A_551] {strides = array<i32>} : memref<128xi32, #tpu.memory_space<vmem>>, vector<16xi32>,
        %swap3A_553 = vector.shape_cast %swap3A_552 : vector<16xi32> to vector<16xi32>
        %swap3A_554 = vector.shape_cast %get3A_550 : vector<16xi32> to vector<16xi32>
        tpu.vector_store %arg10[%swap3A_551], %swap3A_554 {strides = array<i32>} : memref<128xi32, #tpu.memory_space<vmem>>, vector<16xi32>,
        %get3A_555 = arith.index_cast %add3A_530 : i32 to index
        %get3A_556 = arith.constant 48 : index
        %get3A_557 = tpu.vector_load %arg9[%get3A_555, %get3A_556] {strides = array<i32>} : memref<40x128xi32, #tpu.memory_space<vmem>>, vector<1x16xi32>,
        %get3A_558 = vector.shape_cast %get3A_557 : vector<1x16xi32> to vector<16xi32>
        %swap3A_559 = arith.constant 48 : index
        %swap3A_560 = tpu.vector_load %arg10[%swap3A_559] {strides = array<i32>} : memref<128xi32, #tpu.memory_space<vmem>>, vector<16xi32>,
        %swap3A_561 = vector.shape_cast %swap3A_560 : vector<16xi32> to vector<16xi32>
        %swap3A_562 = vector.shape_cast %get3A_558 : vector<16xi32> to vector<16xi32>
        tpu.vector_store %arg10[%swap3A_559], %swap3A_562 {strides = array<i32>} : memref<128xi32, #tpu.memory_space<vmem>>, vector<16xi32>,
        %get3A_563 = arith.index_cast %add3A_530 : i32 to index
        %get3A_564 = arith.constant 64 : index
        %get3A_565 = tpu.vector_load %arg9[%get3A_563, %get3A_564] {strides = array<i32>} : memref<40x128xi32, #tpu.memory_space<vmem>>, vector<1x16xi32>,
        %get3A_566 = vector.shape_cast %get3A_565 : vector<1x16xi32> to vector<16xi32>
        %swap3A_567 = arith.constant 64 : index
        %swap3A_568 = tpu.vector_load %arg10[%swap3A_567] {strides = array<i32>} : memref<128xi32, #tpu.memory_space<vmem>>, vector<16xi32>,
        %swap3A_569 = vector.shape_cast %swap3A_568 : vector<16xi32> to vector<16xi32>
        %swap3A_570 = vector.shape_cast %get3A_566 : vector<16xi32> to vector<16xi32>
        tpu.vector_store %arg10[%swap3A_567], %swap3A_570 {strides = array<i32>} : memref<128xi32, #tpu.memory_space<vmem>>, vector<16xi32>,
        %get3A_571 = arith.index_cast %add3A_530 : i32 to index
        %get3A_572 = arith.constant 80 : index
        %get3A_573 = tpu.vector_load %arg9[%get3A_571, %get3A_572] {strides = array<i32>} : memref<40x128xi32, #tpu.memory_space<vmem>>, vector<1x16xi32>,
        %get3A_574 = vector.shape_cast %get3A_573 : vector<1x16xi32> to vector<16xi32>
        %swap3A_575 = arith.constant 80 : index
        %swap3A_576 = tpu.vector_load %arg10[%swap3A_575] {strides = array<i32>} : memref<128xi32, #tpu.memory_space<vmem>>, vector<16xi32>,
        %swap3A_577 = vector.shape_cast %swap3A_576 : vector<16xi32> to vector<16xi32>
        %swap3A_578 = vector.shape_cast %get3A_574 : vector<16xi32> to vector<16xi32>
        tpu.vector_store %arg10[%swap3A_575], %swap3A_578 {strides = array<i32>} : memref<128xi32, #tpu.memory_space<vmem>>, vector<16xi32>,
        %get3A_579 = arith.index_cast %add3A_530 : i32 to index
        %get3A_580 = arith.constant 96 : index
        %get3A_581 = tpu.vector_load %arg9[%get3A_579, %get3A_580] {strides = array<i32>} : memref<40x128xi32, #tpu.memory_space<vmem>>, vector<1x16xi32>,
        %get3A_582 = vector.shape_cast %get3A_581 : vector<1x16xi32> to vector<16xi32>
        %swap3A_583 = arith.constant 96 : index
        %swap3A_584 = tpu.vector_load %arg10[%swap3A_583] {strides = array<i32>} : memref<128xi32, #tpu.memory_space<vmem>>, vector<16xi32>,
        %swap3A_585 = vector.shape_cast %swap3A_584 : vector<16xi32> to vector<16xi32>
        %swap3A_586 = vector.shape_cast %get3A_582 : vector<16xi32> to vector<16xi32>
        tpu.vector_store %arg10[%swap3A_583], %swap3A_586 {strides = array<i32>} : memref<128xi32, #tpu.memory_space<vmem>>, vector<16xi32>,
        %get3A_587 = arith.index_cast %add3A_530 : i32 to index
        %get3A_588 = arith.constant 112 : index
        %get3A_589 = tpu.vector_load %arg9[%get3A_587, %get3A_588] {strides = array<i32>} : memref<40x128xi32, #tpu.memory_space<vmem>>, vector<1x16xi32>,
        %get3A_590 = vector.shape_cast %get3A_589 : vector<1x16xi32> to vector<16xi32>
        %swap3A_591 = arith.constant 112 : index
        %swap3A_592 = tpu.vector_load %arg10[%swap3A_591] {strides = array<i32>} : memref<128xi32, #tpu.memory_space<vmem>>, vector<16xi32>,
        %swap3A_593 = vector.shape_cast %swap3A_592 : vector<16xi32> to vector<16xi32>
        %swap3A_594 = vector.shape_cast %get3A_590 : vector<16xi32> to vector<16xi32>
        tpu.vector_store %arg10[%swap3A_591], %swap3A_594 {strides = array<i32>} : memref<128xi32, #tpu.memory_space<vmem>>, vector<16xi32>,
        "tpu.region"() ({
          %run_scoped3A = tpu.sem_alloc : memref<!tpu.dma_semaphore, #tpu.memory_space<semaphore_mem>>
          %dma_start3A_595 = arith.constant 0 : i32
          %dma_start3A_596 = arith.constant 0 : i32
          %dma_start3A_597 = tpu.memref_slice %arg13[%dma_start3A_595, %dma_start3A_596] : memref<10240x128xf32, #tpu.memory_space<vmem_shared>> -> memref<10240x128xf32, #tpu.memory_space<vmem_shared>>
          tpu.enqueue_indirect_dma source(%arg12 : memref<128x128xf32, #tpu.memory_space<vmem>>) target(%dma_start3A_597 : memref<10240x128xf32, #tpu.memory_space<vmem_shared>>) offsets(%arg10 : memref<128xi32, #tpu.memory_space<vmem>>) semaphore(%run_scoped3A : memref<!tpu.dma_semaphore, #tpu.memory_space<semaphore_mem>>) {add = true}
          %dma_wait3A_598 = arith.constant 0 : i32
          %dma_wait3A_599 = arith.constant 0 : i32
          %dma_wait3A_600 = tpu.memref_slice %arg13[%dma_wait3A_598, %dma_wait3A_599] : memref<10240x128xf32, #tpu.memory_space<vmem_shared>> -> memref<10240x128xf32, #tpu.memory_space<vmem_shared>>
          tpu.wait_indirect_dma semaphore(%run_scoped3A : memref<!tpu.dma_semaphore, #tpu.memory_space<semaphore_mem>>) src(%arg12 : memref<128x128xf32, #tpu.memory_space<vmem>>) dst(%dma_wait3A_600 : memref<10240x128xf32, #tpu.memory_space<vmem_shared>>)
          tpu.yield
        }) : () -> ()
      }
      %scan3A_266 = arith.constant 19 : i32
      %dma_start3A_267 = arith.constant 39 : i32
      %dma_start3A_268 = arith.constant 0 : i32
      %dma_start3A_269 = tpu.memref_slice %arg8[%dma_start3A_267, %dma_start3A_268] : memref<40x128xi32, #tpu.memory_space<vmem>> -> memref<1x128xi32, #tpu.memory_space<vmem>>
      %dma_start3A_270 = tpu.memref_squeeze %dma_start3A_269 : memref<1x128xi32, #tpu.memory_space<vmem>> -> memref<128xi32, #tpu.memory_space<vmem>>
      %dma_start3A_271 = arith.constant 0 : i32
      %dma_start3A_272 = arith.constant 0 : i32
      %dma_start3A_273 = tpu.memref_slice %arg4[%dma_start3A_271, %dma_start3A_272] : memref<10240x128xf32, #tpu.memory_space<hbm>> -> memref<10240x128xf32, #tpu.memory_space<hbm>>
      tpu.enqueue_indirect_dma source(%dma_start3A_273 : memref<10240x128xf32, #tpu.memory_space<hbm>>) target(%arg12 : memref<128x128xf32, #tpu.memory_space<vmem>>) offsets(%dma_start3A_270 : memref<128xi32, #tpu.memory_space<vmem>>) semaphore(%arg15 : memref<!tpu.dma_semaphore, #tpu.memory_space<semaphore_mem>>)
      %dma_wait3A_274 = arith.constant 38 : i32
      %dma_wait3A_275 = arith.constant 0 : i32
      %dma_wait3A_276 = tpu.memref_slice %arg8[%dma_wait3A_274, %dma_wait3A_275] : memref<40x128xi32, #tpu.memory_space<vmem>> -> memref<1x128xi32, #tpu.memory_space<vmem>>
      %dma_wait3A_277 = tpu.memref_squeeze %dma_wait3A_276 : memref<1x128xi32, #tpu.memory_space<vmem>> -> memref<128xi32, #tpu.memory_space<vmem>>
      %dma_wait3A_278 = arith.constant 0 : i32
      %dma_wait3A_279 = arith.constant 0 : i32
      %dma_wait3A_280 = tpu.memref_slice %arg4[%dma_wait3A_278, %dma_wait3A_279] : memref<10240x128xf32, #tpu.memory_space<hbm>> -> memref<10240x128xf32, #tpu.memory_space<hbm>>
      tpu.wait_indirect_dma semaphore(%arg14 : memref<!tpu.dma_semaphore, #tpu.memory_space<semaphore_mem>>) src(%dma_wait3A_280 : memref<10240x128xf32, #tpu.memory_space<hbm>>) dst(%arg11 : memref<128x128xf32, #tpu.memory_space<vmem>>)
      %get3A_281 = arith.constant 38 : i32
      %get3A_282 = arith.index_cast %get3A_281 : i32 to index
      %get3A_283 = arith.constant 0 : index
      %get3A_284 = tpu.vector_load %arg9[%get3A_282, %get3A_283] {strides = array<i32>} : memref<40x128xi32, #tpu.memory_space<vmem>>, vector<1x16xi32>,
      %get3A_285 = vector.shape_cast %get3A_284 : vector<1x16xi32> to vector<16xi32>
      %swap3A_286 = arith.constant 0 : index
      %swap3A_287 = tpu.vector_load %arg10[%swap3A_286] {strides = array<i32>} : memref<128xi32, #tpu.memory_space<vmem>>, vector<16xi32>,
      %swap3A_288 = vector.shape_cast %swap3A_287 : vector<16xi32> to vector<16xi32>
      %swap3A_289 = vector.shape_cast %get3A_285 : vector<16xi32> to vector<16xi32>
      tpu.vector_store %arg10[%swap3A_286], %swap3A_289 {strides = array<i32>} : memref<128xi32, #tpu.memory_space<vmem>>, vector<16xi32>,
      %get3A_290 = arith.constant 38 : i32
      %get3A_291 = arith.index_cast %get3A_290 : i32 to index
      %get3A_292 = arith.constant 16 : index
      %get3A_293 = tpu.vector_load %arg9[%get3A_291, %get3A_292] {strides = array<i32>} : memref<40x128xi32, #tpu.memory_space<vmem>>, vector<1x16xi32>,
      %get3A_294 = vector.shape_cast %get3A_293 : vector<1x16xi32> to vector<16xi32>
      %swap3A_295 = arith.constant 16 : index
      %swap3A_296 = tpu.vector_load %arg10[%swap3A_295] {strides = array<i32>} : memref<128xi32, #tpu.memory_space<vmem>>, vector<16xi32>,
      %swap3A_297 = vector.shape_cast %swap3A_296 : vector<16xi32> to vector<16xi32>
      %swap3A_298 = vector.shape_cast %get3A_294 : vector<16xi32> to vector<16xi32>
      tpu.vector_store %arg10[%swap3A_295], %swap3A_298 {strides = array<i32>} : memref<128xi32, #tpu.memory_space<vmem>>, vector<16xi32>,
      %get3A_299 = arith.constant 38 : i32
      %get3A_300 = arith.index_cast %get3A_299 : i32 to index
      %get3A_301 = arith.constant 32 : index
      %get3A_302 = tpu.vector_load %arg9[%get3A_300, %get3A_301] {strides = array<i32>} : memref<40x128xi32, #tpu.memory_space<vmem>>, vector<1x16xi32>,
      %get3A_303 = vector.shape_cast %get3A_302 : vector<1x16xi32> to vector<16xi32>
      %swap3A_304 = arith.constant 32 : index
      %swap3A_305 = tpu.vector_load %arg10[%swap3A_304] {strides = array<i32>} : memref<128xi32, #tpu.memory_space<vmem>>, vector<16xi32>,
      %swap3A_306 = vector.shape_cast %swap3A_305 : vector<16xi32> to vector<16xi32>
      %swap3A_307 = vector.shape_cast %get3A_303 : vector<16xi32> to vector<16xi32>
      tpu.vector_store %arg10[%swap3A_304], %swap3A_307 {strides = array<i32>} : memref<128xi32, #tpu.memory_space<vmem>>, vector<16xi32>,
      %get3A_308 = arith.constant 38 : i32
      %get3A_309 = arith.index_cast %get3A_308 : i32 to index
      %get3A_310 = arith.constant 48 : index
      %get3A_311 = tpu.vector_load %arg9[%get3A_309, %get3A_310] {strides = array<i32>} : memref<40x128xi32, #tpu.memory_space<vmem>>, vector<1x16xi32>,
      %get3A_312 = vector.shape_cast %get3A_311 : vector<1x16xi32> to vector<16xi32>
      %swap3A_313 = arith.constant 48 : index
      %swap3A_314 = tpu.vector_load %arg10[%swap3A_313] {strides = array<i32>} : memref<128xi32, #tpu.memory_space<vmem>>, vector<16xi32>,
      %swap3A_315 = vector.shape_cast %swap3A_314 : vector<16xi32> to vector<16xi32>
      %swap3A_316 = vector.shape_cast %get3A_312 : vector<16xi32> to vector<16xi32>
      tpu.vector_store %arg10[%swap3A_313], %swap3A_316 {strides = array<i32>} : memref<128xi32, #tpu.memory_space<vmem>>, vector<16xi32>,
      %get3A_317 = arith.constant 38 : i32
      %get3A_318 = arith.index_cast %get3A_317 : i32 to index
      %get3A_319 = arith.constant 64 : index
      %get3A_320 = tpu.vector_load %arg9[%get3A_318, %get3A_319] {strides = array<i32>} : memref<40x128xi32, #tpu.memory_space<vmem>>, vector<1x16xi32>,
      %get3A_321 = vector.shape_cast %get3A_320 : vector<1x16xi32> to vector<16xi32>
      %swap3A_322 = arith.constant 64 : index
      %swap3A_323 = tpu.vector_load %arg10[%swap3A_322] {strides = array<i32>} : memref<128xi32, #tpu.memory_space<vmem>>, vector<16xi32>,
      %swap3A_324 = vector.shape_cast %swap3A_323 : vector<16xi32> to vector<16xi32>
      %swap3A_325 = vector.shape_cast %get3A_321 : vector<16xi32> to vector<16xi32>
      tpu.vector_store %arg10[%swap3A_322], %swap3A_325 {strides = array<i32>} : memref<128xi32, #tpu.memory_space<vmem>>, vector<16xi32>,
      %get3A_326 = arith.constant 38 : i32
      %get3A_327 = arith.index_cast %get3A_326 : i32 to index
      %get3A_328 = arith.constant 80 : index
      %get3A_329 = tpu.vector_load %arg9[%get3A_327, %get3A_328] {strides = array<i32>} : memref<40x128xi32, #tpu.memory_space<vmem>>, vector<1x16xi32>,
      %get3A_330 = vector.shape_cast %get3A_329 : vector<1x16xi32> to vector<16xi32>
      %swap3A_331 = arith.constant 80 : index
      %swap3A_332 = tpu.vector_load %arg10[%swap3A_331] {strides = array<i32>} : memref<128xi32, #tpu.memory_space<vmem>>, vector<16xi32>,
      %swap3A_333 = vector.shape_cast %swap3A_332 : vector<16xi32> to vector<16xi32>
      %swap3A_334 = vector.shape_cast %get3A_330 : vector<16xi32> to vector<16xi32>
      tpu.vector_store %arg10[%swap3A_331], %swap3A_334 {strides = array<i32>} : memref<128xi32, #tpu.memory_space<vmem>>, vector<16xi32>,
      %get3A_335 = arith.constant 38 : i32
      %get3A_336 = arith.index_cast %get3A_335 : i32 to index
      %get3A_337 = arith.constant 96 : index
      %get3A_338 = tpu.vector_load %arg9[%get3A_336, %get3A_337] {strides = array<i32>} : memref<40x128xi32, #tpu.memory_space<vmem>>, vector<1x16xi32>,
      %get3A_339 = vector.shape_cast %get3A_338 : vector<1x16xi32> to vector<16xi32>
      %swap3A_340 = arith.constant 96 : index
      %swap3A_341 = tpu.vector_load %arg10[%swap3A_340] {strides = array<i32>} : memref<128xi32, #tpu.memory_space<vmem>>, vector<16xi32>,
      %swap3A_342 = vector.shape_cast %swap3A_341 : vector<16xi32> to vector<16xi32>
      %swap3A_343 = vector.shape_cast %get3A_339 : vector<16xi32> to vector<16xi32>
      tpu.vector_store %arg10[%swap3A_340], %swap3A_343 {strides = array<i32>} : memref<128xi32, #tpu.memory_space<vmem>>, vector<16xi32>,
      %get3A_344 = arith.constant 38 : i32
      %get3A_345 = arith.index_cast %get3A_344 : i32 to index
      %get3A_346 = arith.constant 112 : index
      %get3A_347 = tpu.vector_load %arg9[%get3A_345, %get3A_346] {strides = array<i32>} : memref<40x128xi32, #tpu.memory_space<vmem>>, vector<1x16xi32>,
      %get3A_348 = vector.shape_cast %get3A_347 : vector<1x16xi32> to vector<16xi32>
      %swap3A_349 = arith.constant 112 : index
      %swap3A_350 = tpu.vector_load %arg10[%swap3A_349] {strides = array<i32>} : memref<128xi32, #tpu.memory_space<vmem>>, vector<16xi32>,
      %swap3A_351 = vector.shape_cast %swap3A_350 : vector<16xi32> to vector<16xi32>
      %swap3A_352 = vector.shape_cast %get3A_348 : vector<16xi32> to vector<16xi32>
      tpu.vector_store %arg10[%swap3A_349], %swap3A_352 {strides = array<i32>} : memref<128xi32, #tpu.memory_space<vmem>>, vector<16xi32>,
      "tpu.region"() ({
        %run_scoped3A = tpu.sem_alloc : memref<!tpu.dma_semaphore, #tpu.memory_space<semaphore_mem>>
        %dma_start3A_432 = arith.constant 0 : i32
        %dma_start3A_433 = arith.constant 0 : i32
        %dma_start3A_434 = tpu.memref_slice %arg13[%dma_start3A_432, %dma_start3A_433] : memref<10240x128xf32, #tpu.memory_space<vmem_shared>> -> memref<10240x128xf32, #tpu.memory_space<vmem_shared>>
        tpu.enqueue_indirect_dma source(%arg11 : memref<128x128xf32, #tpu.memory_space<vmem>>) target(%dma_start3A_434 : memref<10240x128xf32, #tpu.memory_space<vmem_shared>>) offsets(%arg10 : memref<128xi32, #tpu.memory_space<vmem>>) semaphore(%run_scoped3A : memref<!tpu.dma_semaphore, #tpu.memory_space<semaphore_mem>>) {add = true}
        %dma_wait3A_435 = arith.constant 0 : i32
        %dma_wait3A_436 = arith.constant 0 : i32
        %dma_wait3A_437 = tpu.memref_slice %arg13[%dma_wait3A_435, %dma_wait3A_436] : memref<10240x128xf32, #tpu.memory_space<vmem_shared>> -> memref<10240x128xf32, #tpu.memory_space<vmem_shared>>
        tpu.wait_indirect_dma semaphore(%run_scoped3A : memref<!tpu.dma_semaphore, #tpu.memory_space<semaphore_mem>>) src(%arg11 : memref<128x128xf32, #tpu.memory_space<vmem>>) dst(%dma_wait3A_437 : memref<10240x128xf32, #tpu.memory_space<vmem_shared>>)
        tpu.yield
      }) : () -> ()
      %dma_wait3A_353 = arith.constant 39 : i32
      %dma_wait3A_354 = arith.constant 0 : i32
      %dma_wait3A_355 = tpu.memref_slice %arg8[%dma_wait3A_353, %dma_wait3A_354] : memref<40x128xi32, #tpu.memory_space<vmem>> -> memref<1x128xi32, #tpu.memory_space<vmem>>
      %dma_wait3A_356 = tpu.memref_squeeze %dma_wait3A_355 : memref<1x128xi32, #tpu.memory_space<vmem>> -> memref<128xi32, #tpu.memory_space<vmem>>
      %dma_wait3A_357 = arith.constant 0 : i32
      %dma_wait3A_358 = arith.constant 0 : i32
      %dma_wait3A_359 = tpu.memref_slice %arg4[%dma_wait3A_357, %dma_wait3A_358] : memref<10240x128xf32, #tpu.memory_space<hbm>> -> memref<10240x128xf32, #tpu.memory_space<hbm>>
      tpu.wait_indirect_dma semaphore(%arg15 : memref<!tpu.dma_semaphore, #tpu.memory_space<semaphore_mem>>) src(%dma_wait3A_359 : memref<10240x128xf32, #tpu.memory_space<hbm>>) dst(%arg12 : memref<128x128xf32, #tpu.memory_space<vmem>>)
      %get3A_360 = arith.constant 39 : i32
      %get3A_361 = arith.index_cast %get3A_360 : i32 to index
      %get3A_362 = arith.constant 0 : index
      %get3A_363 = tpu.vector_load %arg9[%get3A_361, %get3A_362] {strides = array<i32>} : memref<40x128xi32, #tpu.memory_space<vmem>>, vector<1x16xi32>,
      %get3A_364 = vector.shape_cast %get3A_363 : vector<1x16xi32> to vector<16xi32>
      %swap3A_365 = arith.constant 0 : index
      %swap3A_366 = tpu.vector_load %arg10[%swap3A_365] {strides = array<i32>} : memref<128xi32, #tpu.memory_space<vmem>>, vector<16xi32>,
      %swap3A_367 = vector.shape_cast %swap3A_366 : vector<16xi32> to vector<16xi32>
      %swap3A_368 = vector.shape_cast %get3A_364 : vector<16xi32> to vector<16xi32>
      tpu.vector_store %arg10[%swap3A_365], %swap3A_368 {strides = array<i32>} : memref<128xi32, #tpu.memory_space<vmem>>, vector<16xi32>,
      %get3A_369 = arith.constant 39 : i32
      %get3A_370 = arith.index_cast %get3A_369 : i32 to index
      %get3A_371 = arith.constant 16 : index
      %get3A_372 = tpu.vector_load %arg9[%get3A_370, %get3A_371] {strides = array<i32>} : memref<40x128xi32, #tpu.memory_space<vmem>>, vector<1x16xi32>,
      %get3A_373 = vector.shape_cast %get3A_372 : vector<1x16xi32> to vector<16xi32>
      %swap3A_374 = arith.constant 16 : index
      %swap3A_375 = tpu.vector_load %arg10[%swap3A_374] {strides = array<i32>} : memref<128xi32, #tpu.memory_space<vmem>>, vector<16xi32>,
      %swap3A_376 = vector.shape_cast %swap3A_375 : vector<16xi32> to vector<16xi32>
      %swap3A_377 = vector.shape_cast %get3A_373 : vector<16xi32> to vector<16xi32>
      tpu.vector_store %arg10[%swap3A_374], %swap3A_377 {strides = array<i32>} : memref<128xi32, #tpu.memory_space<vmem>>, vector<16xi32>,
      %get3A_378 = arith.constant 39 : i32
      %get3A_379 = arith.index_cast %get3A_378 : i32 to index
      %get3A_380 = arith.constant 32 : index
      %get3A_381 = tpu.vector_load %arg9[%get3A_379, %get3A_380] {strides = array<i32>} : memref<40x128xi32, #tpu.memory_space<vmem>>, vector<1x16xi32>,
      %get3A_382 = vector.shape_cast %get3A_381 : vector<1x16xi32> to vector<16xi32>
      %swap3A_383 = arith.constant 32 : index
      %swap3A_384 = tpu.vector_load %arg10[%swap3A_383] {strides = array<i32>} : memref<128xi32, #tpu.memory_space<vmem>>, vector<16xi32>,
      %swap3A_385 = vector.shape_cast %swap3A_384 : vector<16xi32> to vector<16xi32>
      %swap3A_386 = vector.shape_cast %get3A_382 : vector<16xi32> to vector<16xi32>
      tpu.vector_store %arg10[%swap3A_383], %swap3A_386 {strides = array<i32>} : memref<128xi32, #tpu.memory_space<vmem>>, vector<16xi32>,
      %get3A_387 = arith.constant 39 : i32
      %get3A_388 = arith.index_cast %get3A_387 : i32 to index
      %get3A_389 = arith.constant 48 : index
      %get3A_390 = tpu.vector_load %arg9[%get3A_388, %get3A_389] {strides = array<i32>} : memref<40x128xi32, #tpu.memory_space<vmem>>, vector<1x16xi32>,
      %get3A_391 = vector.shape_cast %get3A_390 : vector<1x16xi32> to vector<16xi32>
      %swap3A_392 = arith.constant 48 : index
      %swap3A_393 = tpu.vector_load %arg10[%swap3A_392] {strides = array<i32>} : memref<128xi32, #tpu.memory_space<vmem>>, vector<16xi32>,
      %swap3A_394 = vector.shape_cast %swap3A_393 : vector<16xi32> to vector<16xi32>
      %swap3A_395 = vector.shape_cast %get3A_391 : vector<16xi32> to vector<16xi32>
      tpu.vector_store %arg10[%swap3A_392], %swap3A_395 {strides = array<i32>} : memref<128xi32, #tpu.memory_space<vmem>>, vector<16xi32>,
      %get3A_396 = arith.constant 39 : i32
      %get3A_397 = arith.index_cast %get3A_396 : i32 to index
      %get3A_398 = arith.constant 64 : index
      %get3A_399 = tpu.vector_load %arg9[%get3A_397, %get3A_398] {strides = array<i32>} : memref<40x128xi32, #tpu.memory_space<vmem>>, vector<1x16xi32>,
      %get3A_400 = vector.shape_cast %get3A_399 : vector<1x16xi32> to vector<16xi32>
      %swap3A_401 = arith.constant 64 : index
      %swap3A_402 = tpu.vector_load %arg10[%swap3A_401] {strides = array<i32>} : memref<128xi32, #tpu.memory_space<vmem>>, vector<16xi32>,
      %swap3A_403 = vector.shape_cast %swap3A_402 : vector<16xi32> to vector<16xi32>
      %swap3A_404 = vector.shape_cast %get3A_400 : vector<16xi32> to vector<16xi32>
      tpu.vector_store %arg10[%swap3A_401], %swap3A_404 {strides = array<i32>} : memref<128xi32, #tpu.memory_space<vmem>>, vector<16xi32>,
      %get3A_405 = arith.constant 39 : i32
      %get3A_406 = arith.index_cast %get3A_405 : i32 to index
      %get3A_407 = arith.constant 80 : index
      %get3A_408 = tpu.vector_load %arg9[%get3A_406, %get3A_407] {strides = array<i32>} : memref<40x128xi32, #tpu.memory_space<vmem>>, vector<1x16xi32>,
      %get3A_409 = vector.shape_cast %get3A_408 : vector<1x16xi32> to vector<16xi32>
      %swap3A_410 = arith.constant 80 : index
      %swap3A_411 = tpu.vector_load %arg10[%swap3A_410] {strides = array<i32>} : memref<128xi32, #tpu.memory_space<vmem>>, vector<16xi32>,
      %swap3A_412 = vector.shape_cast %swap3A_411 : vector<16xi32> to vector<16xi32>
      %swap3A_413 = vector.shape_cast %get3A_409 : vector<16xi32> to vector<16xi32>
      tpu.vector_store %arg10[%swap3A_410], %swap3A_413 {strides = array<i32>} : memref<128xi32, #tpu.memory_space<vmem>>, vector<16xi32>,
      %get3A_414 = arith.constant 39 : i32
      %get3A_415 = arith.index_cast %get3A_414 : i32 to index
      %get3A_416 = arith.constant 96 : index
      %get3A_417 = tpu.vector_load %arg9[%get3A_415, %get3A_416] {strides = array<i32>} : memref<40x128xi32, #tpu.memory_space<vmem>>, vector<1x16xi32>,
      %get3A_418 = vector.shape_cast %get3A_417 : vector<1x16xi32> to vector<16xi32>
      %swap3A_419 = arith.constant 96 : index
      %swap3A_420 = tpu.vector_load %arg10[%swap3A_419] {strides = array<i32>} : memref<128xi32, #tpu.memory_space<vmem>>, vector<16xi32>,
      %swap3A_421 = vector.shape_cast %swap3A_420 : vector<16xi32> to vector<16xi32>
      %swap3A_422 = vector.shape_cast %get3A_418 : vector<16xi32> to vector<16xi32>
      tpu.vector_store %arg10[%swap3A_419], %swap3A_422 {strides = array<i32>} : memref<128xi32, #tpu.memory_space<vmem>>, vector<16xi32>,
      %get3A_423 = arith.constant 39 : i32
      %get3A_424 = arith.index_cast %get3A_423 : i32 to index
      %get3A_425 = arith.constant 112 : index
      %get3A_426 = tpu.vector_load %arg9[%get3A_424, %get3A_425] {strides = array<i32>} : memref<40x128xi32, #tpu.memory_space<vmem>>, vector<1x16xi32>,
      %get3A_427 = vector.shape_cast %get3A_426 : vector<1x16xi32> to vector<16xi32>
      %swap3A_428 = arith.constant 112 : index
      %swap3A_429 = tpu.vector_load %arg10[%swap3A_428] {strides = array<i32>} : memref<128xi32, #tpu.memory_space<vmem>>, vector<16xi32>,
      %swap3A_430 = vector.shape_cast %swap3A_429 : vector<16xi32> to vector<16xi32>
      %swap3A_431 = vector.shape_cast %get3A_427 : vector<16xi32> to vector<16xi32>
      tpu.vector_store %arg10[%swap3A_428], %swap3A_431 {strides = array<i32>} : memref<128xi32, #tpu.memory_space<vmem>>, vector<16xi32>,
      "tpu.region"() ({
        %run_scoped3A = tpu.sem_alloc : memref<!tpu.dma_semaphore, #tpu.memory_space<semaphore_mem>>
        %dma_start3A_432 = arith.constant 0 : i32
        %dma_start3A_433 = arith.constant 0 : i32
        %dma_start3A_434 = tpu.memref_slice %arg13[%dma_start3A_432, %dma_start3A_433] : memref<10240x128xf32, #tpu.memory_space<vmem_shared>> -> memref<10240x128xf32, #tpu.memory_space<vmem_shared>>
        tpu.enqueue_indirect_dma source(%arg12 : memref<128x128xf32, #tpu.memory_space<vmem>>) target(%dma_start3A_434 : memref<10240x128xf32, #tpu.memory_space<vmem_shared>>) offsets(%arg10 : memref<128xi32, #tpu.memory_space<vmem>>) semaphore(%run_scoped3A : memref<!tpu.dma_semaphore, #tpu.memory_space<semaphore_mem>>) {add = true}
        %dma_wait3A_435 = arith.constant 0 : i32
        %dma_wait3A_436 = arith.constant 0 : i32
        %dma_wait3A_437 = tpu.memref_slice %arg13[%dma_wait3A_435, %dma_wait3A_436] : memref<10240x128xf32, #tpu.memory_space<vmem_shared>> -> memref<10240x128xf32, #tpu.memory_space<vmem_shared>>
        tpu.wait_indirect_dma semaphore(%run_scoped3A : memref<!tpu.dma_semaphore, #tpu.memory_space<semaphore_mem>>) src(%arg12 : memref<128x128xf32, #tpu.memory_space<vmem>>) dst(%dma_wait3A_437 : memref<10240x128xf32, #tpu.memory_space<vmem_shared>>)
        tpu.yield
      }) : () -> ()
    } else {
    }
    %eq3A_58 = arith.constant 1 : i32
    %eq3A_59 = arith.cmpi eq, %arg0, %eq3A_58 : i32
    %convert_element_type3A_60 = arith.extui %eq3A_59 : i1 to i32
    %cond3A_61 = arith.constant 0 : i32
    %cond3A_62 = arith.cmpi ne, %convert_element_type3A_60, %cond3A_61 : i32
    scf.if %cond3A_62 {
      %mul3A_74 = arith.constant 80 : i32
      %mul3A_75 = arith.muli %arg1, %mul3A_74 : i32
      %dma_start3A_76 = arith.constant 0 : i32
      %dma_start3A_77 = arith.constant 0 : i32
      %dma_start3A_78 = tpu.memref_slice %arg8[%dma_start3A_76, %dma_start3A_77] : memref<40x128xi32, #tpu.memory_space<vmem>> -> memref<1x128xi32, #tpu.memory_space<vmem>>
      %dma_start3A_79 = tpu.memref_squeeze %dma_start3A_78 : memref<1x128xi32, #tpu.memory_space<vmem>> -> memref<128xi32, #tpu.memory_space<vmem>>
      %dma_start3A_80 = arith.constant 0 : i32
      %dma_start3A_81 = arith.constant 0 : i32
      %dma_start3A_82 = tpu.memref_slice %arg5[%dma_start3A_80, %dma_start3A_81] : memref<10240x128xf32, #tpu.memory_space<hbm>> -> memref<10240x128xf32, #tpu.memory_space<hbm>>
      tpu.enqueue_indirect_dma source(%dma_start3A_82 : memref<10240x128xf32, #tpu.memory_space<hbm>>) target(%arg11 : memref<128x128xf32, #tpu.memory_space<vmem>>) offsets(%dma_start3A_79 : memref<128xi32, #tpu.memory_space<vmem>>) semaphore(%arg14 : memref<!tpu.dma_semaphore, #tpu.memory_space<semaphore_mem>>)
      %scan3A_83 = arith.constant 0 : i32
      %scan3A_84 = arith.constant 0 : i32
      %scan3A_85 = arith.constant 19 : i32
      %scan3A_86 = arith.addi %scan3A_84, %scan3A_85 : i32
      %scan3A_87 = arith.constant 1 : i32
      scf.for %scan3A_432 = %scan3A_84 to %scan3A_86 step %scan3A_87  : i32 {
        %mul3A_433 = arith.constant 2 : i32
        %mul3A_434 = arith.muli %scan3A_432, %mul3A_433 : i32
        %add3A_435 = arith.constant 1 : i32
        %add3A_436 = arith.addi %mul3A_434, %add3A_435 : i32
        %dma_start3A_437 = arith.constant 0 : i32
        %dma_start3A_438 = tpu.memref_slice %arg8[%add3A_436, %dma_start3A_437] : memref<40x128xi32, #tpu.memory_space<vmem>> -> memref<1x128xi32, #tpu.memory_space<vmem>>
        %dma_start3A_439 = tpu.memref_squeeze %dma_start3A_438 : memref<1x128xi32, #tpu.memory_space<vmem>> -> memref<128xi32, #tpu.memory_space<vmem>>
        %dma_start3A_440 = arith.constant 0 : i32
        %dma_start3A_441 = arith.constant 0 : i32
        %dma_start3A_442 = tpu.memref_slice %arg5[%dma_start3A_440, %dma_start3A_441] : memref<10240x128xf32, #tpu.memory_space<hbm>> -> memref<10240x128xf32, #tpu.memory_space<hbm>>
        tpu.enqueue_indirect_dma source(%dma_start3A_442 : memref<10240x128xf32, #tpu.memory_space<hbm>>) target(%arg12 : memref<128x128xf32, #tpu.memory_space<vmem>>) offsets(%dma_start3A_439 : memref<128xi32, #tpu.memory_space<vmem>>) semaphore(%arg15 : memref<!tpu.dma_semaphore, #tpu.memory_space<semaphore_mem>>)
        %dma_wait3A_443 = arith.constant 0 : i32
        %dma_wait3A_444 = tpu.memref_slice %arg8[%mul3A_434, %dma_wait3A_443] : memref<40x128xi32, #tpu.memory_space<vmem>> -> memref<1x128xi32, #tpu.memory_space<vmem>>
        %dma_wait3A_445 = tpu.memref_squeeze %dma_wait3A_444 : memref<1x128xi32, #tpu.memory_space<vmem>> -> memref<128xi32, #tpu.memory_space<vmem>>
        %dma_wait3A_446 = arith.constant 0 : i32
        %dma_wait3A_447 = arith.constant 0 : i32
        %dma_wait3A_448 = tpu.memref_slice %arg5[%dma_wait3A_446, %dma_wait3A_447] : memref<10240x128xf32, #tpu.memory_space<hbm>> -> memref<10240x128xf32, #tpu.memory_space<hbm>>
        tpu.wait_indirect_dma semaphore(%arg14 : memref<!tpu.dma_semaphore, #tpu.memory_space<semaphore_mem>>) src(%dma_wait3A_448 : memref<10240x128xf32, #tpu.memory_space<hbm>>) dst(%arg11 : memref<128x128xf32, #tpu.memory_space<vmem>>)
        %get3A_449 = arith.index_cast %mul3A_434 : i32 to index
        %get3A_450 = arith.constant 0 : index
        %get3A_451 = tpu.vector_load %arg9[%get3A_449, %get3A_450] {strides = array<i32>} : memref<40x128xi32, #tpu.memory_space<vmem>>, vector<1x16xi32>,
        %get3A_452 = vector.shape_cast %get3A_451 : vector<1x16xi32> to vector<16xi32>
        %swap3A_453 = arith.constant 0 : index
        %swap3A_454 = tpu.vector_load %arg10[%swap3A_453] {strides = array<i32>} : memref<128xi32, #tpu.memory_space<vmem>>, vector<16xi32>,
        %swap3A_455 = vector.shape_cast %swap3A_454 : vector<16xi32> to vector<16xi32>
        %swap3A_456 = vector.shape_cast %get3A_452 : vector<16xi32> to vector<16xi32>
        tpu.vector_store %arg10[%swap3A_453], %swap3A_456 {strides = array<i32>} : memref<128xi32, #tpu.memory_space<vmem>>, vector<16xi32>,
        %get3A_457 = arith.index_cast %mul3A_434 : i32 to index
        %get3A_458 = arith.constant 16 : index
        %get3A_459 = tpu.vector_load %arg9[%get3A_457, %get3A_458] {strides = array<i32>} : memref<40x128xi32, #tpu.memory_space<vmem>>, vector<1x16xi32>,
        %get3A_460 = vector.shape_cast %get3A_459 : vector<1x16xi32> to vector<16xi32>
        %swap3A_461 = arith.constant 16 : index
        %swap3A_462 = tpu.vector_load %arg10[%swap3A_461] {strides = array<i32>} : memref<128xi32, #tpu.memory_space<vmem>>, vector<16xi32>,
        %swap3A_463 = vector.shape_cast %swap3A_462 : vector<16xi32> to vector<16xi32>
        %swap3A_464 = vector.shape_cast %get3A_460 : vector<16xi32> to vector<16xi32>
        tpu.vector_store %arg10[%swap3A_461], %swap3A_464 {strides = array<i32>} : memref<128xi32, #tpu.memory_space<vmem>>, vector<16xi32>,
        %get3A_465 = arith.index_cast %mul3A_434 : i32 to index
        %get3A_466 = arith.constant 32 : index
        %get3A_467 = tpu.vector_load %arg9[%get3A_465, %get3A_466] {strides = array<i32>} : memref<40x128xi32, #tpu.memory_space<vmem>>, vector<1x16xi32>,
        %get3A_468 = vector.shape_cast %get3A_467 : vector<1x16xi32> to vector<16xi32>
        %swap3A_469 = arith.constant 32 : index
        %swap3A_470 = tpu.vector_load %arg10[%swap3A_469] {strides = array<i32>} : memref<128xi32, #tpu.memory_space<vmem>>, vector<16xi32>,
        %swap3A_471 = vector.shape_cast %swap3A_470 : vector<16xi32> to vector<16xi32>
        %swap3A_472 = vector.shape_cast %get3A_468 : vector<16xi32> to vector<16xi32>
        tpu.vector_store %arg10[%swap3A_469], %swap3A_472 {strides = array<i32>} : memref<128xi32, #tpu.memory_space<vmem>>, vector<16xi32>,
        %get3A_473 = arith.index_cast %mul3A_434 : i32 to index
        %get3A_474 = arith.constant 48 : index
        %get3A_475 = tpu.vector_load %arg9[%get3A_473, %get3A_474] {strides = array<i32>} : memref<40x128xi32, #tpu.memory_space<vmem>>, vector<1x16xi32>,
        %get3A_476 = vector.shape_cast %get3A_475 : vector<1x16xi32> to vector<16xi32>
        %swap3A_477 = arith.constant 48 : index
        %swap3A_478 = tpu.vector_load %arg10[%swap3A_477] {strides = array<i32>} : memref<128xi32, #tpu.memory_space<vmem>>, vector<16xi32>,
        %swap3A_479 = vector.shape_cast %swap3A_478 : vector<16xi32> to vector<16xi32>
        %swap3A_480 = vector.shape_cast %get3A_476 : vector<16xi32> to vector<16xi32>
        tpu.vector_store %arg10[%swap3A_477], %swap3A_480 {strides = array<i32>} : memref<128xi32, #tpu.memory_space<vmem>>, vector<16xi32>,
        %get3A_481 = arith.index_cast %mul3A_434 : i32 to index
        %get3A_482 = arith.constant 64 : index
        %get3A_483 = tpu.vector_load %arg9[%get3A_481, %get3A_482] {strides = array<i32>} : memref<40x128xi32, #tpu.memory_space<vmem>>, vector<1x16xi32>,
        %get3A_484 = vector.shape_cast %get3A_483 : vector<1x16xi32> to vector<16xi32>
        %swap3A_485 = arith.constant 64 : index
        %swap3A_486 = tpu.vector_load %arg10[%swap3A_485] {strides = array<i32>} : memref<128xi32, #tpu.memory_space<vmem>>, vector<16xi32>,
        %swap3A_487 = vector.shape_cast %swap3A_486 : vector<16xi32> to vector<16xi32>
        %swap3A_488 = vector.shape_cast %get3A_484 : vector<16xi32> to vector<16xi32>
        tpu.vector_store %arg10[%swap3A_485], %swap3A_488 {strides = array<i32>} : memref<128xi32, #tpu.memory_space<vmem>>, vector<16xi32>,
        %get3A_489 = arith.index_cast %mul3A_434 : i32 to index
        %get3A_490 = arith.constant 80 : index
        %get3A_491 = tpu.vector_load %arg9[%get3A_489, %get3A_490] {strides = array<i32>} : memref<40x128xi32, #tpu.memory_space<vmem>>, vector<1x16xi32>,
        %get3A_492 = vector.shape_cast %get3A_491 : vector<1x16xi32> to vector<16xi32>
        %swap3A_493 = arith.constant 80 : index
        %swap3A_494 = tpu.vector_load %arg10[%swap3A_493] {strides = array<i32>} : memref<128xi32, #tpu.memory_space<vmem>>, vector<16xi32>,
        %swap3A_495 = vector.shape_cast %swap3A_494 : vector<16xi32> to vector<16xi32>
        %swap3A_496 = vector.shape_cast %get3A_492 : vector<16xi32> to vector<16xi32>
        tpu.vector_store %arg10[%swap3A_493], %swap3A_496 {strides = array<i32>} : memref<128xi32, #tpu.memory_space<vmem>>, vector<16xi32>,
        %get3A_497 = arith.index_cast %mul3A_434 : i32 to index
        %get3A_498 = arith.constant 96 : index
        %get3A_499 = tpu.vector_load %arg9[%get3A_497, %get3A_498] {strides = array<i32>} : memref<40x128xi32, #tpu.memory_space<vmem>>, vector<1x16xi32>,
        %get3A_500 = vector.shape_cast %get3A_499 : vector<1x16xi32> to vector<16xi32>
        %swap3A_501 = arith.constant 96 : index
        %swap3A_502 = tpu.vector_load %arg10[%swap3A_501] {strides = array<i32>} : memref<128xi32, #tpu.memory_space<vmem>>, vector<16xi32>,
        %swap3A_503 = vector.shape_cast %swap3A_502 : vector<16xi32> to vector<16xi32>
        %swap3A_504 = vector.shape_cast %get3A_500 : vector<16xi32> to vector<16xi32>
        tpu.vector_store %arg10[%swap3A_501], %swap3A_504 {strides = array<i32>} : memref<128xi32, #tpu.memory_space<vmem>>, vector<16xi32>,
        %get3A_505 = arith.index_cast %mul3A_434 : i32 to index
        %get3A_506 = arith.constant 112 : index
        %get3A_507 = tpu.vector_load %arg9[%get3A_505, %get3A_506] {strides = array<i32>} : memref<40x128xi32, #tpu.memory_space<vmem>>, vector<1x16xi32>,
        %get3A_508 = vector.shape_cast %get3A_507 : vector<1x16xi32> to vector<16xi32>
        %swap3A_509 = arith.constant 112 : index
        %swap3A_510 = tpu.vector_load %arg10[%swap3A_509] {strides = array<i32>} : memref<128xi32, #tpu.memory_space<vmem>>, vector<16xi32>,
        %swap3A_511 = vector.shape_cast %swap3A_510 : vector<16xi32> to vector<16xi32>
        %swap3A_512 = vector.shape_cast %get3A_508 : vector<16xi32> to vector<16xi32>
        tpu.vector_store %arg10[%swap3A_509], %swap3A_512 {strides = array<i32>} : memref<128xi32, #tpu.memory_space<vmem>>, vector<16xi32>,
        "tpu.region"() ({
          %run_scoped3A = tpu.sem_alloc : memref<!tpu.dma_semaphore, #tpu.memory_space<semaphore_mem>>
          %dma_start3A_595 = arith.constant 0 : i32
          %dma_start3A_596 = arith.constant 0 : i32
          %dma_start3A_597 = tpu.memref_slice %arg13[%dma_start3A_595, %dma_start3A_596] : memref<10240x128xf32, #tpu.memory_space<vmem_shared>> -> memref<10240x128xf32, #tpu.memory_space<vmem_shared>>
          tpu.enqueue_indirect_dma source(%arg11 : memref<128x128xf32, #tpu.memory_space<vmem>>) target(%dma_start3A_597 : memref<10240x128xf32, #tpu.memory_space<vmem_shared>>) offsets(%arg10 : memref<128xi32, #tpu.memory_space<vmem>>) semaphore(%run_scoped3A : memref<!tpu.dma_semaphore, #tpu.memory_space<semaphore_mem>>) {add = true}
          %dma_wait3A_598 = arith.constant 0 : i32
          %dma_wait3A_599 = arith.constant 0 : i32
          %dma_wait3A_600 = tpu.memref_slice %arg13[%dma_wait3A_598, %dma_wait3A_599] : memref<10240x128xf32, #tpu.memory_space<vmem_shared>> -> memref<10240x128xf32, #tpu.memory_space<vmem_shared>>
          tpu.wait_indirect_dma semaphore(%run_scoped3A : memref<!tpu.dma_semaphore, #tpu.memory_space<semaphore_mem>>) src(%arg11 : memref<128x128xf32, #tpu.memory_space<vmem>>) dst(%dma_wait3A_600 : memref<10240x128xf32, #tpu.memory_space<vmem_shared>>)
          tpu.yield
        }) : () -> ()
        %add3A_513 = arith.constant 2 : i32
        %add3A_514 = arith.addi %mul3A_434, %add3A_513 : i32
        %dma_start3A_515 = arith.constant 0 : i32
        %dma_start3A_516 = tpu.memref_slice %arg8[%add3A_514, %dma_start3A_515] : memref<40x128xi32, #tpu.memory_space<vmem>> -> memref<1x128xi32, #tpu.memory_space<vmem>>
        %dma_start3A_517 = tpu.memref_squeeze %dma_start3A_516 : memref<1x128xi32, #tpu.memory_space<vmem>> -> memref<128xi32, #tpu.memory_space<vmem>>
        %dma_start3A_518 = arith.constant 0 : i32
        %dma_start3A_519 = arith.constant 0 : i32
        %dma_start3A_520 = tpu.memref_slice %arg5[%dma_start3A_518, %dma_start3A_519] : memref<10240x128xf32, #tpu.memory_space<hbm>> -> memref<10240x128xf32, #tpu.memory_space<hbm>>
        tpu.enqueue_indirect_dma source(%dma_start3A_520 : memref<10240x128xf32, #tpu.memory_space<hbm>>) target(%arg11 : memref<128x128xf32, #tpu.memory_space<vmem>>) offsets(%dma_start3A_517 : memref<128xi32, #tpu.memory_space<vmem>>) semaphore(%arg14 : memref<!tpu.dma_semaphore, #tpu.memory_space<semaphore_mem>>)
        %add3A_521 = arith.constant 1 : i32
        %add3A_522 = arith.addi %mul3A_434, %add3A_521 : i32
        %dma_wait3A_523 = arith.constant 0 : i32
        %dma_wait3A_524 = tpu.memref_slice %arg8[%add3A_522, %dma_wait3A_523] : memref<40x128xi32, #tpu.memory_space<vmem>> -> memref<1x128xi32, #tpu.memory_space<vmem>>
        %dma_wait3A_525 = tpu.memref_squeeze %dma_wait3A_524 : memref<1x128xi32, #tpu.memory_space<vmem>> -> memref<128xi32, #tpu.memory_space<vmem>>
        %dma_wait3A_526 = arith.constant 0 : i32
        %dma_wait3A_527 = arith.constant 0 : i32
        %dma_wait3A_528 = tpu.memref_slice %arg5[%dma_wait3A_526, %dma_wait3A_527] : memref<10240x128xf32, #tpu.memory_space<hbm>> -> memref<10240x128xf32, #tpu.memory_space<hbm>>
        tpu.wait_indirect_dma semaphore(%arg15 : memref<!tpu.dma_semaphore, #tpu.memory_space<semaphore_mem>>) src(%dma_wait3A_528 : memref<10240x128xf32, #tpu.memory_space<hbm>>) dst(%arg12 : memref<128x128xf32, #tpu.memory_space<vmem>>)
        %add3A_529 = arith.constant 1 : i32
        %add3A_530 = arith.addi %mul3A_434, %add3A_529 : i32
        %get3A_531 = arith.index_cast %add3A_530 : i32 to index
        %get3A_532 = arith.constant 0 : index
        %get3A_533 = tpu.vector_load %arg9[%get3A_531, %get3A_532] {strides = array<i32>} : memref<40x128xi32, #tpu.memory_space<vmem>>, vector<1x16xi32>,
        %get3A_534 = vector.shape_cast %get3A_533 : vector<1x16xi32> to vector<16xi32>
        %swap3A_535 = arith.constant 0 : index
        %swap3A_536 = tpu.vector_load %arg10[%swap3A_535] {strides = array<i32>} : memref<128xi32, #tpu.memory_space<vmem>>, vector<16xi32>,
        %swap3A_537 = vector.shape_cast %swap3A_536 : vector<16xi32> to vector<16xi32>
        %swap3A_538 = vector.shape_cast %get3A_534 : vector<16xi32> to vector<16xi32>
        tpu.vector_store %arg10[%swap3A_535], %swap3A_538 {strides = array<i32>} : memref<128xi32, #tpu.memory_space<vmem>>, vector<16xi32>,
        %get3A_539 = arith.index_cast %add3A_530 : i32 to index
        %get3A_540 = arith.constant 16 : index
        %get3A_541 = tpu.vector_load %arg9[%get3A_539, %get3A_540] {strides = array<i32>} : memref<40x128xi32, #tpu.memory_space<vmem>>, vector<1x16xi32>,
        %get3A_542 = vector.shape_cast %get3A_541 : vector<1x16xi32> to vector<16xi32>
        %swap3A_543 = arith.constant 16 : index
        %swap3A_544 = tpu.vector_load %arg10[%swap3A_543] {strides = array<i32>} : memref<128xi32, #tpu.memory_space<vmem>>, vector<16xi32>,
        %swap3A_545 = vector.shape_cast %swap3A_544 : vector<16xi32> to vector<16xi32>
        %swap3A_546 = vector.shape_cast %get3A_542 : vector<16xi32> to vector<16xi32>
        tpu.vector_store %arg10[%swap3A_543], %swap3A_546 {strides = array<i32>} : memref<128xi32, #tpu.memory_space<vmem>>, vector<16xi32>,
        %get3A_547 = arith.index_cast %add3A_530 : i32 to index
        %get3A_548 = arith.constant 32 : index
        %get3A_549 = tpu.vector_load %arg9[%get3A_547, %get3A_548] {strides = array<i32>} : memref<40x128xi32, #tpu.memory_space<vmem>>, vector<1x16xi32>,
        %get3A_550 = vector.shape_cast %get3A_549 : vector<1x16xi32> to vector<16xi32>
        %swap3A_551 = arith.constant 32 : index
        %swap3A_552 = tpu.vector_load %arg10[%swap3A_551] {strides = array<i32>} : memref<128xi32, #tpu.memory_space<vmem>>, vector<16xi32>,
        %swap3A_553 = vector.shape_cast %swap3A_552 : vector<16xi32> to vector<16xi32>
        %swap3A_554 = vector.shape_cast %get3A_550 : vector<16xi32> to vector<16xi32>
        tpu.vector_store %arg10[%swap3A_551], %swap3A_554 {strides = array<i32>} : memref<128xi32, #tpu.memory_space<vmem>>, vector<16xi32>,
        %get3A_555 = arith.index_cast %add3A_530 : i32 to index
        %get3A_556 = arith.constant 48 : index
        %get3A_557 = tpu.vector_load %arg9[%get3A_555, %get3A_556] {strides = array<i32>} : memref<40x128xi32, #tpu.memory_space<vmem>>, vector<1x16xi32>,
        %get3A_558 = vector.shape_cast %get3A_557 : vector<1x16xi32> to vector<16xi32>
        %swap3A_559 = arith.constant 48 : index
        %swap3A_560 = tpu.vector_load %arg10[%swap3A_559] {strides = array<i32>} : memref<128xi32, #tpu.memory_space<vmem>>, vector<16xi32>,
        %swap3A_561 = vector.shape_cast %swap3A_560 : vector<16xi32> to vector<16xi32>
        %swap3A_562 = vector.shape_cast %get3A_558 : vector<16xi32> to vector<16xi32>
        tpu.vector_store %arg10[%swap3A_559], %swap3A_562 {strides = array<i32>} : memref<128xi32, #tpu.memory_space<vmem>>, vector<16xi32>,
        %get3A_563 = arith.index_cast %add3A_530 : i32 to index
        %get3A_564 = arith.constant 64 : index
        %get3A_565 = tpu.vector_load %arg9[%get3A_563, %get3A_564] {strides = array<i32>} : memref<40x128xi32, #tpu.memory_space<vmem>>, vector<1x16xi32>,
        %get3A_566 = vector.shape_cast %get3A_565 : vector<1x16xi32> to vector<16xi32>
        %swap3A_567 = arith.constant 64 : index
        %swap3A_568 = tpu.vector_load %arg10[%swap3A_567] {strides = array<i32>} : memref<128xi32, #tpu.memory_space<vmem>>, vector<16xi32>,
        %swap3A_569 = vector.shape_cast %swap3A_568 : vector<16xi32> to vector<16xi32>
        %swap3A_570 = vector.shape_cast %get3A_566 : vector<16xi32> to vector<16xi32>
        tpu.vector_store %arg10[%swap3A_567], %swap3A_570 {strides = array<i32>} : memref<128xi32, #tpu.memory_space<vmem>>, vector<16xi32>,
        %get3A_571 = arith.index_cast %add3A_530 : i32 to index
        %get3A_572 = arith.constant 80 : index
        %get3A_573 = tpu.vector_load %arg9[%get3A_571, %get3A_572] {strides = array<i32>} : memref<40x128xi32, #tpu.memory_space<vmem>>, vector<1x16xi32>,
        %get3A_574 = vector.shape_cast %get3A_573 : vector<1x16xi32> to vector<16xi32>
        %swap3A_575 = arith.constant 80 : index
        %swap3A_576 = tpu.vector_load %arg10[%swap3A_575] {strides = array<i32>} : memref<128xi32, #tpu.memory_space<vmem>>, vector<16xi32>,
        %swap3A_577 = vector.shape_cast %swap3A_576 : vector<16xi32> to vector<16xi32>
        %swap3A_578 = vector.shape_cast %get3A_574 : vector<16xi32> to vector<16xi32>
        tpu.vector_store %arg10[%swap3A_575], %swap3A_578 {strides = array<i32>} : memref<128xi32, #tpu.memory_space<vmem>>, vector<16xi32>,
        %get3A_579 = arith.index_cast %add3A_530 : i32 to index
        %get3A_580 = arith.constant 96 : index
        %get3A_581 = tpu.vector_load %arg9[%get3A_579, %get3A_580] {strides = array<i32>} : memref<40x128xi32, #tpu.memory_space<vmem>>, vector<1x16xi32>,
        %get3A_582 = vector.shape_cast %get3A_581 : vector<1x16xi32> to vector<16xi32>
        %swap3A_583 = arith.constant 96 : index
        %swap3A_584 = tpu.vector_load %arg10[%swap3A_583] {strides = array<i32>} : memref<128xi32, #tpu.memory_space<vmem>>, vector<16xi32>,
        %swap3A_585 = vector.shape_cast %swap3A_584 : vector<16xi32> to vector<16xi32>
        %swap3A_586 = vector.shape_cast %get3A_582 : vector<16xi32> to vector<16xi32>
        tpu.vector_store %arg10[%swap3A_583], %swap3A_586 {strides = array<i32>} : memref<128xi32, #tpu.memory_space<vmem>>, vector<16xi32>,
        %get3A_587 = arith.index_cast %add3A_530 : i32 to index
        %get3A_588 = arith.constant 112 : index
        %get3A_589 = tpu.vector_load %arg9[%get3A_587, %get3A_588] {strides = array<i32>} : memref<40x128xi32, #tpu.memory_space<vmem>>, vector<1x16xi32>,
        %get3A_590 = vector.shape_cast %get3A_589 : vector<1x16xi32> to vector<16xi32>
        %swap3A_591 = arith.constant 112 : index
        %swap3A_592 = tpu.vector_load %arg10[%swap3A_591] {strides = array<i32>} : memref<128xi32, #tpu.memory_space<vmem>>, vector<16xi32>,
        %swap3A_593 = vector.shape_cast %swap3A_592 : vector<16xi32> to vector<16xi32>
        %swap3A_594 = vector.shape_cast %get3A_590 : vector<16xi32> to vector<16xi32>
        tpu.vector_store %arg10[%swap3A_591], %swap3A_594 {strides = array<i32>} : memref<128xi32, #tpu.memory_space<vmem>>, vector<16xi32>,
        "tpu.region"() ({
          %run_scoped3A = tpu.sem_alloc : memref<!tpu.dma_semaphore, #tpu.memory_space<semaphore_mem>>
          %dma_start3A_595 = arith.constant 0 : i32
          %dma_start3A_596 = arith.constant 0 : i32
          %dma_start3A_597 = tpu.memref_slice %arg13[%dma_start3A_595, %dma_start3A_596] : memref<10240x128xf32, #tpu.memory_space<vmem_shared>> -> memref<10240x128xf32, #tpu.memory_space<vmem_shared>>
          tpu.enqueue_indirect_dma source(%arg12 : memref<128x128xf32, #tpu.memory_space<vmem>>) target(%dma_start3A_597 : memref<10240x128xf32, #tpu.memory_space<vmem_shared>>) offsets(%arg10 : memref<128xi32, #tpu.memory_space<vmem>>) semaphore(%run_scoped3A : memref<!tpu.dma_semaphore, #tpu.memory_space<semaphore_mem>>) {add = true}
          %dma_wait3A_598 = arith.constant 0 : i32
          %dma_wait3A_599 = arith.constant 0 : i32
          %dma_wait3A_600 = tpu.memref_slice %arg13[%dma_wait3A_598, %dma_wait3A_599] : memref<10240x128xf32, #tpu.memory_space<vmem_shared>> -> memref<10240x128xf32, #tpu.memory_space<vmem_shared>>
          tpu.wait_indirect_dma semaphore(%run_scoped3A : memref<!tpu.dma_semaphore, #tpu.memory_space<semaphore_mem>>) src(%arg12 : memref<128x128xf32, #tpu.memory_space<vmem>>) dst(%dma_wait3A_600 : memref<10240x128xf32, #tpu.memory_space<vmem_shared>>)
          tpu.yield
        }) : () -> ()
      }
      %scan3A_88 = arith.constant 19 : i32
      %dma_start3A_89 = arith.constant 39 : i32
      %dma_start3A_90 = arith.constant 0 : i32
      %dma_start3A_91 = tpu.memref_slice %arg8[%dma_start3A_89, %dma_start3A_90] : memref<40x128xi32, #tpu.memory_space<vmem>> -> memref<1x128xi32, #tpu.memory_space<vmem>>
      %dma_start3A_92 = tpu.memref_squeeze %dma_start3A_91 : memref<1x128xi32, #tpu.memory_space<vmem>> -> memref<128xi32, #tpu.memory_space<vmem>>
      %dma_start3A_93 = arith.constant 0 : i32
      %dma_start3A_94 = arith.constant 0 : i32
      %dma_start3A_95 = tpu.memref_slice %arg5[%dma_start3A_93, %dma_start3A_94] : memref<10240x128xf32, #tpu.memory_space<hbm>> -> memref<10240x128xf32, #tpu.memory_space<hbm>>
      tpu.enqueue_indirect_dma source(%dma_start3A_95 : memref<10240x128xf32, #tpu.memory_space<hbm>>) target(%arg12 : memref<128x128xf32, #tpu.memory_space<vmem>>) offsets(%dma_start3A_92 : memref<128xi32, #tpu.memory_space<vmem>>) semaphore(%arg15 : memref<!tpu.dma_semaphore, #tpu.memory_space<semaphore_mem>>)
      %dma_wait3A_96 = arith.constant 38 : i32
      %dma_wait3A_97 = arith.constant 0 : i32
      %dma_wait3A_98 = tpu.memref_slice %arg8[%dma_wait3A_96, %dma_wait3A_97] : memref<40x128xi32, #tpu.memory_space<vmem>> -> memref<1x128xi32, #tpu.memory_space<vmem>>
      %dma_wait3A_99 = tpu.memref_squeeze %dma_wait3A_98 : memref<1x128xi32, #tpu.memory_space<vmem>> -> memref<128xi32, #tpu.memory_space<vmem>>
      %dma_wait3A_100 = arith.constant 0 : i32
      %dma_wait3A_101 = arith.constant 0 : i32
      %dma_wait3A_102 = tpu.memref_slice %arg5[%dma_wait3A_100, %dma_wait3A_101] : memref<10240x128xf32, #tpu.memory_space<hbm>> -> memref<10240x128xf32, #tpu.memory_space<hbm>>
      tpu.wait_indirect_dma semaphore(%arg14 : memref<!tpu.dma_semaphore, #tpu.memory_space<semaphore_mem>>) src(%dma_wait3A_102 : memref<10240x128xf32, #tpu.memory_space<hbm>>) dst(%arg11 : memref<128x128xf32, #tpu.memory_space<vmem>>)
      %get3A = arith.constant 38 : i32
      %get3A_103 = arith.index_cast %get3A : i32 to index
      %get3A_104 = arith.constant 0 : index
      %get3A_105 = tpu.vector_load %arg9[%get3A_103, %get3A_104] {strides = array<i32>} : memref<40x128xi32, #tpu.memory_space<vmem>>, vector<1x16xi32>,
      %get3A_106 = vector.shape_cast %get3A_105 : vector<1x16xi32> to vector<16xi32>
      %swap3A = arith.constant 0 : index
      %swap3A_107 = tpu.vector_load %arg10[%swap3A] {strides = array<i32>} : memref<128xi32, #tpu.memory_space<vmem>>, vector<16xi32>,
      %swap3A_108 = vector.shape_cast %swap3A_107 : vector<16xi32> to vector<16xi32>
      %swap3A_109 = vector.shape_cast %get3A_106 : vector<16xi32> to vector<16xi32>
      tpu.vector_store %arg10[%swap3A], %swap3A_109 {strides = array<i32>} : memref<128xi32, #tpu.memory_space<vmem>>, vector<16xi32>,
      %get3A_110 = arith.constant 38 : i32
      %get3A_111 = arith.index_cast %get3A_110 : i32 to index
      %get3A_112 = arith.constant 16 : index
      %get3A_113 = tpu.vector_load %arg9[%get3A_111, %get3A_112] {strides = array<i32>} : memref<40x128xi32, #tpu.memory_space<vmem>>, vector<1x16xi32>,
      %get3A_114 = vector.shape_cast %get3A_113 : vector<1x16xi32> to vector<16xi32>
      %swap3A_115 = arith.constant 16 : index
      %swap3A_116 = tpu.vector_load %arg10[%swap3A_115] {strides = array<i32>} : memref<128xi32, #tpu.memory_space<vmem>>, vector<16xi32>,
      %swap3A_117 = vector.shape_cast %swap3A_116 : vector<16xi32> to vector<16xi32>
      %swap3A_118 = vector.shape_cast %get3A_114 : vector<16xi32> to vector<16xi32>
      tpu.vector_store %arg10[%swap3A_115], %swap3A_118 {strides = array<i32>} : memref<128xi32, #tpu.memory_space<vmem>>, vector<16xi32>,
      %get3A_119 = arith.constant 38 : i32
      %get3A_120 = arith.index_cast %get3A_119 : i32 to index
      %get3A_121 = arith.constant 32 : index
      %get3A_122 = tpu.vector_load %arg9[%get3A_120, %get3A_121] {strides = array<i32>} : memref<40x128xi32, #tpu.memory_space<vmem>>, vector<1x16xi32>,
      %get3A_123 = vector.shape_cast %get3A_122 : vector<1x16xi32> to vector<16xi32>
      %swap3A_124 = arith.constant 32 : index
      %swap3A_125 = tpu.vector_load %arg10[%swap3A_124] {strides = array<i32>} : memref<128xi32, #tpu.memory_space<vmem>>, vector<16xi32>,
      %swap3A_126 = vector.shape_cast %swap3A_125 : vector<16xi32> to vector<16xi32>
      %swap3A_127 = vector.shape_cast %get3A_123 : vector<16xi32> to vector<16xi32>
      tpu.vector_store %arg10[%swap3A_124], %swap3A_127 {strides = array<i32>} : memref<128xi32, #tpu.memory_space<vmem>>, vector<16xi32>,
      %get3A_128 = arith.constant 38 : i32
      %get3A_129 = arith.index_cast %get3A_128 : i32 to index
      %get3A_130 = arith.constant 48 : index
      %get3A_131 = tpu.vector_load %arg9[%get3A_129, %get3A_130] {strides = array<i32>} : memref<40x128xi32, #tpu.memory_space<vmem>>, vector<1x16xi32>,
      %get3A_132 = vector.shape_cast %get3A_131 : vector<1x16xi32> to vector<16xi32>
      %swap3A_133 = arith.constant 48 : index
      %swap3A_134 = tpu.vector_load %arg10[%swap3A_133] {strides = array<i32>} : memref<128xi32, #tpu.memory_space<vmem>>, vector<16xi32>,
      %swap3A_135 = vector.shape_cast %swap3A_134 : vector<16xi32> to vector<16xi32>
      %swap3A_136 = vector.shape_cast %get3A_132 : vector<16xi32> to vector<16xi32>
      tpu.vector_store %arg10[%swap3A_133], %swap3A_136 {strides = array<i32>} : memref<128xi32, #tpu.memory_space<vmem>>, vector<16xi32>,
      %get3A_137 = arith.constant 38 : i32
      %get3A_138 = arith.index_cast %get3A_137 : i32 to index
      %get3A_139 = arith.constant 64 : index
      %get3A_140 = tpu.vector_load %arg9[%get3A_138, %get3A_139] {strides = array<i32>} : memref<40x128xi32, #tpu.memory_space<vmem>>, vector<1x16xi32>,
      %get3A_141 = vector.shape_cast %get3A_140 : vector<1x16xi32> to vector<16xi32>
      %swap3A_142 = arith.constant 64 : index
      %swap3A_143 = tpu.vector_load %arg10[%swap3A_142] {strides = array<i32>} : memref<128xi32, #tpu.memory_space<vmem>>, vector<16xi32>,
      %swap3A_144 = vector.shape_cast %swap3A_143 : vector<16xi32> to vector<16xi32>
      %swap3A_145 = vector.shape_cast %get3A_141 : vector<16xi32> to vector<16xi32>
      tpu.vector_store %arg10[%swap3A_142], %swap3A_145 {strides = array<i32>} : memref<128xi32, #tpu.memory_space<vmem>>, vector<16xi32>,
      %get3A_146 = arith.constant 38 : i32
      %get3A_147 = arith.index_cast %get3A_146 : i32 to index
      %get3A_148 = arith.constant 80 : index
      %get3A_149 = tpu.vector_load %arg9[%get3A_147, %get3A_148] {strides = array<i32>} : memref<40x128xi32, #tpu.memory_space<vmem>>, vector<1x16xi32>,
      %get3A_150 = vector.shape_cast %get3A_149 : vector<1x16xi32> to vector<16xi32>
      %swap3A_151 = arith.constant 80 : index
      %swap3A_152 = tpu.vector_load %arg10[%swap3A_151] {strides = array<i32>} : memref<128xi32, #tpu.memory_space<vmem>>, vector<16xi32>,
      %swap3A_153 = vector.shape_cast %swap3A_152 : vector<16xi32> to vector<16xi32>
      %swap3A_154 = vector.shape_cast %get3A_150 : vector<16xi32> to vector<16xi32>
      tpu.vector_store %arg10[%swap3A_151], %swap3A_154 {strides = array<i32>} : memref<128xi32, #tpu.memory_space<vmem>>, vector<16xi32>,
      %get3A_155 = arith.constant 38 : i32
      %get3A_156 = arith.index_cast %get3A_155 : i32 to index
      %get3A_157 = arith.constant 96 : index
      %get3A_158 = tpu.vector_load %arg9[%get3A_156, %get3A_157] {strides = array<i32>} : memref<40x128xi32, #tpu.memory_space<vmem>>, vector<1x16xi32>,
      %get3A_159 = vector.shape_cast %get3A_158 : vector<1x16xi32> to vector<16xi32>
      %swap3A_160 = arith.constant 96 : index
      %swap3A_161 = tpu.vector_load %arg10[%swap3A_160] {strides = array<i32>} : memref<128xi32, #tpu.memory_space<vmem>>, vector<16xi32>,
      %swap3A_162 = vector.shape_cast %swap3A_161 : vector<16xi32> to vector<16xi32>
      %swap3A_163 = vector.shape_cast %get3A_159 : vector<16xi32> to vector<16xi32>
      tpu.vector_store %arg10[%swap3A_160], %swap3A_163 {strides = array<i32>} : memref<128xi32, #tpu.memory_space<vmem>>, vector<16xi32>,
      %get3A_164 = arith.constant 38 : i32
      %get3A_165 = arith.index_cast %get3A_164 : i32 to index
      %get3A_166 = arith.constant 112 : index
      %get3A_167 = tpu.vector_load %arg9[%get3A_165, %get3A_166] {strides = array<i32>} : memref<40x128xi32, #tpu.memory_space<vmem>>, vector<1x16xi32>,
      %get3A_168 = vector.shape_cast %get3A_167 : vector<1x16xi32> to vector<16xi32>
      %swap3A_169 = arith.constant 112 : index
      %swap3A_170 = tpu.vector_load %arg10[%swap3A_169] {strides = array<i32>} : memref<128xi32, #tpu.memory_space<vmem>>, vector<16xi32>,
      %swap3A_171 = vector.shape_cast %swap3A_170 : vector<16xi32> to vector<16xi32>
      %swap3A_172 = vector.shape_cast %get3A_168 : vector<16xi32> to vector<16xi32>
      tpu.vector_store %arg10[%swap3A_169], %swap3A_172 {strides = array<i32>} : memref<128xi32, #tpu.memory_space<vmem>>, vector<16xi32>,
      "tpu.region"() ({
        %run_scoped3A = tpu.sem_alloc : memref<!tpu.dma_semaphore, #tpu.memory_space<semaphore_mem>>
        %dma_start3A_432 = arith.constant 0 : i32
        %dma_start3A_433 = arith.constant 0 : i32
        %dma_start3A_434 = tpu.memref_slice %arg13[%dma_start3A_432, %dma_start3A_433] : memref<10240x128xf32, #tpu.memory_space<vmem_shared>> -> memref<10240x128xf32, #tpu.memory_space<vmem_shared>>
        tpu.enqueue_indirect_dma source(%arg11 : memref<128x128xf32, #tpu.memory_space<vmem>>) target(%dma_start3A_434 : memref<10240x128xf32, #tpu.memory_space<vmem_shared>>) offsets(%arg10 : memref<128xi32, #tpu.memory_space<vmem>>) semaphore(%run_scoped3A : memref<!tpu.dma_semaphore, #tpu.memory_space<semaphore_mem>>) {add = true}
        %dma_wait3A_435 = arith.constant 0 : i32
        %dma_wait3A_436 = arith.constant 0 : i32
        %dma_wait3A_437 = tpu.memref_slice %arg13[%dma_wait3A_435, %dma_wait3A_436] : memref<10240x128xf32, #tpu.memory_space<vmem_shared>> -> memref<10240x128xf32, #tpu.memory_space<vmem_shared>>
        tpu.wait_indirect_dma semaphore(%run_scoped3A : memref<!tpu.dma_semaphore, #tpu.memory_space<semaphore_mem>>) src(%arg11 : memref<128x128xf32, #tpu.memory_space<vmem>>) dst(%dma_wait3A_437 : memref<10240x128xf32, #tpu.memory_space<vmem_shared>>)
        tpu.yield
      }) : () -> ()
      %dma_wait3A_173 = arith.constant 39 : i32
      %dma_wait3A_174 = arith.constant 0 : i32
      %dma_wait3A_175 = tpu.memref_slice %arg8[%dma_wait3A_173, %dma_wait3A_174] : memref<40x128xi32, #tpu.memory_space<vmem>> -> memref<1x128xi32, #tpu.memory_space<vmem>>
      %dma_wait3A_176 = tpu.memref_squeeze %dma_wait3A_175 : memref<1x128xi32, #tpu.memory_space<vmem>> -> memref<128xi32, #tpu.memory_space<vmem>>
      %dma_wait3A_177 = arith.constant 0 : i32
      %dma_wait3A_178 = arith.constant 0 : i32
      %dma_wait3A_179 = tpu.memref_slice %arg5[%dma_wait3A_177, %dma_wait3A_178] : memref<10240x128xf32, #tpu.memory_space<hbm>> -> memref<10240x128xf32, #tpu.memory_space<hbm>>
      tpu.wait_indirect_dma semaphore(%arg15 : memref<!tpu.dma_semaphore, #tpu.memory_space<semaphore_mem>>) src(%dma_wait3A_179 : memref<10240x128xf32, #tpu.memory_space<hbm>>) dst(%arg12 : memref<128x128xf32, #tpu.memory_space<vmem>>)
      %get3A_180 = arith.constant 39 : i32
      %get3A_181 = arith.index_cast %get3A_180 : i32 to index
      %get3A_182 = arith.constant 0 : index
      %get3A_183 = tpu.vector_load %arg9[%get3A_181, %get3A_182] {strides = array<i32>} : memref<40x128xi32, #tpu.memory_space<vmem>>, vector<1x16xi32>,
      %get3A_184 = vector.shape_cast %get3A_183 : vector<1x16xi32> to vector<16xi32>
      %swap3A_185 = arith.constant 0 : index
      %swap3A_186 = tpu.vector_load %arg10[%swap3A_185] {strides = array<i32>} : memref<128xi32, #tpu.memory_space<vmem>>, vector<16xi32>,
      %swap3A_187 = vector.shape_cast %swap3A_186 : vector<16xi32> to vector<16xi32>
      %swap3A_188 = vector.shape_cast %get3A_184 : vector<16xi32> to vector<16xi32>
      tpu.vector_store %arg10[%swap3A_185], %swap3A_188 {strides = array<i32>} : memref<128xi32, #tpu.memory_space<vmem>>, vector<16xi32>,
      %get3A_189 = arith.constant 39 : i32
      %get3A_190 = arith.index_cast %get3A_189 : i32 to index
      %get3A_191 = arith.constant 16 : index
      %get3A_192 = tpu.vector_load %arg9[%get3A_190, %get3A_191] {strides = array<i32>} : memref<40x128xi32, #tpu.memory_space<vmem>>, vector<1x16xi32>,
      %get3A_193 = vector.shape_cast %get3A_192 : vector<1x16xi32> to vector<16xi32>
      %swap3A_194 = arith.constant 16 : index
      %swap3A_195 = tpu.vector_load %arg10[%swap3A_194] {strides = array<i32>} : memref<128xi32, #tpu.memory_space<vmem>>, vector<16xi32>,
      %swap3A_196 = vector.shape_cast %swap3A_195 : vector<16xi32> to vector<16xi32>
      %swap3A_197 = vector.shape_cast %get3A_193 : vector<16xi32> to vector<16xi32>
      tpu.vector_store %arg10[%swap3A_194], %swap3A_197 {strides = array<i32>} : memref<128xi32, #tpu.memory_space<vmem>>, vector<16xi32>,
      %get3A_198 = arith.constant 39 : i32
      %get3A_199 = arith.index_cast %get3A_198 : i32 to index
      %get3A_200 = arith.constant 32 : index
      %get3A_201 = tpu.vector_load %arg9[%get3A_199, %get3A_200] {strides = array<i32>} : memref<40x128xi32, #tpu.memory_space<vmem>>, vector<1x16xi32>,
      %get3A_202 = vector.shape_cast %get3A_201 : vector<1x16xi32> to vector<16xi32>
      %swap3A_203 = arith.constant 32 : index
      %swap3A_204 = tpu.vector_load %arg10[%swap3A_203] {strides = array<i32>} : memref<128xi32, #tpu.memory_space<vmem>>, vector<16xi32>,
      %swap3A_205 = vector.shape_cast %swap3A_204 : vector<16xi32> to vector<16xi32>
      %swap3A_206 = vector.shape_cast %get3A_202 : vector<16xi32> to vector<16xi32>
      tpu.vector_store %arg10[%swap3A_203], %swap3A_206 {strides = array<i32>} : memref<128xi32, #tpu.memory_space<vmem>>, vector<16xi32>,
      %get3A_207 = arith.constant 39 : i32
      %get3A_208 = arith.index_cast %get3A_207 : i32 to index
      %get3A_209 = arith.constant 48 : index
      %get3A_210 = tpu.vector_load %arg9[%get3A_208, %get3A_209] {strides = array<i32>} : memref<40x128xi32, #tpu.memory_space<vmem>>, vector<1x16xi32>,
      %get3A_211 = vector.shape_cast %get3A_210 : vector<1x16xi32> to vector<16xi32>
      %swap3A_212 = arith.constant 48 : index
      %swap3A_213 = tpu.vector_load %arg10[%swap3A_212] {strides = array<i32>} : memref<128xi32, #tpu.memory_space<vmem>>, vector<16xi32>,
      %swap3A_214 = vector.shape_cast %swap3A_213 : vector<16xi32> to vector<16xi32>
      %swap3A_215 = vector.shape_cast %get3A_211 : vector<16xi32> to vector<16xi32>
      tpu.vector_store %arg10[%swap3A_212], %swap3A_215 {strides = array<i32>} : memref<128xi32, #tpu.memory_space<vmem>>, vector<16xi32>,
      %get3A_216 = arith.constant 39 : i32
      %get3A_217 = arith.index_cast %get3A_216 : i32 to index
      %get3A_218 = arith.constant 64 : index
      %get3A_219 = tpu.vector_load %arg9[%get3A_217, %get3A_218] {strides = array<i32>} : memref<40x128xi32, #tpu.memory_space<vmem>>, vector<1x16xi32>,
      %get3A_220 = vector.shape_cast %get3A_219 : vector<1x16xi32> to vector<16xi32>
      %swap3A_221 = arith.constant 64 : index
      %swap3A_222 = tpu.vector_load %arg10[%swap3A_221] {strides = array<i32>} : memref<128xi32, #tpu.memory_space<vmem>>, vector<16xi32>,
      %swap3A_223 = vector.shape_cast %swap3A_222 : vector<16xi32> to vector<16xi32>
      %swap3A_224 = vector.shape_cast %get3A_220 : vector<16xi32> to vector<16xi32>
      tpu.vector_store %arg10[%swap3A_221], %swap3A_224 {strides = array<i32>} : memref<128xi32, #tpu.memory_space<vmem>>, vector<16xi32>,
      %get3A_225 = arith.constant 39 : i32
      %get3A_226 = arith.index_cast %get3A_225 : i32 to index
      %get3A_227 = arith.constant 80 : index
      %get3A_228 = tpu.vector_load %arg9[%get3A_226, %get3A_227] {strides = array<i32>} : memref<40x128xi32, #tpu.memory_space<vmem>>, vector<1x16xi32>,
      %get3A_229 = vector.shape_cast %get3A_228 : vector<1x16xi32> to vector<16xi32>
      %swap3A_230 = arith.constant 80 : index
      %swap3A_231 = tpu.vector_load %arg10[%swap3A_230] {strides = array<i32>} : memref<128xi32, #tpu.memory_space<vmem>>, vector<16xi32>,
      %swap3A_232 = vector.shape_cast %swap3A_231 : vector<16xi32> to vector<16xi32>
      %swap3A_233 = vector.shape_cast %get3A_229 : vector<16xi32> to vector<16xi32>
      tpu.vector_store %arg10[%swap3A_230], %swap3A_233 {strides = array<i32>} : memref<128xi32, #tpu.memory_space<vmem>>, vector<16xi32>,
      %get3A_234 = arith.constant 39 : i32
      %get3A_235 = arith.index_cast %get3A_234 : i32 to index
      %get3A_236 = arith.constant 96 : index
      %get3A_237 = tpu.vector_load %arg9[%get3A_235, %get3A_236] {strides = array<i32>} : memref<40x128xi32, #tpu.memory_space<vmem>>, vector<1x16xi32>,
      %get3A_238 = vector.shape_cast %get3A_237 : vector<1x16xi32> to vector<16xi32>
      %swap3A_239 = arith.constant 96 : index
      %swap3A_240 = tpu.vector_load %arg10[%swap3A_239] {strides = array<i32>} : memref<128xi32, #tpu.memory_space<vmem>>, vector<16xi32>,
      %swap3A_241 = vector.shape_cast %swap3A_240 : vector<16xi32> to vector<16xi32>
      %swap3A_242 = vector.shape_cast %get3A_238 : vector<16xi32> to vector<16xi32>
      tpu.vector_store %arg10[%swap3A_239], %swap3A_242 {strides = array<i32>} : memref<128xi32, #tpu.memory_space<vmem>>, vector<16xi32>,
      %get3A_243 = arith.constant 39 : i32
      %get3A_244 = arith.index_cast %get3A_243 : i32 to index
      %get3A_245 = arith.constant 112 : index
      %get3A_246 = tpu.vector_load %arg9[%get3A_244, %get3A_245] {strides = array<i32>} : memref<40x128xi32, #tpu.memory_space<vmem>>, vector<1x16xi32>,
      %get3A_247 = vector.shape_cast %get3A_246 : vector<1x16xi32> to vector<16xi32>
      %swap3A_248 = arith.constant 112 : index
      %swap3A_249 = tpu.vector_load %arg10[%swap3A_248] {strides = array<i32>} : memref<128xi32, #tpu.memory_space<vmem>>, vector<16xi32>,
      %swap3A_250 = vector.shape_cast %swap3A_249 : vector<16xi32> to vector<16xi32>
      %swap3A_251 = vector.shape_cast %get3A_247 : vector<16xi32> to vector<16xi32>
      tpu.vector_store %arg10[%swap3A_248], %swap3A_251 {strides = array<i32>} : memref<128xi32, #tpu.memory_space<vmem>>, vector<16xi32>,
      "tpu.region"() ({
        %run_scoped3A = tpu.sem_alloc : memref<!tpu.dma_semaphore, #tpu.memory_space<semaphore_mem>>
        %dma_start3A_432 = arith.constant 0 : i32
        %dma_start3A_433 = arith.constant 0 : i32
        %dma_start3A_434 = tpu.memref_slice %arg13[%dma_start3A_432, %dma_start3A_433] : memref<10240x128xf32, #tpu.memory_space<vmem_shared>> -> memref<10240x128xf32, #tpu.memory_space<vmem_shared>>
        tpu.enqueue_indirect_dma source(%arg12 : memref<128x128xf32, #tpu.memory_space<vmem>>) target(%dma_start3A_434 : memref<10240x128xf32, #tpu.memory_space<vmem_shared>>) offsets(%arg10 : memref<128xi32, #tpu.memory_space<vmem>>) semaphore(%run_scoped3A : memref<!tpu.dma_semaphore, #tpu.memory_space<semaphore_mem>>) {add = true}
        %dma_wait3A_435 = arith.constant 0 : i32
        %dma_wait3A_436 = arith.constant 0 : i32
        %dma_wait3A_437 = tpu.memref_slice %arg13[%dma_wait3A_435, %dma_wait3A_436] : memref<10240x128xf32, #tpu.memory_space<vmem_shared>> -> memref<10240x128xf32, #tpu.memory_space<vmem_shared>>
        tpu.wait_indirect_dma semaphore(%run_scoped3A : memref<!tpu.dma_semaphore, #tpu.memory_space<semaphore_mem>>) src(%arg12 : memref<128x128xf32, #tpu.memory_space<vmem>>) dst(%dma_wait3A_437 : memref<10240x128xf32, #tpu.memory_space<vmem_shared>>)
        tpu.yield
      }) : () -> ()
      %add3A_252 = arith.constant 40 : i32
      %add3A_253 = arith.addi %mul3A_75, %add3A_252 : i32
      "tpu.region"() ({
        %run_scoped3A = tpu.sem_alloc : memref<!tpu.dma_semaphore, #tpu.memory_space<semaphore_mem>>
        %dma_start3A_432 = arith.constant 0 : i32
        %dma_start3A_433 = tpu.memref_slice %arg2[%add3A_253, %dma_start3A_432] : memref<1280x128xi32, #tpu.memory_space<hbm>> -> memref<40x128xi32, #tpu.memory_space<hbm>>
        %dma_start3A_434 = arith.constant 0 : i32
        %dma_start3A_435 = tpu.memref_slice %arg2[%add3A_253, %dma_start3A_434] : memref<1280x128xi32, #tpu.memory_space<hbm>> -> memref<40x128xi32, #tpu.memory_space<hbm>>
        tpu.enqueue_dma source(%dma_start3A_435 : memref<40x128xi32, #tpu.memory_space<hbm>>) target(%arg8 : memref<40x128xi32, #tpu.memory_space<vmem>>) target_semaphore(%run_scoped3A : memref<!tpu.dma_semaphore, #tpu.memory_space<semaphore_mem>>)
        %dma_wait3A_436 = arith.constant 0 : i32
        %dma_wait3A_437 = tpu.memref_slice %arg2[%add3A_253, %dma_wait3A_436] : memref<1280x128xi32, #tpu.memory_space<hbm>> -> memref<40x128xi32, #tpu.memory_space<hbm>>
        %dma_wait3A_438 = arith.constant 0 : i32
        %dma_wait3A_439 = tpu.memref_slice %arg2[%add3A_253, %dma_wait3A_438] : memref<1280x128xi32, #tpu.memory_space<hbm>> -> memref<40x128xi32, #tpu.memory_space<hbm>>
        tpu.wait_dma2 semaphore(%run_scoped3A : memref<!tpu.dma_semaphore, #tpu.memory_space<semaphore_mem>>) src(%dma_wait3A_439 : memref<40x128xi32, #tpu.memory_space<hbm>>) dst(%arg8 : memref<40x128xi32, #tpu.memory_space<vmem>>)
        tpu.yield
      }) : () -> ()
      "tpu.region"() ({
        %run_scoped3A = tpu.sem_alloc : memref<!tpu.dma_semaphore, #tpu.memory_space<semaphore_mem>>
        %dma_start3A_432 = arith.constant 0 : i32
        %dma_start3A_433 = tpu.memref_slice %arg3[%add3A_253, %dma_start3A_432] : memref<1280x128xi32, #tpu.memory_space<hbm>> -> memref<40x128xi32, #tpu.memory_space<hbm>>
        %dma_start3A_434 = arith.constant 0 : i32
        %dma_start3A_435 = tpu.memref_slice %arg3[%add3A_253, %dma_start3A_434] : memref<1280x128xi32, #tpu.memory_space<hbm>> -> memref<40x128xi32, #tpu.memory_space<hbm>>
        tpu.enqueue_dma source(%dma_start3A_435 : memref<40x128xi32, #tpu.memory_space<hbm>>) target(%arg9 : memref<40x128xi32, #tpu.memory_space<vmem>>) target_semaphore(%run_scoped3A : memref<!tpu.dma_semaphore, #tpu.memory_space<semaphore_mem>>)
        %dma_wait3A_436 = arith.constant 0 : i32
        %dma_wait3A_437 = tpu.memref_slice %arg3[%add3A_253, %dma_wait3A_436] : memref<1280x128xi32, #tpu.memory_space<hbm>> -> memref<40x128xi32, #tpu.memory_space<hbm>>
        %dma_wait3A_438 = arith.constant 0 : i32
        %dma_wait3A_439 = tpu.memref_slice %arg3[%add3A_253, %dma_wait3A_438] : memref<1280x128xi32, #tpu.memory_space<hbm>> -> memref<40x128xi32, #tpu.memory_space<hbm>>
        tpu.wait_dma2 semaphore(%run_scoped3A : memref<!tpu.dma_semaphore, #tpu.memory_space<semaphore_mem>>) src(%dma_wait3A_439 : memref<40x128xi32, #tpu.memory_space<hbm>>) dst(%arg9 : memref<40x128xi32, #tpu.memory_space<vmem>>)
        tpu.yield
      }) : () -> ()
      %dma_start3A_254 = arith.constant 0 : i32
      %dma_start3A_255 = arith.constant 0 : i32
      %dma_start3A_256 = tpu.memref_slice %arg8[%dma_start3A_254, %dma_start3A_255] : memref<40x128xi32, #tpu.memory_space<vmem>> -> memref<1x128xi32, #tpu.memory_space<vmem>>
      %dma_start3A_257 = tpu.memref_squeeze %dma_start3A_256 : memref<1x128xi32, #tpu.memory_space<vmem>> -> memref<128xi32, #tpu.memory_space<vmem>>
      %dma_start3A_258 = arith.constant 0 : i32
      %dma_start3A_259 = arith.constant 0 : i32
      %dma_start3A_260 = tpu.memref_slice %arg5[%dma_start3A_258, %dma_start3A_259] : memref<10240x128xf32, #tpu.memory_space<hbm>> -> memref<10240x128xf32, #tpu.memory_space<hbm>>
      tpu.enqueue_indirect_dma source(%dma_start3A_260 : memref<10240x128xf32, #tpu.memory_space<hbm>>) target(%arg11 : memref<128x128xf32, #tpu.memory_space<vmem>>) offsets(%dma_start3A_257 : memref<128xi32, #tpu.memory_space<vmem>>) semaphore(%arg14 : memref<!tpu.dma_semaphore, #tpu.memory_space<semaphore_mem>>)
      %scan3A_261 = arith.constant 0 : i32
      %scan3A_262 = arith.constant 0 : i32
      %scan3A_263 = arith.constant 19 : i32
      %scan3A_264 = arith.addi %scan3A_262, %scan3A_263 : i32
      %scan3A_265 = arith.constant 1 : i32
      scf.for %scan3A_432 = %scan3A_262 to %scan3A_264 step %scan3A_265  : i32 {
        %mul3A_433 = arith.constant 2 : i32
        %mul3A_434 = arith.muli %scan3A_432, %mul3A_433 : i32
        %add3A_435 = arith.constant 1 : i32
        %add3A_436 = arith.addi %mul3A_434, %add3A_435 : i32
        %dma_start3A_437 = arith.constant 0 : i32
        %dma_start3A_438 = tpu.memref_slice %arg8[%add3A_436, %dma_start3A_437] : memref<40x128xi32, #tpu.memory_space<vmem>> -> memref<1x128xi32, #tpu.memory_space<vmem>>
        %dma_start3A_439 = tpu.memref_squeeze %dma_start3A_438 : memref<1x128xi32, #tpu.memory_space<vmem>> -> memref<128xi32, #tpu.memory_space<vmem>>
        %dma_start3A_440 = arith.constant 0 : i32
        %dma_start3A_441 = arith.constant 0 : i32
        %dma_start3A_442 = tpu.memref_slice %arg5[%dma_start3A_440, %dma_start3A_441] : memref<10240x128xf32, #tpu.memory_space<hbm>> -> memref<10240x128xf32, #tpu.memory_space<hbm>>
        tpu.enqueue_indirect_dma source(%dma_start3A_442 : memref<10240x128xf32, #tpu.memory_space<hbm>>) target(%arg12 : memref<128x128xf32, #tpu.memory_space<vmem>>) offsets(%dma_start3A_439 : memref<128xi32, #tpu.memory_space<vmem>>) semaphore(%arg15 : memref<!tpu.dma_semaphore, #tpu.memory_space<semaphore_mem>>)
        %dma_wait3A_443 = arith.constant 0 : i32
        %dma_wait3A_444 = tpu.memref_slice %arg8[%mul3A_434, %dma_wait3A_443] : memref<40x128xi32, #tpu.memory_space<vmem>> -> memref<1x128xi32, #tpu.memory_space<vmem>>
        %dma_wait3A_445 = tpu.memref_squeeze %dma_wait3A_444 : memref<1x128xi32, #tpu.memory_space<vmem>> -> memref<128xi32, #tpu.memory_space<vmem>>
        %dma_wait3A_446 = arith.constant 0 : i32
        %dma_wait3A_447 = arith.constant 0 : i32
        %dma_wait3A_448 = tpu.memref_slice %arg5[%dma_wait3A_446, %dma_wait3A_447] : memref<10240x128xf32, #tpu.memory_space<hbm>> -> memref<10240x128xf32, #tpu.memory_space<hbm>>
        tpu.wait_indirect_dma semaphore(%arg14 : memref<!tpu.dma_semaphore, #tpu.memory_space<semaphore_mem>>) src(%dma_wait3A_448 : memref<10240x128xf32, #tpu.memory_space<hbm>>) dst(%arg11 : memref<128x128xf32, #tpu.memory_space<vmem>>)
        %get3A_449 = arith.index_cast %mul3A_434 : i32 to index
        %get3A_450 = arith.constant 0 : index
        %get3A_451 = tpu.vector_load %arg9[%get3A_449, %get3A_450] {strides = array<i32>} : memref<40x128xi32, #tpu.memory_space<vmem>>, vector<1x16xi32>,
        %get3A_452 = vector.shape_cast %get3A_451 : vector<1x16xi32> to vector<16xi32>
        %swap3A_453 = arith.constant 0 : index
        %swap3A_454 = tpu.vector_load %arg10[%swap3A_453] {strides = array<i32>} : memref<128xi32, #tpu.memory_space<vmem>>, vector<16xi32>,
        %swap3A_455 = vector.shape_cast %swap3A_454 : vector<16xi32> to vector<16xi32>
        %swap3A_456 = vector.shape_cast %get3A_452 : vector<16xi32> to vector<16xi32>
        tpu.vector_store %arg10[%swap3A_453], %swap3A_456 {strides = array<i32>} : memref<128xi32, #tpu.memory_space<vmem>>, vector<16xi32>,
        %get3A_457 = arith.index_cast %mul3A_434 : i32 to index
        %get3A_458 = arith.constant 16 : index
        %get3A_459 = tpu.vector_load %arg9[%get3A_457, %get3A_458] {strides = array<i32>} : memref<40x128xi32, #tpu.memory_space<vmem>>, vector<1x16xi32>,
        %get3A_460 = vector.shape_cast %get3A_459 : vector<1x16xi32> to vector<16xi32>
        %swap3A_461 = arith.constant 16 : index
        %swap3A_462 = tpu.vector_load %arg10[%swap3A_461] {strides = array<i32>} : memref<128xi32, #tpu.memory_space<vmem>>, vector<16xi32>,
        %swap3A_463 = vector.shape_cast %swap3A_462 : vector<16xi32> to vector<16xi32>
        %swap3A_464 = vector.shape_cast %get3A_460 : vector<16xi32> to vector<16xi32>
        tpu.vector_store %arg10[%swap3A_461], %swap3A_464 {strides = array<i32>} : memref<128xi32, #tpu.memory_space<vmem>>, vector<16xi32>,
        %get3A_465 = arith.index_cast %mul3A_434 : i32 to index
        %get3A_466 = arith.constant 32 : index
        %get3A_467 = tpu.vector_load %arg9[%get3A_465, %get3A_466] {strides = array<i32>} : memref<40x128xi32, #tpu.memory_space<vmem>>, vector<1x16xi32>,
        %get3A_468 = vector.shape_cast %get3A_467 : vector<1x16xi32> to vector<16xi32>
        %swap3A_469 = arith.constant 32 : index
        %swap3A_470 = tpu.vector_load %arg10[%swap3A_469] {strides = array<i32>} : memref<128xi32, #tpu.memory_space<vmem>>, vector<16xi32>,
        %swap3A_471 = vector.shape_cast %swap3A_470 : vector<16xi32> to vector<16xi32>
        %swap3A_472 = vector.shape_cast %get3A_468 : vector<16xi32> to vector<16xi32>
        tpu.vector_store %arg10[%swap3A_469], %swap3A_472 {strides = array<i32>} : memref<128xi32, #tpu.memory_space<vmem>>, vector<16xi32>,
        %get3A_473 = arith.index_cast %mul3A_434 : i32 to index
        %get3A_474 = arith.constant 48 : index
        %get3A_475 = tpu.vector_load %arg9[%get3A_473, %get3A_474] {strides = array<i32>} : memref<40x128xi32, #tpu.memory_space<vmem>>, vector<1x16xi32>,
        %get3A_476 = vector.shape_cast %get3A_475 : vector<1x16xi32> to vector<16xi32>
        %swap3A_477 = arith.constant 48 : index
        %swap3A_478 = tpu.vector_load %arg10[%swap3A_477] {strides = array<i32>} : memref<128xi32, #tpu.memory_space<vmem>>, vector<16xi32>,
        %swap3A_479 = vector.shape_cast %swap3A_478 : vector<16xi32> to vector<16xi32>
        %swap3A_480 = vector.shape_cast %get3A_476 : vector<16xi32> to vector<16xi32>
        tpu.vector_store %arg10[%swap3A_477], %swap3A_480 {strides = array<i32>} : memref<128xi32, #tpu.memory_space<vmem>>, vector<16xi32>,
        %get3A_481 = arith.index_cast %mul3A_434 : i32 to index
        %get3A_482 = arith.constant 64 : index
        %get3A_483 = tpu.vector_load %arg9[%get3A_481, %get3A_482] {strides = array<i32>} : memref<40x128xi32, #tpu.memory_space<vmem>>, vector<1x16xi32>,
        %get3A_484 = vector.shape_cast %get3A_483 : vector<1x16xi32> to vector<16xi32>
        %swap3A_485 = arith.constant 64 : index
        %swap3A_486 = tpu.vector_load %arg10[%swap3A_485] {strides = array<i32>} : memref<128xi32, #tpu.memory_space<vmem>>, vector<16xi32>,
        %swap3A_487 = vector.shape_cast %swap3A_486 : vector<16xi32> to vector<16xi32>
        %swap3A_488 = vector.shape_cast %get3A_484 : vector<16xi32> to vector<16xi32>
        tpu.vector_store %arg10[%swap3A_485], %swap3A_488 {strides = array<i32>} : memref<128xi32, #tpu.memory_space<vmem>>, vector<16xi32>,
        %get3A_489 = arith.index_cast %mul3A_434 : i32 to index
        %get3A_490 = arith.constant 80 : index
        %get3A_491 = tpu.vector_load %arg9[%get3A_489, %get3A_490] {strides = array<i32>} : memref<40x128xi32, #tpu.memory_space<vmem>>, vector<1x16xi32>,
        %get3A_492 = vector.shape_cast %get3A_491 : vector<1x16xi32> to vector<16xi32>
        %swap3A_493 = arith.constant 80 : index
        %swap3A_494 = tpu.vector_load %arg10[%swap3A_493] {strides = array<i32>} : memref<128xi32, #tpu.memory_space<vmem>>, vector<16xi32>,
        %swap3A_495 = vector.shape_cast %swap3A_494 : vector<16xi32> to vector<16xi32>
        %swap3A_496 = vector.shape_cast %get3A_492 : vector<16xi32> to vector<16xi32>
        tpu.vector_store %arg10[%swap3A_493], %swap3A_496 {strides = array<i32>} : memref<128xi32, #tpu.memory_space<vmem>>, vector<16xi32>,
        %get3A_497 = arith.index_cast %mul3A_434 : i32 to index
        %get3A_498 = arith.constant 96 : index
        %get3A_499 = tpu.vector_load %arg9[%get3A_497, %get3A_498] {strides = array<i32>} : memref<40x128xi32, #tpu.memory_space<vmem>>, vector<1x16xi32>,
        %get3A_500 = vector.shape_cast %get3A_499 : vector<1x16xi32> to vector<16xi32>
        %swap3A_501 = arith.constant 96 : index
        %swap3A_502 = tpu.vector_load %arg10[%swap3A_501] {strides = array<i32>} : memref<128xi32, #tpu.memory_space<vmem>>, vector<16xi32>,
        %swap3A_503 = vector.shape_cast %swap3A_502 : vector<16xi32> to vector<16xi32>
        %swap3A_504 = vector.shape_cast %get3A_500 : vector<16xi32> to vector<16xi32>
        tpu.vector_store %arg10[%swap3A_501], %swap3A_504 {strides = array<i32>} : memref<128xi32, #tpu.memory_space<vmem>>, vector<16xi32>,
        %get3A_505 = arith.index_cast %mul3A_434 : i32 to index
        %get3A_506 = arith.constant 112 : index
        %get3A_507 = tpu.vector_load %arg9[%get3A_505, %get3A_506] {strides = array<i32>} : memref<40x128xi32, #tpu.memory_space<vmem>>, vector<1x16xi32>,
        %get3A_508 = vector.shape_cast %get3A_507 : vector<1x16xi32> to vector<16xi32>
        %swap3A_509 = arith.constant 112 : index
        %swap3A_510 = tpu.vector_load %arg10[%swap3A_509] {strides = array<i32>} : memref<128xi32, #tpu.memory_space<vmem>>, vector<16xi32>,
        %swap3A_511 = vector.shape_cast %swap3A_510 : vector<16xi32> to vector<16xi32>
        %swap3A_512 = vector.shape_cast %get3A_508 : vector<16xi32> to vector<16xi32>
        tpu.vector_store %arg10[%swap3A_509], %swap3A_512 {strides = array<i32>} : memref<128xi32, #tpu.memory_space<vmem>>, vector<16xi32>,
        "tpu.region"() ({
          %run_scoped3A = tpu.sem_alloc : memref<!tpu.dma_semaphore, #tpu.memory_space<semaphore_mem>>
          %dma_start3A_595 = arith.constant 0 : i32
          %dma_start3A_596 = arith.constant 0 : i32
          %dma_start3A_597 = tpu.memref_slice %arg13[%dma_start3A_595, %dma_start3A_596] : memref<10240x128xf32, #tpu.memory_space<vmem_shared>> -> memref<10240x128xf32, #tpu.memory_space<vmem_shared>>
          tpu.enqueue_indirect_dma source(%arg11 : memref<128x128xf32, #tpu.memory_space<vmem>>) target(%dma_start3A_597 : memref<10240x128xf32, #tpu.memory_space<vmem_shared>>) offsets(%arg10 : memref<128xi32, #tpu.memory_space<vmem>>) semaphore(%run_scoped3A : memref<!tpu.dma_semaphore, #tpu.memory_space<semaphore_mem>>) {add = true}
          %dma_wait3A_598 = arith.constant 0 : i32
          %dma_wait3A_599 = arith.constant 0 : i32
          %dma_wait3A_600 = tpu.memref_slice %arg13[%dma_wait3A_598, %dma_wait3A_599] : memref<10240x128xf32, #tpu.memory_space<vmem_shared>> -> memref<10240x128xf32, #tpu.memory_space<vmem_shared>>
          tpu.wait_indirect_dma semaphore(%run_scoped3A : memref<!tpu.dma_semaphore, #tpu.memory_space<semaphore_mem>>) src(%arg11 : memref<128x128xf32, #tpu.memory_space<vmem>>) dst(%dma_wait3A_600 : memref<10240x128xf32, #tpu.memory_space<vmem_shared>>)
          tpu.yield
        }) : () -> ()
        %add3A_513 = arith.constant 2 : i32
        %add3A_514 = arith.addi %mul3A_434, %add3A_513 : i32
        %dma_start3A_515 = arith.constant 0 : i32
        %dma_start3A_516 = tpu.memref_slice %arg8[%add3A_514, %dma_start3A_515] : memref<40x128xi32, #tpu.memory_space<vmem>> -> memref<1x128xi32, #tpu.memory_space<vmem>>
        %dma_start3A_517 = tpu.memref_squeeze %dma_start3A_516 : memref<1x128xi32, #tpu.memory_space<vmem>> -> memref<128xi32, #tpu.memory_space<vmem>>
        %dma_start3A_518 = arith.constant 0 : i32
        %dma_start3A_519 = arith.constant 0 : i32
        %dma_start3A_520 = tpu.memref_slice %arg5[%dma_start3A_518, %dma_start3A_519] : memref<10240x128xf32, #tpu.memory_space<hbm>> -> memref<10240x128xf32, #tpu.memory_space<hbm>>
        tpu.enqueue_indirect_dma source(%dma_start3A_520 : memref<10240x128xf32, #tpu.memory_space<hbm>>) target(%arg11 : memref<128x128xf32, #tpu.memory_space<vmem>>) offsets(%dma_start3A_517 : memref<128xi32, #tpu.memory_space<vmem>>) semaphore(%arg14 : memref<!tpu.dma_semaphore, #tpu.memory_space<semaphore_mem>>)
        %add3A_521 = arith.constant 1 : i32
        %add3A_522 = arith.addi %mul3A_434, %add3A_521 : i32
        %dma_wait3A_523 = arith.constant 0 : i32
        %dma_wait3A_524 = tpu.memref_slice %arg8[%add3A_522, %dma_wait3A_523] : memref<40x128xi32, #tpu.memory_space<vmem>> -> memref<1x128xi32, #tpu.memory_space<vmem>>
        %dma_wait3A_525 = tpu.memref_squeeze %dma_wait3A_524 : memref<1x128xi32, #tpu.memory_space<vmem>> -> memref<128xi32, #tpu.memory_space<vmem>>
        %dma_wait3A_526 = arith.constant 0 : i32
        %dma_wait3A_527 = arith.constant 0 : i32
        %dma_wait3A_528 = tpu.memref_slice %arg5[%dma_wait3A_526, %dma_wait3A_527] : memref<10240x128xf32, #tpu.memory_space<hbm>> -> memref<10240x128xf32, #tpu.memory_space<hbm>>
        tpu.wait_indirect_dma semaphore(%arg15 : memref<!tpu.dma_semaphore, #tpu.memory_space<semaphore_mem>>) src(%dma_wait3A_528 : memref<10240x128xf32, #tpu.memory_space<hbm>>) dst(%arg12 : memref<128x128xf32, #tpu.memory_space<vmem>>)
        %add3A_529 = arith.constant 1 : i32
        %add3A_530 = arith.addi %mul3A_434, %add3A_529 : i32
        %get3A_531 = arith.index_cast %add3A_530 : i32 to index
        %get3A_532 = arith.constant 0 : index
        %get3A_533 = tpu.vector_load %arg9[%get3A_531, %get3A_532] {strides = array<i32>} : memref<40x128xi32, #tpu.memory_space<vmem>>, vector<1x16xi32>,
        %get3A_534 = vector.shape_cast %get3A_533 : vector<1x16xi32> to vector<16xi32>
        %swap3A_535 = arith.constant 0 : index
        %swap3A_536 = tpu.vector_load %arg10[%swap3A_535] {strides = array<i32>} : memref<128xi32, #tpu.memory_space<vmem>>, vector<16xi32>,
        %swap3A_537 = vector.shape_cast %swap3A_536 : vector<16xi32> to vector<16xi32>
        %swap3A_538 = vector.shape_cast %get3A_534 : vector<16xi32> to vector<16xi32>
        tpu.vector_store %arg10[%swap3A_535], %swap3A_538 {strides = array<i32>} : memref<128xi32, #tpu.memory_space<vmem>>, vector<16xi32>,
        %get3A_539 = arith.index_cast %add3A_530 : i32 to index
        %get3A_540 = arith.constant 16 : index
        %get3A_541 = tpu.vector_load %arg9[%get3A_539, %get3A_540] {strides = array<i32>} : memref<40x128xi32, #tpu.memory_space<vmem>>, vector<1x16xi32>,
        %get3A_542 = vector.shape_cast %get3A_541 : vector<1x16xi32> to vector<16xi32>
        %swap3A_543 = arith.constant 16 : index
        %swap3A_544 = tpu.vector_load %arg10[%swap3A_543] {strides = array<i32>} : memref<128xi32, #tpu.memory_space<vmem>>, vector<16xi32>,
        %swap3A_545 = vector.shape_cast %swap3A_544 : vector<16xi32> to vector<16xi32>
        %swap3A_546 = vector.shape_cast %get3A_542 : vector<16xi32> to vector<16xi32>
        tpu.vector_store %arg10[%swap3A_543], %swap3A_546 {strides = array<i32>} : memref<128xi32, #tpu.memory_space<vmem>>, vector<16xi32>,
        %get3A_547 = arith.index_cast %add3A_530 : i32 to index
        %get3A_548 = arith.constant 32 : index
        %get3A_549 = tpu.vector_load %arg9[%get3A_547, %get3A_548] {strides = array<i32>} : memref<40x128xi32, #tpu.memory_space<vmem>>, vector<1x16xi32>,
        %get3A_550 = vector.shape_cast %get3A_549 : vector<1x16xi32> to vector<16xi32>
        %swap3A_551 = arith.constant 32 : index
        %swap3A_552 = tpu.vector_load %arg10[%swap3A_551] {strides = array<i32>} : memref<128xi32, #tpu.memory_space<vmem>>, vector<16xi32>,
        %swap3A_553 = vector.shape_cast %swap3A_552 : vector<16xi32> to vector<16xi32>
        %swap3A_554 = vector.shape_cast %get3A_550 : vector<16xi32> to vector<16xi32>
        tpu.vector_store %arg10[%swap3A_551], %swap3A_554 {strides = array<i32>} : memref<128xi32, #tpu.memory_space<vmem>>, vector<16xi32>,
        %get3A_555 = arith.index_cast %add3A_530 : i32 to index
        %get3A_556 = arith.constant 48 : index
        %get3A_557 = tpu.vector_load %arg9[%get3A_555, %get3A_556] {strides = array<i32>} : memref<40x128xi32, #tpu.memory_space<vmem>>, vector<1x16xi32>,
        %get3A_558 = vector.shape_cast %get3A_557 : vector<1x16xi32> to vector<16xi32>
        %swap3A_559 = arith.constant 48 : index
        %swap3A_560 = tpu.vector_load %arg10[%swap3A_559] {strides = array<i32>} : memref<128xi32, #tpu.memory_space<vmem>>, vector<16xi32>,
        %swap3A_561 = vector.shape_cast %swap3A_560 : vector<16xi32> to vector<16xi32>
        %swap3A_562 = vector.shape_cast %get3A_558 : vector<16xi32> to vector<16xi32>
        tpu.vector_store %arg10[%swap3A_559], %swap3A_562 {strides = array<i32>} : memref<128xi32, #tpu.memory_space<vmem>>, vector<16xi32>,
        %get3A_563 = arith.index_cast %add3A_530 : i32 to index
        %get3A_564 = arith.constant 64 : index
        %get3A_565 = tpu.vector_load %arg9[%get3A_563, %get3A_564] {strides = array<i32>} : memref<40x128xi32, #tpu.memory_space<vmem>>, vector<1x16xi32>,
        %get3A_566 = vector.shape_cast %get3A_565 : vector<1x16xi32> to vector<16xi32>
        %swap3A_567 = arith.constant 64 : index
        %swap3A_568 = tpu.vector_load %arg10[%swap3A_567] {strides = array<i32>} : memref<128xi32, #tpu.memory_space<vmem>>, vector<16xi32>,
        %swap3A_569 = vector.shape_cast %swap3A_568 : vector<16xi32> to vector<16xi32>
        %swap3A_570 = vector.shape_cast %get3A_566 : vector<16xi32> to vector<16xi32>
        tpu.vector_store %arg10[%swap3A_567], %swap3A_570 {strides = array<i32>} : memref<128xi32, #tpu.memory_space<vmem>>, vector<16xi32>,
        %get3A_571 = arith.index_cast %add3A_530 : i32 to index
        %get3A_572 = arith.constant 80 : index
        %get3A_573 = tpu.vector_load %arg9[%get3A_571, %get3A_572] {strides = array<i32>} : memref<40x128xi32, #tpu.memory_space<vmem>>, vector<1x16xi32>,
        %get3A_574 = vector.shape_cast %get3A_573 : vector<1x16xi32> to vector<16xi32>
        %swap3A_575 = arith.constant 80 : index
        %swap3A_576 = tpu.vector_load %arg10[%swap3A_575] {strides = array<i32>} : memref<128xi32, #tpu.memory_space<vmem>>, vector<16xi32>,
        %swap3A_577 = vector.shape_cast %swap3A_576 : vector<16xi32> to vector<16xi32>
        %swap3A_578 = vector.shape_cast %get3A_574 : vector<16xi32> to vector<16xi32>
        tpu.vector_store %arg10[%swap3A_575], %swap3A_578 {strides = array<i32>} : memref<128xi32, #tpu.memory_space<vmem>>, vector<16xi32>,
        %get3A_579 = arith.index_cast %add3A_530 : i32 to index
        %get3A_580 = arith.constant 96 : index
        %get3A_581 = tpu.vector_load %arg9[%get3A_579, %get3A_580] {strides = array<i32>} : memref<40x128xi32, #tpu.memory_space<vmem>>, vector<1x16xi32>,
        %get3A_582 = vector.shape_cast %get3A_581 : vector<1x16xi32> to vector<16xi32>
        %swap3A_583 = arith.constant 96 : index
        %swap3A_584 = tpu.vector_load %arg10[%swap3A_583] {strides = array<i32>} : memref<128xi32, #tpu.memory_space<vmem>>, vector<16xi32>,
        %swap3A_585 = vector.shape_cast %swap3A_584 : vector<16xi32> to vector<16xi32>
        %swap3A_586 = vector.shape_cast %get3A_582 : vector<16xi32> to vector<16xi32>
        tpu.vector_store %arg10[%swap3A_583], %swap3A_586 {strides = array<i32>} : memref<128xi32, #tpu.memory_space<vmem>>, vector<16xi32>,
        %get3A_587 = arith.index_cast %add3A_530 : i32 to index
        %get3A_588 = arith.constant 112 : index
        %get3A_589 = tpu.vector_load %arg9[%get3A_587, %get3A_588] {strides = array<i32>} : memref<40x128xi32, #tpu.memory_space<vmem>>, vector<1x16xi32>,
        %get3A_590 = vector.shape_cast %get3A_589 : vector<1x16xi32> to vector<16xi32>
        %swap3A_591 = arith.constant 112 : index
        %swap3A_592 = tpu.vector_load %arg10[%swap3A_591] {strides = array<i32>} : memref<128xi32, #tpu.memory_space<vmem>>, vector<16xi32>,
        %swap3A_593 = vector.shape_cast %swap3A_592 : vector<16xi32> to vector<16xi32>
        %swap3A_594 = vector.shape_cast %get3A_590 : vector<16xi32> to vector<16xi32>
        tpu.vector_store %arg10[%swap3A_591], %swap3A_594 {strides = array<i32>} : memref<128xi32, #tpu.memory_space<vmem>>, vector<16xi32>,
        "tpu.region"() ({
          %run_scoped3A = tpu.sem_alloc : memref<!tpu.dma_semaphore, #tpu.memory_space<semaphore_mem>>
          %dma_start3A_595 = arith.constant 0 : i32
          %dma_start3A_596 = arith.constant 0 : i32
          %dma_start3A_597 = tpu.memref_slice %arg13[%dma_start3A_595, %dma_start3A_596] : memref<10240x128xf32, #tpu.memory_space<vmem_shared>> -> memref<10240x128xf32, #tpu.memory_space<vmem_shared>>
          tpu.enqueue_indirect_dma source(%arg12 : memref<128x128xf32, #tpu.memory_space<vmem>>) target(%dma_start3A_597 : memref<10240x128xf32, #tpu.memory_space<vmem_shared>>) offsets(%arg10 : memref<128xi32, #tpu.memory_space<vmem>>) semaphore(%run_scoped3A : memref<!tpu.dma_semaphore, #tpu.memory_space<semaphore_mem>>) {add = true}
          %dma_wait3A_598 = arith.constant 0 : i32
          %dma_wait3A_599 = arith.constant 0 : i32
          %dma_wait3A_600 = tpu.memref_slice %arg13[%dma_wait3A_598, %dma_wait3A_599] : memref<10240x128xf32, #tpu.memory_space<vmem_shared>> -> memref<10240x128xf32, #tpu.memory_space<vmem_shared>>
          tpu.wait_indirect_dma semaphore(%run_scoped3A : memref<!tpu.dma_semaphore, #tpu.memory_space<semaphore_mem>>) src(%arg12 : memref<128x128xf32, #tpu.memory_space<vmem>>) dst(%dma_wait3A_600 : memref<10240x128xf32, #tpu.memory_space<vmem_shared>>)
          tpu.yield
        }) : () -> ()
      }
      %scan3A_266 = arith.constant 19 : i32
      %dma_start3A_267 = arith.constant 39 : i32
      %dma_start3A_268 = arith.constant 0 : i32
      %dma_start3A_269 = tpu.memref_slice %arg8[%dma_start3A_267, %dma_start3A_268] : memref<40x128xi32, #tpu.memory_space<vmem>> -> memref<1x128xi32, #tpu.memory_space<vmem>>
      %dma_start3A_270 = tpu.memref_squeeze %dma_start3A_269 : memref<1x128xi32, #tpu.memory_space<vmem>> -> memref<128xi32, #tpu.memory_space<vmem>>
      %dma_start3A_271 = arith.constant 0 : i32
      %dma_start3A_272 = arith.constant 0 : i32
      %dma_start3A_273 = tpu.memref_slice %arg5[%dma_start3A_271, %dma_start3A_272] : memref<10240x128xf32, #tpu.memory_space<hbm>> -> memref<10240x128xf32, #tpu.memory_space<hbm>>
      tpu.enqueue_indirect_dma source(%dma_start3A_273 : memref<10240x128xf32, #tpu.memory_space<hbm>>) target(%arg12 : memref<128x128xf32, #tpu.memory_space<vmem>>) offsets(%dma_start3A_270 : memref<128xi32, #tpu.memory_space<vmem>>) semaphore(%arg15 : memref<!tpu.dma_semaphore, #tpu.memory_space<semaphore_mem>>)
      %dma_wait3A_274 = arith.constant 38 : i32
      %dma_wait3A_275 = arith.constant 0 : i32
      %dma_wait3A_276 = tpu.memref_slice %arg8[%dma_wait3A_274, %dma_wait3A_275] : memref<40x128xi32, #tpu.memory_space<vmem>> -> memref<1x128xi32, #tpu.memory_space<vmem>>
      %dma_wait3A_277 = tpu.memref_squeeze %dma_wait3A_276 : memref<1x128xi32, #tpu.memory_space<vmem>> -> memref<128xi32, #tpu.memory_space<vmem>>
      %dma_wait3A_278 = arith.constant 0 : i32
      %dma_wait3A_279 = arith.constant 0 : i32
      %dma_wait3A_280 = tpu.memref_slice %arg5[%dma_wait3A_278, %dma_wait3A_279] : memref<10240x128xf32, #tpu.memory_space<hbm>> -> memref<10240x128xf32, #tpu.memory_space<hbm>>
      tpu.wait_indirect_dma semaphore(%arg14 : memref<!tpu.dma_semaphore, #tpu.memory_space<semaphore_mem>>) src(%dma_wait3A_280 : memref<10240x128xf32, #tpu.memory_space<hbm>>) dst(%arg11 : memref<128x128xf32, #tpu.memory_space<vmem>>)
      %get3A_281 = arith.constant 38 : i32
      %get3A_282 = arith.index_cast %get3A_281 : i32 to index
      %get3A_283 = arith.constant 0 : index
      %get3A_284 = tpu.vector_load %arg9[%get3A_282, %get3A_283] {strides = array<i32>} : memref<40x128xi32, #tpu.memory_space<vmem>>, vector<1x16xi32>,
      %get3A_285 = vector.shape_cast %get3A_284 : vector<1x16xi32> to vector<16xi32>
      %swap3A_286 = arith.constant 0 : index
      %swap3A_287 = tpu.vector_load %arg10[%swap3A_286] {strides = array<i32>} : memref<128xi32, #tpu.memory_space<vmem>>, vector<16xi32>,
      %swap3A_288 = vector.shape_cast %swap3A_287 : vector<16xi32> to vector<16xi32>
      %swap3A_289 = vector.shape_cast %get3A_285 : vector<16xi32> to vector<16xi32>
      tpu.vector_store %arg10[%swap3A_286], %swap3A_289 {strides = array<i32>} : memref<128xi32, #tpu.memory_space<vmem>>, vector<16xi32>,
      %get3A_290 = arith.constant 38 : i32
      %get3A_291 = arith.index_cast %get3A_290 : i32 to index
      %get3A_292 = arith.constant 16 : index
      %get3A_293 = tpu.vector_load %arg9[%get3A_291, %get3A_292] {strides = array<i32>} : memref<40x128xi32, #tpu.memory_space<vmem>>, vector<1x16xi32>,
      %get3A_294 = vector.shape_cast %get3A_293 : vector<1x16xi32> to vector<16xi32>
      %swap3A_295 = arith.constant 16 : index
      %swap3A_296 = tpu.vector_load %arg10[%swap3A_295] {strides = array<i32>} : memref<128xi32, #tpu.memory_space<vmem>>, vector<16xi32>,
      %swap3A_297 = vector.shape_cast %swap3A_296 : vector<16xi32> to vector<16xi32>
      %swap3A_298 = vector.shape_cast %get3A_294 : vector<16xi32> to vector<16xi32>
      tpu.vector_store %arg10[%swap3A_295], %swap3A_298 {strides = array<i32>} : memref<128xi32, #tpu.memory_space<vmem>>, vector<16xi32>,
      %get3A_299 = arith.constant 38 : i32
      %get3A_300 = arith.index_cast %get3A_299 : i32 to index
      %get3A_301 = arith.constant 32 : index
      %get3A_302 = tpu.vector_load %arg9[%get3A_300, %get3A_301] {strides = array<i32>} : memref<40x128xi32, #tpu.memory_space<vmem>>, vector<1x16xi32>,
      %get3A_303 = vector.shape_cast %get3A_302 : vector<1x16xi32> to vector<16xi32>
      %swap3A_304 = arith.constant 32 : index
      %swap3A_305 = tpu.vector_load %arg10[%swap3A_304] {strides = array<i32>} : memref<128xi32, #tpu.memory_space<vmem>>, vector<16xi32>,
      %swap3A_306 = vector.shape_cast %swap3A_305 : vector<16xi32> to vector<16xi32>
      %swap3A_307 = vector.shape_cast %get3A_303 : vector<16xi32> to vector<16xi32>
      tpu.vector_store %arg10[%swap3A_304], %swap3A_307 {strides = array<i32>} : memref<128xi32, #tpu.memory_space<vmem>>, vector<16xi32>,
      %get3A_308 = arith.constant 38 : i32
      %get3A_309 = arith.index_cast %get3A_308 : i32 to index
      %get3A_310 = arith.constant 48 : index
      %get3A_311 = tpu.vector_load %arg9[%get3A_309, %get3A_310] {strides = array<i32>} : memref<40x128xi32, #tpu.memory_space<vmem>>, vector<1x16xi32>,
      %get3A_312 = vector.shape_cast %get3A_311 : vector<1x16xi32> to vector<16xi32>
      %swap3A_313 = arith.constant 48 : index
      %swap3A_314 = tpu.vector_load %arg10[%swap3A_313] {strides = array<i32>} : memref<128xi32, #tpu.memory_space<vmem>>, vector<16xi32>,
      %swap3A_315 = vector.shape_cast %swap3A_314 : vector<16xi32> to vector<16xi32>
      %swap3A_316 = vector.shape_cast %get3A_312 : vector<16xi32> to vector<16xi32>
      tpu.vector_store %arg10[%swap3A_313], %swap3A_316 {strides = array<i32>} : memref<128xi32, #tpu.memory_space<vmem>>, vector<16xi32>,
      %get3A_317 = arith.constant 38 : i32
      %get3A_318 = arith.index_cast %get3A_317 : i32 to index
      %get3A_319 = arith.constant 64 : index
      %get3A_320 = tpu.vector_load %arg9[%get3A_318, %get3A_319] {strides = array<i32>} : memref<40x128xi32, #tpu.memory_space<vmem>>, vector<1x16xi32>,
      %get3A_321 = vector.shape_cast %get3A_320 : vector<1x16xi32> to vector<16xi32>
      %swap3A_322 = arith.constant 64 : index
      %swap3A_323 = tpu.vector_load %arg10[%swap3A_322] {strides = array<i32>} : memref<128xi32, #tpu.memory_space<vmem>>, vector<16xi32>,
      %swap3A_324 = vector.shape_cast %swap3A_323 : vector<16xi32> to vector<16xi32>
      %swap3A_325 = vector.shape_cast %get3A_321 : vector<16xi32> to vector<16xi32>
      tpu.vector_store %arg10[%swap3A_322], %swap3A_325 {strides = array<i32>} : memref<128xi32, #tpu.memory_space<vmem>>, vector<16xi32>,
      %get3A_326 = arith.constant 38 : i32
      %get3A_327 = arith.index_cast %get3A_326 : i32 to index
      %get3A_328 = arith.constant 80 : index
      %get3A_329 = tpu.vector_load %arg9[%get3A_327, %get3A_328] {strides = array<i32>} : memref<40x128xi32, #tpu.memory_space<vmem>>, vector<1x16xi32>,
      %get3A_330 = vector.shape_cast %get3A_329 : vector<1x16xi32> to vector<16xi32>
      %swap3A_331 = arith.constant 80 : index
      %swap3A_332 = tpu.vector_load %arg10[%swap3A_331] {strides = array<i32>} : memref<128xi32, #tpu.memory_space<vmem>>, vector<16xi32>,
      %swap3A_333 = vector.shape_cast %swap3A_332 : vector<16xi32> to vector<16xi32>
      %swap3A_334 = vector.shape_cast %get3A_330 : vector<16xi32> to vector<16xi32>
      tpu.vector_store %arg10[%swap3A_331], %swap3A_334 {strides = array<i32>} : memref<128xi32, #tpu.memory_space<vmem>>, vector<16xi32>,
      %get3A_335 = arith.constant 38 : i32
      %get3A_336 = arith.index_cast %get3A_335 : i32 to index
      %get3A_337 = arith.constant 96 : index
      %get3A_338 = tpu.vector_load %arg9[%get3A_336, %get3A_337] {strides = array<i32>} : memref<40x128xi32, #tpu.memory_space<vmem>>, vector<1x16xi32>,
      %get3A_339 = vector.shape_cast %get3A_338 : vector<1x16xi32> to vector<16xi32>
      %swap3A_340 = arith.constant 96 : index
      %swap3A_341 = tpu.vector_load %arg10[%swap3A_340] {strides = array<i32>} : memref<128xi32, #tpu.memory_space<vmem>>, vector<16xi32>,
      %swap3A_342 = vector.shape_cast %swap3A_341 : vector<16xi32> to vector<16xi32>
      %swap3A_343 = vector.shape_cast %get3A_339 : vector<16xi32> to vector<16xi32>
      tpu.vector_store %arg10[%swap3A_340], %swap3A_343 {strides = array<i32>} : memref<128xi32, #tpu.memory_space<vmem>>, vector<16xi32>,
      %get3A_344 = arith.constant 38 : i32
      %get3A_345 = arith.index_cast %get3A_344 : i32 to index
      %get3A_346 = arith.constant 112 : index
      %get3A_347 = tpu.vector_load %arg9[%get3A_345, %get3A_346] {strides = array<i32>} : memref<40x128xi32, #tpu.memory_space<vmem>>, vector<1x16xi32>,
      %get3A_348 = vector.shape_cast %get3A_347 : vector<1x16xi32> to vector<16xi32>
      %swap3A_349 = arith.constant 112 : index
      %swap3A_350 = tpu.vector_load %arg10[%swap3A_349] {strides = array<i32>} : memref<128xi32, #tpu.memory_space<vmem>>, vector<16xi32>,
      %swap3A_351 = vector.shape_cast %swap3A_350 : vector<16xi32> to vector<16xi32>
      %swap3A_352 = vector.shape_cast %get3A_348 : vector<16xi32> to vector<16xi32>
      tpu.vector_store %arg10[%swap3A_349], %swap3A_352 {strides = array<i32>} : memref<128xi32, #tpu.memory_space<vmem>>, vector<16xi32>,
      "tpu.region"() ({
        %run_scoped3A = tpu.sem_alloc : memref<!tpu.dma_semaphore, #tpu.memory_space<semaphore_mem>>
        %dma_start3A_432 = arith.constant 0 : i32
        %dma_start3A_433 = arith.constant 0 : i32
        %dma_start3A_434 = tpu.memref_slice %arg13[%dma_start3A_432, %dma_start3A_433] : memref<10240x128xf32, #tpu.memory_space<vmem_shared>> -> memref<10240x128xf32, #tpu.memory_space<vmem_shared>>
        tpu.enqueue_indirect_dma source(%arg11 : memref<128x128xf32, #tpu.memory_space<vmem>>) target(%dma_start3A_434 : memref<10240x128xf32, #tpu.memory_space<vmem_shared>>) offsets(%arg10 : memref<128xi32, #tpu.memory_space<vmem>>) semaphore(%run_scoped3A : memref<!tpu.dma_semaphore, #tpu.memory_space<semaphore_mem>>) {add = true}
        %dma_wait3A_435 = arith.constant 0 : i32
        %dma_wait3A_436 = arith.constant 0 : i32
        %dma_wait3A_437 = tpu.memref_slice %arg13[%dma_wait3A_435, %dma_wait3A_436] : memref<10240x128xf32, #tpu.memory_space<vmem_shared>> -> memref<10240x128xf32, #tpu.memory_space<vmem_shared>>
        tpu.wait_indirect_dma semaphore(%run_scoped3A : memref<!tpu.dma_semaphore, #tpu.memory_space<semaphore_mem>>) src(%arg11 : memref<128x128xf32, #tpu.memory_space<vmem>>) dst(%dma_wait3A_437 : memref<10240x128xf32, #tpu.memory_space<vmem_shared>>)
        tpu.yield
      }) : () -> ()
      %dma_wait3A_353 = arith.constant 39 : i32
      %dma_wait3A_354 = arith.constant 0 : i32
      %dma_wait3A_355 = tpu.memref_slice %arg8[%dma_wait3A_353, %dma_wait3A_354] : memref<40x128xi32, #tpu.memory_space<vmem>> -> memref<1x128xi32, #tpu.memory_space<vmem>>
      %dma_wait3A_356 = tpu.memref_squeeze %dma_wait3A_355 : memref<1x128xi32, #tpu.memory_space<vmem>> -> memref<128xi32, #tpu.memory_space<vmem>>
      %dma_wait3A_357 = arith.constant 0 : i32
      %dma_wait3A_358 = arith.constant 0 : i32
      %dma_wait3A_359 = tpu.memref_slice %arg5[%dma_wait3A_357, %dma_wait3A_358] : memref<10240x128xf32, #tpu.memory_space<hbm>> -> memref<10240x128xf32, #tpu.memory_space<hbm>>
      tpu.wait_indirect_dma semaphore(%arg15 : memref<!tpu.dma_semaphore, #tpu.memory_space<semaphore_mem>>) src(%dma_wait3A_359 : memref<10240x128xf32, #tpu.memory_space<hbm>>) dst(%arg12 : memref<128x128xf32, #tpu.memory_space<vmem>>)
      %get3A_360 = arith.constant 39 : i32
      %get3A_361 = arith.index_cast %get3A_360 : i32 to index
      %get3A_362 = arith.constant 0 : index
      %get3A_363 = tpu.vector_load %arg9[%get3A_361, %get3A_362] {strides = array<i32>} : memref<40x128xi32, #tpu.memory_space<vmem>>, vector<1x16xi32>,
      %get3A_364 = vector.shape_cast %get3A_363 : vector<1x16xi32> to vector<16xi32>
      %swap3A_365 = arith.constant 0 : index
      %swap3A_366 = tpu.vector_load %arg10[%swap3A_365] {strides = array<i32>} : memref<128xi32, #tpu.memory_space<vmem>>, vector<16xi32>,
      %swap3A_367 = vector.shape_cast %swap3A_366 : vector<16xi32> to vector<16xi32>
      %swap3A_368 = vector.shape_cast %get3A_364 : vector<16xi32> to vector<16xi32>
      tpu.vector_store %arg10[%swap3A_365], %swap3A_368 {strides = array<i32>} : memref<128xi32, #tpu.memory_space<vmem>>, vector<16xi32>,
      %get3A_369 = arith.constant 39 : i32
      %get3A_370 = arith.index_cast %get3A_369 : i32 to index
      %get3A_371 = arith.constant 16 : index
      %get3A_372 = tpu.vector_load %arg9[%get3A_370, %get3A_371] {strides = array<i32>} : memref<40x128xi32, #tpu.memory_space<vmem>>, vector<1x16xi32>,
      %get3A_373 = vector.shape_cast %get3A_372 : vector<1x16xi32> to vector<16xi32>
      %swap3A_374 = arith.constant 16 : index
      %swap3A_375 = tpu.vector_load %arg10[%swap3A_374] {strides = array<i32>} : memref<128xi32, #tpu.memory_space<vmem>>, vector<16xi32>,
      %swap3A_376 = vector.shape_cast %swap3A_375 : vector<16xi32> to vector<16xi32>
      %swap3A_377 = vector.shape_cast %get3A_373 : vector<16xi32> to vector<16xi32>
      tpu.vector_store %arg10[%swap3A_374], %swap3A_377 {strides = array<i32>} : memref<128xi32, #tpu.memory_space<vmem>>, vector<16xi32>,
      %get3A_378 = arith.constant 39 : i32
      %get3A_379 = arith.index_cast %get3A_378 : i32 to index
      %get3A_380 = arith.constant 32 : index
      %get3A_381 = tpu.vector_load %arg9[%get3A_379, %get3A_380] {strides = array<i32>} : memref<40x128xi32, #tpu.memory_space<vmem>>, vector<1x16xi32>,
      %get3A_382 = vector.shape_cast %get3A_381 : vector<1x16xi32> to vector<16xi32>
      %swap3A_383 = arith.constant 32 : index
      %swap3A_384 = tpu.vector_load %arg10[%swap3A_383] {strides = array<i32>} : memref<128xi32, #tpu.memory_space<vmem>>, vector<16xi32>,
      %swap3A_385 = vector.shape_cast %swap3A_384 : vector<16xi32> to vector<16xi32>
      %swap3A_386 = vector.shape_cast %get3A_382 : vector<16xi32> to vector<16xi32>
      tpu.vector_store %arg10[%swap3A_383], %swap3A_386 {strides = array<i32>} : memref<128xi32, #tpu.memory_space<vmem>>, vector<16xi32>,
      %get3A_387 = arith.constant 39 : i32
      %get3A_388 = arith.index_cast %get3A_387 : i32 to index
      %get3A_389 = arith.constant 48 : index
      %get3A_390 = tpu.vector_load %arg9[%get3A_388, %get3A_389] {strides = array<i32>} : memref<40x128xi32, #tpu.memory_space<vmem>>, vector<1x16xi32>,
      %get3A_391 = vector.shape_cast %get3A_390 : vector<1x16xi32> to vector<16xi32>
      %swap3A_392 = arith.constant 48 : index
      %swap3A_393 = tpu.vector_load %arg10[%swap3A_392] {strides = array<i32>} : memref<128xi32, #tpu.memory_space<vmem>>, vector<16xi32>,
      %swap3A_394 = vector.shape_cast %swap3A_393 : vector<16xi32> to vector<16xi32>
      %swap3A_395 = vector.shape_cast %get3A_391 : vector<16xi32> to vector<16xi32>
      tpu.vector_store %arg10[%swap3A_392], %swap3A_395 {strides = array<i32>} : memref<128xi32, #tpu.memory_space<vmem>>, vector<16xi32>,
      %get3A_396 = arith.constant 39 : i32
      %get3A_397 = arith.index_cast %get3A_396 : i32 to index
      %get3A_398 = arith.constant 64 : index
      %get3A_399 = tpu.vector_load %arg9[%get3A_397, %get3A_398] {strides = array<i32>} : memref<40x128xi32, #tpu.memory_space<vmem>>, vector<1x16xi32>,
      %get3A_400 = vector.shape_cast %get3A_399 : vector<1x16xi32> to vector<16xi32>
      %swap3A_401 = arith.constant 64 : index
      %swap3A_402 = tpu.vector_load %arg10[%swap3A_401] {strides = array<i32>} : memref<128xi32, #tpu.memory_space<vmem>>, vector<16xi32>,
      %swap3A_403 = vector.shape_cast %swap3A_402 : vector<16xi32> to vector<16xi32>
      %swap3A_404 = vector.shape_cast %get3A_400 : vector<16xi32> to vector<16xi32>
      tpu.vector_store %arg10[%swap3A_401], %swap3A_404 {strides = array<i32>} : memref<128xi32, #tpu.memory_space<vmem>>, vector<16xi32>,
      %get3A_405 = arith.constant 39 : i32
      %get3A_406 = arith.index_cast %get3A_405 : i32 to index
      %get3A_407 = arith.constant 80 : index
      %get3A_408 = tpu.vector_load %arg9[%get3A_406, %get3A_407] {strides = array<i32>} : memref<40x128xi32, #tpu.memory_space<vmem>>, vector<1x16xi32>,
      %get3A_409 = vector.shape_cast %get3A_408 : vector<1x16xi32> to vector<16xi32>
      %swap3A_410 = arith.constant 80 : index
      %swap3A_411 = tpu.vector_load %arg10[%swap3A_410] {strides = array<i32>} : memref<128xi32, #tpu.memory_space<vmem>>, vector<16xi32>,
      %swap3A_412 = vector.shape_cast %swap3A_411 : vector<16xi32> to vector<16xi32>
      %swap3A_413 = vector.shape_cast %get3A_409 : vector<16xi32> to vector<16xi32>
      tpu.vector_store %arg10[%swap3A_410], %swap3A_413 {strides = array<i32>} : memref<128xi32, #tpu.memory_space<vmem>>, vector<16xi32>,
      %get3A_414 = arith.constant 39 : i32
      %get3A_415 = arith.index_cast %get3A_414 : i32 to index
      %get3A_416 = arith.constant 96 : index
      %get3A_417 = tpu.vector_load %arg9[%get3A_415, %get3A_416] {strides = array<i32>} : memref<40x128xi32, #tpu.memory_space<vmem>>, vector<1x16xi32>,
      %get3A_418 = vector.shape_cast %get3A_417 : vector<1x16xi32> to vector<16xi32>
      %swap3A_419 = arith.constant 96 : index
      %swap3A_420 = tpu.vector_load %arg10[%swap3A_419] {strides = array<i32>} : memref<128xi32, #tpu.memory_space<vmem>>, vector<16xi32>,
      %swap3A_421 = vector.shape_cast %swap3A_420 : vector<16xi32> to vector<16xi32>
      %swap3A_422 = vector.shape_cast %get3A_418 : vector<16xi32> to vector<16xi32>
      tpu.vector_store %arg10[%swap3A_419], %swap3A_422 {strides = array<i32>} : memref<128xi32, #tpu.memory_space<vmem>>, vector<16xi32>,
      %get3A_423 = arith.constant 39 : i32
      %get3A_424 = arith.index_cast %get3A_423 : i32 to index
      %get3A_425 = arith.constant 112 : index
      %get3A_426 = tpu.vector_load %arg9[%get3A_424, %get3A_425] {strides = array<i32>} : memref<40x128xi32, #tpu.memory_space<vmem>>, vector<1x16xi32>,
      %get3A_427 = vector.shape_cast %get3A_426 : vector<1x16xi32> to vector<16xi32>
      %swap3A_428 = arith.constant 112 : index
      %swap3A_429 = tpu.vector_load %arg10[%swap3A_428] {strides = array<i32>} : memref<128xi32, #tpu.memory_space<vmem>>, vector<16xi32>,
      %swap3A_430 = vector.shape_cast %swap3A_429 : vector<16xi32> to vector<16xi32>
      %swap3A_431 = vector.shape_cast %get3A_427 : vector<16xi32> to vector<16xi32>
      tpu.vector_store %arg10[%swap3A_428], %swap3A_431 {strides = array<i32>} : memref<128xi32, #tpu.memory_space<vmem>>, vector<16xi32>,
      "tpu.region"() ({
        %run_scoped3A = tpu.sem_alloc : memref<!tpu.dma_semaphore, #tpu.memory_space<semaphore_mem>>
        %dma_start3A_432 = arith.constant 0 : i32
        %dma_start3A_433 = arith.constant 0 : i32
        %dma_start3A_434 = tpu.memref_slice %arg13[%dma_start3A_432, %dma_start3A_433] : memref<10240x128xf32, #tpu.memory_space<vmem_shared>> -> memref<10240x128xf32, #tpu.memory_space<vmem_shared>>
        tpu.enqueue_indirect_dma source(%arg12 : memref<128x128xf32, #tpu.memory_space<vmem>>) target(%dma_start3A_434 : memref<10240x128xf32, #tpu.memory_space<vmem_shared>>) offsets(%arg10 : memref<128xi32, #tpu.memory_space<vmem>>) semaphore(%run_scoped3A : memref<!tpu.dma_semaphore, #tpu.memory_space<semaphore_mem>>) {add = true}
        %dma_wait3A_435 = arith.constant 0 : i32
        %dma_wait3A_436 = arith.constant 0 : i32
        %dma_wait3A_437 = tpu.memref_slice %arg13[%dma_wait3A_435, %dma_wait3A_436] : memref<10240x128xf32, #tpu.memory_space<vmem_shared>> -> memref<10240x128xf32, #tpu.memory_space<vmem_shared>>
        tpu.wait_indirect_dma semaphore(%run_scoped3A : memref<!tpu.dma_semaphore, #tpu.memory_space<semaphore_mem>>) src(%arg12 : memref<128x128xf32, #tpu.memory_space<vmem>>) dst(%dma_wait3A_437 : memref<10240x128xf32, #tpu.memory_space<vmem_shared>>)
        tpu.yield
      }) : () -> ()
    } else {
    }
    %barrier3A_63 = arith.constant 0 : index
    tpu.barrier barrier_id(%barrier3A_63)
    %eq3A_64 = arith.constant 0 : i32
    %eq3A_65 = arith.cmpi eq, %arg0, %eq3A_64 : i32
    %convert_element_type3A_66 = arith.extui %eq3A_65 : i1 to i32
    %cond3A_67 = arith.constant 0 : i32
    %cond3A_68 = arith.cmpi ne, %convert_element_type3A_66, %cond3A_67 : i32
    scf.if %cond3A_68 {
      "tpu.region"() ({
        %run_scoped3A = tpu.sem_alloc : memref<!tpu.dma_semaphore, #tpu.memory_space<semaphore_mem>>
        %dma_start3A_74 = arith.constant 0 : i32
        %dma_start3A_75 = tpu.memref_slice %arg6[%mul3A_6, %dma_start3A_74] : memref<10240x128xf32, #tpu.memory_space<hbm>> -> memref<640x128xf32, #tpu.memory_space<hbm>>
        %dma_start3A_76 = arith.constant 0 : i32
        %dma_start3A_77 = tpu.memref_slice %arg13[%mul3A_6, %dma_start3A_76] : memref<10240x128xf32, #tpu.memory_space<vmem_shared>> -> memref<640x128xf32, #tpu.memory_space<vmem_shared>>
        tpu.enqueue_dma source(%dma_start3A_77 : memref<640x128xf32, #tpu.memory_space<vmem_shared>>) target(%dma_start3A_75 : memref<640x128xf32, #tpu.memory_space<hbm>>) target_semaphore(%run_scoped3A : memref<!tpu.dma_semaphore, #tpu.memory_space<semaphore_mem>>)
        %dma_wait3A_78 = arith.constant 0 : i32
        %dma_wait3A_79 = tpu.memref_slice %arg6[%mul3A_6, %dma_wait3A_78] : memref<10240x128xf32, #tpu.memory_space<hbm>> -> memref<640x128xf32, #tpu.memory_space<hbm>>
        %dma_wait3A_80 = arith.constant 0 : i32
        %dma_wait3A_81 = tpu.memref_slice %arg13[%mul3A_6, %dma_wait3A_80] : memref<10240x128xf32, #tpu.memory_space<vmem_shared>> -> memref<640x128xf32, #tpu.memory_space<vmem_shared>>
        tpu.wait_dma2 semaphore(%run_scoped3A : memref<!tpu.dma_semaphore, #tpu.memory_space<semaphore_mem>>) src(%dma_wait3A_81 : memref<640x128xf32, #tpu.memory_space<vmem_shared>>) dst(%dma_wait3A_79 : memref<640x128xf32, #tpu.memory_space<hbm>>)
        tpu.yield
      }) : () -> ()
    } else {
    }
    %eq3A_69 = arith.constant 1 : i32
    %eq3A_70 = arith.cmpi eq, %arg0, %eq3A_69 : i32
    %convert_element_type3A_71 = arith.extui %eq3A_70 : i1 to i32
    %cond3A_72 = arith.constant 0 : i32
    %cond3A_73 = arith.cmpi ne, %convert_element_type3A_71, %cond3A_72 : i32
    scf.if %cond3A_73 {
      "tpu.region"() ({
        %run_scoped3A = tpu.sem_alloc : memref<!tpu.dma_semaphore, #tpu.memory_space<semaphore_mem>>
        %dma_start3A_74 = arith.constant 0 : i32
        %dma_start3A_75 = tpu.memref_slice %arg7[%mul3A_6, %dma_start3A_74] : memref<10240x128xf32, #tpu.memory_space<hbm>> -> memref<640x128xf32, #tpu.memory_space<hbm>>
        %dma_start3A_76 = arith.constant 0 : i32
        %dma_start3A_77 = tpu.memref_slice %arg13[%mul3A_6, %dma_start3A_76] : memref<10240x128xf32, #tpu.memory_space<vmem_shared>> -> memref<640x128xf32, #tpu.memory_space<vmem_shared>>
        tpu.enqueue_dma source(%dma_start3A_77 : memref<640x128xf32, #tpu.memory_space<vmem_shared>>) target(%dma_start3A_75 : memref<640x128xf32, #tpu.memory_space<hbm>>) target_semaphore(%run_scoped3A : memref<!tpu.dma_semaphore, #tpu.memory_space<semaphore_mem>>)
        %dma_wait3A_78 = arith.constant 0 : i32
        %dma_wait3A_79 = tpu.memref_slice %arg7[%mul3A_6, %dma_wait3A_78] : memref<10240x128xf32, #tpu.memory_space<hbm>> -> memref<640x128xf32, #tpu.memory_space<hbm>>
        %dma_wait3A_80 = arith.constant 0 : i32
        %dma_wait3A_81 = tpu.memref_slice %arg13[%mul3A_6, %dma_wait3A_80] : memref<10240x128xf32, #tpu.memory_space<vmem_shared>> -> memref<640x128xf32, #tpu.memory_space<vmem_shared>>
        tpu.wait_dma2 semaphore(%run_scoped3A : memref<!tpu.dma_semaphore, #tpu.memory_space<semaphore_mem>>) src(%dma_wait3A_81 : memref<640x128xf32, #tpu.memory_space<vmem_shared>>) dst(%dma_wait3A_79 : memref<640x128xf32, #tpu.memory_space<hbm>>)
        tpu.yield
      }) : () -> ()
    } else {
    }
    return
  }
}

#map = affine_map<(d0, d1) -> (0, 0)>
module attributes {stable_mosaic.version = 14 : i64} {
  func.func @_prop_l2(%arg0: i32, %arg1: i32, %arg2: memref<1280x128xi32, #tpu.memory_space<hbm>>, %arg3: memref<1280x128xi32, #tpu.memory_space<hbm>>, %arg4: memref<10240x128xf32, #tpu.memory_space<hbm>>, %arg5: memref<10240x128xf32, #tpu.memory_space<hbm>>, %arg6: memref<10240x128xf32, #tpu.memory_space<hbm>>, %arg7: memref<40x128xi32, #tpu.memory_space<vmem>>, %arg8: memref<40x128xi32, #tpu.memory_space<vmem>>, %arg9: memref<128xi32, #tpu.memory_space<vmem>>, %arg10: memref<128x128xf32, #tpu.memory_space<vmem>>, %arg11: memref<128x128xf32, #tpu.memory_space<vmem>>, %arg12: memref<10240x128xf32, #tpu.memory_space<vmem_shared>>, %arg13: memref<!tpu.dma_semaphore, #tpu.memory_space<semaphore_mem>>, %arg14: memref<!tpu.dma_semaphore, #tpu.memory_space<semaphore_mem>>) attributes {dimension_semantics = [#tpu.dimension_semantics<core_parallel>, #tpu.dimension_semantics<subcore_parallel>], iteration_bounds = array<i64: 2, 16>, scalar_prefetch = 0 : i64, scratch_operands = 8 : i64, tpu.core_type = #tpu.core_type<sc_vector_subcore>, window_params = [{transform_indices = #map}, {transform_indices = #map}, {transform_indices = #map}, {transform_indices = #map}, {transform_indices = #map}]} {
    %broadcast_in_dim3A = arith.constant 0.000000e+00 : f32
    %broadcast_in_dim3A_0 = vector.broadcast %broadcast_in_dim3A : f32 to vector<16xf32>
    %scan3A = arith.constant 0 : i32
    %scan3A_1 = arith.constant 0 : i32
    %scan3A_2 = arith.constant 128 : i32
    %scan3A_3 = arith.addi %scan3A_1, %scan3A_2 : i32
    %scan3A_4 = arith.constant 1 : i32
    scf.for %scan3A_245 = %scan3A_1 to %scan3A_3 step %scan3A_4  : i32 {
      %scan3A_246 = arith.constant 0 : i32
      %scan3A_247 = arith.constant 8 : i32
      %scan3A_248 = arith.addi %scan3A_246, %scan3A_247 : i32
      %scan3A_249 = arith.constant 1 : i32
      scf.for %scan3A_251 = %scan3A_246 to %scan3A_248 step %scan3A_249  : i32 {
        %mul3A_252 = arith.constant 16 : i32
        %mul3A_253 = arith.muli %scan3A_251, %mul3A_252 : i32
        %swap3A_254 = arith.index_cast %scan3A_245 : i32 to index
        %swap3A_255 = arith.index_cast %mul3A_253 : i32 to index
        %swap3A_256 = tpu.vector_load %arg10[%swap3A_254, %swap3A_255] {strides = array<i32>} : memref<128x128xf32, #tpu.memory_space<vmem>>, vector<1x16xf32>,
        %swap3A_257 = vector.shape_cast %swap3A_256 : vector<1x16xf32> to vector<16xf32>
        %swap3A_258 = vector.shape_cast %broadcast_in_dim3A_0 : vector<16xf32> to vector<1x16xf32>
        tpu.vector_store %arg10[%swap3A_254, %swap3A_255], %swap3A_258 {strides = array<i32>} : memref<128x128xf32, #tpu.memory_space<vmem>>, vector<1x16xf32>,
      }
      %scan3A_250 = arith.constant 8 : i32
    }
    %scan3A_5 = arith.constant 128 : i32
    %mul3A = arith.constant 16 : i32
    %mul3A_6 = arith.muli %arg0, %mul3A : i32
    %add3A = arith.addi %mul3A_6, %arg1 : i32
    %mul3A_7 = arith.constant 640 : i32
    %mul3A_8 = arith.muli %arg1, %mul3A_7 : i32
    %add3A_9 = arith.constant 0 : i32
    %add3A_10 = arith.addi %mul3A_8, %add3A_9 : i32
    %dma_start3A = arith.constant 0 : i32
    %dma_start3A_11 = tpu.memref_slice %arg12[%add3A_10, %dma_start3A] : memref<10240x128xf32, #tpu.memory_space<vmem_shared>> -> memref<128x128xf32, #tpu.memory_space<vmem_shared>>
    %dma_start3A_12 = arith.constant 0 : i32
    %dma_start3A_13 = tpu.memref_slice %arg12[%add3A_10, %dma_start3A_12] : memref<10240x128xf32, #tpu.memory_space<vmem_shared>> -> memref<128x128xf32, #tpu.memory_space<vmem_shared>>
    tpu.enqueue_dma source(%arg10 : memref<128x128xf32, #tpu.memory_space<vmem>>) target(%dma_start3A_13 : memref<128x128xf32, #tpu.memory_space<vmem_shared>>) target_semaphore(%arg14 : memref<!tpu.dma_semaphore, #tpu.memory_space<semaphore_mem>>)
    %add3A_14 = arith.constant 128 : i32
    %add3A_15 = arith.addi %mul3A_8, %add3A_14 : i32
    %dma_start3A_16 = arith.constant 0 : i32
    %dma_start3A_17 = tpu.memref_slice %arg12[%add3A_15, %dma_start3A_16] : memref<10240x128xf32, #tpu.memory_space<vmem_shared>> -> memref<128x128xf32, #tpu.memory_space<vmem_shared>>
    %dma_start3A_18 = arith.constant 0 : i32
    %dma_start3A_19 = tpu.memref_slice %arg12[%add3A_15, %dma_start3A_18] : memref<10240x128xf32, #tpu.memory_space<vmem_shared>> -> memref<128x128xf32, #tpu.memory_space<vmem_shared>>
    tpu.enqueue_dma source(%arg10 : memref<128x128xf32, #tpu.memory_space<vmem>>) target(%dma_start3A_19 : memref<128x128xf32, #tpu.memory_space<vmem_shared>>) target_semaphore(%arg14 : memref<!tpu.dma_semaphore, #tpu.memory_space<semaphore_mem>>)
    %add3A_20 = arith.constant 256 : i32
    %add3A_21 = arith.addi %mul3A_8, %add3A_20 : i32
    %dma_start3A_22 = arith.constant 0 : i32
    %dma_start3A_23 = tpu.memref_slice %arg12[%add3A_21, %dma_start3A_22] : memref<10240x128xf32, #tpu.memory_space<vmem_shared>> -> memref<128x128xf32, #tpu.memory_space<vmem_shared>>
    %dma_start3A_24 = arith.constant 0 : i32
    %dma_start3A_25 = tpu.memref_slice %arg12[%add3A_21, %dma_start3A_24] : memref<10240x128xf32, #tpu.memory_space<vmem_shared>> -> memref<128x128xf32, #tpu.memory_space<vmem_shared>>
    tpu.enqueue_dma source(%arg10 : memref<128x128xf32, #tpu.memory_space<vmem>>) target(%dma_start3A_25 : memref<128x128xf32, #tpu.memory_space<vmem_shared>>) target_semaphore(%arg14 : memref<!tpu.dma_semaphore, #tpu.memory_space<semaphore_mem>>)
    %add3A_26 = arith.constant 384 : i32
    %add3A_27 = arith.addi %mul3A_8, %add3A_26 : i32
    %dma_start3A_28 = arith.constant 0 : i32
    %dma_start3A_29 = tpu.memref_slice %arg12[%add3A_27, %dma_start3A_28] : memref<10240x128xf32, #tpu.memory_space<vmem_shared>> -> memref<128x128xf32, #tpu.memory_space<vmem_shared>>
    %dma_start3A_30 = arith.constant 0 : i32
    %dma_start3A_31 = tpu.memref_slice %arg12[%add3A_27, %dma_start3A_30] : memref<10240x128xf32, #tpu.memory_space<vmem_shared>> -> memref<128x128xf32, #tpu.memory_space<vmem_shared>>
    tpu.enqueue_dma source(%arg10 : memref<128x128xf32, #tpu.memory_space<vmem>>) target(%dma_start3A_31 : memref<128x128xf32, #tpu.memory_space<vmem_shared>>) target_semaphore(%arg14 : memref<!tpu.dma_semaphore, #tpu.memory_space<semaphore_mem>>)
    %add3A_32 = arith.constant 512 : i32
    %add3A_33 = arith.addi %mul3A_8, %add3A_32 : i32
    %dma_start3A_34 = arith.constant 0 : i32
    %dma_start3A_35 = tpu.memref_slice %arg12[%add3A_33, %dma_start3A_34] : memref<10240x128xf32, #tpu.memory_space<vmem_shared>> -> memref<128x128xf32, #tpu.memory_space<vmem_shared>>
    %dma_start3A_36 = arith.constant 0 : i32
    %dma_start3A_37 = tpu.memref_slice %arg12[%add3A_33, %dma_start3A_36] : memref<10240x128xf32, #tpu.memory_space<vmem_shared>> -> memref<128x128xf32, #tpu.memory_space<vmem_shared>>
    tpu.enqueue_dma source(%arg10 : memref<128x128xf32, #tpu.memory_space<vmem>>) target(%dma_start3A_37 : memref<128x128xf32, #tpu.memory_space<vmem_shared>>) target_semaphore(%arg14 : memref<!tpu.dma_semaphore, #tpu.memory_space<semaphore_mem>>)
    %mul3A_38 = arith.constant 40 : i32
    %mul3A_39 = arith.muli %add3A, %mul3A_38 : i32
    "tpu.region"() ({
      %run_scoped3A = tpu.sem_alloc : memref<!tpu.dma_semaphore, #tpu.memory_space<semaphore_mem>>
      %dma_start3A_245 = arith.constant 0 : i32
      %dma_start3A_246 = tpu.memref_slice %arg2[%mul3A_39, %dma_start3A_245] : memref<1280x128xi32, #tpu.memory_space<hbm>> -> memref<40x128xi32, #tpu.memory_space<hbm>>
      %dma_start3A_247 = arith.constant 0 : i32
      %dma_start3A_248 = tpu.memref_slice %arg2[%mul3A_39, %dma_start3A_247] : memref<1280x128xi32, #tpu.memory_space<hbm>> -> memref<40x128xi32, #tpu.memory_space<hbm>>
      tpu.enqueue_dma source(%dma_start3A_248 : memref<40x128xi32, #tpu.memory_space<hbm>>) target(%arg7 : memref<40x128xi32, #tpu.memory_space<vmem>>) target_semaphore(%run_scoped3A : memref<!tpu.dma_semaphore, #tpu.memory_space<semaphore_mem>>)
      %dma_wait3A_249 = arith.constant 0 : i32
      %dma_wait3A_250 = tpu.memref_slice %arg2[%mul3A_39, %dma_wait3A_249] : memref<1280x128xi32, #tpu.memory_space<hbm>> -> memref<40x128xi32, #tpu.memory_space<hbm>>
      %dma_wait3A_251 = arith.constant 0 : i32
      %dma_wait3A_252 = tpu.memref_slice %arg2[%mul3A_39, %dma_wait3A_251] : memref<1280x128xi32, #tpu.memory_space<hbm>> -> memref<40x128xi32, #tpu.memory_space<hbm>>
      tpu.wait_dma2 semaphore(%run_scoped3A : memref<!tpu.dma_semaphore, #tpu.memory_space<semaphore_mem>>) src(%dma_wait3A_252 : memref<40x128xi32, #tpu.memory_space<hbm>>) dst(%arg7 : memref<40x128xi32, #tpu.memory_space<vmem>>)
      tpu.yield
    }) : () -> ()
    "tpu.region"() ({
      %run_scoped3A = tpu.sem_alloc : memref<!tpu.dma_semaphore, #tpu.memory_space<semaphore_mem>>
      %dma_start3A_245 = arith.constant 0 : i32
      %dma_start3A_246 = tpu.memref_slice %arg3[%mul3A_39, %dma_start3A_245] : memref<1280x128xi32, #tpu.memory_space<hbm>> -> memref<40x128xi32, #tpu.memory_space<hbm>>
      %dma_start3A_247 = arith.constant 0 : i32
      %dma_start3A_248 = tpu.memref_slice %arg3[%mul3A_39, %dma_start3A_247] : memref<1280x128xi32, #tpu.memory_space<hbm>> -> memref<40x128xi32, #tpu.memory_space<hbm>>
      tpu.enqueue_dma source(%dma_start3A_248 : memref<40x128xi32, #tpu.memory_space<hbm>>) target(%arg8 : memref<40x128xi32, #tpu.memory_space<vmem>>) target_semaphore(%run_scoped3A : memref<!tpu.dma_semaphore, #tpu.memory_space<semaphore_mem>>)
      %dma_wait3A_249 = arith.constant 0 : i32
      %dma_wait3A_250 = tpu.memref_slice %arg3[%mul3A_39, %dma_wait3A_249] : memref<1280x128xi32, #tpu.memory_space<hbm>> -> memref<40x128xi32, #tpu.memory_space<hbm>>
      %dma_wait3A_251 = arith.constant 0 : i32
      %dma_wait3A_252 = tpu.memref_slice %arg3[%mul3A_39, %dma_wait3A_251] : memref<1280x128xi32, #tpu.memory_space<hbm>> -> memref<40x128xi32, #tpu.memory_space<hbm>>
      tpu.wait_dma2 semaphore(%run_scoped3A : memref<!tpu.dma_semaphore, #tpu.memory_space<semaphore_mem>>) src(%dma_wait3A_252 : memref<40x128xi32, #tpu.memory_space<hbm>>) dst(%arg8 : memref<40x128xi32, #tpu.memory_space<vmem>>)
      tpu.yield
    }) : () -> ()
    %dma_wait3A = arith.constant 0 : i32
    %dma_wait3A_40 = tpu.memref_slice %arg12[%add3A_10, %dma_wait3A] : memref<10240x128xf32, #tpu.memory_space<vmem_shared>> -> memref<128x128xf32, #tpu.memory_space<vmem_shared>>
    %dma_wait3A_41 = arith.constant 0 : i32
    %dma_wait3A_42 = tpu.memref_slice %arg12[%add3A_10, %dma_wait3A_41] : memref<10240x128xf32, #tpu.memory_space<vmem_shared>> -> memref<128x128xf32, #tpu.memory_space<vmem_shared>>
    tpu.wait_dma2 semaphore(%arg14 : memref<!tpu.dma_semaphore, #tpu.memory_space<semaphore_mem>>) src(%arg10 : memref<128x128xf32, #tpu.memory_space<vmem>>) dst(%dma_wait3A_42 : memref<128x128xf32, #tpu.memory_space<vmem_shared>>)
    %dma_wait3A_43 = arith.constant 0 : i32
    %dma_wait3A_44 = tpu.memref_slice %arg12[%add3A_15, %dma_wait3A_43] : memref<10240x128xf32, #tpu.memory_space<vmem_shared>> -> memref<128x128xf32, #tpu.memory_space<vmem_shared>>
    %dma_wait3A_45 = arith.constant 0 : i32
    %dma_wait3A_46 = tpu.memref_slice %arg12[%add3A_15, %dma_wait3A_45] : memref<10240x128xf32, #tpu.memory_space<vmem_shared>> -> memref<128x128xf32, #tpu.memory_space<vmem_shared>>
    tpu.wait_dma2 semaphore(%arg14 : memref<!tpu.dma_semaphore, #tpu.memory_space<semaphore_mem>>) src(%arg10 : memref<128x128xf32, #tpu.memory_space<vmem>>) dst(%dma_wait3A_46 : memref<128x128xf32, #tpu.memory_space<vmem_shared>>)
    %dma_wait3A_47 = arith.constant 0 : i32
    %dma_wait3A_48 = tpu.memref_slice %arg12[%add3A_21, %dma_wait3A_47] : memref<10240x128xf32, #tpu.memory_space<vmem_shared>> -> memref<128x128xf32, #tpu.memory_space<vmem_shared>>
    %dma_wait3A_49 = arith.constant 0 : i32
    %dma_wait3A_50 = tpu.memref_slice %arg12[%add3A_21, %dma_wait3A_49] : memref<10240x128xf32, #tpu.memory_space<vmem_shared>> -> memref<128x128xf32, #tpu.memory_space<vmem_shared>>
    tpu.wait_dma2 semaphore(%arg14 : memref<!tpu.dma_semaphore, #tpu.memory_space<semaphore_mem>>) src(%arg10 : memref<128x128xf32, #tpu.memory_space<vmem>>) dst(%dma_wait3A_50 : memref<128x128xf32, #tpu.memory_space<vmem_shared>>)
    %dma_wait3A_51 = arith.constant 0 : i32
    %dma_wait3A_52 = tpu.memref_slice %arg12[%add3A_27, %dma_wait3A_51] : memref<10240x128xf32, #tpu.memory_space<vmem_shared>> -> memref<128x128xf32, #tpu.memory_space<vmem_shared>>
    %dma_wait3A_53 = arith.constant 0 : i32
    %dma_wait3A_54 = tpu.memref_slice %arg12[%add3A_27, %dma_wait3A_53] : memref<10240x128xf32, #tpu.memory_space<vmem_shared>> -> memref<128x128xf32, #tpu.memory_space<vmem_shared>>
    tpu.wait_dma2 semaphore(%arg14 : memref<!tpu.dma_semaphore, #tpu.memory_space<semaphore_mem>>) src(%arg10 : memref<128x128xf32, #tpu.memory_space<vmem>>) dst(%dma_wait3A_54 : memref<128x128xf32, #tpu.memory_space<vmem_shared>>)
    %dma_wait3A_55 = arith.constant 0 : i32
    %dma_wait3A_56 = tpu.memref_slice %arg12[%add3A_33, %dma_wait3A_55] : memref<10240x128xf32, #tpu.memory_space<vmem_shared>> -> memref<128x128xf32, #tpu.memory_space<vmem_shared>>
    %dma_wait3A_57 = arith.constant 0 : i32
    %dma_wait3A_58 = tpu.memref_slice %arg12[%add3A_33, %dma_wait3A_57] : memref<10240x128xf32, #tpu.memory_space<vmem_shared>> -> memref<128x128xf32, #tpu.memory_space<vmem_shared>>
    tpu.wait_dma2 semaphore(%arg14 : memref<!tpu.dma_semaphore, #tpu.memory_space<semaphore_mem>>) src(%arg10 : memref<128x128xf32, #tpu.memory_space<vmem>>) dst(%dma_wait3A_58 : memref<128x128xf32, #tpu.memory_space<vmem_shared>>)
    %barrier3A = arith.constant 0 : index
    tpu.barrier barrier_id(%barrier3A)
    %mul3A_59 = arith.constant 40 : i32
    %mul3A_60 = arith.muli %add3A, %mul3A_59 : i32
    %dma_start3A_61 = arith.constant 0 : i32
    %dma_start3A_62 = arith.constant 0 : i32
    %dma_start3A_63 = tpu.memref_slice %arg7[%dma_start3A_61, %dma_start3A_62] : memref<40x128xi32, #tpu.memory_space<vmem>> -> memref<1x128xi32, #tpu.memory_space<vmem>>
    %dma_start3A_64 = tpu.memref_squeeze %dma_start3A_63 : memref<1x128xi32, #tpu.memory_space<vmem>> -> memref<128xi32, #tpu.memory_space<vmem>>
    %dma_start3A_65 = arith.constant 0 : i32
    %dma_start3A_66 = arith.constant 0 : i32
    %dma_start3A_67 = tpu.memref_slice %arg4[%dma_start3A_65, %dma_start3A_66] : memref<10240x128xf32, #tpu.memory_space<hbm>> -> memref<10240x128xf32, #tpu.memory_space<hbm>>
    tpu.enqueue_indirect_dma source(%dma_start3A_67 : memref<10240x128xf32, #tpu.memory_space<hbm>>) target(%arg10 : memref<128x128xf32, #tpu.memory_space<vmem>>) offsets(%dma_start3A_64 : memref<128xi32, #tpu.memory_space<vmem>>) semaphore(%arg13 : memref<!tpu.dma_semaphore, #tpu.memory_space<semaphore_mem>>)
    %scan3A_68 = arith.constant 0 : i32
    %scan3A_69 = arith.constant 0 : i32
    %scan3A_70 = arith.constant 19 : i32
    %scan3A_71 = arith.addi %scan3A_69, %scan3A_70 : i32
    %scan3A_72 = arith.constant 1 : i32
    scf.for %scan3A_245 = %scan3A_69 to %scan3A_71 step %scan3A_72  : i32 {
      %mul3A_246 = arith.constant 2 : i32
      %mul3A_247 = arith.muli %scan3A_245, %mul3A_246 : i32
      %add3A_248 = arith.constant 1 : i32
      %add3A_249 = arith.addi %mul3A_247, %add3A_248 : i32
      %dma_start3A_250 = arith.constant 0 : i32
      %dma_start3A_251 = tpu.memref_slice %arg7[%add3A_249, %dma_start3A_250] : memref<40x128xi32, #tpu.memory_space<vmem>> -> memref<1x128xi32, #tpu.memory_space<vmem>>
      %dma_start3A_252 = tpu.memref_squeeze %dma_start3A_251 : memref<1x128xi32, #tpu.memory_space<vmem>> -> memref<128xi32, #tpu.memory_space<vmem>>
      %dma_start3A_253 = arith.constant 0 : i32
      %dma_start3A_254 = arith.constant 0 : i32
      %dma_start3A_255 = tpu.memref_slice %arg4[%dma_start3A_253, %dma_start3A_254] : memref<10240x128xf32, #tpu.memory_space<hbm>> -> memref<10240x128xf32, #tpu.memory_space<hbm>>
      tpu.enqueue_indirect_dma source(%dma_start3A_255 : memref<10240x128xf32, #tpu.memory_space<hbm>>) target(%arg11 : memref<128x128xf32, #tpu.memory_space<vmem>>) offsets(%dma_start3A_252 : memref<128xi32, #tpu.memory_space<vmem>>) semaphore(%arg14 : memref<!tpu.dma_semaphore, #tpu.memory_space<semaphore_mem>>)
      %dma_wait3A_256 = arith.constant 0 : i32
      %dma_wait3A_257 = tpu.memref_slice %arg7[%mul3A_247, %dma_wait3A_256] : memref<40x128xi32, #tpu.memory_space<vmem>> -> memref<1x128xi32, #tpu.memory_space<vmem>>
      %dma_wait3A_258 = tpu.memref_squeeze %dma_wait3A_257 : memref<1x128xi32, #tpu.memory_space<vmem>> -> memref<128xi32, #tpu.memory_space<vmem>>
      %dma_wait3A_259 = arith.constant 0 : i32
      %dma_wait3A_260 = arith.constant 0 : i32
      %dma_wait3A_261 = tpu.memref_slice %arg4[%dma_wait3A_259, %dma_wait3A_260] : memref<10240x128xf32, #tpu.memory_space<hbm>> -> memref<10240x128xf32, #tpu.memory_space<hbm>>
      tpu.wait_indirect_dma semaphore(%arg13 : memref<!tpu.dma_semaphore, #tpu.memory_space<semaphore_mem>>) src(%dma_wait3A_261 : memref<10240x128xf32, #tpu.memory_space<hbm>>) dst(%arg10 : memref<128x128xf32, #tpu.memory_space<vmem>>)
      %get3A_262 = arith.index_cast %mul3A_247 : i32 to index
      %get3A_263 = arith.constant 0 : index
      %get3A_264 = tpu.vector_load %arg8[%get3A_262, %get3A_263] {strides = array<i32>} : memref<40x128xi32, #tpu.memory_space<vmem>>, vector<1x16xi32>,
      %get3A_265 = vector.shape_cast %get3A_264 : vector<1x16xi32> to vector<16xi32>
      %swap3A_266 = arith.constant 0 : index
      %swap3A_267 = tpu.vector_load %arg9[%swap3A_266] {strides = array<i32>} : memref<128xi32, #tpu.memory_space<vmem>>, vector<16xi32>,
      %swap3A_268 = vector.shape_cast %swap3A_267 : vector<16xi32> to vector<16xi32>
      %swap3A_269 = vector.shape_cast %get3A_265 : vector<16xi32> to vector<16xi32>
      tpu.vector_store %arg9[%swap3A_266], %swap3A_269 {strides = array<i32>} : memref<128xi32, #tpu.memory_space<vmem>>, vector<16xi32>,
      %get3A_270 = arith.index_cast %mul3A_247 : i32 to index
      %get3A_271 = arith.constant 16 : index
      %get3A_272 = tpu.vector_load %arg8[%get3A_270, %get3A_271] {strides = array<i32>} : memref<40x128xi32, #tpu.memory_space<vmem>>, vector<1x16xi32>,
      %get3A_273 = vector.shape_cast %get3A_272 : vector<1x16xi32> to vector<16xi32>
      %swap3A_274 = arith.constant 16 : index
      %swap3A_275 = tpu.vector_load %arg9[%swap3A_274] {strides = array<i32>} : memref<128xi32, #tpu.memory_space<vmem>>, vector<16xi32>,
      %swap3A_276 = vector.shape_cast %swap3A_275 : vector<16xi32> to vector<16xi32>
      %swap3A_277 = vector.shape_cast %get3A_273 : vector<16xi32> to vector<16xi32>
      tpu.vector_store %arg9[%swap3A_274], %swap3A_277 {strides = array<i32>} : memref<128xi32, #tpu.memory_space<vmem>>, vector<16xi32>,
      %get3A_278 = arith.index_cast %mul3A_247 : i32 to index
      %get3A_279 = arith.constant 32 : index
      %get3A_280 = tpu.vector_load %arg8[%get3A_278, %get3A_279] {strides = array<i32>} : memref<40x128xi32, #tpu.memory_space<vmem>>, vector<1x16xi32>,
      %get3A_281 = vector.shape_cast %get3A_280 : vector<1x16xi32> to vector<16xi32>
      %swap3A_282 = arith.constant 32 : index
      %swap3A_283 = tpu.vector_load %arg9[%swap3A_282] {strides = array<i32>} : memref<128xi32, #tpu.memory_space<vmem>>, vector<16xi32>,
      %swap3A_284 = vector.shape_cast %swap3A_283 : vector<16xi32> to vector<16xi32>
      %swap3A_285 = vector.shape_cast %get3A_281 : vector<16xi32> to vector<16xi32>
      tpu.vector_store %arg9[%swap3A_282], %swap3A_285 {strides = array<i32>} : memref<128xi32, #tpu.memory_space<vmem>>, vector<16xi32>,
      %get3A_286 = arith.index_cast %mul3A_247 : i32 to index
      %get3A_287 = arith.constant 48 : index
      %get3A_288 = tpu.vector_load %arg8[%get3A_286, %get3A_287] {strides = array<i32>} : memref<40x128xi32, #tpu.memory_space<vmem>>, vector<1x16xi32>,
      %get3A_289 = vector.shape_cast %get3A_288 : vector<1x16xi32> to vector<16xi32>
      %swap3A_290 = arith.constant 48 : index
      %swap3A_291 = tpu.vector_load %arg9[%swap3A_290] {strides = array<i32>} : memref<128xi32, #tpu.memory_space<vmem>>, vector<16xi32>,
      %swap3A_292 = vector.shape_cast %swap3A_291 : vector<16xi32> to vector<16xi32>
      %swap3A_293 = vector.shape_cast %get3A_289 : vector<16xi32> to vector<16xi32>
      tpu.vector_store %arg9[%swap3A_290], %swap3A_293 {strides = array<i32>} : memref<128xi32, #tpu.memory_space<vmem>>, vector<16xi32>,
      %get3A_294 = arith.index_cast %mul3A_247 : i32 to index
      %get3A_295 = arith.constant 64 : index
      %get3A_296 = tpu.vector_load %arg8[%get3A_294, %get3A_295] {strides = array<i32>} : memref<40x128xi32, #tpu.memory_space<vmem>>, vector<1x16xi32>,
      %get3A_297 = vector.shape_cast %get3A_296 : vector<1x16xi32> to vector<16xi32>
      %swap3A_298 = arith.constant 64 : index
      %swap3A_299 = tpu.vector_load %arg9[%swap3A_298] {strides = array<i32>} : memref<128xi32, #tpu.memory_space<vmem>>, vector<16xi32>,
      %swap3A_300 = vector.shape_cast %swap3A_299 : vector<16xi32> to vector<16xi32>
      %swap3A_301 = vector.shape_cast %get3A_297 : vector<16xi32> to vector<16xi32>
      tpu.vector_store %arg9[%swap3A_298], %swap3A_301 {strides = array<i32>} : memref<128xi32, #tpu.memory_space<vmem>>, vector<16xi32>,
      %get3A_302 = arith.index_cast %mul3A_247 : i32 to index
      %get3A_303 = arith.constant 80 : index
      %get3A_304 = tpu.vector_load %arg8[%get3A_302, %get3A_303] {strides = array<i32>} : memref<40x128xi32, #tpu.memory_space<vmem>>, vector<1x16xi32>,
      %get3A_305 = vector.shape_cast %get3A_304 : vector<1x16xi32> to vector<16xi32>
      %swap3A_306 = arith.constant 80 : index
      %swap3A_307 = tpu.vector_load %arg9[%swap3A_306] {strides = array<i32>} : memref<128xi32, #tpu.memory_space<vmem>>, vector<16xi32>,
      %swap3A_308 = vector.shape_cast %swap3A_307 : vector<16xi32> to vector<16xi32>
      %swap3A_309 = vector.shape_cast %get3A_305 : vector<16xi32> to vector<16xi32>
      tpu.vector_store %arg9[%swap3A_306], %swap3A_309 {strides = array<i32>} : memref<128xi32, #tpu.memory_space<vmem>>, vector<16xi32>,
      %get3A_310 = arith.index_cast %mul3A_247 : i32 to index
      %get3A_311 = arith.constant 96 : index
      %get3A_312 = tpu.vector_load %arg8[%get3A_310, %get3A_311] {strides = array<i32>} : memref<40x128xi32, #tpu.memory_space<vmem>>, vector<1x16xi32>,
      %get3A_313 = vector.shape_cast %get3A_312 : vector<1x16xi32> to vector<16xi32>
      %swap3A_314 = arith.constant 96 : index
      %swap3A_315 = tpu.vector_load %arg9[%swap3A_314] {strides = array<i32>} : memref<128xi32, #tpu.memory_space<vmem>>, vector<16xi32>,
      %swap3A_316 = vector.shape_cast %swap3A_315 : vector<16xi32> to vector<16xi32>
      %swap3A_317 = vector.shape_cast %get3A_313 : vector<16xi32> to vector<16xi32>
      tpu.vector_store %arg9[%swap3A_314], %swap3A_317 {strides = array<i32>} : memref<128xi32, #tpu.memory_space<vmem>>, vector<16xi32>,
      %get3A_318 = arith.index_cast %mul3A_247 : i32 to index
      %get3A_319 = arith.constant 112 : index
      %get3A_320 = tpu.vector_load %arg8[%get3A_318, %get3A_319] {strides = array<i32>} : memref<40x128xi32, #tpu.memory_space<vmem>>, vector<1x16xi32>,
      %get3A_321 = vector.shape_cast %get3A_320 : vector<1x16xi32> to vector<16xi32>
      %swap3A_322 = arith.constant 112 : index
      %swap3A_323 = tpu.vector_load %arg9[%swap3A_322] {strides = array<i32>} : memref<128xi32, #tpu.memory_space<vmem>>, vector<16xi32>,
      %swap3A_324 = vector.shape_cast %swap3A_323 : vector<16xi32> to vector<16xi32>
      %swap3A_325 = vector.shape_cast %get3A_321 : vector<16xi32> to vector<16xi32>
      tpu.vector_store %arg9[%swap3A_322], %swap3A_325 {strides = array<i32>} : memref<128xi32, #tpu.memory_space<vmem>>, vector<16xi32>,
      "tpu.region"() ({
        %run_scoped3A = tpu.sem_alloc : memref<!tpu.dma_semaphore, #tpu.memory_space<semaphore_mem>>
        %dma_start3A_408 = arith.constant 0 : i32
        %dma_start3A_409 = arith.constant 0 : i32
        %dma_start3A_410 = tpu.memref_slice %arg12[%dma_start3A_408, %dma_start3A_409] : memref<10240x128xf32, #tpu.memory_space<vmem_shared>> -> memref<10240x128xf32, #tpu.memory_space<vmem_shared>>
        tpu.enqueue_indirect_dma source(%arg10 : memref<128x128xf32, #tpu.memory_space<vmem>>) target(%dma_start3A_410 : memref<10240x128xf32, #tpu.memory_space<vmem_shared>>) offsets(%arg9 : memref<128xi32, #tpu.memory_space<vmem>>) semaphore(%run_scoped3A : memref<!tpu.dma_semaphore, #tpu.memory_space<semaphore_mem>>) {add = true}
        %dma_wait3A_411 = arith.constant 0 : i32
        %dma_wait3A_412 = arith.constant 0 : i32
        %dma_wait3A_413 = tpu.memref_slice %arg12[%dma_wait3A_411, %dma_wait3A_412] : memref<10240x128xf32, #tpu.memory_space<vmem_shared>> -> memref<10240x128xf32, #tpu.memory_space<vmem_shared>>
        tpu.wait_indirect_dma semaphore(%run_scoped3A : memref<!tpu.dma_semaphore, #tpu.memory_space<semaphore_mem>>) src(%arg10 : memref<128x128xf32, #tpu.memory_space<vmem>>) dst(%dma_wait3A_413 : memref<10240x128xf32, #tpu.memory_space<vmem_shared>>)
        tpu.yield
      }) : () -> ()
      %add3A_326 = arith.constant 2 : i32
      %add3A_327 = arith.addi %mul3A_247, %add3A_326 : i32
      %dma_start3A_328 = arith.constant 0 : i32
      %dma_start3A_329 = tpu.memref_slice %arg7[%add3A_327, %dma_start3A_328] : memref<40x128xi32, #tpu.memory_space<vmem>> -> memref<1x128xi32, #tpu.memory_space<vmem>>
      %dma_start3A_330 = tpu.memref_squeeze %dma_start3A_329 : memref<1x128xi32, #tpu.memory_space<vmem>> -> memref<128xi32, #tpu.memory_space<vmem>>
      %dma_start3A_331 = arith.constant 0 : i32
      %dma_start3A_332 = arith.constant 0 : i32
      %dma_start3A_333 = tpu.memref_slice %arg4[%dma_start3A_331, %dma_start3A_332] : memref<10240x128xf32, #tpu.memory_space<hbm>> -> memref<10240x128xf32, #tpu.memory_space<hbm>>
      tpu.enqueue_indirect_dma source(%dma_start3A_333 : memref<10240x128xf32, #tpu.memory_space<hbm>>) target(%arg10 : memref<128x128xf32, #tpu.memory_space<vmem>>) offsets(%dma_start3A_330 : memref<128xi32, #tpu.memory_space<vmem>>) semaphore(%arg13 : memref<!tpu.dma_semaphore, #tpu.memory_space<semaphore_mem>>)
      %add3A_334 = arith.constant 1 : i32
      %add3A_335 = arith.addi %mul3A_247, %add3A_334 : i32
      %dma_wait3A_336 = arith.constant 0 : i32
      %dma_wait3A_337 = tpu.memref_slice %arg7[%add3A_335, %dma_wait3A_336] : memref<40x128xi32, #tpu.memory_space<vmem>> -> memref<1x128xi32, #tpu.memory_space<vmem>>
      %dma_wait3A_338 = tpu.memref_squeeze %dma_wait3A_337 : memref<1x128xi32, #tpu.memory_space<vmem>> -> memref<128xi32, #tpu.memory_space<vmem>>
      %dma_wait3A_339 = arith.constant 0 : i32
      %dma_wait3A_340 = arith.constant 0 : i32
      %dma_wait3A_341 = tpu.memref_slice %arg4[%dma_wait3A_339, %dma_wait3A_340] : memref<10240x128xf32, #tpu.memory_space<hbm>> -> memref<10240x128xf32, #tpu.memory_space<hbm>>
      tpu.wait_indirect_dma semaphore(%arg14 : memref<!tpu.dma_semaphore, #tpu.memory_space<semaphore_mem>>) src(%dma_wait3A_341 : memref<10240x128xf32, #tpu.memory_space<hbm>>) dst(%arg11 : memref<128x128xf32, #tpu.memory_space<vmem>>)
      %add3A_342 = arith.constant 1 : i32
      %add3A_343 = arith.addi %mul3A_247, %add3A_342 : i32
      %get3A_344 = arith.index_cast %add3A_343 : i32 to index
      %get3A_345 = arith.constant 0 : index
      %get3A_346 = tpu.vector_load %arg8[%get3A_344, %get3A_345] {strides = array<i32>} : memref<40x128xi32, #tpu.memory_space<vmem>>, vector<1x16xi32>,
      %get3A_347 = vector.shape_cast %get3A_346 : vector<1x16xi32> to vector<16xi32>
      %swap3A_348 = arith.constant 0 : index
      %swap3A_349 = tpu.vector_load %arg9[%swap3A_348] {strides = array<i32>} : memref<128xi32, #tpu.memory_space<vmem>>, vector<16xi32>,
      %swap3A_350 = vector.shape_cast %swap3A_349 : vector<16xi32> to vector<16xi32>
      %swap3A_351 = vector.shape_cast %get3A_347 : vector<16xi32> to vector<16xi32>
      tpu.vector_store %arg9[%swap3A_348], %swap3A_351 {strides = array<i32>} : memref<128xi32, #tpu.memory_space<vmem>>, vector<16xi32>,
      %get3A_352 = arith.index_cast %add3A_343 : i32 to index
      %get3A_353 = arith.constant 16 : index
      %get3A_354 = tpu.vector_load %arg8[%get3A_352, %get3A_353] {strides = array<i32>} : memref<40x128xi32, #tpu.memory_space<vmem>>, vector<1x16xi32>,
      %get3A_355 = vector.shape_cast %get3A_354 : vector<1x16xi32> to vector<16xi32>
      %swap3A_356 = arith.constant 16 : index
      %swap3A_357 = tpu.vector_load %arg9[%swap3A_356] {strides = array<i32>} : memref<128xi32, #tpu.memory_space<vmem>>, vector<16xi32>,
      %swap3A_358 = vector.shape_cast %swap3A_357 : vector<16xi32> to vector<16xi32>
      %swap3A_359 = vector.shape_cast %get3A_355 : vector<16xi32> to vector<16xi32>
      tpu.vector_store %arg9[%swap3A_356], %swap3A_359 {strides = array<i32>} : memref<128xi32, #tpu.memory_space<vmem>>, vector<16xi32>,
      %get3A_360 = arith.index_cast %add3A_343 : i32 to index
      %get3A_361 = arith.constant 32 : index
      %get3A_362 = tpu.vector_load %arg8[%get3A_360, %get3A_361] {strides = array<i32>} : memref<40x128xi32, #tpu.memory_space<vmem>>, vector<1x16xi32>,
      %get3A_363 = vector.shape_cast %get3A_362 : vector<1x16xi32> to vector<16xi32>
      %swap3A_364 = arith.constant 32 : index
      %swap3A_365 = tpu.vector_load %arg9[%swap3A_364] {strides = array<i32>} : memref<128xi32, #tpu.memory_space<vmem>>, vector<16xi32>,
      %swap3A_366 = vector.shape_cast %swap3A_365 : vector<16xi32> to vector<16xi32>
      %swap3A_367 = vector.shape_cast %get3A_363 : vector<16xi32> to vector<16xi32>
      tpu.vector_store %arg9[%swap3A_364], %swap3A_367 {strides = array<i32>} : memref<128xi32, #tpu.memory_space<vmem>>, vector<16xi32>,
      %get3A_368 = arith.index_cast %add3A_343 : i32 to index
      %get3A_369 = arith.constant 48 : index
      %get3A_370 = tpu.vector_load %arg8[%get3A_368, %get3A_369] {strides = array<i32>} : memref<40x128xi32, #tpu.memory_space<vmem>>, vector<1x16xi32>,
      %get3A_371 = vector.shape_cast %get3A_370 : vector<1x16xi32> to vector<16xi32>
      %swap3A_372 = arith.constant 48 : index
      %swap3A_373 = tpu.vector_load %arg9[%swap3A_372] {strides = array<i32>} : memref<128xi32, #tpu.memory_space<vmem>>, vector<16xi32>,
      %swap3A_374 = vector.shape_cast %swap3A_373 : vector<16xi32> to vector<16xi32>
      %swap3A_375 = vector.shape_cast %get3A_371 : vector<16xi32> to vector<16xi32>
      tpu.vector_store %arg9[%swap3A_372], %swap3A_375 {strides = array<i32>} : memref<128xi32, #tpu.memory_space<vmem>>, vector<16xi32>,
      %get3A_376 = arith.index_cast %add3A_343 : i32 to index
      %get3A_377 = arith.constant 64 : index
      %get3A_378 = tpu.vector_load %arg8[%get3A_376, %get3A_377] {strides = array<i32>} : memref<40x128xi32, #tpu.memory_space<vmem>>, vector<1x16xi32>,
      %get3A_379 = vector.shape_cast %get3A_378 : vector<1x16xi32> to vector<16xi32>
      %swap3A_380 = arith.constant 64 : index
      %swap3A_381 = tpu.vector_load %arg9[%swap3A_380] {strides = array<i32>} : memref<128xi32, #tpu.memory_space<vmem>>, vector<16xi32>,
      %swap3A_382 = vector.shape_cast %swap3A_381 : vector<16xi32> to vector<16xi32>
      %swap3A_383 = vector.shape_cast %get3A_379 : vector<16xi32> to vector<16xi32>
      tpu.vector_store %arg9[%swap3A_380], %swap3A_383 {strides = array<i32>} : memref<128xi32, #tpu.memory_space<vmem>>, vector<16xi32>,
      %get3A_384 = arith.index_cast %add3A_343 : i32 to index
      %get3A_385 = arith.constant 80 : index
      %get3A_386 = tpu.vector_load %arg8[%get3A_384, %get3A_385] {strides = array<i32>} : memref<40x128xi32, #tpu.memory_space<vmem>>, vector<1x16xi32>,
      %get3A_387 = vector.shape_cast %get3A_386 : vector<1x16xi32> to vector<16xi32>
      %swap3A_388 = arith.constant 80 : index
      %swap3A_389 = tpu.vector_load %arg9[%swap3A_388] {strides = array<i32>} : memref<128xi32, #tpu.memory_space<vmem>>, vector<16xi32>,
      %swap3A_390 = vector.shape_cast %swap3A_389 : vector<16xi32> to vector<16xi32>
      %swap3A_391 = vector.shape_cast %get3A_387 : vector<16xi32> to vector<16xi32>
      tpu.vector_store %arg9[%swap3A_388], %swap3A_391 {strides = array<i32>} : memref<128xi32, #tpu.memory_space<vmem>>, vector<16xi32>,
      %get3A_392 = arith.index_cast %add3A_343 : i32 to index
      %get3A_393 = arith.constant 96 : index
      %get3A_394 = tpu.vector_load %arg8[%get3A_392, %get3A_393] {strides = array<i32>} : memref<40x128xi32, #tpu.memory_space<vmem>>, vector<1x16xi32>,
      %get3A_395 = vector.shape_cast %get3A_394 : vector<1x16xi32> to vector<16xi32>
      %swap3A_396 = arith.constant 96 : index
      %swap3A_397 = tpu.vector_load %arg9[%swap3A_396] {strides = array<i32>} : memref<128xi32, #tpu.memory_space<vmem>>, vector<16xi32>,
      %swap3A_398 = vector.shape_cast %swap3A_397 : vector<16xi32> to vector<16xi32>
      %swap3A_399 = vector.shape_cast %get3A_395 : vector<16xi32> to vector<16xi32>
      tpu.vector_store %arg9[%swap3A_396], %swap3A_399 {strides = array<i32>} : memref<128xi32, #tpu.memory_space<vmem>>, vector<16xi32>,
      %get3A_400 = arith.index_cast %add3A_343 : i32 to index
      %get3A_401 = arith.constant 112 : index
      %get3A_402 = tpu.vector_load %arg8[%get3A_400, %get3A_401] {strides = array<i32>} : memref<40x128xi32, #tpu.memory_space<vmem>>, vector<1x16xi32>,
      %get3A_403 = vector.shape_cast %get3A_402 : vector<1x16xi32> to vector<16xi32>
      %swap3A_404 = arith.constant 112 : index
      %swap3A_405 = tpu.vector_load %arg9[%swap3A_404] {strides = array<i32>} : memref<128xi32, #tpu.memory_space<vmem>>, vector<16xi32>,
      %swap3A_406 = vector.shape_cast %swap3A_405 : vector<16xi32> to vector<16xi32>
      %swap3A_407 = vector.shape_cast %get3A_403 : vector<16xi32> to vector<16xi32>
      tpu.vector_store %arg9[%swap3A_404], %swap3A_407 {strides = array<i32>} : memref<128xi32, #tpu.memory_space<vmem>>, vector<16xi32>,
      "tpu.region"() ({
        %run_scoped3A = tpu.sem_alloc : memref<!tpu.dma_semaphore, #tpu.memory_space<semaphore_mem>>
        %dma_start3A_408 = arith.constant 0 : i32
        %dma_start3A_409 = arith.constant 0 : i32
        %dma_start3A_410 = tpu.memref_slice %arg12[%dma_start3A_408, %dma_start3A_409] : memref<10240x128xf32, #tpu.memory_space<vmem_shared>> -> memref<10240x128xf32, #tpu.memory_space<vmem_shared>>
        tpu.enqueue_indirect_dma source(%arg11 : memref<128x128xf32, #tpu.memory_space<vmem>>) target(%dma_start3A_410 : memref<10240x128xf32, #tpu.memory_space<vmem_shared>>) offsets(%arg9 : memref<128xi32, #tpu.memory_space<vmem>>) semaphore(%run_scoped3A : memref<!tpu.dma_semaphore, #tpu.memory_space<semaphore_mem>>) {add = true}
        %dma_wait3A_411 = arith.constant 0 : i32
        %dma_wait3A_412 = arith.constant 0 : i32
        %dma_wait3A_413 = tpu.memref_slice %arg12[%dma_wait3A_411, %dma_wait3A_412] : memref<10240x128xf32, #tpu.memory_space<vmem_shared>> -> memref<10240x128xf32, #tpu.memory_space<vmem_shared>>
        tpu.wait_indirect_dma semaphore(%run_scoped3A : memref<!tpu.dma_semaphore, #tpu.memory_space<semaphore_mem>>) src(%arg11 : memref<128x128xf32, #tpu.memory_space<vmem>>) dst(%dma_wait3A_413 : memref<10240x128xf32, #tpu.memory_space<vmem_shared>>)
        tpu.yield
      }) : () -> ()
    }
    %scan3A_73 = arith.constant 19 : i32
    %dma_start3A_74 = arith.constant 39 : i32
    %dma_start3A_75 = arith.constant 0 : i32
    %dma_start3A_76 = tpu.memref_slice %arg7[%dma_start3A_74, %dma_start3A_75] : memref<40x128xi32, #tpu.memory_space<vmem>> -> memref<1x128xi32, #tpu.memory_space<vmem>>
    %dma_start3A_77 = tpu.memref_squeeze %dma_start3A_76 : memref<1x128xi32, #tpu.memory_space<vmem>> -> memref<128xi32, #tpu.memory_space<vmem>>
    %dma_start3A_78 = arith.constant 0 : i32
    %dma_start3A_79 = arith.constant 0 : i32
    %dma_start3A_80 = tpu.memref_slice %arg4[%dma_start3A_78, %dma_start3A_79] : memref<10240x128xf32, #tpu.memory_space<hbm>> -> memref<10240x128xf32, #tpu.memory_space<hbm>>
    tpu.enqueue_indirect_dma source(%dma_start3A_80 : memref<10240x128xf32, #tpu.memory_space<hbm>>) target(%arg11 : memref<128x128xf32, #tpu.memory_space<vmem>>) offsets(%dma_start3A_77 : memref<128xi32, #tpu.memory_space<vmem>>) semaphore(%arg14 : memref<!tpu.dma_semaphore, #tpu.memory_space<semaphore_mem>>)
    %dma_wait3A_81 = arith.constant 38 : i32
    %dma_wait3A_82 = arith.constant 0 : i32
    %dma_wait3A_83 = tpu.memref_slice %arg7[%dma_wait3A_81, %dma_wait3A_82] : memref<40x128xi32, #tpu.memory_space<vmem>> -> memref<1x128xi32, #tpu.memory_space<vmem>>
    %dma_wait3A_84 = tpu.memref_squeeze %dma_wait3A_83 : memref<1x128xi32, #tpu.memory_space<vmem>> -> memref<128xi32, #tpu.memory_space<vmem>>
    %dma_wait3A_85 = arith.constant 0 : i32
    %dma_wait3A_86 = arith.constant 0 : i32
    %dma_wait3A_87 = tpu.memref_slice %arg4[%dma_wait3A_85, %dma_wait3A_86] : memref<10240x128xf32, #tpu.memory_space<hbm>> -> memref<10240x128xf32, #tpu.memory_space<hbm>>
    tpu.wait_indirect_dma semaphore(%arg13 : memref<!tpu.dma_semaphore, #tpu.memory_space<semaphore_mem>>) src(%dma_wait3A_87 : memref<10240x128xf32, #tpu.memory_space<hbm>>) dst(%arg10 : memref<128x128xf32, #tpu.memory_space<vmem>>)
    %get3A = arith.constant 38 : i32
    %get3A_88 = arith.index_cast %get3A : i32 to index
    %get3A_89 = arith.constant 0 : index
    %get3A_90 = tpu.vector_load %arg8[%get3A_88, %get3A_89] {strides = array<i32>} : memref<40x128xi32, #tpu.memory_space<vmem>>, vector<1x16xi32>,
    %get3A_91 = vector.shape_cast %get3A_90 : vector<1x16xi32> to vector<16xi32>
    %swap3A = arith.constant 0 : index
    %swap3A_92 = tpu.vector_load %arg9[%swap3A] {strides = array<i32>} : memref<128xi32, #tpu.memory_space<vmem>>, vector<16xi32>,
    %swap3A_93 = vector.shape_cast %swap3A_92 : vector<16xi32> to vector<16xi32>
    %swap3A_94 = vector.shape_cast %get3A_91 : vector<16xi32> to vector<16xi32>
    tpu.vector_store %arg9[%swap3A], %swap3A_94 {strides = array<i32>} : memref<128xi32, #tpu.memory_space<vmem>>, vector<16xi32>,
    %get3A_95 = arith.constant 38 : i32
    %get3A_96 = arith.index_cast %get3A_95 : i32 to index
    %get3A_97 = arith.constant 16 : index
    %get3A_98 = tpu.vector_load %arg8[%get3A_96, %get3A_97] {strides = array<i32>} : memref<40x128xi32, #tpu.memory_space<vmem>>, vector<1x16xi32>,
    %get3A_99 = vector.shape_cast %get3A_98 : vector<1x16xi32> to vector<16xi32>
    %swap3A_100 = arith.constant 16 : index
    %swap3A_101 = tpu.vector_load %arg9[%swap3A_100] {strides = array<i32>} : memref<128xi32, #tpu.memory_space<vmem>>, vector<16xi32>,
    %swap3A_102 = vector.shape_cast %swap3A_101 : vector<16xi32> to vector<16xi32>
    %swap3A_103 = vector.shape_cast %get3A_99 : vector<16xi32> to vector<16xi32>
    tpu.vector_store %arg9[%swap3A_100], %swap3A_103 {strides = array<i32>} : memref<128xi32, #tpu.memory_space<vmem>>, vector<16xi32>,
    %get3A_104 = arith.constant 38 : i32
    %get3A_105 = arith.index_cast %get3A_104 : i32 to index
    %get3A_106 = arith.constant 32 : index
    %get3A_107 = tpu.vector_load %arg8[%get3A_105, %get3A_106] {strides = array<i32>} : memref<40x128xi32, #tpu.memory_space<vmem>>, vector<1x16xi32>,
    %get3A_108 = vector.shape_cast %get3A_107 : vector<1x16xi32> to vector<16xi32>
    %swap3A_109 = arith.constant 32 : index
    %swap3A_110 = tpu.vector_load %arg9[%swap3A_109] {strides = array<i32>} : memref<128xi32, #tpu.memory_space<vmem>>, vector<16xi32>,
    %swap3A_111 = vector.shape_cast %swap3A_110 : vector<16xi32> to vector<16xi32>
    %swap3A_112 = vector.shape_cast %get3A_108 : vector<16xi32> to vector<16xi32>
    tpu.vector_store %arg9[%swap3A_109], %swap3A_112 {strides = array<i32>} : memref<128xi32, #tpu.memory_space<vmem>>, vector<16xi32>,
    %get3A_113 = arith.constant 38 : i32
    %get3A_114 = arith.index_cast %get3A_113 : i32 to index
    %get3A_115 = arith.constant 48 : index
    %get3A_116 = tpu.vector_load %arg8[%get3A_114, %get3A_115] {strides = array<i32>} : memref<40x128xi32, #tpu.memory_space<vmem>>, vector<1x16xi32>,
    %get3A_117 = vector.shape_cast %get3A_116 : vector<1x16xi32> to vector<16xi32>
    %swap3A_118 = arith.constant 48 : index
    %swap3A_119 = tpu.vector_load %arg9[%swap3A_118] {strides = array<i32>} : memref<128xi32, #tpu.memory_space<vmem>>, vector<16xi32>,
    %swap3A_120 = vector.shape_cast %swap3A_119 : vector<16xi32> to vector<16xi32>
    %swap3A_121 = vector.shape_cast %get3A_117 : vector<16xi32> to vector<16xi32>
    tpu.vector_store %arg9[%swap3A_118], %swap3A_121 {strides = array<i32>} : memref<128xi32, #tpu.memory_space<vmem>>, vector<16xi32>,
    %get3A_122 = arith.constant 38 : i32
    %get3A_123 = arith.index_cast %get3A_122 : i32 to index
    %get3A_124 = arith.constant 64 : index
    %get3A_125 = tpu.vector_load %arg8[%get3A_123, %get3A_124] {strides = array<i32>} : memref<40x128xi32, #tpu.memory_space<vmem>>, vector<1x16xi32>,
    %get3A_126 = vector.shape_cast %get3A_125 : vector<1x16xi32> to vector<16xi32>
    %swap3A_127 = arith.constant 64 : index
    %swap3A_128 = tpu.vector_load %arg9[%swap3A_127] {strides = array<i32>} : memref<128xi32, #tpu.memory_space<vmem>>, vector<16xi32>,
    %swap3A_129 = vector.shape_cast %swap3A_128 : vector<16xi32> to vector<16xi32>
    %swap3A_130 = vector.shape_cast %get3A_126 : vector<16xi32> to vector<16xi32>
    tpu.vector_store %arg9[%swap3A_127], %swap3A_130 {strides = array<i32>} : memref<128xi32, #tpu.memory_space<vmem>>, vector<16xi32>,
    %get3A_131 = arith.constant 38 : i32
    %get3A_132 = arith.index_cast %get3A_131 : i32 to index
    %get3A_133 = arith.constant 80 : index
    %get3A_134 = tpu.vector_load %arg8[%get3A_132, %get3A_133] {strides = array<i32>} : memref<40x128xi32, #tpu.memory_space<vmem>>, vector<1x16xi32>,
    %get3A_135 = vector.shape_cast %get3A_134 : vector<1x16xi32> to vector<16xi32>
    %swap3A_136 = arith.constant 80 : index
    %swap3A_137 = tpu.vector_load %arg9[%swap3A_136] {strides = array<i32>} : memref<128xi32, #tpu.memory_space<vmem>>, vector<16xi32>,
    %swap3A_138 = vector.shape_cast %swap3A_137 : vector<16xi32> to vector<16xi32>
    %swap3A_139 = vector.shape_cast %get3A_135 : vector<16xi32> to vector<16xi32>
    tpu.vector_store %arg9[%swap3A_136], %swap3A_139 {strides = array<i32>} : memref<128xi32, #tpu.memory_space<vmem>>, vector<16xi32>,
    %get3A_140 = arith.constant 38 : i32
    %get3A_141 = arith.index_cast %get3A_140 : i32 to index
    %get3A_142 = arith.constant 96 : index
    %get3A_143 = tpu.vector_load %arg8[%get3A_141, %get3A_142] {strides = array<i32>} : memref<40x128xi32, #tpu.memory_space<vmem>>, vector<1x16xi32>,
    %get3A_144 = vector.shape_cast %get3A_143 : vector<1x16xi32> to vector<16xi32>
    %swap3A_145 = arith.constant 96 : index
    %swap3A_146 = tpu.vector_load %arg9[%swap3A_145] {strides = array<i32>} : memref<128xi32, #tpu.memory_space<vmem>>, vector<16xi32>,
    %swap3A_147 = vector.shape_cast %swap3A_146 : vector<16xi32> to vector<16xi32>
    %swap3A_148 = vector.shape_cast %get3A_144 : vector<16xi32> to vector<16xi32>
    tpu.vector_store %arg9[%swap3A_145], %swap3A_148 {strides = array<i32>} : memref<128xi32, #tpu.memory_space<vmem>>, vector<16xi32>,
    %get3A_149 = arith.constant 38 : i32
    %get3A_150 = arith.index_cast %get3A_149 : i32 to index
    %get3A_151 = arith.constant 112 : index
    %get3A_152 = tpu.vector_load %arg8[%get3A_150, %get3A_151] {strides = array<i32>} : memref<40x128xi32, #tpu.memory_space<vmem>>, vector<1x16xi32>,
    %get3A_153 = vector.shape_cast %get3A_152 : vector<1x16xi32> to vector<16xi32>
    %swap3A_154 = arith.constant 112 : index
    %swap3A_155 = tpu.vector_load %arg9[%swap3A_154] {strides = array<i32>} : memref<128xi32, #tpu.memory_space<vmem>>, vector<16xi32>,
    %swap3A_156 = vector.shape_cast %swap3A_155 : vector<16xi32> to vector<16xi32>
    %swap3A_157 = vector.shape_cast %get3A_153 : vector<16xi32> to vector<16xi32>
    tpu.vector_store %arg9[%swap3A_154], %swap3A_157 {strides = array<i32>} : memref<128xi32, #tpu.memory_space<vmem>>, vector<16xi32>,
    "tpu.region"() ({
      %run_scoped3A = tpu.sem_alloc : memref<!tpu.dma_semaphore, #tpu.memory_space<semaphore_mem>>
      %dma_start3A_245 = arith.constant 0 : i32
      %dma_start3A_246 = arith.constant 0 : i32
      %dma_start3A_247 = tpu.memref_slice %arg12[%dma_start3A_245, %dma_start3A_246] : memref<10240x128xf32, #tpu.memory_space<vmem_shared>> -> memref<10240x128xf32, #tpu.memory_space<vmem_shared>>
      tpu.enqueue_indirect_dma source(%arg10 : memref<128x128xf32, #tpu.memory_space<vmem>>) target(%dma_start3A_247 : memref<10240x128xf32, #tpu.memory_space<vmem_shared>>) offsets(%arg9 : memref<128xi32, #tpu.memory_space<vmem>>) semaphore(%run_scoped3A : memref<!tpu.dma_semaphore, #tpu.memory_space<semaphore_mem>>) {add = true}
      %dma_wait3A_248 = arith.constant 0 : i32
      %dma_wait3A_249 = arith.constant 0 : i32
      %dma_wait3A_250 = tpu.memref_slice %arg12[%dma_wait3A_248, %dma_wait3A_249] : memref<10240x128xf32, #tpu.memory_space<vmem_shared>> -> memref<10240x128xf32, #tpu.memory_space<vmem_shared>>
      tpu.wait_indirect_dma semaphore(%run_scoped3A : memref<!tpu.dma_semaphore, #tpu.memory_space<semaphore_mem>>) src(%arg10 : memref<128x128xf32, #tpu.memory_space<vmem>>) dst(%dma_wait3A_250 : memref<10240x128xf32, #tpu.memory_space<vmem_shared>>)
      tpu.yield
    }) : () -> ()
    %dma_wait3A_158 = arith.constant 39 : i32
    %dma_wait3A_159 = arith.constant 0 : i32
    %dma_wait3A_160 = tpu.memref_slice %arg7[%dma_wait3A_158, %dma_wait3A_159] : memref<40x128xi32, #tpu.memory_space<vmem>> -> memref<1x128xi32, #tpu.memory_space<vmem>>
    %dma_wait3A_161 = tpu.memref_squeeze %dma_wait3A_160 : memref<1x128xi32, #tpu.memory_space<vmem>> -> memref<128xi32, #tpu.memory_space<vmem>>
    %dma_wait3A_162 = arith.constant 0 : i32
    %dma_wait3A_163 = arith.constant 0 : i32
    %dma_wait3A_164 = tpu.memref_slice %arg4[%dma_wait3A_162, %dma_wait3A_163] : memref<10240x128xf32, #tpu.memory_space<hbm>> -> memref<10240x128xf32, #tpu.memory_space<hbm>>
    tpu.wait_indirect_dma semaphore(%arg14 : memref<!tpu.dma_semaphore, #tpu.memory_space<semaphore_mem>>) src(%dma_wait3A_164 : memref<10240x128xf32, #tpu.memory_space<hbm>>) dst(%arg11 : memref<128x128xf32, #tpu.memory_space<vmem>>)
    %get3A_165 = arith.constant 39 : i32
    %get3A_166 = arith.index_cast %get3A_165 : i32 to index
    %get3A_167 = arith.constant 0 : index
    %get3A_168 = tpu.vector_load %arg8[%get3A_166, %get3A_167] {strides = array<i32>} : memref<40x128xi32, #tpu.memory_space<vmem>>, vector<1x16xi32>,
    %get3A_169 = vector.shape_cast %get3A_168 : vector<1x16xi32> to vector<16xi32>
    %swap3A_170 = arith.constant 0 : index
    %swap3A_171 = tpu.vector_load %arg9[%swap3A_170] {strides = array<i32>} : memref<128xi32, #tpu.memory_space<vmem>>, vector<16xi32>,
    %swap3A_172 = vector.shape_cast %swap3A_171 : vector<16xi32> to vector<16xi32>
    %swap3A_173 = vector.shape_cast %get3A_169 : vector<16xi32> to vector<16xi32>
    tpu.vector_store %arg9[%swap3A_170], %swap3A_173 {strides = array<i32>} : memref<128xi32, #tpu.memory_space<vmem>>, vector<16xi32>,
    %get3A_174 = arith.constant 39 : i32
    %get3A_175 = arith.index_cast %get3A_174 : i32 to index
    %get3A_176 = arith.constant 16 : index
    %get3A_177 = tpu.vector_load %arg8[%get3A_175, %get3A_176] {strides = array<i32>} : memref<40x128xi32, #tpu.memory_space<vmem>>, vector<1x16xi32>,
    %get3A_178 = vector.shape_cast %get3A_177 : vector<1x16xi32> to vector<16xi32>
    %swap3A_179 = arith.constant 16 : index
    %swap3A_180 = tpu.vector_load %arg9[%swap3A_179] {strides = array<i32>} : memref<128xi32, #tpu.memory_space<vmem>>, vector<16xi32>,
    %swap3A_181 = vector.shape_cast %swap3A_180 : vector<16xi32> to vector<16xi32>
    %swap3A_182 = vector.shape_cast %get3A_178 : vector<16xi32> to vector<16xi32>
    tpu.vector_store %arg9[%swap3A_179], %swap3A_182 {strides = array<i32>} : memref<128xi32, #tpu.memory_space<vmem>>, vector<16xi32>,
    %get3A_183 = arith.constant 39 : i32
    %get3A_184 = arith.index_cast %get3A_183 : i32 to index
    %get3A_185 = arith.constant 32 : index
    %get3A_186 = tpu.vector_load %arg8[%get3A_184, %get3A_185] {strides = array<i32>} : memref<40x128xi32, #tpu.memory_space<vmem>>, vector<1x16xi32>,
    %get3A_187 = vector.shape_cast %get3A_186 : vector<1x16xi32> to vector<16xi32>
    %swap3A_188 = arith.constant 32 : index
    %swap3A_189 = tpu.vector_load %arg9[%swap3A_188] {strides = array<i32>} : memref<128xi32, #tpu.memory_space<vmem>>, vector<16xi32>,
    %swap3A_190 = vector.shape_cast %swap3A_189 : vector<16xi32> to vector<16xi32>
    %swap3A_191 = vector.shape_cast %get3A_187 : vector<16xi32> to vector<16xi32>
    tpu.vector_store %arg9[%swap3A_188], %swap3A_191 {strides = array<i32>} : memref<128xi32, #tpu.memory_space<vmem>>, vector<16xi32>,
    %get3A_192 = arith.constant 39 : i32
    %get3A_193 = arith.index_cast %get3A_192 : i32 to index
    %get3A_194 = arith.constant 48 : index
    %get3A_195 = tpu.vector_load %arg8[%get3A_193, %get3A_194] {strides = array<i32>} : memref<40x128xi32, #tpu.memory_space<vmem>>, vector<1x16xi32>,
    %get3A_196 = vector.shape_cast %get3A_195 : vector<1x16xi32> to vector<16xi32>
    %swap3A_197 = arith.constant 48 : index
    %swap3A_198 = tpu.vector_load %arg9[%swap3A_197] {strides = array<i32>} : memref<128xi32, #tpu.memory_space<vmem>>, vector<16xi32>,
    %swap3A_199 = vector.shape_cast %swap3A_198 : vector<16xi32> to vector<16xi32>
    %swap3A_200 = vector.shape_cast %get3A_196 : vector<16xi32> to vector<16xi32>
    tpu.vector_store %arg9[%swap3A_197], %swap3A_200 {strides = array<i32>} : memref<128xi32, #tpu.memory_space<vmem>>, vector<16xi32>,
    %get3A_201 = arith.constant 39 : i32
    %get3A_202 = arith.index_cast %get3A_201 : i32 to index
    %get3A_203 = arith.constant 64 : index
    %get3A_204 = tpu.vector_load %arg8[%get3A_202, %get3A_203] {strides = array<i32>} : memref<40x128xi32, #tpu.memory_space<vmem>>, vector<1x16xi32>,
    %get3A_205 = vector.shape_cast %get3A_204 : vector<1x16xi32> to vector<16xi32>
    %swap3A_206 = arith.constant 64 : index
    %swap3A_207 = tpu.vector_load %arg9[%swap3A_206] {strides = array<i32>} : memref<128xi32, #tpu.memory_space<vmem>>, vector<16xi32>,
    %swap3A_208 = vector.shape_cast %swap3A_207 : vector<16xi32> to vector<16xi32>
    %swap3A_209 = vector.shape_cast %get3A_205 : vector<16xi32> to vector<16xi32>
    tpu.vector_store %arg9[%swap3A_206], %swap3A_209 {strides = array<i32>} : memref<128xi32, #tpu.memory_space<vmem>>, vector<16xi32>,
    %get3A_210 = arith.constant 39 : i32
    %get3A_211 = arith.index_cast %get3A_210 : i32 to index
    %get3A_212 = arith.constant 80 : index
    %get3A_213 = tpu.vector_load %arg8[%get3A_211, %get3A_212] {strides = array<i32>} : memref<40x128xi32, #tpu.memory_space<vmem>>, vector<1x16xi32>,
    %get3A_214 = vector.shape_cast %get3A_213 : vector<1x16xi32> to vector<16xi32>
    %swap3A_215 = arith.constant 80 : index
    %swap3A_216 = tpu.vector_load %arg9[%swap3A_215] {strides = array<i32>} : memref<128xi32, #tpu.memory_space<vmem>>, vector<16xi32>,
    %swap3A_217 = vector.shape_cast %swap3A_216 : vector<16xi32> to vector<16xi32>
    %swap3A_218 = vector.shape_cast %get3A_214 : vector<16xi32> to vector<16xi32>
    tpu.vector_store %arg9[%swap3A_215], %swap3A_218 {strides = array<i32>} : memref<128xi32, #tpu.memory_space<vmem>>, vector<16xi32>,
    %get3A_219 = arith.constant 39 : i32
    %get3A_220 = arith.index_cast %get3A_219 : i32 to index
    %get3A_221 = arith.constant 96 : index
    %get3A_222 = tpu.vector_load %arg8[%get3A_220, %get3A_221] {strides = array<i32>} : memref<40x128xi32, #tpu.memory_space<vmem>>, vector<1x16xi32>,
    %get3A_223 = vector.shape_cast %get3A_222 : vector<1x16xi32> to vector<16xi32>
    %swap3A_224 = arith.constant 96 : index
    %swap3A_225 = tpu.vector_load %arg9[%swap3A_224] {strides = array<i32>} : memref<128xi32, #tpu.memory_space<vmem>>, vector<16xi32>,
    %swap3A_226 = vector.shape_cast %swap3A_225 : vector<16xi32> to vector<16xi32>
    %swap3A_227 = vector.shape_cast %get3A_223 : vector<16xi32> to vector<16xi32>
    tpu.vector_store %arg9[%swap3A_224], %swap3A_227 {strides = array<i32>} : memref<128xi32, #tpu.memory_space<vmem>>, vector<16xi32>,
    %get3A_228 = arith.constant 39 : i32
    %get3A_229 = arith.index_cast %get3A_228 : i32 to index
    %get3A_230 = arith.constant 112 : index
    %get3A_231 = tpu.vector_load %arg8[%get3A_229, %get3A_230] {strides = array<i32>} : memref<40x128xi32, #tpu.memory_space<vmem>>, vector<1x16xi32>,
    %get3A_232 = vector.shape_cast %get3A_231 : vector<1x16xi32> to vector<16xi32>
    %swap3A_233 = arith.constant 112 : index
    %swap3A_234 = tpu.vector_load %arg9[%swap3A_233] {strides = array<i32>} : memref<128xi32, #tpu.memory_space<vmem>>, vector<16xi32>,
    %swap3A_235 = vector.shape_cast %swap3A_234 : vector<16xi32> to vector<16xi32>
    %swap3A_236 = vector.shape_cast %get3A_232 : vector<16xi32> to vector<16xi32>
    tpu.vector_store %arg9[%swap3A_233], %swap3A_236 {strides = array<i32>} : memref<128xi32, #tpu.memory_space<vmem>>, vector<16xi32>,
    "tpu.region"() ({
      %run_scoped3A = tpu.sem_alloc : memref<!tpu.dma_semaphore, #tpu.memory_space<semaphore_mem>>
      %dma_start3A_245 = arith.constant 0 : i32
      %dma_start3A_246 = arith.constant 0 : i32
      %dma_start3A_247 = tpu.memref_slice %arg12[%dma_start3A_245, %dma_start3A_246] : memref<10240x128xf32, #tpu.memory_space<vmem_shared>> -> memref<10240x128xf32, #tpu.memory_space<vmem_shared>>
      tpu.enqueue_indirect_dma source(%arg11 : memref<128x128xf32, #tpu.memory_space<vmem>>) target(%dma_start3A_247 : memref<10240x128xf32, #tpu.memory_space<vmem_shared>>) offsets(%arg9 : memref<128xi32, #tpu.memory_space<vmem>>) semaphore(%run_scoped3A : memref<!tpu.dma_semaphore, #tpu.memory_space<semaphore_mem>>) {add = true}
      %dma_wait3A_248 = arith.constant 0 : i32
      %dma_wait3A_249 = arith.constant 0 : i32
      %dma_wait3A_250 = tpu.memref_slice %arg12[%dma_wait3A_248, %dma_wait3A_249] : memref<10240x128xf32, #tpu.memory_space<vmem_shared>> -> memref<10240x128xf32, #tpu.memory_space<vmem_shared>>
      tpu.wait_indirect_dma semaphore(%run_scoped3A : memref<!tpu.dma_semaphore, #tpu.memory_space<semaphore_mem>>) src(%arg11 : memref<128x128xf32, #tpu.memory_space<vmem>>) dst(%dma_wait3A_250 : memref<10240x128xf32, #tpu.memory_space<vmem_shared>>)
      tpu.yield
    }) : () -> ()
    %barrier3A_237 = arith.constant 0 : index
    tpu.barrier barrier_id(%barrier3A_237)
    %eq3A = arith.constant 0 : i32
    %eq3A_238 = arith.cmpi eq, %arg0, %eq3A : i32
    %convert_element_type3A = arith.extui %eq3A_238 : i1 to i32
    %cond3A = arith.constant 0 : i32
    %cond3A_239 = arith.cmpi ne, %convert_element_type3A, %cond3A : i32
    scf.if %cond3A_239 {
      "tpu.region"() ({
        %run_scoped3A = tpu.sem_alloc : memref<!tpu.dma_semaphore, #tpu.memory_space<semaphore_mem>>
        %dma_start3A_245 = arith.constant 0 : i32
        %dma_start3A_246 = tpu.memref_slice %arg5[%mul3A_8, %dma_start3A_245] : memref<10240x128xf32, #tpu.memory_space<hbm>> -> memref<640x128xf32, #tpu.memory_space<hbm>>
        %dma_start3A_247 = arith.constant 0 : i32
        %dma_start3A_248 = tpu.memref_slice %arg12[%mul3A_8, %dma_start3A_247] : memref<10240x128xf32, #tpu.memory_space<vmem_shared>> -> memref<640x128xf32, #tpu.memory_space<vmem_shared>>
        tpu.enqueue_dma source(%dma_start3A_248 : memref<640x128xf32, #tpu.memory_space<vmem_shared>>) target(%dma_start3A_246 : memref<640x128xf32, #tpu.memory_space<hbm>>) target_semaphore(%run_scoped3A : memref<!tpu.dma_semaphore, #tpu.memory_space<semaphore_mem>>)
        %dma_wait3A_249 = arith.constant 0 : i32
        %dma_wait3A_250 = tpu.memref_slice %arg5[%mul3A_8, %dma_wait3A_249] : memref<10240x128xf32, #tpu.memory_space<hbm>> -> memref<640x128xf32, #tpu.memory_space<hbm>>
        %dma_wait3A_251 = arith.constant 0 : i32
        %dma_wait3A_252 = tpu.memref_slice %arg12[%mul3A_8, %dma_wait3A_251] : memref<10240x128xf32, #tpu.memory_space<vmem_shared>> -> memref<640x128xf32, #tpu.memory_space<vmem_shared>>
        tpu.wait_dma2 semaphore(%run_scoped3A : memref<!tpu.dma_semaphore, #tpu.memory_space<semaphore_mem>>) src(%dma_wait3A_252 : memref<640x128xf32, #tpu.memory_space<vmem_shared>>) dst(%dma_wait3A_250 : memref<640x128xf32, #tpu.memory_space<hbm>>)
        tpu.yield
      }) : () -> ()
    } else {
    }
    %eq3A_240 = arith.constant 1 : i32
    %eq3A_241 = arith.cmpi eq, %arg0, %eq3A_240 : i32
    %convert_element_type3A_242 = arith.extui %eq3A_241 : i1 to i32
    %cond3A_243 = arith.constant 0 : i32
    %cond3A_244 = arith.cmpi ne, %convert_element_type3A_242, %cond3A_243 : i32
    scf.if %cond3A_244 {
      "tpu.region"() ({
        %run_scoped3A = tpu.sem_alloc : memref<!tpu.dma_semaphore, #tpu.memory_space<semaphore_mem>>
        %dma_start3A_245 = arith.constant 0 : i32
        %dma_start3A_246 = tpu.memref_slice %arg6[%mul3A_8, %dma_start3A_245] : memref<10240x128xf32, #tpu.memory_space<hbm>> -> memref<640x128xf32, #tpu.memory_space<hbm>>
        %dma_start3A_247 = arith.constant 0 : i32
        %dma_start3A_248 = tpu.memref_slice %arg12[%mul3A_8, %dma_start3A_247] : memref<10240x128xf32, #tpu.memory_space<vmem_shared>> -> memref<640x128xf32, #tpu.memory_space<vmem_shared>>
        tpu.enqueue_dma source(%dma_start3A_248 : memref<640x128xf32, #tpu.memory_space<vmem_shared>>) target(%dma_start3A_246 : memref<640x128xf32, #tpu.memory_space<hbm>>) target_semaphore(%run_scoped3A : memref<!tpu.dma_semaphore, #tpu.memory_space<semaphore_mem>>)
        %dma_wait3A_249 = arith.constant 0 : i32
        %dma_wait3A_250 = tpu.memref_slice %arg6[%mul3A_8, %dma_wait3A_249] : memref<10240x128xf32, #tpu.memory_space<hbm>> -> memref<640x128xf32, #tpu.memory_space<hbm>>
        %dma_wait3A_251 = arith.constant 0 : i32
        %dma_wait3A_252 = tpu.memref_slice %arg12[%mul3A_8, %dma_wait3A_251] : memref<10240x128xf32, #tpu.memory_space<vmem_shared>> -> memref<640x128xf32, #tpu.memory_space<vmem_shared>>
        tpu.wait_dma2 semaphore(%run_scoped3A : memref<!tpu.dma_semaphore, #tpu.memory_space<semaphore_mem>>) src(%dma_wait3A_252 : memref<640x128xf32, #tpu.memory_space<vmem_shared>>) dst(%dma_wait3A_250 : memref<640x128xf32, #tpu.memory_space<hbm>>)
        tpu.yield
      }) : () -> ()
    } else {
    }
    return
  }
}

module attributes {stable_mosaic.version = 14 : i64} {
  func.func @_mm1_body(%arg0: i32, %arg1: memref<5120x256xf32, #tpu.memory_space<vmem>>, %arg2: memref<256x256xf32, #tpu.memory_space<vmem>>, %arg3: memref<2x5120xf32, #tpu.memory_space<vmem>>, %arg4: memref<5120x128xf32, #tpu.memory_space<vmem>>, %arg5: memref<5120x128xf32, #tpu.memory_space<vmem>>, %arg6: memref<5120xf32, #tpu.memory_space<vmem>>) attributes {dimension_semantics = [#tpu.dimension_semantics<arbitrary>], iteration_bounds = array<i64: 2>, scalar_prefetch = 0 : i64, scratch_operands = 0 : i64, tpu.core_type = #tpu.core_type<tc>, window_params = [{transform_indices = @transform_0, window_bounds = array<i64: 5120, 256>}, {pipeline_mode = #tpu.pipeline_mode<synchronous>, transform_indices = @transform_1, window_bounds = array<i64: 256, 256>}, {transform_indices = @transform_2, window_bounds = array<i64: 2, 5120>}, {transform_indices = @transform_3, window_bounds = array<i64: 5120, 128>}, {transform_indices = @transform_4, window_bounds = array<i64: 5120, 128>}, {transform_indices = @transform_5, window_bounds = array<i64: 5120>}]} {
    %get3A = arith.constant 0 : index
    %get3A_0 = arith.constant 0 : index
    %get3A_1 = vector.load %arg3[%get3A, %get3A_0] : memref<2x5120xf32, #tpu.memory_space<vmem>>, vector<1x5120xf32>
    %get3A_2 = vector.shape_cast %get3A_1 : vector<1x5120xf32> to vector<5120xf32>
    %get3A_3 = arith.constant 1 : index
    %get3A_4 = arith.constant 0 : index
    %get3A_5 = vector.load %arg3[%get3A_3, %get3A_4] : memref<2x5120xf32, #tpu.memory_space<vmem>>, vector<1x5120xf32>
    %get3A_6 = vector.shape_cast %get3A_5 : vector<1x5120xf32> to vector<5120xf32>
    %add3A = arith.addf %get3A_2, %get3A_6 : vector<5120xf32>
    %add3A_7 = arith.constant 1.000000e+00 : f32
    %add3A_8 = vector.broadcast %add3A_7 : f32 to vector<5120xf32>
    %add3A_9 = arith.addf %add3A_8, %add3A : vector<5120xf32>
    %rsqrt3A = math.rsqrt %add3A_9 : vector<5120xf32>
    %get3A_10 = arith.constant 0 : index
    %get3A_11 = arith.constant 0 : index
    %get3A_12 = vector.load %arg1[%get3A_10, %get3A_11] : memref<5120x256xf32, #tpu.memory_space<vmem>>, vector<5120x256xf32>
    %get3A_13 = arith.constant 0 : index
    %get3A_14 = arith.constant 0 : index
    %get3A_15 = vector.load %arg2[%get3A_13, %get3A_14] : memref<256x256xf32, #tpu.memory_space<vmem>>, vector<256x256xf32>
    %dot_general3A = arith.constant dense<0.000000e+00> : vector<5120x256xf32>
    %dot_general3A_16 = tpu.matmul %get3A_12, %get3A_15, %dot_general3A {dimension_numbers = #tpu.dot_dimension_numbers<[1], [0], [0], [1], [0, 0, 1, 1], [], []>, transpose_lhs_hint = false} : vector<5120x256xf32>, vector<256x256xf32>, vector<5120x256xf32> -> vector<5120x256xf32>
    %broadcast_in_dim3A = vector.shape_cast %rsqrt3A : vector<5120xf32> to vector<5120x1xf32>
    %mul3A = vector.broadcast %broadcast_in_dim3A : vector<5120x1xf32> to vector<5120x256xf32>
    %mul3A_17 = arith.mulf %dot_general3A_16, %mul3A : vector<5120x256xf32>
    %slice3A = vector.extract_strided_slice %mul3A_17 {offsets = [0, 0], sizes = [5120, 128], strides = [1, 1]} : vector<5120x256xf32> to vector<5120x128xf32>
    %swap3A = arith.constant 0 : index
    %swap3A_18 = arith.constant 0 : index
    %swap3A_19 = vector.load %arg4[%swap3A, %swap3A_18] : memref<5120x128xf32, #tpu.memory_space<vmem>>, vector<5120x128xf32>
    tpu.vector_store %arg4[%swap3A, %swap3A_18], %slice3A {strides = array<i32>} : memref<5120x128xf32, #tpu.memory_space<vmem>>, vector<5120x128xf32>,
    %slice3A_20 = vector.extract_strided_slice %mul3A_17 {offsets = [0, 128], sizes = [5120, 128], strides = [1, 1]} : vector<5120x256xf32> to vector<5120x128xf32>
    %swap3A_21 = arith.constant 0 : index
    %swap3A_22 = arith.constant 0 : index
    %swap3A_23 = vector.load %arg5[%swap3A_21, %swap3A_22] : memref<5120x128xf32, #tpu.memory_space<vmem>>, vector<5120x128xf32>
    tpu.vector_store %arg5[%swap3A_21, %swap3A_22], %slice3A_20 {strides = array<i32>} : memref<5120x128xf32, #tpu.memory_space<vmem>>, vector<5120x128xf32>,
    %swap3A_24 = arith.constant 0 : index
    %swap3A_25 = vector.load %arg6[%swap3A_24] : memref<5120xf32, #tpu.memory_space<vmem>>, vector<5120xf32>
    tpu.vector_store %arg6[%swap3A_24], %rsqrt3A {strides = array<i32>} : memref<5120xf32, #tpu.memory_space<vmem>>, vector<5120xf32>,
    return
  }
  func.func @transform_0(%arg0: i32) -> (i32, i32) {
    %c0_i32 = arith.constant 0 : i32
    %c0_i32_0 = arith.constant 0 : i32
    return %arg0, %c0_i32 : i32, i32
  }
  func.func @transform_1(%arg0: i32) -> (i32, i32) {
    %c0_i32 = arith.constant 0 : i32
    %c0_i32_0 = arith.constant 0 : i32
    %c0_i32_1 = arith.constant 0 : i32
    return %c0_i32, %c0_i32_0 : i32, i32
  }
  func.func @transform_2(%arg0: i32) -> (i32, i32) {
    %c0_i32 = arith.constant 0 : i32
    %c0_i32_0 = arith.constant 0 : i32
    return %c0_i32, %arg0 : i32, i32
  }
  func.func @transform_3(%arg0: i32) -> (i32, i32) {
    %c0_i32 = arith.constant 0 : i32
    %c0_i32_0 = arith.constant 0 : i32
    return %arg0, %c0_i32 : i32, i32
  }
  func.func @transform_4(%arg0: i32) -> (i32, i32) {
    %c0_i32 = arith.constant 0 : i32
    %c0_i32_0 = arith.constant 0 : i32
    return %arg0, %c0_i32 : i32, i32
  }
  func.func @transform_5(%arg0: i32) -> i32 {
    %c0_i32 = arith.constant 0 : i32
    return %arg0 : i32
  }
}

module attributes {stable_mosaic.version = 14 : i64} {
  func.func @_mm2_body(%arg0: i32, %arg1: memref<5120x128xf32, #tpu.memory_space<vmem>>, %arg2: memref<5120x128xf32, #tpu.memory_space<vmem>>, %arg3: memref<5120x128xf32, #tpu.memory_space<vmem>>, %arg4: memref<5120x128xf32, #tpu.memory_space<vmem>>, %arg5: memref<5120xf32, #tpu.memory_space<vmem>>, %arg6: memref<256xf32, #tpu.memory_space<vmem>>, %arg7: memref<256x128xf32, #tpu.memory_space<vmem>>, %arg8: memref<5120x128xf32, #tpu.memory_space<vmem>>) attributes {dimension_semantics = [#tpu.dimension_semantics<arbitrary>], iteration_bounds = array<i64: 2>, scalar_prefetch = 0 : i64, scratch_operands = 0 : i64, tpu.core_type = #tpu.core_type<tc>, window_params = [{transform_indices = @transform_0, window_bounds = array<i64: 5120, 128>}, {transform_indices = @transform_1, window_bounds = array<i64: 5120, 128>}, {transform_indices = @transform_2, window_bounds = array<i64: 5120, 128>}, {transform_indices = @transform_3, window_bounds = array<i64: 5120, 128>}, {transform_indices = @transform_4, window_bounds = array<i64: 5120>}, {pipeline_mode = #tpu.pipeline_mode<synchronous>, transform_indices = @transform_5, window_bounds = array<i64: 256>}, {pipeline_mode = #tpu.pipeline_mode<synchronous>, transform_indices = @transform_6, window_bounds = array<i64: 256, 128>}, {transform_indices = @transform_7, window_bounds = array<i64: 5120, 128>}]} {
    %get3A = arith.constant 0 : index
    %get3A_0 = vector.load %arg5[%get3A] : memref<5120xf32, #tpu.memory_space<vmem>>, vector<5120xf32>
    %get3A_1 = arith.constant 0 : index
    %get3A_2 = arith.constant 0 : index
    %get3A_3 = vector.load %arg1[%get3A_1, %get3A_2] : memref<5120x128xf32, #tpu.memory_space<vmem>>, vector<5120x128xf32>
    %get3A_4 = arith.constant 0 : index
    %get3A_5 = arith.constant 0 : index
    %get3A_6 = vector.load %arg3[%get3A_4, %get3A_5] : memref<5120x128xf32, #tpu.memory_space<vmem>>, vector<5120x128xf32>
    %add3A = arith.addf %get3A_3, %get3A_6 : vector<5120x128xf32>
    %get3A_7 = arith.constant 0 : index
    %get3A_8 = arith.constant 0 : index
    %get3A_9 = vector.load %arg2[%get3A_7, %get3A_8] : memref<5120x128xf32, #tpu.memory_space<vmem>>, vector<5120x128xf32>
    %get3A_10 = arith.constant 0 : index
    %get3A_11 = arith.constant 0 : index
    %get3A_12 = vector.load %arg4[%get3A_10, %get3A_11] : memref<5120x128xf32, #tpu.memory_space<vmem>>, vector<5120x128xf32>
    %add3A_13 = arith.addf %get3A_9, %get3A_12 : vector<5120x128xf32>
    %concatenate3A = tpu.concatenate %add3A, %add3A_13 in 1 : vector<5120x128xf32>, vector<5120x128xf32> -> vector<5120x256xf32>
    %broadcast_in_dim3A = vector.shape_cast %get3A_0 : vector<5120xf32> to vector<5120x1xf32>
    %mul3A = vector.broadcast %broadcast_in_dim3A : vector<5120x1xf32> to vector<5120x256xf32>
    %mul3A_14 = arith.mulf %concatenate3A, %mul3A : vector<5120x256xf32>
    %get3A_15 = arith.constant 0 : index
    %get3A_16 = vector.load %arg6[%get3A_15] : memref<256xf32, #tpu.memory_space<vmem>>, vector<256xf32>
    %broadcast_in_dim3A_17 = vector.shape_cast %get3A_16 : vector<256xf32> to vector<1x256xf32>
    %add3A_18 = vector.broadcast %broadcast_in_dim3A_17 : vector<1x256xf32> to vector<5120x256xf32>
    %add3A_19 = arith.addf %mul3A_14, %add3A_18 : vector<5120x256xf32>
    %max3A = arith.constant 0.000000e+00 : f32
    %max3A_20 = vector.broadcast %max3A : f32 to vector<5120x256xf32>
    %max3A_21 = arith.maximumf %add3A_19, %max3A_20 : vector<5120x256xf32>
    %get3A_22 = arith.constant 0 : index
    %get3A_23 = arith.constant 0 : index
    %get3A_24 = vector.load %arg7[%get3A_22, %get3A_23] : memref<256x128xf32, #tpu.memory_space<vmem>>, vector<256x128xf32>
    %dot_general3A = arith.constant dense<0.000000e+00> : vector<5120x128xf32>
    %dot_general3A_25 = tpu.matmul %max3A_21, %get3A_24, %dot_general3A {dimension_numbers = #tpu.dot_dimension_numbers<[1], [0], [0], [1], [0, 0, 1, 1], [], []>, transpose_lhs_hint = false} : vector<5120x256xf32>, vector<256x128xf32>, vector<5120x128xf32> -> vector<5120x128xf32>
    %broadcast_in_dim3A_26 = vector.shape_cast %get3A_0 : vector<5120xf32> to vector<5120x1xf32>
    %mul3A_27 = vector.broadcast %broadcast_in_dim3A_26 : vector<5120x1xf32> to vector<5120x128xf32>
    %mul3A_28 = arith.mulf %dot_general3A_25, %mul3A_27 : vector<5120x128xf32>
    %swap3A = arith.constant 0 : index
    %swap3A_29 = arith.constant 0 : index
    %swap3A_30 = vector.load %arg8[%swap3A, %swap3A_29] : memref<5120x128xf32, #tpu.memory_space<vmem>>, vector<5120x128xf32>
    tpu.vector_store %arg8[%swap3A, %swap3A_29], %mul3A_28 {strides = array<i32>} : memref<5120x128xf32, #tpu.memory_space<vmem>>, vector<5120x128xf32>,
    return
  }
  func.func @transform_0(%arg0: i32) -> (i32, i32) {
    %c0_i32 = arith.constant 0 : i32
    %c0_i32_0 = arith.constant 0 : i32
    return %arg0, %c0_i32 : i32, i32
  }
  func.func @transform_1(%arg0: i32) -> (i32, i32) {
    %c0_i32 = arith.constant 0 : i32
    %c0_i32_0 = arith.constant 0 : i32
    return %arg0, %c0_i32 : i32, i32
  }
  func.func @transform_2(%arg0: i32) -> (i32, i32) {
    %c0_i32 = arith.constant 0 : i32
    %c0_i32_0 = arith.constant 0 : i32
    return %arg0, %c0_i32 : i32, i32
  }
  func.func @transform_3(%arg0: i32) -> (i32, i32) {
    %c0_i32 = arith.constant 0 : i32
    %c0_i32_0 = arith.constant 0 : i32
    return %arg0, %c0_i32 : i32, i32
  }
  func.func @transform_4(%arg0: i32) -> i32 {
    %c0_i32 = arith.constant 0 : i32
    return %arg0 : i32
  }
  func.func @transform_5(%arg0: i32) -> i32 {
    %c0_i32 = arith.constant 0 : i32
    %c0_i32_0 = arith.constant 0 : i32
    return %c0_i32 : i32
  }
  func.func @transform_6(%arg0: i32) -> (i32, i32) {
    %c0_i32 = arith.constant 0 : i32
    %c0_i32_0 = arith.constant 0 : i32
    %c0_i32_1 = arith.constant 0 : i32
    return %c0_i32, %c0_i32_0 : i32, i32
  }
  func.func @transform_7(%arg0: i32) -> (i32, i32) {
    %c0_i32 = arith.constant 0 : i32
    %c0_i32_0 = arith.constant 0 : i32
    return %arg0, %c0_i32 : i32, i32
  }
}

module attributes {stable_mosaic.version = 14 : i64} {
  func.func @_final_body(%arg0: i32, %arg1: memref<5120x128xf32, #tpu.memory_space<vmem>>, %arg2: memref<5120x128xf32, #tpu.memory_space<vmem>>, %arg3: memref<5120x128xf32, #tpu.memory_space<vmem>>, %arg4: memref<5120xf32, #tpu.memory_space<vmem>>, %arg5: memref<128xf32, #tpu.memory_space<vmem>>, %arg6: memref<5120x128xf32, #tpu.memory_space<vmem>>) attributes {dimension_semantics = [#tpu.dimension_semantics<arbitrary>], iteration_bounds = array<i64: 2>, scalar_prefetch = 0 : i64, scratch_operands = 0 : i64, tpu.core_type = #tpu.core_type<tc>, window_params = [{transform_indices = @transform_0, window_bounds = array<i64: 5120, 128>}, {transform_indices = @transform_1, window_bounds = array<i64: 5120, 128>}, {transform_indices = @transform_2, window_bounds = array<i64: 5120, 128>}, {transform_indices = @transform_3, window_bounds = array<i64: 5120>}, {pipeline_mode = #tpu.pipeline_mode<synchronous>, transform_indices = @transform_4, window_bounds = array<i64: 128>}, {transform_indices = @transform_5, window_bounds = array<i64: 5120, 128>}]} {
    %get3A = arith.constant 0 : index
    %get3A_0 = vector.load %arg4[%get3A] : memref<5120xf32, #tpu.memory_space<vmem>>, vector<5120xf32>
    %get3A_1 = arith.constant 0 : index
    %get3A_2 = arith.constant 0 : index
    %get3A_3 = vector.load %arg1[%get3A_1, %get3A_2] : memref<5120x128xf32, #tpu.memory_space<vmem>>, vector<5120x128xf32>
    %get3A_4 = arith.constant 0 : index
    %get3A_5 = arith.constant 0 : index
    %get3A_6 = vector.load %arg2[%get3A_4, %get3A_5] : memref<5120x128xf32, #tpu.memory_space<vmem>>, vector<5120x128xf32>
    %add3A = arith.addf %get3A_3, %get3A_6 : vector<5120x128xf32>
    %get3A_7 = arith.constant 0 : index
    %get3A_8 = arith.constant 0 : index
    %get3A_9 = vector.load %arg3[%get3A_7, %get3A_8] : memref<5120x128xf32, #tpu.memory_space<vmem>>, vector<5120x128xf32>
    %add3A_10 = arith.addf %add3A, %get3A_9 : vector<5120x128xf32>
    %broadcast_in_dim3A = vector.shape_cast %get3A_0 : vector<5120xf32> to vector<5120x1xf32>
    %mul3A = vector.broadcast %broadcast_in_dim3A : vector<5120x1xf32> to vector<5120x128xf32>
    %mul3A_11 = arith.mulf %add3A_10, %mul3A : vector<5120x128xf32>
    %get3A_12 = arith.constant 0 : index
    %get3A_13 = vector.load %arg5[%get3A_12] : memref<128xf32, #tpu.memory_space<vmem>>, vector<128xf32>
    %broadcast_in_dim3A_14 = vector.shape_cast %get3A_13 : vector<128xf32> to vector<1x128xf32>
    %add3A_15 = vector.broadcast %broadcast_in_dim3A_14 : vector<1x128xf32> to vector<5120x128xf32>
    %add3A_16 = arith.addf %mul3A_11, %add3A_15 : vector<5120x128xf32>
    %swap3A = arith.constant 0 : index
    %swap3A_17 = arith.constant 0 : index
    %swap3A_18 = vector.load %arg6[%swap3A, %swap3A_17] : memref<5120x128xf32, #tpu.memory_space<vmem>>, vector<5120x128xf32>
    tpu.vector_store %arg6[%swap3A, %swap3A_17], %add3A_16 {strides = array<i32>} : memref<5120x128xf32, #tpu.memory_space<vmem>>, vector<5120x128xf32>,
    return
  }
  func.func @transform_0(%arg0: i32) -> (i32, i32) {
    %c0_i32 = arith.constant 0 : i32
    %c0_i32_0 = arith.constant 0 : i32
    return %arg0, %c0_i32 : i32, i32
  }
  func.func @transform_1(%arg0: i32) -> (i32, i32) {
    %c0_i32 = arith.constant 0 : i32
    %c0_i32_0 = arith.constant 0 : i32
    return %arg0, %c0_i32 : i32, i32
  }
  func.func @transform_2(%arg0: i32) -> (i32, i32) {
    %c0_i32 = arith.constant 0 : i32
    %c0_i32_0 = arith.constant 0 : i32
    return %arg0, %c0_i32 : i32, i32
  }
  func.func @transform_3(%arg0: i32) -> i32 {
    %c0_i32 = arith.constant 0 : i32
    return %arg0 : i32
  }
  func.func @transform_4(%arg0: i32) -> i32 {
    %c0_i32 = arith.constant 0 : i32
    %c0_i32_0 = arith.constant 0 : i32
    return %c0_i32 : i32
  }
  func.func @transform_5(%arg0: i32) -> (i32, i32) {
    %c0_i32 = arith.constant 0 : i32
    %c0_i32_0 = arith.constant 0 : i32
    return %arg0, %c0_i32 : i32, i32
  }
}

</mosaic_0001>

<sc_bundles>
// kernel: kernel.11.cloned.1.call-start
scs
__scs_entry_jumppad:
0x0: {  	(pc) =	sbr.rel $0x88, $3  }
0x1: {  	(tag) =	ssettag $0x0;
	lr =	simm.s32 $0x1  }
0x2: {  	[smem:$0x3F9B] =	sst lr;
	_ =	strace $0xD0000000  }
0x3: {  	_ = 	snop  }
0x4: {  	_ = 	snop  }
0x5: {  	_ = 	snop  }
0x6: {  	_ = 	snop  }
0x7: {  	_ = 	snop  }
__scs_overlays_trampoline_lowered:
0x8: {  	[smem:$0x3FAA] =	sst s0  }
0x9: {  	[smem:$0x3FAB] =	sst s1  }
0xa: {  	[smem:$0x3FAC] =	sst s2  }
0xb: {  	[smem:$0x3FAD] =	sst s3  }
0xc: {  	[smem:$0x3FAE] =	sst s4  }
0xd: {  	[smem:$0x3FAF] =	sst s5  }
0xe: {  	[smem:$0x3FB0] =	sst s6  }
0xf: {  	[smem:$0x3FB1] =	sst s7  }
0x10: {  	[smem:$0x3FB2] =	sst s8  }
0x11: {  	[smem:$0x3FB3] =	sst s9;
	s0 =	simm.s32 @!p0 $0x0  }
0x12: {  	s1 =	sld [smem:$0x3F99];
	s0 =	simm.s32 @p0 $0x1  }
0x13: {  	[smem:$0x3FB4] =	sst s0;
	s0 =	simm.s32 @!p1 $0x0  }
0x14: {  	s2 =	sld [smem:$0x3F98];
	s0 =	simm.s32 @p1 $0x1  }
0x15: {  	[smem:$0x3FB5] =	sst s0;
	s0 =	simm.s32 @!p2 $0x0  }
0x16: {  	s3 =	sld [smem:$0x3FDB];
	s0 =	simm.s32 @p2 $0x1  }
0x17: {  	s4 =	simm.s32 $0x1BF5;
	[smem:$0x3FB7] =	sst s0  }
0x18: {  	s0 =	sld [smem:$0x3F9A];
	_ =	swait.ge [sflag:s4], $0x0  }
0x19: {  	s7 =	sld [smem:$0x3F9B]  }
0x1a: {  	s8 =	sadd.s32 $0xFFFFE003, lr  }
0x1b: {  	s9 =	sadd.s32 $0xFFFFFEF7, lr;
	s5 =	simm.s32 $0xFFFFFFFF;
	p2 =	slt.u32 s8, $0xFFFFF086  }
0x1c: {  	p1 =	slt.u32 s9, $0xF7A;
	s5 =	simm.s32 @!p2 $0x0  }
0x1d: {  	s5 =	simm.s32 @p1 $0x1;
	p0 =	seq.s32 s7, s2  }
0x1e: {  	s7 =	smul.u32 @!p0 $0xF7A, s2;
	p2 =	seq.s32 @!p0 s5, $0x0  }
0x1f: {  	s9 =	smul.u32 $0xF7A, s1;
	s8 =	simm.s32 @!p0 $0x1BF5;
	p2 =	por !p2, p0  }
0x20: {  	[sflag:s8] =	ssyncset.s32 @!p0 $0xFFFFF086;
	s6 =	sadd.s32 @!p0 s3, s7;
	s7 =	simm.s32 @!p0 $0x108  }
0x21: {  	s3 =	sadd.s32 s3, s9;
	s6 =	sadd.s32 @!p0 $0x88, s6;
	s7 =	simm.s32 @p2 $0x1082  }
0x22: {  	[simem:s7], [sflag:s8] =	dma.local @!p0 [hbm:s6], $0xF7A  }
0x23: {  	s9 =	sor.u32 $0xD0000000, s2;
	s6 =	simm.s32 $0x108;
	_ =	swait.ge @!p0 [sflag:s8], $0x0  }
0x24: {  	s3 =	sadd.s32 $0x88, s3;
	s6 =	simm.s32 @!p1 $0x1082;
	[sflag:s4] =	ssyncset.s32 $0xFFFFF086  }
0x25: {  	[simem:s6], [sflag:s4] =	dma.local [hbm:s3], $0xF7A  }
0x26: {  	[smem:$0x3F9B] =	sst s1;
	(tag) =	ssettag s2;
	_ =	strace s9  }
0x27: {  	s1 =	sld [smem:$0x3FAB]  }
0x28: {  	s2 =	sld [smem:$0x3FAC]  }
0x29: {  	s4 =	sld [smem:$0x3FAE]  }
0x2a: {  	p0 =	seq.s32 s5, $0x0;
	s5 =	sld [smem:$0x3FAF]  }
0x2b: {  	s6 =	sld [smem:$0x3FB0]  }
0x2c: {  	s7 =	sld [smem:$0x3FB1]  }
0x2d: {  	s3 =	simm.s32 $0x108;
	s8 =	sld [smem:$0x3FB2]  }
0x2e: {  	s3 =	simm.s32 @!p0 $0x1082;
	s9 =	sld [smem:$0x3FB3]  }
0x2f: {  	lr =	sadd.s32 s0, s3;
	s0 =	sld [smem:$0x3FAA]  }
0x30: {  	s3 =	sld [smem:$0x3FAD]  }
0x31: {  	[smem:$0x3FB6] =	sst s10  }
0x32: {  	s10 =	sld [smem:$0x3FB4];
	_ =	sdelay $0x3  }
0x33: {  	p0 =	seq.s32 s10, $0x1;
	s10 =	sld [smem:$0x3FB6];
	_ =	sdelay $0x3  }
0x34: {  	[smem:$0x3FB6] =	sst s10  }
0x35: {  	s10 =	sld [smem:$0x3FB5];
	_ =	sdelay $0x3  }
0x36: {  	p1 =	seq.s32 s10, $0x1;
	s10 =	sld [smem:$0x3FB6];
	_ =	sdelay $0x3  }
0x37: {  	[smem:$0x3FB6] =	sst s10  }
0x38: {  	s10 =	sld [smem:$0x3FB7]  }
0x39: {  	_ = 	snop;
	(pc) =	sbr.ind lr, $3  }
0x3a: {  	_ = 	snop  }
0x3b: {  	_ = 	snop  }
0x3c: {  	p2 =	seq.s32 s10, $0x1;
	s10 =	sld [smem:$0x3FB6]  }
0x3d: {  	_ =	shalt  }
0x3e: {  	_ =	shalt  }
0x3f: {  	_ =	shalt  }
0x40: {  	_ =	shalt  }
0x41: {  	_ =	shalt  }
0x42: {  	_ =	shalt  }
0x43: {  	_ =	shalt  }
0x44: {  	_ =	shalt  }
0x45: {  	_ =	shalt  }
0x46: {  	_ =	shalt  }
0x47: {  	_ =	shalt  }
0x48: {  	_ =	shalt  }
0x49: {  	_ =	shalt  }
0x4a: {  	_ =	shalt  }
0x4b: {  	_ =	shalt  }
0x4c: {  	_ =	shalt  }
0x4d: {  	_ =	shalt  }
0x4e: {  	_ =	shalt  }
0x4f: {  	_ =	shalt  }
0x50: {  	_ =	shalt  }
0x51: {  	_ =	shalt  }
0x52: {  	_ =	shalt  }
0x53: {  	_ =	shalt  }
0x54: {  	_ =	shalt  }
0x55: {  	_ =	shalt  }
0x56: {  	_ =	shalt  }
0x57: {  	_ =	shalt  }
0x58: {  	_ =	shalt  }
0x59: {  	_ =	shalt  }
0x5a: {  	_ =	shalt  }
0x5b: {  	_ =	shalt  }
0x5c: {  	_ =	shalt  }
0x5d: {  	_ =	shalt  }
0x5e: {  	_ =	shalt  }
0x5f: {  	_ =	shalt  }
0x60: {  	_ =	shalt  }
0x61: {  	_ =	shalt  }
0x62: {  	_ =	shalt  }
0x63: {  	_ =	shalt  }
0x64: {  	_ =	shalt  }
0x65: {  	_ =	shalt  }
0x66: {  	_ =	shalt  }
0x67: {  	_ =	shalt  }
0x68: {  	_ =	shalt  }
0x69: {  	_ =	shalt  }
0x6a: {  	_ =	shalt  }
0x6b: {  	_ =	shalt  }
0x6c: {  	_ =	shalt  }
0x6d: {  	_ =	shalt  }
0x6e: {  	_ =	shalt  }
0x6f: {  	_ =	shalt  }
0x70: {  	_ =	shalt  }
0x71: {  	_ =	shalt  }
0x72: {  	_ =	shalt  }
0x73: {  	_ =	shalt  }
0x74: {  	_ =	shalt  }
0x75: {  	_ =	shalt  }
0x76: {  	_ =	shalt  }
0x77: {  	_ =	shalt  }
0x78: {  	_ =	shalt  }
0x79: {  	_ =	shalt  }
0x7a: {  	_ =	shalt  }
0x7b: {  	_ =	shalt  }
0x7c: {  	_ =	shalt  }
0x7d: {  	_ =	shalt  }
0x7e: {  	_ =	shalt  }
0x7f: {  	_ =	shalt  }
0x80: {  	_ =	shalt  }
0x81: {  	_ =	shalt  }
0x82: {  	_ =	shalt  }
0x83: {  	_ =	shalt  }
0x84: {  	_ =	shalt  }
0x85: {  	_ =	shalt  }
0x86: {  	_ =	shalt  }
0x87: {  	_ =	shalt  }
.Lfunc_end0:
.L_simem_size_0:
called_computation.1_lowered:
.L_overlay_start_0:
0x88: {  	s2 =	sld [smem:$0x3FD9]  }
0x89: {  	s3 =	sld [smem:$0x3FFE];
	_ =	sdelay $0x1  }
0x8a: {  	s1 =	srdreg.scid  }
0x8b: {  	s0 =	sand.u32 $0x1, s1  }
0x8c: {  	s17 =	sshll.u32 s0, $0xA;
	s2 =	sadd.s32 s3, s2  }
0x8d: {  	s2 =	sadd.s32 s2, s17  }
0x8e: {  	[smem:$0x3FC2] =	sst s2  }
0x8f: {  	_ = 	snop  }
0x90: {  	s2 =	sld [smem:$0x3FD0];
	(tm) =	ssettm $0x1  }
0x91: {  	s18 =	sld [smem:$0x3FFB];
	_ =	sdelay $0x3  }
0x92: {  	_ =	strace s18  }
0x93: {  	s3 =	sld [smem:$0x3FFC];
	_ =	sdelay $0x3  }
0x94: {  	_ =	strace s3  }
0x95: {  	s3 =	sld [smem:$0x3FFD];
	_ =	sdelay $0x3  }
0x96: {  	_ =	strace s3  }
0x97: {  	_ =	strace $0x8FFFFFFF  }
0x98: {  	s19 =	sld [smem:$0x3FDB];
	_ =	sdelay $0x1  }
0x99: {  	s4 =	simm.s32 $_scs_section_size  }
0x9a: {  	s5 =	simm.s32 $_size__tile_overlayer_lowered;
	s6 =	simm.s32 $_tile_overlayer_lowered  }
0x9b: {  	s22 =	simm.s32 $0x1BFF;
	s21 =	sshll.u32 s6, $0x1;
	s3 =	sadd.s32 s4, s19  }
0x9c: {  	s7 =	simm.s32 $0x0;
	s20 =	sshll.u32 s5, $0x1;
	s5 =	sadd.s32 s21, s3  }
0x9d: {  	[timem:s7], [sflag:s22] =	dma.local [hbm:s5], s20  }
0x9e: {  	_ =	swait.ge [sflag:s22], s20  }
0x9f: {  	s4 =	ssub.s32 $0x0, s20;
	[sflag:s22] =	ssyncset.done $0x0  }
0xa0: {  	[sflag:s22] =	ssyncadd.s32 s4;
	_ =	sdelay $0x1  }
0xa1: {  	s23 =	simm.s32 $0x1B8B  }
0xa2: {  	_ =	swait.ge [sflag:s23], $0x1  }
0xa3: {  	[sflag:s23] =	ssyncset.done $0x0  }
0xa4: {  	s25 =	simm.s32 $0x1B8E;
	s24 =	sld [smem:$0x3FFE];
	[sflag:s23] =	ssyncadd.s32 $0xFFFFFFFF  }
0xa5: {  	s26 =	simm.s32 $execute0_lowered;
	[smem:$0x3FD2] =	sst s25  }
0xa6: {  	s5 =	sshll.u32 s26, $0x1;
	_ =	strace $0x80000049;
	[dreg:$0x1] =	wrdreg $0xFFFFFFFF  }
0xa7: {  	s28 =	simm.s32 $_size_execute0_lowered;
	s3 =	sadd.s32 s3, s5;
	[dreg:$0x0] =	wrdreg $0x0  }
0xa8: {  	s5 =	sshll.u32 s28, $0x1;
	[dreg:$0x2] =	wrdreg s3  }
0xa9: {  	[dreg:$0x3] =	wrdreg s5  }
0xaa: {  	[dreg:$0x4] =	wrdreg $0xC0  }
0xab: {  	_ =	task [dreg:s7], $0x5FFFF  }
0xac: {  	[dreg:$0x1] =	wrdreg $0xFFFFFFFF  }
0xad: {  	[dreg:$0x0] =	wrdreg $0x60  }
0xae: {  	[dreg:$0x2] =	wrdreg s2  }
0xaf: {  	[dreg:$0x3] =	wrdreg s24  }
0xb0: {  	[dreg:$0x4] =	wrdreg $0xA8800  }
0xb1: {  	[dreg:$0x5] =	wrdreg $0x9  }
0xb2: {  	_ =	task.clear_ibuf [dreg:s7], $0x6FFFF;
	_ =	strace $0x90000049  }
0xb3: {  	s29 =	simm.s32 $0x9;
	_ =	strace $0x8000004B  }
0xb4: {  	_ =	swait.ge [sflag:s29], $0x1  }
0xb5: {  	[sflag:s29] =	ssyncadd.s32 $0xFFFFFFFF  }
0xb6: {  	_ =	strace $0x9000004B  }
0xb7: {  	_ =	sfence  }
0xb8: {  	s30 =	sld [smem:$0x0];
	_ =	sdelay $0x2  }
0xb9: {  	s31 =	sshll.u32 s1, $0xD;
	s1 =	sshrl.u32 s1, $0x2  }
0xba: {  	s3 =	sand.u32 $0x4000, s31;
	s1 =	sadd.s32 s1, s30  }
0xbb: {  	s0 =	sor.u32 s3, s0;
	s1 =	sshll.u32 s1, $0x11  }
0xbc: {  	s0 =	sor.u32 s1, s0  }
0xbd: {  	s0 =	sadd.s32 $0x8F2B, s0  }
0xbe: {  	[sflag:s0] =	ssyncadd.remote.s32 $0x1  }
0xbf: {  	_ =	sfence.sel $0xFFFF  }
0xc0: {  	[dreg:$0x0] =	wrdreg $0xFFFFFFFF;
	(pc) =	sbr.abs _section_cstart, $3  }
0xc1: {  	[dreg:$0x1] =	wrdreg $0xFFFFFFFF  }
0xc2: {  	_ =	task.clear_ibuf [dreg:s7], $0x2FFFF;
	_ =	strace $0x9FFFFFFF  }
0xc3: {  	(tm) =	ssettm $0x7FFFFFFF  }
tec
execute0_lowered:
.L_overlay_start_1:
0x0: {  	(tag) =	ssettag $0x1  }
0x1: {  	s0 =	rddreg [dreg:$0x0]  }
0x2: {  	s6 =	rddreg [dreg:$0x1]  }
0x3: {  	s1 =	rddreg [dreg:$0x2];
	s3 =	simm.s32 $0x0;
	s2 =	stileid.u32  }
0x4: {  	s7 =	srdreg.scid;
	s20 =	simm.s32 $0x3;
	s21 =	simm.s32 $0x1400  }
0x5: {  	s22 =	simm.s32 $0x2;
	s23 =	simm.s32 $0x80;
	s24 =	simm.s32 $0x6880  }
0x6: {  	s25 =	simm.s32 $0x1;
	s26 =	simm.s32 $0x2800;
	s28 =	simm.s32 $0x1380  }
0x7: {  	s29 =	simm.s32 $0x0;
	[smem:$0x7FF] =	sst s3;
	s17 =	sadd.s32 $0x2E00, s6  }
0x8: {  	s4 =	sadd.s32 $0x7E00, s6;
	s8 =	smul.u32 $0x50000, s2;
	s5 =	sadd.s32 $0x2FE00, s6  }
0x9: {  	s9 =	sadd.s32 $0x57E00, s6;
	s19 =	sand.u32 $0x1, s7;
	s6 =	sadd.s32 $0x7FE00, s6  }
0xa: {  	s15 =	smul.u32 $0x500, s2;
	_ =	strace $0x8000004A;
	[dreg:$0x4] =	wrdreg s9  }
0xb: {  	[dreg:$0x5] =	wrdreg s6;
	s31 =	ssub.s32 $0x2, s19;
	s9 =	smul.u32 $0x2800, s2  }
0xc: {  	p0 =	sne.s32 s19, $0x0;
	s19 =	simm.s32 $0x2880;
	s8 =	sshrl.u32 s8, $0x2  }
.Ltmp0:
0xd: {  	s10 =	sshrl.u32 s31, $0x1;
	s14 =	sadd.s32 s0, s15;
	(pc) =	sbr.rel .LBB2_1-.Ltmp0, $4  }
0xe: {  	s15 =	sadd.s32 s17, s15;
	s8 =	sadd.s32 s8, s1;
	s6 =	ssub.s32 s31, s10  }
0xf: {  	s16 =	sshrl.u32 s9, $0x3;
	s10 =	sadd.s32 $0x4000, s8;
	s11 =	sadd.s32 $0x8000, s8  }
0x10: {  	s12 =	sadd.s32 $0xC000, s8;
	s13 =	sadd.s32 $0x10000, s8;
	s18 =	sadd.s32 $0x280, s16  }
0x11: {  	v0 =	vimm.f32 $0.0e+00;
	s16 =	sadd.s32 s0, s18;
	s17 =	sadd.s32 s17, s18;
	s18 =	smax.u32 s6, $0x1  }
.LBB2_13:
0x12: {  	s0 =	sadd.s32 $0x80, s30;
	[sflag:s20] =	ssyncadd.s32 $0xFFFFC000  }
0x13: {  	[tilespmem:s24], [sflag:$0x2] =	stream.indirect.gather [hbm4b:s5+s23], $0x80, s0, s23, $0xb8;
	[tilespmem:$0x1E880] =	vst v63  }
0x14: {  	_ =	swait.ge [sflag:s25], $0x4000  }
0x15: {  	[sflag:s25] =	ssyncset.done $0x0  }
0x16: {  	[sflag:s25] =	ssyncadd.s32 $0xFFFFC000  }
0x17: {  	v1 =	vld [tilespmem:s30+$0x1400];
	_ =	sdelay $0x4  }
0x18: {  	[tilespmem:$0x2800] =	vst v1  }
0x19: {  	v1 =	vld [tilespmem:s30+$0x1410];
	_ =	sdelay $0x4  }
0x1a: {  	[tilespmem:$0x2810] =	vst v1  }
0x1b: {  	v1 =	vld [tilespmem:s30+$0x1420];
	_ =	sdelay $0x4  }
0x1c: {  	[tilespmem:$0x2820] =	vst v1  }
0x1d: {  	v1 =	vld [tilespmem:s30+$0x1430];
	_ =	sdelay $0x4  }
0x1e: {  	[tilespmem:$0x2830] =	vst v1  }
0x1f: {  	v1 =	vld [tilespmem:s30+$0x1440];
	_ =	sdelay $0x4  }
0x20: {  	[tilespmem:$0x2840] =	vst v1  }
0x21: {  	v1 =	vld [tilespmem:s30+$0x1450];
	_ =	sdelay $0x4  }
0x22: {  	[tilespmem:$0x2850] =	vst v1  }
0x23: {  	v1 =	vld [tilespmem:s30+$0x1460];
	_ =	sdelay $0x4  }
0x24: {  	[tilespmem:$0x2860] =	vst v1  }
0x25: {  	v1 =	vld [tilespmem:s30+$0x1470];
	_ =	sdelay $0x4  }
0x26: {  	[tilespmem:$0x2870] =	vst v1  }
0x27: {  	[spmem:s1] =	stream.indirect.scatter.add.f32 [tilespmem:s19], [sflag:$0x3], $0x80, s26, s23, $0xb8;
	[tilespmem:$0x1E880] =	vst v63  }
0x28: {  	_ =	swait.ge [sflag:s20], $0x4000  }
0x29: {  	[sflag:s20] =	ssyncset.done $0x0  }
0x2a: {  	s31 =	sadd.s32 $0x100, s30;
	[sflag:s20] =	ssyncadd.s32 $0xFFFFC000  }
0x2b: {  	[tilespmem:s19], [sflag:$0x1] =	stream.indirect.gather [hbm4b:s5+s23], $0x80, s31, s23, $0xb8;
	[tilespmem:$0x1E880] =	vst v63  }
0x2c: {  	_ =	swait.ge [sflag:s22], $0x4000  }
0x2d: {  	[sflag:s22] =	ssyncset.done $0x0  }
0x2e: {  	[sflag:s22] =	ssyncadd.s32 $0xFFFFC000  }
0x2f: {  	v1 =	vld [tilespmem:s30+$0x1480];
	_ =	sdelay $0x4  }
0x30: {  	[tilespmem:$0x2800] =	vst v1  }
0x31: {  	v1 =	vld [tilespmem:s30+$0x1490];
	_ =	sdelay $0x4  }
0x32: {  	[tilespmem:$0x2810] =	vst v1  }
0x33: {  	v1 =	vld [tilespmem:s30+$0x14A0];
	_ =	sdelay $0x4  }
0x34: {  	[tilespmem:$0x2820] =	vst v1  }
0x35: {  	v1 =	vld [tilespmem:s30+$0x14B0];
	_ =	sdelay $0x4  }
0x36: {  	[tilespmem:$0x2830] =	vst v1  }
0x37: {  	v1 =	vld [tilespmem:s30+$0x14C0];
	_ =	sdelay $0x4  }
0x38: {  	[tilespmem:$0x2840] =	vst v1  }
0x39: {  	v1 =	vld [tilespmem:s30+$0x14D0];
	_ =	sdelay $0x4  }
0x3a: {  	[tilespmem:$0x2850] =	vst v1  }
0x3b: {  	v1 =	vld [tilespmem:s30+$0x14E0];
	_ =	sdelay $0x4  }
0x3c: {  	[tilespmem:$0x2860] =	vst v1  }
0x3d: {  	v1 =	vld [tilespmem:s30+$0x14F0];
	_ =	sdelay $0x4  }
0x3e: {  	[tilespmem:$0x2870] =	vst v1  }
0x3f: {  	[spmem:s1] =	stream.indirect.scatter.add.f32 [tilespmem:s24], [sflag:$0x3], $0x80, s26, s23, $0xb8;
	[tilespmem:$0x1E880] =	vst v63  }
0x40: {  	_ =	swait.ge [sflag:s20], $0x4000  }
0x41: {  	[sflag:s20] =	ssyncset.done $0x0  }
0x42: {  	s6 =	smov.u32 s5;
	s0 =	rddreg [dreg:$0x5];
	[sflag:s20] =	ssyncadd.s32 $0xFFFFC000  }
.LBB2_14:
0x43: {  	[tilespmem:s24], [sflag:$0x2] =	stream.indirect.gather [hbm4b:s6+s23], $0x80, s28, s23, $0xb8;
	[tilespmem:$0x1E880] =	vst v63  }
0x44: {  	_ =	swait.ge [sflag:s25], $0x4000  }
0x45: {  	[sflag:s25] =	ssyncset.done $0x0  }
0x46: {  	[sflag:s25] =	ssyncadd.s32 $0xFFFFC000  }
0x47: {  	v1 =	vld [tilespmem:$0x2700]  }
0x48: {  	v2 =	vld [tilespmem:$0x2710]  }
0x49: {  	v3 =	vld [tilespmem:$0x2720]  }
0x4a: {  	v4 =	vld [tilespmem:$0x2730]  }
0x4b: {  	v5 =	vld [tilespmem:$0x2740]  }
0x4c: {  	[tilespmem:$0x2800] =	vst v1;
	v1 =	vld [tilespmem:$0x2750]  }
0x4d: {  	[tilespmem:$0x2810] =	vst v2;
	v2 =	vld [tilespmem:$0x2760]  }
0x4e: {  	[tilespmem:$0x2820] =	vst v3;
	v3 =	vld [tilespmem:$0x2770]  }
0x4f: {  	[tilespmem:$0x2830] =	vst v4  }
0x50: {  	[tilespmem:$0x2840] =	vst v5  }
0x51: {  	[tilespmem:$0x2850] =	vst v1  }
0x52: {  	[tilespmem:$0x2860] =	vst v2  }
0x53: {  	[tilespmem:$0x2870] =	vst v3  }
0x54: {  	[spmem:s1] =	stream.indirect.scatter.add.f32 [tilespmem:s19], [sflag:$0x3], $0x80, s26, s23, $0xb8;
	[tilespmem:$0x1E880] =	vst v63  }
0x55: {  	_ =	swait.ge [sflag:s20], $0x4000  }
0x56: {  	[sflag:s20] =	ssyncset.done $0x0  }
0x57: {  	[sflag:s20] =	ssyncadd.s32 $0xFFFFC000  }
0x58: {  	_ =	swait.ge [sflag:s22], $0x4000  }
0x59: {  	[sflag:s22] =	ssyncset.done $0x0  }
0x5a: {  	[sflag:s22] =	ssyncadd.s32 $0xFFFFC000  }
0x5b: {  	v1 =	vld [tilespmem:$0x2780]  }
0x5c: {  	v2 =	vld [tilespmem:$0x2790]  }
0x5d: {  	v3 =	vld [tilespmem:$0x27A0]  }
0x5e: {  	v62 =	vld [tilespmem:$0x27B0]  }
0x5f: {  	v63 =	vld [tilespmem:$0x27C0]  }
0x60: {  	[tilespmem:$0x2800] =	vst v1;
	v1 =	vld [tilespmem:$0x27D0]  }
0x61: {  	[tilespmem:$0x2810] =	vst v2;
	v2 =	vld [tilespmem:$0x27E0]  }
0x62: {  	[tilespmem:$0x2820] =	vst v3;
	v3 =	vld [tilespmem:$0x27F0]  }
0x63: {  	[tilespmem:$0x2830] =	vst v62  }
0x64: {  	[tilespmem:$0x2840] =	vst v63  }
0x65: {  	[tilespmem:$0x2850] =	vst v1  }
0x66: {  	[tilespmem:$0x2860] =	vst v2  }
0x67: {  	[tilespmem:$0x2870] =	vst v3  }
0x68: {  	[spmem:s1] =	stream.indirect.scatter.add.f32 [tilespmem:s24], [sflag:$0x3], $0x80, s26, s23, $0xb8;
	[tilespmem:$0x1E880] =	vst v63  }
0x69: {  	s0 =	sadd.s32 s0, s9;
	_ =	swait.ge [sflag:s20], $0x4000  }
0x6a: {  	s31 =	sshll.u32 s2, $0x6;
	s29 =	sadd.s32 $0x1, s29;
	[sflag:s20] =	ssyncset.done $0x0  }
0x6b: {  	s7 =	sshrl.u32 s8, $0x3;
	p1 =	sne.s32 s29, s18;
	[sflag:s20] =	ssyncadd.s32 $0xFFFFC000  }
.Ltmp1:
0x6c: {  	s6 =	sor.u32 $0x1C03, s31;
	[bflag:$0x0] =	sbarrier.arrive $0xFFFF;
	(pc) =	sbr.rel @!p1 .LBB2_15-.Ltmp1, $4  }
0x6d: {  	[hbm:s0], [sflag:s6] =	dma.local [spmem:s7], $0x2800  }
0x6e: {  	_ =	swait.ge [sflag:s20], $0x2800  }
0x6f: {  	[sflag:s20] =	ssyncset.done $0x0  }
0x70: {  	[sflag:s20] =	ssyncadd.s32 $0xFFFFD800  }
.LBB2_1:
0x71: {  	s0 =	simm.s32 $0x0;
	s30 =	simm.s32 $0x200  }
.LBB2_2:
0x72: {  	p1 =	sne.s32 s30, $0xFE00;
	[tilespmem:s0+$0x28F0] =	vst v0  }
0x73: {  	[tilespmem:s0+$0x2880] =	vst v0  }
0x74: {  	[tilespmem:s0+$0x2890] =	vst v0  }
.Ltmp2:
0x75: {  	[tilespmem:s0+$0x28A0] =	vst v0;
	(pc) =	sbr.rel @p1 .LBB2_2-.Ltmp2, $4  }
0x76: {  	[tilespmem:s0+$0x28B0] =	vst v0  }
0x77: {  	[tilespmem:s0+$0x28C0] =	vst v0  }
0x78: {  	[tilespmem:s0+$0x28D0] =	vst v0  }
0x79: {  	[tilespmem:s0+$0x28E0] =	vst v0;
	s0 =	sshra.s32 s30, $0x2;
	s30 =	sadd.s32 $0x200, s30  }
0x7a: {  	[tilespmem:s0+$0x28F0] =	vst v0  }
0x7b: {  	[tilespmem:s0+$0x2880] =	vst v0  }
0x7c: {  	[tilespmem:s0+$0x2890] =	vst v0  }
0x7d: {  	[tilespmem:s0+$0x28A0] =	vst v0  }
0x7e: {  	[tilespmem:s0+$0x28B0] =	vst v0  }
0x7f: {  	[tilespmem:s0+$0x28C0] =	vst v0  }
0x80: {  	[tilespmem:s0+$0x28D0] =	vst v0  }
0x81: {  	[tilespmem:s0+$0x28E0] =	vst v0  }
0x82: {  	[spmem:s8] =	stream.linear.scatter [tilespmem:s19], [sflag:$0x2], $0x4000, $0x38;
	[tilespmem:$0x1E880] =	vst v63  }
0x83: {  	_ = 	snop  }
0x84: {  	[spmem:s10] =	stream.linear.scatter [tilespmem:s19], [sflag:$0x2], $0x4000, $0x38;
	[tilespmem:$0x1E880] =	vst v63  }
0x85: {  	_ = 	snop  }
0x86: {  	[spmem:s11] =	stream.linear.scatter [tilespmem:s19], [sflag:$0x2], $0x4000, $0x38;
	[tilespmem:$0x1E880] =	vst v63  }
0x87: {  	_ = 	snop  }
0x88: {  	[spmem:s12] =	stream.linear.scatter [tilespmem:s19], [sflag:$0x2], $0x4000, $0x38;
	[tilespmem:$0x1E880] =	vst v63  }
0x89: {  	_ = 	snop  }
0x8a: {  	[spmem:s13] =	stream.linear.scatter [tilespmem:s19], [sflag:$0x2], $0x4000, $0x38;
	[tilespmem:$0x1E880] =	vst v63  }
0x8b: {  	_ = 	snop  }
0x8c: {  	[tilespmem:s3], [sflag:$0x3] =	stream.linear.gather [hbm4b:s14+s3], $0x1400, $0x38;
	[tilespmem:$0x1E880] =	vst v63  }
0x8d: {  	_ =	swait.ge [sflag:s20], $0x1400  }
0x8e: {  	[sflag:s20] =	ssyncset.done $0x0  }
0x8f: {  	[sflag:s20] =	ssyncadd.s32 $0xFFFFEC00  }
0x90: {  	[tilespmem:s21], [sflag:$0x3] =	stream.linear.gather [hbm4b:s15+s3], $0x1400, $0x38;
	[tilespmem:$0x1E880] =	vst v63  }
0x91: {  	_ =	swait.ge [sflag:s20], $0x1400  }
0x92: {  	[sflag:s20] =	ssyncset.done $0x0  }
0x93: {  	[sflag:s20] =	ssyncadd.s32 $0xFFFFEC00  }
0x94: {  	_ =	swait.ge [sflag:s22], $0x4000  }
0x95: {  	[sflag:s22] =	ssyncset.done $0x0  }
0x96: {  	[sflag:s22] =	ssyncadd.s32 $0xFFFFC000  }
0x97: {  	_ =	swait.ge [sflag:s22], $0x4000  }
0x98: {  	[sflag:s22] =	ssyncset.done $0x0  }
0x99: {  	[sflag:s22] =	ssyncadd.s32 $0xFFFFC000  }
0x9a: {  	_ =	swait.ge [sflag:s22], $0x4000  }
0x9b: {  	[sflag:s22] =	ssyncset.done $0x0  }
0x9c: {  	[sflag:s22] =	ssyncadd.s32 $0xFFFFC000  }
0x9d: {  	_ =	swait.ge [sflag:s22], $0x4000  }
0x9e: {  	[sflag:s22] =	ssyncset.done $0x0  }
0x9f: {  	[sflag:s22] =	ssyncadd.s32 $0xFFFFC000  }
.Ltmp3:
0xa0: {  	_ =	swait.ge [sflag:s22], $0x4000;
	(pc) =	sbr.rel @p0 .LBB2_9-.Ltmp3, $4  }
0xa1: {  	[sflag:s22] =	ssyncset.done $0x0  }
0xa2: {  	[sflag:s22] =	ssyncadd.s32 $0xFFFFC000  }
0xa3: {  	[bflag:$0x0] =	sbarrier.arrive $0xFFFF  }
0xa4: {  	s0 =	simm.s32 $0x0  }
0xa5: {  	[tilespmem:s19], [sflag:$0x1] =	stream.indirect.gather [hbm4b:s4+s23], $0x80, s0, s23, $0xb8;
	[tilespmem:$0x1E880] =	vst v63  }
0xa6: {  	s6 =	simm.s32 $0x80  }
0xa7: {  	[tilespmem:s24], [sflag:$0x2] =	stream.indirect.gather [hbm4b:s4+s23], $0x80, s6, s23, $0xb8;
	[tilespmem:$0x1E880] =	vst v63  }
0xa8: {  	_ =	swait.ge [sflag:s25], $0x4000  }
0xa9: {  	[sflag:s25] =	ssyncset.done $0x0  }
0xaa: {  	s7 =	simm.s32 $0x0;
	[sflag:s25] =	ssyncadd.s32 $0xFFFFC000  }
0xab: {  	v1 =	vld [tilespmem:s7+$0x1400];
	_ =	sdelay $0x4  }
0xac: {  	[tilespmem:$0x2800] =	vst v1  }
0xad: {  	v1 =	vld [tilespmem:s7+$0x1410];
	_ =	sdelay $0x4  }
0xae: {  	[tilespmem:$0x2810] =	vst v1  }
0xaf: {  	v1 =	vld [tilespmem:s7+$0x1420];
	_ =	sdelay $0x4  }
0xb0: {  	[tilespmem:$0x2820] =	vst v1  }
0xb1: {  	v1 =	vld [tilespmem:s7+$0x1430];
	_ =	sdelay $0x4  }
0xb2: {  	[tilespmem:$0x2830] =	vst v1  }
0xb3: {  	v1 =	vld [tilespmem:s7+$0x1440];
	_ =	sdelay $0x4  }
0xb4: {  	[tilespmem:$0x2840] =	vst v1  }
0xb5: {  	v1 =	vld [tilespmem:s7+$0x1450];
	_ =	sdelay $0x4  }
0xb6: {  	[tilespmem:$0x2850] =	vst v1  }
0xb7: {  	v1 =	vld [tilespmem:s7+$0x1460];
	_ =	sdelay $0x4  }
0xb8: {  	[tilespmem:$0x2860] =	vst v1  }
0xb9: {  	v1 =	vld [tilespmem:s7+$0x1470];
	_ =	sdelay $0x4  }
0xba: {  	[tilespmem:$0x2870] =	vst v1  }
0xbb: {  	[spmem:s1] =	stream.indirect.scatter.add.f32 [tilespmem:s19], [sflag:$0x3], $0x80, s26, s23, $0xb8;
	[tilespmem:$0x1E880] =	vst v63  }
0xbc: {  	_ =	swait.ge [sflag:s20], $0x4000  }
0xbd: {  	[sflag:s20] =	ssyncset.done $0x0  }
0xbe: {  	s6 =	simm.s32 $0x100;
	[sflag:s20] =	ssyncadd.s32 $0xFFFFC000  }
0xbf: {  	[tilespmem:s19], [sflag:$0x1] =	stream.indirect.gather [hbm4b:s4+s23], $0x80, s6, s23, $0xb8;
	[tilespmem:$0x1E880] =	vst v63  }
0xc0: {  	_ =	swait.ge [sflag:s22], $0x4000  }
0xc1: {  	[sflag:s22] =	ssyncset.done $0x0  }
0xc2: {  	[sflag:s22] =	ssyncadd.s32 $0xFFFFC000  }
0xc3: {  	v1 =	vld [tilespmem:s7+$0x1480];
	_ =	sdelay $0x4  }
0xc4: {  	[tilespmem:$0x2800] =	vst v1  }
0xc5: {  	v1 =	vld [tilespmem:s7+$0x1490];
	_ =	sdelay $0x4  }
0xc6: {  	[tilespmem:$0x2810] =	vst v1  }
0xc7: {  	v1 =	vld [tilespmem:s7+$0x14A0];
	_ =	sdelay $0x4  }
0xc8: {  	[tilespmem:$0x2820] =	vst v1  }
0xc9: {  	v1 =	vld [tilespmem:s7+$0x14B0];
	_ =	sdelay $0x4  }
0xca: {  	[tilespmem:$0x2830] =	vst v1  }
0xcb: {  	v1 =	vld [tilespmem:s7+$0x14C0];
	_ =	sdelay $0x4  }
0xcc: {  	[tilespmem:$0x2840] =	vst v1  }
0xcd: {  	v1 =	vld [tilespmem:s7+$0x14D0];
	_ =	sdelay $0x4  }
0xce: {  	[tilespmem:$0x2850] =	vst v1  }
0xcf: {  	v1 =	vld [tilespmem:s7+$0x14E0];
	_ =	sdelay $0x4  }
0xd0: {  	[tilespmem:$0x2860] =	vst v1  }
0xd1: {  	v1 =	vld [tilespmem:s7+$0x14F0];
	_ =	sdelay $0x4  }
0xd2: {  	[tilespmem:$0x2870] =	vst v1  }
0xd3: {  	[spmem:s1] =	stream.indirect.scatter.add.f32 [tilespmem:s24], [sflag:$0x3], $0x80, s26, s23, $0xb8;
	[tilespmem:$0x1E880] =	vst v63  }
0xd4: {  	_ =	swait.ge [sflag:s20], $0x4000  }
0xd5: {  	s31 =	simm.s32 $0x800;
	s30 =	simm.s32 $0x100;
	[sflag:s20] =	ssyncset.done $0x0  }
.LBB2_5:
0xd6: {  	s7 =	sadd.s32 $0x80, s30  }
0xd7: {  	[sflag:s20] =	ssyncadd.s32 $0xFFFFC000;
	s0 =	smov.u32 s31;
	s6 =	sadd.s32 $0x400, s31  }
0xd8: {  	[tilespmem:s24], [sflag:$0x2] =	stream.indirect.gather [hbm4b:s4+s23], $0x80, s7, s23, $0xb8;
	[tilespmem:$0x1E880] =	vst v63  }
0xd9: {  	p1 =	sne.s32 s31, $0x4800;
	_ =	swait.ge [sflag:s25], $0x4000  }
0xda: {  	[sflag:s25] =	ssyncset.done $0x0  }
0xdb: {  	[sflag:s25] =	ssyncadd.s32 $0xFFFFC000  }
0xdc: {  	v1 =	vld [tilespmem:s30+$0x1400];
	_ =	sdelay $0x4  }
0xdd: {  	[tilespmem:$0x2800] =	vst v1  }
0xde: {  	v1 =	vld [tilespmem:s30+$0x1410];
	_ =	sdelay $0x4  }
0xdf: {  	[tilespmem:$0x2810] =	vst v1  }
0xe0: {  	v1 =	vld [tilespmem:s30+$0x1420];
	_ =	sdelay $0x4  }
0xe1: {  	[tilespmem:$0x2820] =	vst v1  }
0xe2: {  	v1 =	vld [tilespmem:s30+$0x1430];
	_ =	sdelay $0x4  }
0xe3: {  	[tilespmem:$0x2830] =	vst v1  }
0xe4: {  	v1 =	vld [tilespmem:s30+$0x1440];
	_ =	sdelay $0x4  }
0xe5: {  	[tilespmem:$0x2840] =	vst v1  }
0xe6: {  	v1 =	vld [tilespmem:s30+$0x1450];
	_ =	sdelay $0x4  }
0xe7: {  	[tilespmem:$0x2850] =	vst v1  }
0xe8: {  	v1 =	vld [tilespmem:s30+$0x1460];
	_ =	sdelay $0x4  }
0xe9: {  	[tilespmem:$0x2860] =	vst v1  }
0xea: {  	v1 =	vld [tilespmem:s30+$0x1470];
	_ =	sdelay $0x4  }
0xeb: {  	[tilespmem:$0x2870] =	vst v1  }
0xec: {  	[spmem:s1] =	stream.indirect.scatter.add.f32 [tilespmem:s19], [sflag:$0x3], $0x80, s26, s23, $0xb8;
	[tilespmem:$0x1E880] =	vst v63  }
0xed: {  	_ =	swait.ge [sflag:s20], $0x4000  }
0xee: {  	[sflag:s20] =	ssyncset.done $0x0  }
0xef: {  	s7 =	sadd.s32 $0x100, s30;
	[sflag:s20] =	ssyncadd.s32 $0xFFFFC000  }
0xf0: {  	[tilespmem:s19], [sflag:$0x1] =	stream.indirect.gather [hbm4b:s4+s23], $0x80, s7, s23, $0xb8;
	[tilespmem:$0x1E880] =	vst v63  }
0xf1: {  	_ =	swait.ge [sflag:s22], $0x4000  }
0xf2: {  	[sflag:s22] =	ssyncset.done $0x0  }
0xf3: {  	[sflag:s22] =	ssyncadd.s32 $0xFFFFC000  }
0xf4: {  	v1 =	vld [tilespmem:s30+$0x1480];
	_ =	sdelay $0x4  }
0xf5: {  	[tilespmem:$0x2800] =	vst v1  }
0xf6: {  	v1 =	vld [tilespmem:s30+$0x1490];
	_ =	sdelay $0x4  }
0xf7: {  	[tilespmem:$0x2810] =	vst v1  }
0xf8: {  	v1 =	vld [tilespmem:s30+$0x14A0];
	_ =	sdelay $0x4  }
0xf9: {  	[tilespmem:$0x2820] =	vst v1  }
0xfa: {  	v1 =	vld [tilespmem:s30+$0x14B0];
	_ =	sdelay $0x4  }
0xfb: {  	[tilespmem:$0x2830] =	vst v1  }
0xfc: {  	v1 =	vld [tilespmem:s30+$0x14C0];
	_ =	sdelay $0x4  }
0xfd: {  	[tilespmem:$0x2840] =	vst v1  }
0xfe: {  	v1 =	vld [tilespmem:s30+$0x14D0];
	_ =	sdelay $0x4  }
0xff: {  	[tilespmem:$0x2850] =	vst v1  }
0x100: {  	v1 =	vld [tilespmem:s30+$0x14E0];
	_ =	sdelay $0x4  }
0x101: {  	[tilespmem:$0x2860] =	vst v1  }
0x102: {  	v1 =	vld [tilespmem:s30+$0x14F0];
	_ =	sdelay $0x3  }
.Ltmp4:
0x103: {  	(pc) =	sbr.rel @p1 .LBB2_5-.Ltmp4, $4  }
0x104: {  	[tilespmem:$0x2870] =	vst v1  }
0x105: {  	[spmem:s1] =	stream.indirect.scatter.add.f32 [tilespmem:s24], [sflag:$0x3], $0x80, s26, s23, $0xb8;
	[tilespmem:$0x1E880] =	vst v63  }
0x106: {  	_ =	swait.ge [sflag:s20], $0x4000  }
0x107: {  	s31 =	smov.u32 s6;
	s30 =	sshra.s32 s0, $0x2;
	[sflag:s20] =	ssyncset.done $0x0  }
0x108: {  	s0 =	sadd.s32 $0x80, s30;
	[sflag:s20] =	ssyncadd.s32 $0xFFFFC000  }
0x109: {  	[tilespmem:s24], [sflag:$0x2] =	stream.indirect.gather [hbm4b:s4+s23], $0x80, s0, s23, $0xb8;
	[tilespmem:$0x1E880] =	vst v63  }
0x10a: {  	_ =	swait.ge [sflag:s25], $0x4000  }
0x10b: {  	[sflag:s25] =	ssyncset.done $0x0  }
0x10c: {  	[sflag:s25] =	ssyncadd.s32 $0xFFFFC000  }
0x10d: {  	v1 =	vld [tilespmem:s30+$0x1400];
	_ =	sdelay $0x4  }
0x10e: {  	[tilespmem:$0x2800] =	vst v1  }
0x10f: {  	v1 =	vld [tilespmem:s30+$0x1410];
	_ =	sdelay $0x4  }
0x110: {  	[tilespmem:$0x2810] =	vst v1  }
0x111: {  	v1 =	vld [tilespmem:s30+$0x1420];
	_ =	sdelay $0x4  }
0x112: {  	[tilespmem:$0x2820] =	vst v1  }
0x113: {  	v1 =	vld [tilespmem:s30+$0x1430];
	_ =	sdelay $0x4  }
0x114: {  	[tilespmem:$0x2830] =	vst v1  }
0x115: {  	v1 =	vld [tilespmem:s30+$0x1440];
	_ =	sdelay $0x4  }
0x116: {  	[tilespmem:$0x2840] =	vst v1  }
0x117: {  	v1 =	vld [tilespmem:s30+$0x1450];
	_ =	sdelay $0x4  }
0x118: {  	[tilespmem:$0x2850] =	vst v1  }
0x119: {  	v1 =	vld [tilespmem:s30+$0x1460];
	_ =	sdelay $0x4  }
0x11a: {  	[tilespmem:$0x2860] =	vst v1  }
0x11b: {  	v1 =	vld [tilespmem:s30+$0x1470];
	_ =	sdelay $0x4  }
0x11c: {  	[tilespmem:$0x2870] =	vst v1  }
0x11d: {  	[spmem:s1] =	stream.indirect.scatter.add.f32 [tilespmem:s19], [sflag:$0x3], $0x80, s26, s23, $0xb8;
	[tilespmem:$0x1E880] =	vst v63  }
0x11e: {  	_ =	swait.ge [sflag:s20], $0x4000  }
0x11f: {  	[sflag:s20] =	ssyncset.done $0x0  }
0x120: {  	s31 =	sadd.s32 $0x100, s30;
	[sflag:s20] =	ssyncadd.s32 $0xFFFFC000  }
0x121: {  	[tilespmem:s19], [sflag:$0x1] =	stream.indirect.gather [hbm4b:s4+s23], $0x80, s31, s23, $0xb8;
	[tilespmem:$0x1E880] =	vst v63  }
0x122: {  	_ =	swait.ge [sflag:s22], $0x4000  }
0x123: {  	[sflag:s22] =	ssyncset.done $0x0  }
0x124: {  	[sflag:s22] =	ssyncadd.s32 $0xFFFFC000  }
0x125: {  	v1 =	vld [tilespmem:s30+$0x1480];
	_ =	sdelay $0x4  }
0x126: {  	[tilespmem:$0x2800] =	vst v1  }
0x127: {  	v1 =	vld [tilespmem:s30+$0x1490];
	_ =	sdelay $0x4  }
0x128: {  	[tilespmem:$0x2810] =	vst v1  }
0x129: {  	v1 =	vld [tilespmem:s30+$0x14A0];
	_ =	sdelay $0x4  }
0x12a: {  	[tilespmem:$0x2820] =	vst v1  }
0x12b: {  	v1 =	vld [tilespmem:s30+$0x14B0];
	_ =	sdelay $0x4  }
0x12c: {  	[tilespmem:$0x2830] =	vst v1  }
0x12d: {  	v1 =	vld [tilespmem:s30+$0x14C0];
	_ =	sdelay $0x4  }
0x12e: {  	[tilespmem:$0x2840] =	vst v1  }
0x12f: {  	v1 =	vld [tilespmem:s30+$0x14D0];
	_ =	sdelay $0x4  }
0x130: {  	[tilespmem:$0x2850] =	vst v1  }
0x131: {  	v1 =	vld [tilespmem:s30+$0x14E0];
	_ =	sdelay $0x4  }
0x132: {  	[tilespmem:$0x2860] =	vst v1  }
0x133: {  	v1 =	vld [tilespmem:s30+$0x14F0];
	_ =	sdelay $0x4  }
0x134: {  	[tilespmem:$0x2870] =	vst v1  }
0x135: {  	[spmem:s1] =	stream.indirect.scatter.add.f32 [tilespmem:s24], [sflag:$0x3], $0x80, s26, s23, $0xb8;
	[tilespmem:$0x1E880] =	vst v63  }
0x136: {  	_ =	swait.ge [sflag:s20], $0x4000  }
0x137: {  	[sflag:s20] =	ssyncset.done $0x0  }
0x138: {  	[sflag:s20] =	ssyncadd.s32 $0xFFFFC000  }
0x139: {  	[tilespmem:s24], [sflag:$0x2] =	stream.indirect.gather [hbm4b:s4+s23], $0x80, s28, s23, $0xb8;
	[tilespmem:$0x1E880] =	vst v63  }
0x13a: {  	_ =	swait.ge [sflag:s25], $0x4000  }
0x13b: {  	[sflag:s25] =	ssyncset.done $0x0  }
0x13c: {  	[sflag:s25] =	ssyncadd.s32 $0xFFFFC000  }
0x13d: {  	v1 =	vld [tilespmem:$0x2700]  }
0x13e: {  	v2 =	vld [tilespmem:$0x2710]  }
0x13f: {  	v3 =	vld [tilespmem:$0x2720]  }
0x140: {  	v4 =	vld [tilespmem:$0x2730]  }
0x141: {  	v5 =	vld [tilespmem:$0x2740]  }
0x142: {  	[tilespmem:$0x2800] =	vst v1;
	v1 =	vld [tilespmem:$0x2750]  }
0x143: {  	[tilespmem:$0x2810] =	vst v2;
	v2 =	vld [tilespmem:$0x2760]  }
0x144: {  	[tilespmem:$0x2820] =	vst v3;
	v3 =	vld [tilespmem:$0x2770]  }
0x145: {  	[tilespmem:$0x2830] =	vst v4  }
0x146: {  	[tilespmem:$0x2840] =	vst v5  }
0x147: {  	[tilespmem:$0x2850] =	vst v1  }
0x148: {  	[tilespmem:$0x2860] =	vst v2  }
0x149: {  	[tilespmem:$0x2870] =	vst v3  }
0x14a: {  	[spmem:s1] =	stream.indirect.scatter.add.f32 [tilespmem:s19], [sflag:$0x3], $0x80, s26, s23, $0xb8;
	[tilespmem:$0x1E880] =	vst v63  }
0x14b: {  	_ =	swait.ge [sflag:s20], $0x4000  }
0x14c: {  	[sflag:s20] =	ssyncset.done $0x0  }
0x14d: {  	[sflag:s20] =	ssyncadd.s32 $0xFFFFC000  }
0x14e: {  	_ =	swait.ge [sflag:s22], $0x4000  }
0x14f: {  	[sflag:s22] =	ssyncset.done $0x0  }
0x150: {  	[sflag:s22] =	ssyncadd.s32 $0xFFFFC000  }
0x151: {  	v1 =	vld [tilespmem:$0x2780]  }
0x152: {  	v2 =	vld [tilespmem:$0x2790]  }
0x153: {  	v3 =	vld [tilespmem:$0x27A0]  }
0x154: {  	v62 =	vld [tilespmem:$0x27B0]  }
0x155: {  	v63 =	vld [tilespmem:$0x27C0]  }
0x156: {  	[tilespmem:$0x2800] =	vst v1;
	v1 =	vld [tilespmem:$0x27D0]  }
0x157: {  	[tilespmem:$0x2810] =	vst v2;
	v2 =	vld [tilespmem:$0x27E0]  }
0x158: {  	[tilespmem:$0x2820] =	vst v3;
	v3 =	vld [tilespmem:$0x27F0]  }
0x159: {  	[tilespmem:$0x2830] =	vst v62  }
0x15a: {  	[tilespmem:$0x2840] =	vst v63  }
0x15b: {  	[tilespmem:$0x2850] =	vst v1  }
0x15c: {  	[tilespmem:$0x2860] =	vst v2  }
0x15d: {  	[tilespmem:$0x2870] =	vst v3  }
0x15e: {  	[spmem:s1] =	stream.indirect.scatter.add.f32 [tilespmem:s24], [sflag:$0x3], $0x80, s26, s23, $0xb8;
	[tilespmem:$0x1E880] =	vst v63  }
0x15f: {  	_ =	swait.ge [sflag:s20], $0x4000  }
0x160: {  	[sflag:s20] =	ssyncset.done $0x0  }
0x161: {  	s6 =	simm.s32 $0x0;
	[sflag:s20] =	ssyncadd.s32 $0xFFFFC000  }
0x162: {  	[tilespmem:s6], [sflag:$0x3] =	stream.linear.gather [hbm4b:s16+s6], $0x1400, $0x38;
	[tilespmem:$0x1E880] =	vst v63  }
0x163: {  	_ =	swait.ge [sflag:s20], $0x1400  }
0x164: {  	[sflag:s20] =	ssyncset.done $0x0  }
0x165: {  	[sflag:s20] =	ssyncadd.s32 $0xFFFFEC00  }
0x166: {  	[tilespmem:s21], [sflag:$0x3] =	stream.linear.gather [hbm4b:s17+s6], $0x1400, $0x38;
	[tilespmem:$0x1E880] =	vst v63  }
0x167: {  	_ =	swait.ge [sflag:s20], $0x1400  }
0x168: {  	[sflag:s20] =	ssyncset.done $0x0  }
0x169: {  	[sflag:s20] =	ssyncadd.s32 $0xFFFFEC00  }
0x16a: {  	[tilespmem:s19], [sflag:$0x1] =	stream.indirect.gather [hbm4b:s4+s23], $0x80, s6, s23, $0xb8;
	[tilespmem:$0x1E880] =	vst v63  }
0x16b: {  	s7 =	simm.s32 $0x80  }
0x16c: {  	[tilespmem:s24], [sflag:$0x2] =	stream.indirect.gather [hbm4b:s4+s23], $0x80, s7, s23, $0xb8;
	[tilespmem:$0x1E880] =	vst v63  }
0x16d: {  	_ =	swait.ge [sflag:s25], $0x4000  }
0x16e: {  	[sflag:s25] =	ssyncset.done $0x0  }
0x16f: {  	s31 =	simm.s32 $0x0;
	[sflag:s25] =	ssyncadd.s32 $0xFFFFC000  }
0x170: {  	v1 =	vld [tilespmem:s31+$0x1400];
	_ =	sdelay $0x4  }
0x171: {  	[tilespmem:$0x2800] =	vst v1  }
0x172: {  	v1 =	vld [tilespmem:s31+$0x1410];
	_ =	sdelay $0x4  }
0x173: {  	[tilespmem:$0x2810] =	vst v1  }
0x174: {  	v1 =	vld [tilespmem:s31+$0x1420];
	_ =	sdelay $0x4  }
0x175: {  	[tilespmem:$0x2820] =	vst v1  }
0x176: {  	v1 =	vld [tilespmem:s31+$0x1430];
	_ =	sdelay $0x4  }
0x177: {  	[tilespmem:$0x2830] =	vst v1  }
0x178: {  	v1 =	vld [tilespmem:s31+$0x1440];
	_ =	sdelay $0x4  }
0x179: {  	[tilespmem:$0x2840] =	vst v1  }
0x17a: {  	v1 =	vld [tilespmem:s31+$0x1450];
	_ =	sdelay $0x4  }
0x17b: {  	[tilespmem:$0x2850] =	vst v1  }
0x17c: {  	v1 =	vld [tilespmem:s31+$0x1460];
	_ =	sdelay $0x4  }
0x17d: {  	[tilespmem:$0x2860] =	vst v1  }
0x17e: {  	v1 =	vld [tilespmem:s31+$0x1470];
	_ =	sdelay $0x4  }
0x17f: {  	[tilespmem:$0x2870] =	vst v1  }
0x180: {  	[spmem:s1] =	stream.indirect.scatter.add.f32 [tilespmem:s19], [sflag:$0x3], $0x80, s26, s23, $0xb8;
	[tilespmem:$0x1E880] =	vst v63  }
0x181: {  	_ =	swait.ge [sflag:s20], $0x4000  }
0x182: {  	[sflag:s20] =	ssyncset.done $0x0  }
0x183: {  	s6 =	simm.s32 $0x100;
	[sflag:s20] =	ssyncadd.s32 $0xFFFFC000  }
0x184: {  	[tilespmem:s19], [sflag:$0x1] =	stream.indirect.gather [hbm4b:s4+s23], $0x80, s6, s23, $0xb8;
	[tilespmem:$0x1E880] =	vst v63  }
0x185: {  	_ =	swait.ge [sflag:s22], $0x4000  }
0x186: {  	[sflag:s22] =	ssyncset.done $0x0  }
0x187: {  	[sflag:s22] =	ssyncadd.s32 $0xFFFFC000  }
0x188: {  	v1 =	vld [tilespmem:s31+$0x1480];
	_ =	sdelay $0x4  }
0x189: {  	[tilespmem:$0x2800] =	vst v1  }
0x18a: {  	v1 =	vld [tilespmem:s31+$0x1490];
	_ =	sdelay $0x4  }
0x18b: {  	[tilespmem:$0x2810] =	vst v1  }
0x18c: {  	v1 =	vld [tilespmem:s31+$0x14A0];
	_ =	sdelay $0x4  }
0x18d: {  	[tilespmem:$0x2820] =	vst v1  }
0x18e: {  	v1 =	vld [tilespmem:s31+$0x14B0];
	_ =	sdelay $0x4  }
0x18f: {  	[tilespmem:$0x2830] =	vst v1  }
0x190: {  	v1 =	vld [tilespmem:s31+$0x14C0];
	_ =	sdelay $0x4  }
0x191: {  	[tilespmem:$0x2840] =	vst v1  }
0x192: {  	v1 =	vld [tilespmem:s31+$0x14D0];
	_ =	sdelay $0x4  }
0x193: {  	[tilespmem:$0x2850] =	vst v1  }
0x194: {  	v1 =	vld [tilespmem:s31+$0x14E0];
	_ =	sdelay $0x4  }
0x195: {  	[tilespmem:$0x2860] =	vst v1  }
0x196: {  	v1 =	vld [tilespmem:s31+$0x14F0];
	_ =	sdelay $0x4  }
0x197: {  	[tilespmem:$0x2870] =	vst v1  }
0x198: {  	[spmem:s1] =	stream.indirect.scatter.add.f32 [tilespmem:s24], [sflag:$0x3], $0x80, s26, s23, $0xb8;
	[tilespmem:$0x1E880] =	vst v63  }
0x199: {  	_ =	swait.ge [sflag:s20], $0x4000  }
0x19a: {  	s30 =	simm.s32 $0x100;
	s6 =	simm.s32 $0x800;
	[sflag:s20] =	ssyncset.done $0x0  }
.LBB2_7:
0x19b: {  	s7 =	sadd.s32 $0x80, s30  }
0x19c: {  	[sflag:s20] =	ssyncadd.s32 $0xFFFFC000;
	s0 =	smov.u32 s6;
	s31 =	sadd.s32 $0x400, s6  }
0x19d: {  	[tilespmem:s24], [sflag:$0x2] =	stream.indirect.gather [hbm4b:s4+s23], $0x80, s7, s23, $0xb8;
	[tilespmem:$0x1E880] =	vst v63  }
0x19e: {  	p1 =	seq.s32 s6, $0x4800;
	_ =	swait.ge [sflag:s25], $0x4000  }
0x19f: {  	[sflag:s25] =	ssyncset.done $0x0  }
0x1a0: {  	[sflag:s25] =	ssyncadd.s32 $0xFFFFC000  }
0x1a1: {  	v1 =	vld [tilespmem:s30+$0x1400];
	_ =	sdelay $0x4  }
0x1a2: {  	[tilespmem:$0x2800] =	vst v1  }
0x1a3: {  	v1 =	vld [tilespmem:s30+$0x1410];
	_ =	sdelay $0x4  }
0x1a4: {  	[tilespmem:$0x2810] =	vst v1  }
0x1a5: {  	v1 =	vld [tilespmem:s30+$0x1420];
	_ =	sdelay $0x4  }
0x1a6: {  	[tilespmem:$0x2820] =	vst v1  }
0x1a7: {  	v1 =	vld [tilespmem:s30+$0x1430];
	_ =	sdelay $0x4  }
0x1a8: {  	[tilespmem:$0x2830] =	vst v1  }
0x1a9: {  	v1 =	vld [tilespmem:s30+$0x1440];
	_ =	sdelay $0x4  }
0x1aa: {  	[tilespmem:$0x2840] =	vst v1  }
0x1ab: {  	v1 =	vld [tilespmem:s30+$0x1450];
	_ =	sdelay $0x4  }
0x1ac: {  	[tilespmem:$0x2850] =	vst v1  }
0x1ad: {  	v1 =	vld [tilespmem:s30+$0x1460];
	_ =	sdelay $0x4  }
0x1ae: {  	[tilespmem:$0x2860] =	vst v1  }
0x1af: {  	v1 =	vld [tilespmem:s30+$0x1470];
	_ =	sdelay $0x4  }
0x1b0: {  	[tilespmem:$0x2870] =	vst v1  }
0x1b1: {  	[spmem:s1] =	stream.indirect.scatter.add.f32 [tilespmem:s19], [sflag:$0x3], $0x80, s26, s23, $0xb8;
	[tilespmem:$0x1E880] =	vst v63  }
0x1b2: {  	_ =	swait.ge [sflag:s20], $0x4000  }
0x1b3: {  	[sflag:s20] =	ssyncset.done $0x0  }
0x1b4: {  	s6 =	sadd.s32 $0x100, s30;
	[sflag:s20] =	ssyncadd.s32 $0xFFFFC000  }
0x1b5: {  	[tilespmem:s19], [sflag:$0x1] =	stream.indirect.gather [hbm4b:s4+s23], $0x80, s6, s23, $0xb8;
	[tilespmem:$0x1E880] =	vst v63  }
0x1b6: {  	_ =	swait.ge [sflag:s22], $0x4000  }
0x1b7: {  	[sflag:s22] =	ssyncset.done $0x0  }
0x1b8: {  	[sflag:s22] =	ssyncadd.s32 $0xFFFFC000  }
0x1b9: {  	v1 =	vld [tilespmem:s30+$0x1480];
	_ =	sdelay $0x4  }
0x1ba: {  	[tilespmem:$0x2800] =	vst v1  }
0x1bb: {  	v1 =	vld [tilespmem:s30+$0x1490];
	_ =	sdelay $0x4  }
0x1bc: {  	[tilespmem:$0x2810] =	vst v1  }
0x1bd: {  	v1 =	vld [tilespmem:s30+$0x14A0];
	_ =	sdelay $0x4  }
0x1be: {  	[tilespmem:$0x2820] =	vst v1  }
0x1bf: {  	v1 =	vld [tilespmem:s30+$0x14B0];
	_ =	sdelay $0x4  }
0x1c0: {  	[tilespmem:$0x2830] =	vst v1  }
0x1c1: {  	v1 =	vld [tilespmem:s30+$0x14C0];
	_ =	sdelay $0x4  }
0x1c2: {  	[tilespmem:$0x2840] =	vst v1  }
0x1c3: {  	v1 =	vld [tilespmem:s30+$0x14D0];
	_ =	sdelay $0x4  }
0x1c4: {  	[tilespmem:$0x2850] =	vst v1  }
0x1c5: {  	v1 =	vld [tilespmem:s30+$0x14E0];
	_ =	sdelay $0x4  }
0x1c6: {  	[tilespmem:$0x2860] =	vst v1  }
0x1c7: {  	v1 =	vld [tilespmem:s30+$0x14F0];
	_ =	sdelay $0x3  }
.Ltmp5:
0x1c8: {  	(pc) =	sbr.rel @!p1 .LBB2_7-.Ltmp5, $4  }
0x1c9: {  	[tilespmem:$0x2870] =	vst v1  }
0x1ca: {  	[spmem:s1] =	stream.indirect.scatter.add.f32 [tilespmem:s24], [sflag:$0x3], $0x80, s26, s23, $0xb8;
	[tilespmem:$0x1E880] =	vst v63  }
0x1cb: {  	_ =	swait.ge [sflag:s20], $0x4000  }
0x1cc: {  	s6 =	smov.u32 s31;
	s30 =	sshra.s32 s0, $0x2;
	[sflag:s20] =	ssyncset.done $0x0  }
0x1cd: {  	s0 =	sadd.s32 $0x80, s30;
	[sflag:s20] =	ssyncadd.s32 $0xFFFFC000  }
0x1ce: {  	[tilespmem:s24], [sflag:$0x2] =	stream.indirect.gather [hbm4b:s4+s23], $0x80, s0, s23, $0xb8;
	[tilespmem:$0x1E880] =	vst v63  }
0x1cf: {  	_ =	swait.ge [sflag:s25], $0x4000  }
0x1d0: {  	[sflag:s25] =	ssyncset.done $0x0  }
0x1d1: {  	[sflag:s25] =	ssyncadd.s32 $0xFFFFC000  }
0x1d2: {  	v1 =	vld [tilespmem:s30+$0x1400];
	_ =	sdelay $0x4  }
0x1d3: {  	[tilespmem:$0x2800] =	vst v1  }
0x1d4: {  	v1 =	vld [tilespmem:s30+$0x1410];
	_ =	sdelay $0x4  }
0x1d5: {  	[tilespmem:$0x2810] =	vst v1  }
0x1d6: {  	v1 =	vld [tilespmem:s30+$0x1420];
	_ =	sdelay $0x4  }
0x1d7: {  	[tilespmem:$0x2820] =	vst v1  }
0x1d8: {  	v1 =	vld [tilespmem:s30+$0x1430];
	_ =	sdelay $0x4  }
0x1d9: {  	[tilespmem:$0x2830] =	vst v1  }
0x1da: {  	v1 =	vld [tilespmem:s30+$0x1440];
	_ =	sdelay $0x4  }
0x1db: {  	[tilespmem:$0x2840] =	vst v1  }
0x1dc: {  	v1 =	vld [tilespmem:s30+$0x1450];
	_ =	sdelay $0x4  }
0x1dd: {  	[tilespmem:$0x2850] =	vst v1  }
0x1de: {  	v1 =	vld [tilespmem:s30+$0x1460];
	_ =	sdelay $0x4  }
0x1df: {  	[tilespmem:$0x2860] =	vst v1  }
0x1e0: {  	v1 =	vld [tilespmem:s30+$0x1470];
	_ =	sdelay $0x4  }
0x1e1: {  	[tilespmem:$0x2870] =	vst v1  }
0x1e2: {  	[spmem:s1] =	stream.indirect.scatter.add.f32 [tilespmem:s19], [sflag:$0x3], $0x80, s26, s23, $0xb8;
	[tilespmem:$0x1E880] =	vst v63  }
0x1e3: {  	_ =	swait.ge [sflag:s20], $0x4000  }
0x1e4: {  	[sflag:s20] =	ssyncset.done $0x0  }
0x1e5: {  	s31 =	sadd.s32 $0x100, s30;
	[sflag:s20] =	ssyncadd.s32 $0xFFFFC000  }
0x1e6: {  	[tilespmem:s19], [sflag:$0x1] =	stream.indirect.gather [hbm4b:s4+s23], $0x80, s31, s23, $0xb8;
	[tilespmem:$0x1E880] =	vst v63  }
0x1e7: {  	_ =	swait.ge [sflag:s22], $0x4000  }
0x1e8: {  	[sflag:s22] =	ssyncset.done $0x0  }
0x1e9: {  	[sflag:s22] =	ssyncadd.s32 $0xFFFFC000  }
0x1ea: {  	v1 =	vld [tilespmem:s30+$0x1480];
	_ =	sdelay $0x4  }
0x1eb: {  	[tilespmem:$0x2800] =	vst v1  }
0x1ec: {  	v1 =	vld [tilespmem:s30+$0x1490];
	_ =	sdelay $0x4  }
0x1ed: {  	[tilespmem:$0x2810] =	vst v1  }
0x1ee: {  	v1 =	vld [tilespmem:s30+$0x14A0];
	_ =	sdelay $0x4  }
0x1ef: {  	[tilespmem:$0x2820] =	vst v1  }
0x1f0: {  	v1 =	vld [tilespmem:s30+$0x14B0];
	_ =	sdelay $0x4  }
0x1f1: {  	[tilespmem:$0x2830] =	vst v1  }
0x1f2: {  	v1 =	vld [tilespmem:s30+$0x14C0];
	_ =	sdelay $0x4  }
0x1f3: {  	[tilespmem:$0x2840] =	vst v1  }
0x1f4: {  	v1 =	vld [tilespmem:s30+$0x14D0];
	_ =	sdelay $0x4  }
0x1f5: {  	[tilespmem:$0x2850] =	vst v1  }
0x1f6: {  	v1 =	vld [tilespmem:s30+$0x14E0];
	_ =	sdelay $0x4  }
0x1f7: {  	[tilespmem:$0x2860] =	vst v1  }
0x1f8: {  	v1 =	vld [tilespmem:s30+$0x14F0];
	_ =	sdelay $0x4  }
.Ltmp6:
0x1f9: {  	[tilespmem:$0x2870] =	vst v1;
	(pc) =	sbr.rel .LBB2_14-.Ltmp6, $4  }
0x1fa: {  	[spmem:s1] =	stream.indirect.scatter.add.f32 [tilespmem:s24], [sflag:$0x3], $0x80, s26, s23, $0xb8;
	[tilespmem:$0x1E880] =	vst v63  }
0x1fb: {  	_ =	swait.ge [sflag:s20], $0x4000  }
0x1fc: {  	[sflag:s20] =	ssyncset.done $0x0  }
0x1fd: {  	s6 =	smov.u32 s4;
	s0 =	rddreg [dreg:$0x4];
	[sflag:s20] =	ssyncadd.s32 $0xFFFFC000  }
.LBB2_9:
0x1fe: {  	[tilespmem:s19], [sflag:$0x1] =	stream.indirect.gather [hbm4b:s5+s23], $0x80, s0, s23, $0xb8;
	[tilespmem:$0x1E880] =	vst v63  }
0x1ff: {  	s7 =	simm.s32 $0x80  }
0x200: {  	[tilespmem:s24], [sflag:$0x2] =	stream.indirect.gather [hbm4b:s5+s23], $0x80, s7, s23, $0xb8;
	[tilespmem:$0x1E880] =	vst v63  }
0x201: {  	_ =	swait.ge [sflag:s25], $0x4000  }
0x202: {  	[sflag:s25] =	ssyncset.done $0x0  }
0x203: {  	s31 =	simm.s32 $0x0;
	[sflag:s25] =	ssyncadd.s32 $0xFFFFC000  }
0x204: {  	v1 =	vld [tilespmem:s31+$0x1400];
	_ =	sdelay $0x4  }
0x205: {  	[tilespmem:$0x2800] =	vst v1  }
0x206: {  	v1 =	vld [tilespmem:s31+$0x1410];
	_ =	sdelay $0x4  }
0x207: {  	[tilespmem:$0x2810] =	vst v1  }
0x208: {  	v1 =	vld [tilespmem:s31+$0x1420];
	_ =	sdelay $0x4  }
0x209: {  	[tilespmem:$0x2820] =	vst v1  }
0x20a: {  	v1 =	vld [tilespmem:s31+$0x1430];
	_ =	sdelay $0x4  }
0x20b: {  	[tilespmem:$0x2830] =	vst v1  }
0x20c: {  	v1 =	vld [tilespmem:s31+$0x1440];
	_ =	sdelay $0x4  }
0x20d: {  	[tilespmem:$0x2840] =	vst v1  }
0x20e: {  	v1 =	vld [tilespmem:s31+$0x1450];
	_ =	sdelay $0x4  }
0x20f: {  	[tilespmem:$0x2850] =	vst v1  }
0x210: {  	v1 =	vld [tilespmem:s31+$0x1460];
	_ =	sdelay $0x4  }
0x211: {  	[tilespmem:$0x2860] =	vst v1  }
0x212: {  	v1 =	vld [tilespmem:s31+$0x1470];
	_ =	sdelay $0x4  }
0x213: {  	[tilespmem:$0x2870] =	vst v1  }
0x214: {  	[spmem:s1] =	stream.indirect.scatter.add.f32 [tilespmem:s19], [sflag:$0x3], $0x80, s26, s23, $0xb8;
	[tilespmem:$0x1E880] =	vst v63  }
0x215: {  	_ =	swait.ge [sflag:s20], $0x4000  }
0x216: {  	[sflag:s20] =	ssyncset.done $0x0  }
0x217: {  	s6 =	simm.s32 $0x100;
	[sflag:s20] =	ssyncadd.s32 $0xFFFFC000  }
0x218: {  	[tilespmem:s19], [sflag:$0x1] =	stream.indirect.gather [hbm4b:s5+s23], $0x80, s6, s23, $0xb8;
	[tilespmem:$0x1E880] =	vst v63  }
0x219: {  	_ =	swait.ge [sflag:s22], $0x4000  }
0x21a: {  	[sflag:s22] =	ssyncset.done $0x0  }
0x21b: {  	[sflag:s22] =	ssyncadd.s32 $0xFFFFC000  }
0x21c: {  	v1 =	vld [tilespmem:s31+$0x1480];
	_ =	sdelay $0x4  }
0x21d: {  	[tilespmem:$0x2800] =	vst v1  }
0x21e: {  	v1 =	vld [tilespmem:s31+$0x1490];
	_ =	sdelay $0x4  }
0x21f: {  	[tilespmem:$0x2810] =	vst v1  }
0x220: {  	v1 =	vld [tilespmem:s31+$0x14A0];
	_ =	sdelay $0x4  }
0x221: {  	[tilespmem:$0x2820] =	vst v1  }
0x222: {  	v1 =	vld [tilespmem:s31+$0x14B0];
	_ =	sdelay $0x4  }
0x223: {  	[tilespmem:$0x2830] =	vst v1  }
0x224: {  	v1 =	vld [tilespmem:s31+$0x14C0];
	_ =	sdelay $0x4  }
0x225: {  	[tilespmem:$0x2840] =	vst v1  }
0x226: {  	v1 =	vld [tilespmem:s31+$0x14D0];
	_ =	sdelay $0x4  }
0x227: {  	[tilespmem:$0x2850] =	vst v1  }
0x228: {  	v1 =	vld [tilespmem:s31+$0x14E0];
	_ =	sdelay $0x4  }
0x229: {  	[tilespmem:$0x2860] =	vst v1  }
0x22a: {  	v1 =	vld [tilespmem:s31+$0x14F0];
	_ =	sdelay $0x4  }
0x22b: {  	[tilespmem:$0x2870] =	vst v1  }
0x22c: {  	[spmem:s1] =	stream.indirect.scatter.add.f32 [tilespmem:s24], [sflag:$0x3], $0x80, s26, s23, $0xb8;
	[tilespmem:$0x1E880] =	vst v63  }
0x22d: {  	_ =	swait.ge [sflag:s20], $0x4000  }
0x22e: {  	s30 =	simm.s32 $0x100;
	s6 =	simm.s32 $0x800;
	[sflag:s20] =	ssyncset.done $0x0  }
.LBB2_10:
0x22f: {  	s7 =	sadd.s32 $0x80, s30  }
0x230: {  	[sflag:s20] =	ssyncadd.s32 $0xFFFFC000;
	s0 =	smov.u32 s6;
	s31 =	sadd.s32 $0x400, s6  }
0x231: {  	[tilespmem:s24], [sflag:$0x2] =	stream.indirect.gather [hbm4b:s5+s23], $0x80, s7, s23, $0xb8;
	[tilespmem:$0x1E880] =	vst v63  }
0x232: {  	p1 =	sne.s32 s6, $0x4800;
	_ =	swait.ge [sflag:s25], $0x4000  }
0x233: {  	[sflag:s25] =	ssyncset.done $0x0  }
0x234: {  	[sflag:s25] =	ssyncadd.s32 $0xFFFFC000  }
0x235: {  	v1 =	vld [tilespmem:s30+$0x1400];
	_ =	sdelay $0x4  }
0x236: {  	[tilespmem:$0x2800] =	vst v1  }
0x237: {  	v1 =	vld [tilespmem:s30+$0x1410];
	_ =	sdelay $0x4  }
0x238: {  	[tilespmem:$0x2810] =	vst v1  }
0x239: {  	v1 =	vld [tilespmem:s30+$0x1420];
	_ =	sdelay $0x4  }
0x23a: {  	[tilespmem:$0x2820] =	vst v1  }
0x23b: {  	v1 =	vld [tilespmem:s30+$0x1430];
	_ =	sdelay $0x4  }
0x23c: {  	[tilespmem:$0x2830] =	vst v1  }
0x23d: {  	v1 =	vld [tilespmem:s30+$0x1440];
	_ =	sdelay $0x4  }
0x23e: {  	[tilespmem:$0x2840] =	vst v1  }
0x23f: {  	v1 =	vld [tilespmem:s30+$0x1450];
	_ =	sdelay $0x4  }
0x240: {  	[tilespmem:$0x2850] =	vst v1  }
0x241: {  	v1 =	vld [tilespmem:s30+$0x1460];
	_ =	sdelay $0x4  }
0x242: {  	[tilespmem:$0x2860] =	vst v1  }
0x243: {  	v1 =	vld [tilespmem:s30+$0x1470];
	_ =	sdelay $0x4  }
0x244: {  	[tilespmem:$0x2870] =	vst v1  }
0x245: {  	[spmem:s1] =	stream.indirect.scatter.add.f32 [tilespmem:s19], [sflag:$0x3], $0x80, s26, s23, $0xb8;
	[tilespmem:$0x1E880] =	vst v63  }
0x246: {  	_ =	swait.ge [sflag:s20], $0x4000  }
0x247: {  	[sflag:s20] =	ssyncset.done $0x0  }
0x248: {  	s6 =	sadd.s32 $0x100, s30;
	[sflag:s20] =	ssyncadd.s32 $0xFFFFC000  }
0x249: {  	[tilespmem:s19], [sflag:$0x1] =	stream.indirect.gather [hbm4b:s5+s23], $0x80, s6, s23, $0xb8;
	[tilespmem:$0x1E880] =	vst v63  }
0x24a: {  	_ =	swait.ge [sflag:s22], $0x4000  }
0x24b: {  	[sflag:s22] =	ssyncset.done $0x0  }
0x24c: {  	[sflag:s22] =	ssyncadd.s32 $0xFFFFC000  }
0x24d: {  	v1 =	vld [tilespmem:s30+$0x1480];
	_ =	sdelay $0x4  }
0x24e: {  	[tilespmem:$0x2800] =	vst v1  }
0x24f: {  	v1 =	vld [tilespmem:s30+$0x1490];
	_ =	sdelay $0x4  }
0x250: {  	[tilespmem:$0x2810] =	vst v1  }
0x251: {  	v1 =	vld [tilespmem:s30+$0x14A0];
	_ =	sdelay $0x4  }
0x252: {  	[tilespmem:$0x2820] =	vst v1  }
0x253: {  	v1 =	vld [tilespmem:s30+$0x14B0];
	_ =	sdelay $0x4  }
0x254: {  	[tilespmem:$0x2830] =	vst v1  }
0x255: {  	v1 =	vld [tilespmem:s30+$0x14C0];
	_ =	sdelay $0x4  }
0x256: {  	[tilespmem:$0x2840] =	vst v1  }
0x257: {  	v1 =	vld [tilespmem:s30+$0x14D0];
	_ =	sdelay $0x4  }
0x258: {  	[tilespmem:$0x2850] =	vst v1  }
0x259: {  	v1 =	vld [tilespmem:s30+$0x14E0];
	_ =	sdelay $0x4  }
0x25a: {  	[tilespmem:$0x2860] =	vst v1  }
0x25b: {  	v1 =	vld [tilespmem:s30+$0x14F0];
	_ =	sdelay $0x3  }
.Ltmp7:
0x25c: {  	(pc) =	sbr.rel @p1 .LBB2_10-.Ltmp7, $4  }
0x25d: {  	[tilespmem:$0x2870] =	vst v1  }
0x25e: {  	[spmem:s1] =	stream.indirect.scatter.add.f32 [tilespmem:s24], [sflag:$0x3], $0x80, s26, s23, $0xb8;
	[tilespmem:$0x1E880] =	vst v63  }
0x25f: {  	_ =	swait.ge [sflag:s20], $0x4000  }
0x260: {  	s6 =	smov.u32 s31;
	s30 =	sshra.s32 s0, $0x2;
	[sflag:s20] =	ssyncset.done $0x0  }
0x261: {  	s0 =	sadd.s32 $0x80, s30;
	[sflag:s20] =	ssyncadd.s32 $0xFFFFC000  }
0x262: {  	[tilespmem:s24], [sflag:$0x2] =	stream.indirect.gather [hbm4b:s5+s23], $0x80, s0, s23, $0xb8;
	[tilespmem:$0x1E880] =	vst v63  }
0x263: {  	_ =	swait.ge [sflag:s25], $0x4000  }
0x264: {  	[sflag:s25] =	ssyncset.done $0x0  }
0x265: {  	[sflag:s25] =	ssyncadd.s32 $0xFFFFC000  }
0x266: {  	v1 =	vld [tilespmem:s30+$0x1400];
	_ =	sdelay $0x4  }
0x267: {  	[tilespmem:$0x2800] =	vst v1  }
0x268: {  	v1 =	vld [tilespmem:s30+$0x1410];
	_ =	sdelay $0x4  }
0x269: {  	[tilespmem:$0x2810] =	vst v1  }
0x26a: {  	v1 =	vld [tilespmem:s30+$0x1420];
	_ =	sdelay $0x4  }
0x26b: {  	[tilespmem:$0x2820] =	vst v1  }
0x26c: {  	v1 =	vld [tilespmem:s30+$0x1430];
	_ =	sdelay $0x4  }
0x26d: {  	[tilespmem:$0x2830] =	vst v1  }
0x26e: {  	v1 =	vld [tilespmem:s30+$0x1440];
	_ =	sdelay $0x4  }
0x26f: {  	[tilespmem:$0x2840] =	vst v1  }
0x270: {  	v1 =	vld [tilespmem:s30+$0x1450];
	_ =	sdelay $0x4  }
0x271: {  	[tilespmem:$0x2850] =	vst v1  }
0x272: {  	v1 =	vld [tilespmem:s30+$0x1460];
	_ =	sdelay $0x4  }
0x273: {  	[tilespmem:$0x2860] =	vst v1  }
0x274: {  	v1 =	vld [tilespmem:s30+$0x1470];
	_ =	sdelay $0x4  }
0x275: {  	[tilespmem:$0x2870] =	vst v1  }
0x276: {  	[spmem:s1] =	stream.indirect.scatter.add.f32 [tilespmem:s19], [sflag:$0x3], $0x80, s26, s23, $0xb8;
	[tilespmem:$0x1E880] =	vst v63  }
0x277: {  	_ =	swait.ge [sflag:s20], $0x4000  }
0x278: {  	[sflag:s20] =	ssyncset.done $0x0  }
0x279: {  	s31 =	sadd.s32 $0x100, s30;
	[sflag:s20] =	ssyncadd.s32 $0xFFFFC000  }
0x27a: {  	[tilespmem:s19], [sflag:$0x1] =	stream.indirect.gather [hbm4b:s5+s23], $0x80, s31, s23, $0xb8;
	[tilespmem:$0x1E880] =	vst v63  }
0x27b: {  	_ =	swait.ge [sflag:s22], $0x4000  }
0x27c: {  	[sflag:s22] =	ssyncset.done $0x0  }
0x27d: {  	[sflag:s22] =	ssyncadd.s32 $0xFFFFC000  }
0x27e: {  	v1 =	vld [tilespmem:s30+$0x1480];
	_ =	sdelay $0x4  }
0x27f: {  	[tilespmem:$0x2800] =	vst v1  }
0x280: {  	v1 =	vld [tilespmem:s30+$0x1490];
	_ =	sdelay $0x4  }
0x281: {  	[tilespmem:$0x2810] =	vst v1  }
0x282: {  	v1 =	vld [tilespmem:s30+$0x14A0];
	_ =	sdelay $0x4  }
0x283: {  	[tilespmem:$0x2820] =	vst v1  }
0x284: {  	v1 =	vld [tilespmem:s30+$0x14B0];
	_ =	sdelay $0x4  }
0x285: {  	[tilespmem:$0x2830] =	vst v1  }
0x286: {  	v1 =	vld [tilespmem:s30+$0x14C0];
	_ =	sdelay $0x4  }
0x287: {  	[tilespmem:$0x2840] =	vst v1  }
0x288: {  	v1 =	vld [tilespmem:s30+$0x14D0];
	_ =	sdelay $0x4  }
0x289: {  	[tilespmem:$0x2850] =	vst v1  }
0x28a: {  	v1 =	vld [tilespmem:s30+$0x14E0];
	_ =	sdelay $0x4  }
0x28b: {  	[tilespmem:$0x2860] =	vst v1  }
0x28c: {  	v1 =	vld [tilespmem:s30+$0x14F0];
	_ =	sdelay $0x4  }
0x28d: {  	[tilespmem:$0x2870] =	vst v1  }
0x28e: {  	[spmem:s1] =	stream.indirect.scatter.add.f32 [tilespmem:s24], [sflag:$0x3], $0x80, s26, s23, $0xb8;
	[tilespmem:$0x1E880] =	vst v63  }
0x28f: {  	_ =	swait.ge [sflag:s20], $0x4000  }
0x290: {  	[sflag:s20] =	ssyncset.done $0x0  }
0x291: {  	[sflag:s20] =	ssyncadd.s32 $0xFFFFC000  }
0x292: {  	[tilespmem:s24], [sflag:$0x2] =	stream.indirect.gather [hbm4b:s5+s23], $0x80, s28, s23, $0xb8;
	[tilespmem:$0x1E880] =	vst v63  }
0x293: {  	_ =	swait.ge [sflag:s25], $0x4000  }
0x294: {  	[sflag:s25] =	ssyncset.done $0x0  }
0x295: {  	[sflag:s25] =	ssyncadd.s32 $0xFFFFC000  }
0x296: {  	v1 =	vld [tilespmem:$0x2700]  }
0x297: {  	v2 =	vld [tilespmem:$0x2710]  }
0x298: {  	v3 =	vld [tilespmem:$0x2720]  }
0x299: {  	v4 =	vld [tilespmem:$0x2730]  }
0x29a: {  	v5 =	vld [tilespmem:$0x2740]  }
0x29b: {  	[tilespmem:$0x2800] =	vst v1;
	v1 =	vld [tilespmem:$0x2750]  }
0x29c: {  	[tilespmem:$0x2810] =	vst v2;
	v2 =	vld [tilespmem:$0x2760]  }
0x29d: {  	[tilespmem:$0x2820] =	vst v3;
	v3 =	vld [tilespmem:$0x2770]  }
0x29e: {  	[tilespmem:$0x2830] =	vst v4  }
0x29f: {  	[tilespmem:$0x2840] =	vst v5  }
0x2a0: {  	[tilespmem:$0x2850] =	vst v1  }
0x2a1: {  	[tilespmem:$0x2860] =	vst v2  }
0x2a2: {  	[tilespmem:$0x2870] =	vst v3  }
0x2a3: {  	[spmem:s1] =	stream.indirect.scatter.add.f32 [tilespmem:s19], [sflag:$0x3], $0x80, s26, s23, $0xb8;
	[tilespmem:$0x1E880] =	vst v63  }
0x2a4: {  	_ =	swait.ge [sflag:s20], $0x4000  }
0x2a5: {  	[sflag:s20] =	ssyncset.done $0x0  }
0x2a6: {  	[sflag:s20] =	ssyncadd.s32 $0xFFFFC000  }
0x2a7: {  	_ =	swait.ge [sflag:s22], $0x4000  }
0x2a8: {  	[sflag:s22] =	ssyncset.done $0x0  }
0x2a9: {  	[sflag:s22] =	ssyncadd.s32 $0xFFFFC000  }
0x2aa: {  	v1 =	vld [tilespmem:$0x2780]  }
0x2ab: {  	v2 =	vld [tilespmem:$0x2790]  }
0x2ac: {  	v3 =	vld [tilespmem:$0x27A0]  }
0x2ad: {  	v62 =	vld [tilespmem:$0x27B0]  }
0x2ae: {  	v63 =	vld [tilespmem:$0x27C0]  }
0x2af: {  	[tilespmem:$0x2800] =	vst v1;
	v1 =	vld [tilespmem:$0x27D0]  }
0x2b0: {  	[tilespmem:$0x2810] =	vst v2;
	v2 =	vld [tilespmem:$0x27E0]  }
0x2b1: {  	[tilespmem:$0x2820] =	vst v3;
	v3 =	vld [tilespmem:$0x27F0]  }
0x2b2: {  	[tilespmem:$0x2830] =	vst v62  }
0x2b3: {  	[tilespmem:$0x2840] =	vst v63  }
0x2b4: {  	[tilespmem:$0x2850] =	vst v1  }
0x2b5: {  	[tilespmem:$0x2860] =	vst v2  }
0x2b6: {  	[tilespmem:$0x2870] =	vst v3  }
0x2b7: {  	[spmem:s1] =	stream.indirect.scatter.add.f32 [tilespmem:s24], [sflag:$0x3], $0x80, s26, s23, $0xb8;
	[tilespmem:$0x1E880] =	vst v63  }
0x2b8: {  	_ =	swait.ge [sflag:s20], $0x4000  }
0x2b9: {  	[sflag:s20] =	ssyncset.done $0x0  }
0x2ba: {  	s6 =	simm.s32 $0x0;
	[sflag:s20] =	ssyncadd.s32 $0xFFFFC000  }
0x2bb: {  	[tilespmem:s6], [sflag:$0x3] =	stream.linear.gather [hbm4b:s16+s6], $0x1400, $0x38;
	[tilespmem:$0x1E880] =	vst v63  }
0x2bc: {  	_ =	swait.ge [sflag:s20], $0x1400  }
0x2bd: {  	[sflag:s20] =	ssyncset.done $0x0  }
0x2be: {  	[sflag:s20] =	ssyncadd.s32 $0xFFFFEC00  }
0x2bf: {  	[tilespmem:s21], [sflag:$0x3] =	stream.linear.gather [hbm4b:s17+s6], $0x1400, $0x38;
	[tilespmem:$0x1E880] =	vst v63  }
0x2c0: {  	_ =	swait.ge [sflag:s20], $0x1400  }
0x2c1: {  	[sflag:s20] =	ssyncset.done $0x0  }
0x2c2: {  	[sflag:s20] =	ssyncadd.s32 $0xFFFFEC00  }
0x2c3: {  	[tilespmem:s19], [sflag:$0x1] =	stream.indirect.gather [hbm4b:s5+s23], $0x80, s6, s23, $0xb8;
	[tilespmem:$0x1E880] =	vst v63  }
0x2c4: {  	s7 =	simm.s32 $0x80  }
0x2c5: {  	[tilespmem:s24], [sflag:$0x2] =	stream.indirect.gather [hbm4b:s5+s23], $0x80, s7, s23, $0xb8;
	[tilespmem:$0x1E880] =	vst v63  }
0x2c6: {  	_ =	swait.ge [sflag:s25], $0x4000  }
0x2c7: {  	[sflag:s25] =	ssyncset.done $0x0  }
0x2c8: {  	s31 =	simm.s32 $0x0;
	[sflag:s25] =	ssyncadd.s32 $0xFFFFC000  }
0x2c9: {  	v1 =	vld [tilespmem:s31+$0x1400];
	_ =	sdelay $0x4  }
0x2ca: {  	[tilespmem:$0x2800] =	vst v1  }
0x2cb: {  	v1 =	vld [tilespmem:s31+$0x1410];
	_ =	sdelay $0x4  }
0x2cc: {  	[tilespmem:$0x2810] =	vst v1  }
0x2cd: {  	v1 =	vld [tilespmem:s31+$0x1420];
	_ =	sdelay $0x4  }
0x2ce: {  	[tilespmem:$0x2820] =	vst v1  }
0x2cf: {  	v1 =	vld [tilespmem:s31+$0x1430];
	_ =	sdelay $0x4  }
0x2d0: {  	[tilespmem:$0x2830] =	vst v1  }
0x2d1: {  	v1 =	vld [tilespmem:s31+$0x1440];
	_ =	sdelay $0x4  }
0x2d2: {  	[tilespmem:$0x2840] =	vst v1  }
0x2d3: {  	v1 =	vld [tilespmem:s31+$0x1450];
	_ =	sdelay $0x4  }
0x2d4: {  	[tilespmem:$0x2850] =	vst v1  }
0x2d5: {  	v1 =	vld [tilespmem:s31+$0x1460];
	_ =	sdelay $0x4  }
0x2d6: {  	[tilespmem:$0x2860] =	vst v1  }
0x2d7: {  	v1 =	vld [tilespmem:s31+$0x1470];
	_ =	sdelay $0x4  }
0x2d8: {  	[tilespmem:$0x2870] =	vst v1  }
0x2d9: {  	[spmem:s1] =	stream.indirect.scatter.add.f32 [tilespmem:s19], [sflag:$0x3], $0x80, s26, s23, $0xb8;
	[tilespmem:$0x1E880] =	vst v63  }
0x2da: {  	_ =	swait.ge [sflag:s20], $0x4000  }
0x2db: {  	[sflag:s20] =	ssyncset.done $0x0  }
0x2dc: {  	s6 =	simm.s32 $0x100;
	[sflag:s20] =	ssyncadd.s32 $0xFFFFC000  }
0x2dd: {  	[tilespmem:s19], [sflag:$0x1] =	stream.indirect.gather [hbm4b:s5+s23], $0x80, s6, s23, $0xb8;
	[tilespmem:$0x1E880] =	vst v63  }
0x2de: {  	_ =	swait.ge [sflag:s22], $0x4000  }
0x2df: {  	[sflag:s22] =	ssyncset.done $0x0  }
0x2e0: {  	[sflag:s22] =	ssyncadd.s32 $0xFFFFC000  }
0x2e1: {  	v1 =	vld [tilespmem:s31+$0x1480];
	_ =	sdelay $0x4  }
0x2e2: {  	[tilespmem:$0x2800] =	vst v1  }
0x2e3: {  	v1 =	vld [tilespmem:s31+$0x1490];
	_ =	sdelay $0x4  }
0x2e4: {  	[tilespmem:$0x2810] =	vst v1  }
0x2e5: {  	v1 =	vld [tilespmem:s31+$0x14A0];
	_ =	sdelay $0x4  }
0x2e6: {  	[tilespmem:$0x2820] =	vst v1  }
0x2e7: {  	v1 =	vld [tilespmem:s31+$0x14B0];
	_ =	sdelay $0x4  }
0x2e8: {  	[tilespmem:$0x2830] =	vst v1  }
0x2e9: {  	v1 =	vld [tilespmem:s31+$0x14C0];
	_ =	sdelay $0x4  }
0x2ea: {  	[tilespmem:$0x2840] =	vst v1  }
0x2eb: {  	v1 =	vld [tilespmem:s31+$0x14D0];
	_ =	sdelay $0x4  }
0x2ec: {  	[tilespmem:$0x2850] =	vst v1  }
0x2ed: {  	v1 =	vld [tilespmem:s31+$0x14E0];
	_ =	sdelay $0x4  }
0x2ee: {  	[tilespmem:$0x2860] =	vst v1  }
0x2ef: {  	v1 =	vld [tilespmem:s31+$0x14F0];
	_ =	sdelay $0x4  }
0x2f0: {  	[tilespmem:$0x2870] =	vst v1  }
0x2f1: {  	[spmem:s1] =	stream.indirect.scatter.add.f32 [tilespmem:s24], [sflag:$0x3], $0x80, s26, s23, $0xb8;
	[tilespmem:$0x1E880] =	vst v63  }
0x2f2: {  	_ =	swait.ge [sflag:s20], $0x4000  }
0x2f3: {  	s30 =	simm.s32 $0x100;
	s6 =	simm.s32 $0x800;
	[sflag:s20] =	ssyncset.done $0x0  }
.LBB2_12:
0x2f4: {  	s7 =	sadd.s32 $0x80, s30  }
0x2f5: {  	[sflag:s20] =	ssyncadd.s32 $0xFFFFC000;
	s0 =	smov.u32 s6;
	s31 =	sadd.s32 $0x400, s6  }
0x2f6: {  	[tilespmem:s24], [sflag:$0x2] =	stream.indirect.gather [hbm4b:s5+s23], $0x80, s7, s23, $0xb8;
	[tilespmem:$0x1E880] =	vst v63  }
0x2f7: {  	p1 =	sne.s32 s6, $0x4800;
	_ =	swait.ge [sflag:s25], $0x4000  }
0x2f8: {  	[sflag:s25] =	ssyncset.done $0x0  }
0x2f9: {  	[sflag:s25] =	ssyncadd.s32 $0xFFFFC000  }
0x2fa: {  	v1 =	vld [tilespmem:s30+$0x1400];
	_ =	sdelay $0x4  }
0x2fb: {  	[tilespmem:$0x2800] =	vst v1  }
0x2fc: {  	v1 =	vld [tilespmem:s30+$0x1410];
	_ =	sdelay $0x4  }
0x2fd: {  	[tilespmem:$0x2810] =	vst v1  }
0x2fe: {  	v1 =	vld [tilespmem:s30+$0x1420];
	_ =	sdelay $0x4  }
0x2ff: {  	[tilespmem:$0x2820] =	vst v1  }
0x300: {  	v1 =	vld [tilespmem:s30+$0x1430];
	_ =	sdelay $0x4  }
0x301: {  	[tilespmem:$0x2830] =	vst v1  }
0x302: {  	v1 =	vld [tilespmem:s30+$0x1440];
	_ =	sdelay $0x4  }
0x303: {  	[tilespmem:$0x2840] =	vst v1  }
0x304: {  	v1 =	vld [tilespmem:s30+$0x1450];
	_ =	sdelay $0x4  }
0x305: {  	[tilespmem:$0x2850] =	vst v1  }
0x306: {  	v1 =	vld [tilespmem:s30+$0x1460];
	_ =	sdelay $0x4  }
0x307: {  	[tilespmem:$0x2860] =	vst v1  }
0x308: {  	v1 =	vld [tilespmem:s30+$0x1470];
	_ =	sdelay $0x4  }
0x309: {  	[tilespmem:$0x2870] =	vst v1  }
0x30a: {  	[spmem:s1] =	stream.indirect.scatter.add.f32 [tilespmem:s19], [sflag:$0x3], $0x80, s26, s23, $0xb8;
	[tilespmem:$0x1E880] =	vst v63  }
0x30b: {  	_ =	swait.ge [sflag:s20], $0x4000  }
0x30c: {  	[sflag:s20] =	ssyncset.done $0x0  }
0x30d: {  	s6 =	sadd.s32 $0x100, s30;
	[sflag:s20] =	ssyncadd.s32 $0xFFFFC000  }
0x30e: {  	[tilespmem:s19], [sflag:$0x1] =	stream.indirect.gather [hbm4b:s5+s23], $0x80, s6, s23, $0xb8;
	[tilespmem:$0x1E880] =	vst v63  }
0x30f: {  	_ =	swait.ge [sflag:s22], $0x4000  }
0x310: {  	[sflag:s22] =	ssyncset.done $0x0  }
0x311: {  	[sflag:s22] =	ssyncadd.s32 $0xFFFFC000  }
0x312: {  	v1 =	vld [tilespmem:s30+$0x1480];
	_ =	sdelay $0x4  }
0x313: {  	[tilespmem:$0x2800] =	vst v1  }
0x314: {  	v1 =	vld [tilespmem:s30+$0x1490];
	_ =	sdelay $0x4  }
0x315: {  	[tilespmem:$0x2810] =	vst v1  }
0x316: {  	v1 =	vld [tilespmem:s30+$0x14A0];
	_ =	sdelay $0x4  }
0x317: {  	[tilespmem:$0x2820] =	vst v1  }
0x318: {  	v1 =	vld [tilespmem:s30+$0x14B0];
	_ =	sdelay $0x4  }
0x319: {  	[tilespmem:$0x2830] =	vst v1  }
0x31a: {  	v1 =	vld [tilespmem:s30+$0x14C0];
	_ =	sdelay $0x4  }
0x31b: {  	[tilespmem:$0x2840] =	vst v1  }
0x31c: {  	v1 =	vld [tilespmem:s30+$0x14D0];
	_ =	sdelay $0x4  }
0x31d: {  	[tilespmem:$0x2850] =	vst v1  }
0x31e: {  	v1 =	vld [tilespmem:s30+$0x14E0];
	_ =	sdelay $0x4  }
0x31f: {  	[tilespmem:$0x2860] =	vst v1  }
0x320: {  	v1 =	vld [tilespmem:s30+$0x14F0];
	_ =	sdelay $0x3  }
.Ltmp8:
0x321: {  	(pc) =	sbr.rel @p1 .LBB2_12-.Ltmp8, $4  }
0x322: {  	[tilespmem:$0x2870] =	vst v1  }
0x323: {  	[spmem:s1] =	stream.indirect.scatter.add.f32 [tilespmem:s24], [sflag:$0x3], $0x80, s26, s23, $0xb8;
	[tilespmem:$0x1E880] =	vst v63  }
0x324: {  	_ =	swait.ge [sflag:s20], $0x4000  }
0x325: {  	s6 =	smov.u32 s31;
	s30 =	sshra.s32 s0, $0x2;
	[sflag:s20] =	ssyncset.done $0x0  }
.Ltmp9:
0x326: {  	_ = 	snop;
	(pc) =	sbr.rel .LBB2_13-.Ltmp9, $1  }
0x327: {  	_ =	sdelay $0x3  }
.LBB2_15:
0x328: {  	_ =	sfence.sel $0x180000  }
0x329: {  	[bflag:$0x0] =	sbarrier.arrive $0xFFFF  }
0x32a: {  	_ =	strace $0x9000004A  }
0x32b: {  	[bflag:$0x2] =	sbarrier.arrive $0xFFFF  }
0x32c: {  	p0 =	sne.s32 s2, $0x0;
	s0 =	rddreg [dreg:$0x3]  }
0x32d: {  	s0 =	sadd.s32 @!p0 $0x100000, s0  }
0x32e: {  	[sflag:s0] =	ssyncadd.tile.s32 @!p0 $0x1;
	_ =	shalt  }
.Lfunc_end2:
_tile_overlayer_lowered:
.L_overlay_start_2:
0x32f: {  	(tag) =	ssettag $0x2  }
0x330: {  	s0 =	rddreg [dreg:$0x0];
	s2 =	stileid.u32  }
0x331: {  	s1 =	rddreg [dreg:$0x1];
	p0 =	sne.s32 s2, $0x0  }
0x332: {  	s3 =	rddreg [dreg:$0x2];
	[bflag:$0x3] =	sbarrier.arrive $0xFFFF;
	s2 =	simm.s32 @!p0 $0x1C03  }
0x333: {  	[timem:s3], [sflag:s2] =	dma.local @!p0 [hbm:s0], s1  }
0x334: {  	s0 =	simm.s32 @!p0 $0x3  }
0x335: {  	_ =	swait.ge @!p0 [sflag:s0], s1  }
0x336: {  	s1 =	ssub.s32 @!p0 $0x0, s1;
	[sflag:s0] =	ssyncset.done @!p0 $0x0  }
0x337: {  	[sflag:s0] =	ssyncadd.s32 @!p0 s1  }
0x338: {  	[bflag:$0x3] =	sbarrier.arrive $0xFFFF  }
0x339: {  	_ =	shalt  }

// kernel: kernel.14.cloned.1.call-start
scs
__scs_entry_jumppad:
0x0: {  	(pc) =	sbr.rel $0x88, $3  }
0x1: {  	(tag) =	ssettag $0x0;
	lr =	simm.s32 $0x1  }
0x2: {  	[smem:$0x3F9B] =	sst lr;
	_ =	strace $0xD0000000  }
0x3: {  	_ = 	snop  }
0x4: {  	_ = 	snop  }
0x5: {  	_ = 	snop  }
0x6: {  	_ = 	snop  }
0x7: {  	_ = 	snop  }
__scs_overlays_trampoline_lowered:
0x8: {  	[smem:$0x3FAA] =	sst s0  }
0x9: {  	[smem:$0x3FAB] =	sst s1  }
0xa: {  	[smem:$0x3FAC] =	sst s2  }
0xb: {  	[smem:$0x3FAD] =	sst s3  }
0xc: {  	[smem:$0x3FAE] =	sst s4  }
0xd: {  	[smem:$0x3FAF] =	sst s5  }
0xe: {  	[smem:$0x3FB0] =	sst s6  }
0xf: {  	[smem:$0x3FB1] =	sst s7  }
0x10: {  	[smem:$0x3FB2] =	sst s8  }
0x11: {  	[smem:$0x3FB3] =	sst s9;
	s0 =	simm.s32 @!p0 $0x0  }
0x12: {  	s1 =	sld [smem:$0x3F99];
	s0 =	simm.s32 @p0 $0x1  }
0x13: {  	[smem:$0x3FB4] =	sst s0;
	s0 =	simm.s32 @!p1 $0x0  }
0x14: {  	s2 =	sld [smem:$0x3F98];
	s0 =	simm.s32 @p1 $0x1  }
0x15: {  	[smem:$0x3FB5] =	sst s0;
	s0 =	simm.s32 @!p2 $0x0  }
0x16: {  	s3 =	sld [smem:$0x3FDB];
	s0 =	simm.s32 @p2 $0x1  }
0x17: {  	s4 =	simm.s32 $0x1BF5;
	[smem:$0x3FB7] =	sst s0  }
0x18: {  	s0 =	sld [smem:$0x3F9A];
	_ =	swait.ge [sflag:s4], $0x0  }
0x19: {  	s7 =	sld [smem:$0x3F9B]  }
0x1a: {  	s8 =	sadd.s32 $0xFFFFE003, lr  }
0x1b: {  	s9 =	sadd.s32 $0xFFFFFEF7, lr;
	s5 =	simm.s32 $0xFFFFFFFF;
	p2 =	slt.u32 s8, $0xFFFFF086  }
0x1c: {  	p1 =	slt.u32 s9, $0xF7A;
	s5 =	simm.s32 @!p2 $0x0  }
0x1d: {  	s5 =	simm.s32 @p1 $0x1;
	p0 =	seq.s32 s7, s2  }
0x1e: {  	s7 =	smul.u32 @!p0 $0xF7A, s2;
	p2 =	seq.s32 @!p0 s5, $0x0  }
0x1f: {  	s9 =	smul.u32 $0xF7A, s1;
	s8 =	simm.s32 @!p0 $0x1BF5;
	p2 =	por !p2, p0  }
0x20: {  	[sflag:s8] =	ssyncset.s32 @!p0 $0xFFFFF086;
	s6 =	sadd.s32 @!p0 s3, s7;
	s7 =	simm.s32 @!p0 $0x108  }
0x21: {  	s3 =	sadd.s32 s3, s9;
	s6 =	sadd.s32 @!p0 $0x88, s6;
	s7 =	simm.s32 @p2 $0x1082  }
0x22: {  	[simem:s7], [sflag:s8] =	dma.local @!p0 [hbm:s6], $0xF7A  }
0x23: {  	s9 =	sor.u32 $0xD0000000, s2;
	s6 =	simm.s32 $0x108;
	_ =	swait.ge @!p0 [sflag:s8], $0x0  }
0x24: {  	s3 =	sadd.s32 $0x88, s3;
	s6 =	simm.s32 @!p1 $0x1082;
	[sflag:s4] =	ssyncset.s32 $0xFFFFF086  }
0x25: {  	[simem:s6], [sflag:s4] =	dma.local [hbm:s3], $0xF7A  }
0x26: {  	[smem:$0x3F9B] =	sst s1;
	(tag) =	ssettag s2;
	_ =	strace s9  }
0x27: {  	s1 =	sld [smem:$0x3FAB]  }
0x28: {  	s2 =	sld [smem:$0x3FAC]  }
0x29: {  	s4 =	sld [smem:$0x3FAE]  }
0x2a: {  	p0 =	seq.s32 s5, $0x0;
	s5 =	sld [smem:$0x3FAF]  }
0x2b: {  	s6 =	sld [smem:$0x3FB0]  }
0x2c: {  	s7 =	sld [smem:$0x3FB1]  }
0x2d: {  	s3 =	simm.s32 $0x108;
	s8 =	sld [smem:$0x3FB2]  }
0x2e: {  	s3 =	simm.s32 @!p0 $0x1082;
	s9 =	sld [smem:$0x3FB3]  }
0x2f: {  	lr =	sadd.s32 s0, s3;
	s0 =	sld [smem:$0x3FAA]  }
0x30: {  	s3 =	sld [smem:$0x3FAD]  }
0x31: {  	[smem:$0x3FB6] =	sst s10  }
0x32: {  	s10 =	sld [smem:$0x3FB4];
	_ =	sdelay $0x3  }
0x33: {  	p0 =	seq.s32 s10, $0x1;
	s10 =	sld [smem:$0x3FB6];
	_ =	sdelay $0x3  }
0x34: {  	[smem:$0x3FB6] =	sst s10  }
0x35: {  	s10 =	sld [smem:$0x3FB5];
	_ =	sdelay $0x3  }
0x36: {  	p1 =	seq.s32 s10, $0x1;
	s10 =	sld [smem:$0x3FB6];
	_ =	sdelay $0x3  }
0x37: {  	[smem:$0x3FB6] =	sst s10  }
0x38: {  	s10 =	sld [smem:$0x3FB7]  }
0x39: {  	_ = 	snop;
	(pc) =	sbr.ind lr, $3  }
0x3a: {  	_ = 	snop  }
0x3b: {  	_ = 	snop  }
0x3c: {  	p2 =	seq.s32 s10, $0x1;
	s10 =	sld [smem:$0x3FB6]  }
0x3d: {  	_ =	shalt  }
0x3e: {  	_ =	shalt  }
0x3f: {  	_ =	shalt  }
0x40: {  	_ =	shalt  }
0x41: {  	_ =	shalt  }
0x42: {  	_ =	shalt  }
0x43: {  	_ =	shalt  }
0x44: {  	_ =	shalt  }
0x45: {  	_ =	shalt  }
0x46: {  	_ =	shalt  }
0x47: {  	_ =	shalt  }
0x48: {  	_ =	shalt  }
0x49: {  	_ =	shalt  }
0x4a: {  	_ =	shalt  }
0x4b: {  	_ =	shalt  }
0x4c: {  	_ =	shalt  }
0x4d: {  	_ =	shalt  }
0x4e: {  	_ =	shalt  }
0x4f: {  	_ =	shalt  }
0x50: {  	_ =	shalt  }
0x51: {  	_ =	shalt  }
0x52: {  	_ =	shalt  }
0x53: {  	_ =	shalt  }
0x54: {  	_ =	shalt  }
0x55: {  	_ =	shalt  }
0x56: {  	_ =	shalt  }
0x57: {  	_ =	shalt  }
0x58: {  	_ =	shalt  }
0x59: {  	_ =	shalt  }
0x5a: {  	_ =	shalt  }
0x5b: {  	_ =	shalt  }
0x5c: {  	_ =	shalt  }
0x5d: {  	_ =	shalt  }
0x5e: {  	_ =	shalt  }
0x5f: {  	_ =	shalt  }
0x60: {  	_ =	shalt  }
0x61: {  	_ =	shalt  }
0x62: {  	_ =	shalt  }
0x63: {  	_ =	shalt  }
0x64: {  	_ =	shalt  }
0x65: {  	_ =	shalt  }
0x66: {  	_ =	shalt  }
0x67: {  	_ =	shalt  }
0x68: {  	_ =	shalt  }
0x69: {  	_ =	shalt  }
0x6a: {  	_ =	shalt  }
0x6b: {  	_ =	shalt  }
0x6c: {  	_ =	shalt  }
0x6d: {  	_ =	shalt  }
0x6e: {  	_ =	shalt  }
0x6f: {  	_ =	shalt  }
0x70: {  	_ =	shalt  }
0x71: {  	_ =	shalt  }
0x72: {  	_ =	shalt  }
0x73: {  	_ =	shalt  }
0x74: {  	_ =	shalt  }
0x75: {  	_ =	shalt  }
0x76: {  	_ =	shalt  }
0x77: {  	_ =	shalt  }
0x78: {  	_ =	shalt  }
0x79: {  	_ =	shalt  }
0x7a: {  	_ =	shalt  }
0x7b: {  	_ =	shalt  }
0x7c: {  	_ =	shalt  }
0x7d: {  	_ =	shalt  }
0x7e: {  	_ =	shalt  }
0x7f: {  	_ =	shalt  }
0x80: {  	_ =	shalt  }
0x81: {  	_ =	shalt  }
0x82: {  	_ =	shalt  }
0x83: {  	_ =	shalt  }
0x84: {  	_ =	shalt  }
0x85: {  	_ =	shalt  }
0x86: {  	_ =	shalt  }
0x87: {  	_ =	shalt  }
.Lfunc_end0:
.L_simem_size_0:
called_computation.2_lowered:
.L_overlay_start_0:
0x88: {  	s2 =	sld [smem:$0x3FD9]  }
0x89: {  	s3 =	sld [smem:$0x3FFE];
	_ =	sdelay $0x1  }
0x8a: {  	s1 =	srdreg.scid  }
0x8b: {  	s0 =	sand.u32 $0x1, s1  }
0x8c: {  	s17 =	sshll.u32 s0, $0xA;
	s2 =	sadd.s32 s3, s2  }
0x8d: {  	s2 =	sadd.s32 s2, s17  }
0x8e: {  	[smem:$0x3FC2] =	sst s2  }
0x8f: {  	_ = 	snop  }
0x90: {  	s2 =	sld [smem:$0x3FD0];
	(tm) =	ssettm $0x1  }
0x91: {  	s18 =	sld [smem:$0x3FFB];
	_ =	sdelay $0x3  }
0x92: {  	_ =	strace s18  }
0x93: {  	s3 =	sld [smem:$0x3FFC];
	_ =	sdelay $0x3  }
0x94: {  	_ =	strace s3  }
0x95: {  	s3 =	sld [smem:$0x3FFD];
	_ =	sdelay $0x3  }
0x96: {  	_ =	strace s3  }
0x97: {  	_ =	strace $0x8FFFFFFF  }
0x98: {  	s19 =	sld [smem:$0x3FDB];
	_ =	sdelay $0x1  }
0x99: {  	s4 =	simm.s32 $_scs_section_size  }
0x9a: {  	s5 =	simm.s32 $_size__tile_overlayer_lowered;
	s6 =	simm.s32 $_tile_overlayer_lowered  }
0x9b: {  	s22 =	simm.s32 $0x1BFF;
	s21 =	sshll.u32 s6, $0x1;
	s3 =	sadd.s32 s4, s19  }
0x9c: {  	s7 =	simm.s32 $0x0;
	s20 =	sshll.u32 s5, $0x1;
	s5 =	sadd.s32 s21, s3  }
0x9d: {  	[timem:s7], [sflag:s22] =	dma.local [hbm:s5], s20  }
0x9e: {  	_ =	swait.ge [sflag:s22], s20  }
0x9f: {  	s4 =	ssub.s32 $0x0, s20;
	[sflag:s22] =	ssyncset.done $0x0  }
0xa0: {  	[sflag:s22] =	ssyncadd.s32 s4;
	_ =	sdelay $0x1  }
0xa1: {  	s23 =	simm.s32 $0x1B8B  }
0xa2: {  	_ =	swait.ge [sflag:s23], $0x1  }
0xa3: {  	[sflag:s23] =	ssyncset.done $0x0  }
0xa4: {  	s25 =	simm.s32 $0x1B8E;
	s24 =	sld [smem:$0x3FFE];
	[sflag:s23] =	ssyncadd.s32 $0xFFFFFFFF  }
0xa5: {  	s26 =	simm.s32 $execute0_lowered;
	[smem:$0x3FD2] =	sst s25  }
0xa6: {  	s5 =	sshll.u32 s26, $0x1;
	_ =	strace $0x8000004C;
	[dreg:$0x1] =	wrdreg $0xFFFFFFFF  }
0xa7: {  	s28 =	simm.s32 $_size_execute0_lowered;
	s3 =	sadd.s32 s3, s5;
	[dreg:$0x0] =	wrdreg $0x0  }
0xa8: {  	s5 =	sshll.u32 s28, $0x1;
	[dreg:$0x2] =	wrdreg s3  }
0xa9: {  	[dreg:$0x3] =	wrdreg s5  }
0xaa: {  	[dreg:$0x4] =	wrdreg $0xC0  }
0xab: {  	_ =	task [dreg:s7], $0x5FFFF  }
0xac: {  	[dreg:$0x1] =	wrdreg $0xFFFFFFFF  }
0xad: {  	[dreg:$0x0] =	wrdreg $0x60  }
0xae: {  	[dreg:$0x2] =	wrdreg s2  }
0xaf: {  	[dreg:$0x3] =	wrdreg s24  }
0xb0: {  	[dreg:$0x4] =	wrdreg $0xA8800  }
0xb1: {  	[dreg:$0x5] =	wrdreg $0x9  }
0xb2: {  	_ =	task.clear_ibuf [dreg:s7], $0x6FFFF;
	_ =	strace $0x9000004C  }
0xb3: {  	s29 =	simm.s32 $0x9;
	_ =	strace $0x8000004E  }
0xb4: {  	_ =	swait.ge [sflag:s29], $0x1  }
0xb5: {  	[sflag:s29] =	ssyncadd.s32 $0xFFFFFFFF  }
0xb6: {  	_ =	strace $0x9000004E  }
0xb7: {  	_ =	sfence  }
0xb8: {  	s30 =	sld [smem:$0x0];
	_ =	sdelay $0x2  }
0xb9: {  	s31 =	sshll.u32 s1, $0xD;
	s1 =	sshrl.u32 s1, $0x2  }
0xba: {  	s3 =	sand.u32 $0x4000, s31;
	s1 =	sadd.s32 s1, s30  }
0xbb: {  	s0 =	sor.u32 s3, s0;
	s1 =	sshll.u32 s1, $0x11  }
0xbc: {  	s0 =	sor.u32 s1, s0  }
0xbd: {  	s0 =	sadd.s32 $0x8F2B, s0  }
0xbe: {  	[sflag:s0] =	ssyncadd.remote.s32 $0x1  }
0xbf: {  	_ =	sfence.sel $0xFFFF  }
0xc0: {  	[dreg:$0x0] =	wrdreg $0xFFFFFFFF;
	(pc) =	sbr.abs _section_cstart, $3  }
0xc1: {  	[dreg:$0x1] =	wrdreg $0xFFFFFFFF  }
0xc2: {  	_ =	task.clear_ibuf [dreg:s7], $0x2FFFF;
	_ =	strace $0x9FFFFFFF  }
0xc3: {  	(tm) =	ssettm $0x7FFFFFFF  }
tec
execute0_lowered:
.L_overlay_start_1:
0x0: {  	(tag) =	ssettag $0x1  }
0x1: {  	s10 =	rddreg [dreg:$0x0]  }
0x2: {  	s11 =	rddreg [dreg:$0x1]  }
0x3: {  	s0 =	srdreg.scid;
	s2 =	rddreg [dreg:$0x2]  }
0x4: {  	s1 =	stileid.u32;
	s3 =	simm.s32 $0x0;
	s15 =	simm.s32 $0x57E00  }
0x5: {  	s17 =	simm.s32 $0x2;
	s18 =	simm.s32 $0x80;
	s19 =	simm.s32 $0x6880  }
0x6: {  	s20 =	simm.s32 $0x1;
	s21 =	simm.s32 $0x2800;
	s22 =	simm.s32 $0x1380  }
0x7: {  	s8 =	sand.u32 $0x1, s0;
	s0 =	rddreg [dreg:$0x3];
	s5 =	smul.u32 $0x50000, s1  }
0x8: {  	[smem:$0x7FF] =	sst s3;
	s16 =	smul.u32 $0x2800, s1;
	s4 =	sshll.u32 s8, $0x4  }
0x9: {  	_ =	strace $0x8000004D;
	s6 =	ssub.s32 $0x2, s8;
	p0 =	seq.s32 s8, $0x1  }
0xa: {  	s4 =	sor.u32 s1, s4;
	s31 =	sshrl.u32 s5, $0x2;
	s7 =	sshrl.u32 s6, $0x1  }
0xb: {  	s5 =	sadd.s32 $0x7E00, s11;
	s15 =	simm.s32 @!p0 $0x2FE00;
	s12 =	smul.u32 $0x280, s4  }
0xc: {  	s4 =	sadd.s32 s31, s2;
	s14 =	ssub.s32 s6, s7;
	s15 =	sadd.s32 s15, s11  }
0xd: {  	s6 =	sadd.s32 $0x4000, s4;
	s7 =	sadd.s32 $0x8000, s4;
	s8 =	sadd.s32 $0xC000, s4  }
0xe: {  	s9 =	sadd.s32 $0x10000, s4;
	s13 =	sadd.s32 s12, s11;
	s10 =	sadd.s32 s10, s12  }
0xf: {  	s12 =	smax.u32 s14, $0x1;
	s14 =	simm.s32 $0x2880;
	s11 =	sadd.s32 $0x2E00, s13  }
0x10: {  	v0 =	vimm.f32 $0.0e+00;
	s13 =	sadd.s32 s15, s16;
	s15 =	simm.s32 $0x3;
	s16 =	simm.s32 $0x1400  }
.LBB2_1:
0x11: {  	s23 =	simm.s32 $0x0;
	s24 =	simm.s32 $0x200  }
.LBB2_2:
0x12: {  	p0 =	sne.s32 s24, $0xFE00;
	[tilespmem:s23+$0x28F0] =	vst v0  }
0x13: {  	[tilespmem:s23+$0x2880] =	vst v0  }
0x14: {  	[tilespmem:s23+$0x2890] =	vst v0  }
.Ltmp0:
0x15: {  	[tilespmem:s23+$0x28A0] =	vst v0;
	(pc) =	sbr.rel @p0 .LBB2_2-.Ltmp0, $4  }
0x16: {  	[tilespmem:s23+$0x28B0] =	vst v0  }
0x17: {  	[tilespmem:s23+$0x28C0] =	vst v0  }
0x18: {  	[tilespmem:s23+$0x28D0] =	vst v0  }
0x19: {  	[tilespmem:s23+$0x28E0] =	vst v0;
	s23 =	sshra.s32 s24, $0x2;
	s24 =	sadd.s32 $0x200, s24  }
0x1a: {  	[tilespmem:s23+$0x28F0] =	vst v0  }
0x1b: {  	[tilespmem:s23+$0x2880] =	vst v0  }
0x1c: {  	[tilespmem:s23+$0x2890] =	vst v0  }
0x1d: {  	[tilespmem:s23+$0x28A0] =	vst v0  }
0x1e: {  	[tilespmem:s23+$0x28B0] =	vst v0  }
0x1f: {  	[tilespmem:s23+$0x28C0] =	vst v0  }
0x20: {  	[tilespmem:s23+$0x28D0] =	vst v0  }
0x21: {  	[tilespmem:s23+$0x28E0] =	vst v0  }
0x22: {  	[spmem:s4] =	stream.linear.scatter [tilespmem:s14], [sflag:$0x2], $0x4000, $0x38;
	[tilespmem:$0x1E880] =	vst v63  }
0x23: {  	_ = 	snop  }
0x24: {  	[spmem:s6] =	stream.linear.scatter [tilespmem:s14], [sflag:$0x2], $0x4000, $0x38;
	[tilespmem:$0x1E880] =	vst v63  }
0x25: {  	_ = 	snop  }
0x26: {  	[spmem:s7] =	stream.linear.scatter [tilespmem:s14], [sflag:$0x2], $0x4000, $0x38;
	[tilespmem:$0x1E880] =	vst v63  }
0x27: {  	_ = 	snop  }
0x28: {  	[spmem:s8] =	stream.linear.scatter [tilespmem:s14], [sflag:$0x2], $0x4000, $0x38;
	[tilespmem:$0x1E880] =	vst v63  }
0x29: {  	_ = 	snop  }
0x2a: {  	[spmem:s9] =	stream.linear.scatter [tilespmem:s14], [sflag:$0x2], $0x4000, $0x38;
	[tilespmem:$0x1E880] =	vst v63  }
0x2b: {  	s29 =	simm.s32 $0x0  }
0x2c: {  	[tilespmem:s29], [sflag:$0x3] =	stream.linear.gather [hbm4b:s10+s29], $0x1400, $0x38;
	[tilespmem:$0x1E880] =	vst v63  }
0x2d: {  	_ =	swait.ge [sflag:s15], $0x1400  }
0x2e: {  	[sflag:s15] =	ssyncset.done $0x0  }
0x2f: {  	[sflag:s15] =	ssyncadd.s32 $0xFFFFEC00  }
0x30: {  	[tilespmem:s16], [sflag:$0x3] =	stream.linear.gather [hbm4b:s11+s29], $0x1400, $0x38;
	[tilespmem:$0x1E880] =	vst v63  }
0x31: {  	_ =	swait.ge [sflag:s15], $0x1400  }
0x32: {  	[sflag:s15] =	ssyncset.done $0x0  }
0x33: {  	[sflag:s15] =	ssyncadd.s32 $0xFFFFEC00  }
0x34: {  	_ =	swait.ge [sflag:s17], $0x4000  }
0x35: {  	[sflag:s17] =	ssyncset.done $0x0  }
0x36: {  	[sflag:s17] =	ssyncadd.s32 $0xFFFFC000  }
0x37: {  	_ =	swait.ge [sflag:s17], $0x4000  }
0x38: {  	[sflag:s17] =	ssyncset.done $0x0  }
0x39: {  	[sflag:s17] =	ssyncadd.s32 $0xFFFFC000  }
0x3a: {  	_ =	swait.ge [sflag:s17], $0x4000  }
0x3b: {  	[sflag:s17] =	ssyncset.done $0x0  }
0x3c: {  	[sflag:s17] =	ssyncadd.s32 $0xFFFFC000  }
0x3d: {  	_ =	swait.ge [sflag:s17], $0x4000  }
0x3e: {  	[sflag:s17] =	ssyncset.done $0x0  }
0x3f: {  	[sflag:s17] =	ssyncadd.s32 $0xFFFFC000  }
0x40: {  	_ =	swait.ge [sflag:s17], $0x4000  }
0x41: {  	[sflag:s17] =	ssyncset.done $0x0  }
0x42: {  	[sflag:s17] =	ssyncadd.s32 $0xFFFFC000  }
0x43: {  	[bflag:$0x0] =	sbarrier.arrive $0xFFFF  }
0x44: {  	[tilespmem:s14], [sflag:$0x1] =	stream.indirect.gather [hbm4b:s5+s18], $0x80, s29, s18, $0xb8;
	[tilespmem:$0x1E880] =	vst v63  }
0x45: {  	s30 =	simm.s32 $0x80  }
0x46: {  	[tilespmem:s19], [sflag:$0x2] =	stream.indirect.gather [hbm4b:s5+s18], $0x80, s30, s18, $0xb8;
	[tilespmem:$0x1E880] =	vst v63  }
0x47: {  	_ =	swait.ge [sflag:s20], $0x4000  }
0x48: {  	[sflag:s20] =	ssyncset.done $0x0  }
0x49: {  	s31 =	simm.s32 $0x0;
	[sflag:s20] =	ssyncadd.s32 $0xFFFFC000  }
0x4a: {  	v1 =	vld [tilespmem:s31+$0x1400];
	_ =	sdelay $0x4  }
0x4b: {  	[tilespmem:$0x2800] =	vst v1  }
0x4c: {  	v1 =	vld [tilespmem:s31+$0x1410];
	_ =	sdelay $0x4  }
0x4d: {  	[tilespmem:$0x2810] =	vst v1  }
0x4e: {  	v1 =	vld [tilespmem:s31+$0x1420];
	_ =	sdelay $0x4  }
0x4f: {  	[tilespmem:$0x2820] =	vst v1  }
0x50: {  	v1 =	vld [tilespmem:s31+$0x1430];
	_ =	sdelay $0x4  }
0x51: {  	[tilespmem:$0x2830] =	vst v1  }
0x52: {  	v1 =	vld [tilespmem:s31+$0x1440];
	_ =	sdelay $0x4  }
0x53: {  	[tilespmem:$0x2840] =	vst v1  }
0x54: {  	v1 =	vld [tilespmem:s31+$0x1450];
	_ =	sdelay $0x4  }
0x55: {  	[tilespmem:$0x2850] =	vst v1  }
0x56: {  	v1 =	vld [tilespmem:s31+$0x1460];
	_ =	sdelay $0x4  }
0x57: {  	[tilespmem:$0x2860] =	vst v1  }
0x58: {  	v1 =	vld [tilespmem:s31+$0x1470];
	_ =	sdelay $0x4  }
0x59: {  	[tilespmem:$0x2870] =	vst v1  }
0x5a: {  	[spmem:s2] =	stream.indirect.scatter.add.f32 [tilespmem:s14], [sflag:$0x3], $0x80, s21, s18, $0xb8;
	[tilespmem:$0x1E880] =	vst v63  }
0x5b: {  	_ =	swait.ge [sflag:s15], $0x4000  }
0x5c: {  	[sflag:s15] =	ssyncset.done $0x0  }
0x5d: {  	s24 =	simm.s32 $0x100;
	[sflag:s15] =	ssyncadd.s32 $0xFFFFC000  }
0x5e: {  	[tilespmem:s14], [sflag:$0x1] =	stream.indirect.gather [hbm4b:s5+s18], $0x80, s24, s18, $0xb8;
	[tilespmem:$0x1E880] =	vst v63  }
0x5f: {  	_ =	swait.ge [sflag:s17], $0x4000  }
0x60: {  	[sflag:s17] =	ssyncset.done $0x0  }
0x61: {  	[sflag:s17] =	ssyncadd.s32 $0xFFFFC000  }
0x62: {  	v1 =	vld [tilespmem:s31+$0x1480];
	_ =	sdelay $0x4  }
0x63: {  	[tilespmem:$0x2800] =	vst v1  }
0x64: {  	v1 =	vld [tilespmem:s31+$0x1490];
	_ =	sdelay $0x4  }
0x65: {  	[tilespmem:$0x2810] =	vst v1  }
0x66: {  	v1 =	vld [tilespmem:s31+$0x14A0];
	_ =	sdelay $0x4  }
0x67: {  	[tilespmem:$0x2820] =	vst v1  }
0x68: {  	v1 =	vld [tilespmem:s31+$0x14B0];
	_ =	sdelay $0x4  }
0x69: {  	[tilespmem:$0x2830] =	vst v1  }
0x6a: {  	v1 =	vld [tilespmem:s31+$0x14C0];
	_ =	sdelay $0x4  }
0x6b: {  	[tilespmem:$0x2840] =	vst v1  }
0x6c: {  	v1 =	vld [tilespmem:s31+$0x14D0];
	_ =	sdelay $0x4  }
0x6d: {  	[tilespmem:$0x2850] =	vst v1  }
0x6e: {  	v1 =	vld [tilespmem:s31+$0x14E0];
	_ =	sdelay $0x4  }
0x6f: {  	[tilespmem:$0x2860] =	vst v1  }
0x70: {  	v1 =	vld [tilespmem:s31+$0x14F0];
	_ =	sdelay $0x4  }
0x71: {  	[tilespmem:$0x2870] =	vst v1  }
0x72: {  	[spmem:s2] =	stream.indirect.scatter.add.f32 [tilespmem:s19], [sflag:$0x3], $0x80, s21, s18, $0xb8;
	[tilespmem:$0x1E880] =	vst v63  }
0x73: {  	_ =	swait.ge [sflag:s15], $0x4000  }
0x74: {  	s26 =	simm.s32 $0x800;
	s23 =	simm.s32 $0x100;
	[sflag:s15] =	ssyncset.done $0x0  }
.LBB2_4:
0x75: {  	s28 =	sadd.s32 $0x80, s23  }
0x76: {  	[sflag:s15] =	ssyncadd.s32 $0xFFFFC000;
	s25 =	smov.u32 s26;
	s24 =	sadd.s32 $0x400, s26  }
0x77: {  	[tilespmem:s19], [sflag:$0x2] =	stream.indirect.gather [hbm4b:s5+s18], $0x80, s28, s18, $0xb8;
	[tilespmem:$0x1E880] =	vst v63  }
0x78: {  	p0 =	sne.s32 s26, $0x4800;
	_ =	swait.ge [sflag:s20], $0x4000  }
0x79: {  	[sflag:s20] =	ssyncset.done $0x0  }
0x7a: {  	[sflag:s20] =	ssyncadd.s32 $0xFFFFC000  }
0x7b: {  	v1 =	vld [tilespmem:s23+$0x1400];
	_ =	sdelay $0x4  }
0x7c: {  	[tilespmem:$0x2800] =	vst v1  }
0x7d: {  	v1 =	vld [tilespmem:s23+$0x1410];
	_ =	sdelay $0x4  }
0x7e: {  	[tilespmem:$0x2810] =	vst v1  }
0x7f: {  	v1 =	vld [tilespmem:s23+$0x1420];
	_ =	sdelay $0x4  }
0x80: {  	[tilespmem:$0x2820] =	vst v1  }
0x81: {  	v1 =	vld [tilespmem:s23+$0x1430];
	_ =	sdelay $0x4  }
0x82: {  	[tilespmem:$0x2830] =	vst v1  }
0x83: {  	v1 =	vld [tilespmem:s23+$0x1440];
	_ =	sdelay $0x4  }
0x84: {  	[tilespmem:$0x2840] =	vst v1  }
0x85: {  	v1 =	vld [tilespmem:s23+$0x1450];
	_ =	sdelay $0x4  }
0x86: {  	[tilespmem:$0x2850] =	vst v1  }
0x87: {  	v1 =	vld [tilespmem:s23+$0x1460];
	_ =	sdelay $0x4  }
0x88: {  	[tilespmem:$0x2860] =	vst v1  }
0x89: {  	v1 =	vld [tilespmem:s23+$0x1470];
	_ =	sdelay $0x4  }
0x8a: {  	[tilespmem:$0x2870] =	vst v1  }
0x8b: {  	[spmem:s2] =	stream.indirect.scatter.add.f32 [tilespmem:s14], [sflag:$0x3], $0x80, s21, s18, $0xb8;
	[tilespmem:$0x1E880] =	vst v63  }
0x8c: {  	_ =	swait.ge [sflag:s15], $0x4000  }
0x8d: {  	[sflag:s15] =	ssyncset.done $0x0  }
0x8e: {  	s26 =	sadd.s32 $0x100, s23;
	[sflag:s15] =	ssyncadd.s32 $0xFFFFC000  }
0x8f: {  	[tilespmem:s14], [sflag:$0x1] =	stream.indirect.gather [hbm4b:s5+s18], $0x80, s26, s18, $0xb8;
	[tilespmem:$0x1E880] =	vst v63  }
0x90: {  	_ =	swait.ge [sflag:s17], $0x4000  }
0x91: {  	[sflag:s17] =	ssyncset.done $0x0  }
0x92: {  	[sflag:s17] =	ssyncadd.s32 $0xFFFFC000  }
0x93: {  	v1 =	vld [tilespmem:s23+$0x1480];
	_ =	sdelay $0x4  }
0x94: {  	[tilespmem:$0x2800] =	vst v1  }
0x95: {  	v1 =	vld [tilespmem:s23+$0x1490];
	_ =	sdelay $0x4  }
0x96: {  	[tilespmem:$0x2810] =	vst v1  }
0x97: {  	v1 =	vld [tilespmem:s23+$0x14A0];
	_ =	sdelay $0x4  }
0x98: {  	[tilespmem:$0x2820] =	vst v1  }
0x99: {  	v1 =	vld [tilespmem:s23+$0x14B0];
	_ =	sdelay $0x4  }
0x9a: {  	[tilespmem:$0x2830] =	vst v1  }
0x9b: {  	v1 =	vld [tilespmem:s23+$0x14C0];
	_ =	sdelay $0x4  }
0x9c: {  	[tilespmem:$0x2840] =	vst v1  }
0x9d: {  	v1 =	vld [tilespmem:s23+$0x14D0];
	_ =	sdelay $0x4  }
0x9e: {  	[tilespmem:$0x2850] =	vst v1  }
0x9f: {  	v1 =	vld [tilespmem:s23+$0x14E0];
	_ =	sdelay $0x4  }
0xa0: {  	[tilespmem:$0x2860] =	vst v1  }
0xa1: {  	v1 =	vld [tilespmem:s23+$0x14F0];
	_ =	sdelay $0x3  }
.Ltmp1:
0xa2: {  	(pc) =	sbr.rel @p0 .LBB2_4-.Ltmp1, $4  }
0xa3: {  	[tilespmem:$0x2870] =	vst v1  }
0xa4: {  	[spmem:s2] =	stream.indirect.scatter.add.f32 [tilespmem:s19], [sflag:$0x3], $0x80, s21, s18, $0xb8;
	[tilespmem:$0x1E880] =	vst v63  }
0xa5: {  	_ =	swait.ge [sflag:s15], $0x4000  }
0xa6: {  	s26 =	smov.u32 s24;
	s23 =	sshra.s32 s25, $0x2;
	[sflag:s15] =	ssyncset.done $0x0  }
0xa7: {  	s24 =	sadd.s32 $0x80, s23;
	[sflag:s15] =	ssyncadd.s32 $0xFFFFC000  }
0xa8: {  	[tilespmem:s19], [sflag:$0x2] =	stream.indirect.gather [hbm4b:s5+s18], $0x80, s24, s18, $0xb8;
	[tilespmem:$0x1E880] =	vst v63  }
0xa9: {  	_ =	swait.ge [sflag:s20], $0x4000  }
0xaa: {  	[sflag:s20] =	ssyncset.done $0x0  }
0xab: {  	[sflag:s20] =	ssyncadd.s32 $0xFFFFC000  }
0xac: {  	v1 =	vld [tilespmem:s23+$0x1400];
	_ =	sdelay $0x4  }
0xad: {  	[tilespmem:$0x2800] =	vst v1  }
0xae: {  	v1 =	vld [tilespmem:s23+$0x1410];
	_ =	sdelay $0x4  }
0xaf: {  	[tilespmem:$0x2810] =	vst v1  }
0xb0: {  	v1 =	vld [tilespmem:s23+$0x1420];
	_ =	sdelay $0x4  }
0xb1: {  	[tilespmem:$0x2820] =	vst v1  }
0xb2: {  	v1 =	vld [tilespmem:s23+$0x1430];
	_ =	sdelay $0x4  }
0xb3: {  	[tilespmem:$0x2830] =	vst v1  }
0xb4: {  	v1 =	vld [tilespmem:s23+$0x1440];
	_ =	sdelay $0x4  }
0xb5: {  	[tilespmem:$0x2840] =	vst v1  }
0xb6: {  	v1 =	vld [tilespmem:s23+$0x1450];
	_ =	sdelay $0x4  }
0xb7: {  	[tilespmem:$0x2850] =	vst v1  }
0xb8: {  	v1 =	vld [tilespmem:s23+$0x1460];
	_ =	sdelay $0x4  }
0xb9: {  	[tilespmem:$0x2860] =	vst v1  }
0xba: {  	v1 =	vld [tilespmem:s23+$0x1470];
	_ =	sdelay $0x4  }
0xbb: {  	[tilespmem:$0x2870] =	vst v1  }
0xbc: {  	[spmem:s2] =	stream.indirect.scatter.add.f32 [tilespmem:s14], [sflag:$0x3], $0x80, s21, s18, $0xb8;
	[tilespmem:$0x1E880] =	vst v63  }
0xbd: {  	_ =	swait.ge [sflag:s15], $0x4000  }
0xbe: {  	[sflag:s15] =	ssyncset.done $0x0  }
0xbf: {  	s29 =	sadd.s32 $0x100, s23;
	[sflag:s15] =	ssyncadd.s32 $0xFFFFC000  }
0xc0: {  	[tilespmem:s14], [sflag:$0x1] =	stream.indirect.gather [hbm4b:s5+s18], $0x80, s29, s18, $0xb8;
	[tilespmem:$0x1E880] =	vst v63  }
0xc1: {  	_ =	swait.ge [sflag:s17], $0x4000  }
0xc2: {  	[sflag:s17] =	ssyncset.done $0x0  }
0xc3: {  	[sflag:s17] =	ssyncadd.s32 $0xFFFFC000  }
0xc4: {  	v1 =	vld [tilespmem:s23+$0x1480];
	_ =	sdelay $0x4  }
0xc5: {  	[tilespmem:$0x2800] =	vst v1  }
0xc6: {  	v1 =	vld [tilespmem:s23+$0x1490];
	_ =	sdelay $0x4  }
0xc7: {  	[tilespmem:$0x2810] =	vst v1  }
0xc8: {  	v1 =	vld [tilespmem:s23+$0x14A0];
	_ =	sdelay $0x4  }
0xc9: {  	[tilespmem:$0x2820] =	vst v1  }
0xca: {  	v1 =	vld [tilespmem:s23+$0x14B0];
	_ =	sdelay $0x4  }
0xcb: {  	[tilespmem:$0x2830] =	vst v1  }
0xcc: {  	v1 =	vld [tilespmem:s23+$0x14C0];
	_ =	sdelay $0x4  }
0xcd: {  	[tilespmem:$0x2840] =	vst v1  }
0xce: {  	v1 =	vld [tilespmem:s23+$0x14D0];
	_ =	sdelay $0x4  }
0xcf: {  	[tilespmem:$0x2850] =	vst v1  }
0xd0: {  	v1 =	vld [tilespmem:s23+$0x14E0];
	_ =	sdelay $0x4  }
0xd1: {  	[tilespmem:$0x2860] =	vst v1  }
0xd2: {  	v1 =	vld [tilespmem:s23+$0x14F0];
	_ =	sdelay $0x4  }
0xd3: {  	[tilespmem:$0x2870] =	vst v1  }
0xd4: {  	[spmem:s2] =	stream.indirect.scatter.add.f32 [tilespmem:s19], [sflag:$0x3], $0x80, s21, s18, $0xb8;
	[tilespmem:$0x1E880] =	vst v63  }
0xd5: {  	_ =	swait.ge [sflag:s15], $0x4000  }
0xd6: {  	[sflag:s15] =	ssyncset.done $0x0  }
0xd7: {  	[sflag:s15] =	ssyncadd.s32 $0xFFFFC000  }
0xd8: {  	[tilespmem:s19], [sflag:$0x2] =	stream.indirect.gather [hbm4b:s5+s18], $0x80, s22, s18, $0xb8;
	[tilespmem:$0x1E880] =	vst v63  }
0xd9: {  	_ =	swait.ge [sflag:s20], $0x4000  }
0xda: {  	[sflag:s20] =	ssyncset.done $0x0  }
0xdb: {  	[sflag:s20] =	ssyncadd.s32 $0xFFFFC000  }
0xdc: {  	v1 =	vld [tilespmem:$0x2700]  }
0xdd: {  	v2 =	vld [tilespmem:$0x2710]  }
0xde: {  	v3 =	vld [tilespmem:$0x2720]  }
0xdf: {  	v4 =	vld [tilespmem:$0x2730]  }
0xe0: {  	v5 =	vld [tilespmem:$0x2740]  }
0xe1: {  	[tilespmem:$0x2800] =	vst v1;
	v1 =	vld [tilespmem:$0x2750]  }
0xe2: {  	[tilespmem:$0x2810] =	vst v2;
	v2 =	vld [tilespmem:$0x2760]  }
0xe3: {  	[tilespmem:$0x2820] =	vst v3;
	v3 =	vld [tilespmem:$0x2770]  }
0xe4: {  	[tilespmem:$0x2830] =	vst v4  }
0xe5: {  	[tilespmem:$0x2840] =	vst v5  }
0xe6: {  	[tilespmem:$0x2850] =	vst v1  }
0xe7: {  	[tilespmem:$0x2860] =	vst v2  }
0xe8: {  	[tilespmem:$0x2870] =	vst v3  }
0xe9: {  	[spmem:s2] =	stream.indirect.scatter.add.f32 [tilespmem:s14], [sflag:$0x3], $0x80, s21, s18, $0xb8;
	[tilespmem:$0x1E880] =	vst v63  }
0xea: {  	_ =	swait.ge [sflag:s15], $0x4000  }
0xeb: {  	[sflag:s15] =	ssyncset.done $0x0  }
0xec: {  	[sflag:s15] =	ssyncadd.s32 $0xFFFFC000  }
0xed: {  	_ =	swait.ge [sflag:s17], $0x4000  }
0xee: {  	[sflag:s17] =	ssyncset.done $0x0  }
0xef: {  	[sflag:s17] =	ssyncadd.s32 $0xFFFFC000  }
0xf0: {  	v1 =	vld [tilespmem:$0x2780]  }
0xf1: {  	v2 =	vld [tilespmem:$0x2790]  }
0xf2: {  	v3 =	vld [tilespmem:$0x27A0]  }
0xf3: {  	v62 =	vld [tilespmem:$0x27B0]  }
0xf4: {  	v63 =	vld [tilespmem:$0x27C0]  }
0xf5: {  	[tilespmem:$0x2800] =	vst v1;
	v1 =	vld [tilespmem:$0x27D0]  }
0xf6: {  	[tilespmem:$0x2810] =	vst v2;
	v2 =	vld [tilespmem:$0x27E0]  }
0xf7: {  	[tilespmem:$0x2820] =	vst v3;
	v3 =	vld [tilespmem:$0x27F0]  }
0xf8: {  	[tilespmem:$0x2830] =	vst v62  }
0xf9: {  	[tilespmem:$0x2840] =	vst v63  }
0xfa: {  	[tilespmem:$0x2850] =	vst v1  }
0xfb: {  	[tilespmem:$0x2860] =	vst v2  }
0xfc: {  	[tilespmem:$0x2870] =	vst v3  }
0xfd: {  	[spmem:s2] =	stream.indirect.scatter.add.f32 [tilespmem:s19], [sflag:$0x3], $0x80, s21, s18, $0xb8;
	[tilespmem:$0x1E880] =	vst v63  }
0xfe: {  	_ =	swait.ge [sflag:s15], $0x4000  }
0xff: {  	s30 =	sshll.u32 s1, $0x6;
	s3 =	sadd.s32 $0x1, s3;
	[sflag:s15] =	ssyncset.done $0x0  }
0x100: {  	s31 =	sshrl.u32 s4, $0x3;
	p0 =	sne.s32 s3, s12;
	[sflag:s15] =	ssyncadd.s32 $0xFFFFC000  }
.Ltmp2:
0x101: {  	s23 =	sor.u32 $0x1C03, s30;
	[bflag:$0x0] =	sbarrier.arrive $0xFFFF;
	(pc) =	sbr.rel @p0 .LBB2_1-.Ltmp2, $4  }
0x102: {  	[hbm:s13], [sflag:s23] =	dma.local [spmem:s31], $0x2800  }
0x103: {  	_ =	swait.ge [sflag:s15], $0x2800  }
0x104: {  	[sflag:s15] =	ssyncset.done $0x0  }
0x105: {  	[sflag:s15] =	ssyncadd.s32 $0xFFFFD800  }
0x106: {  	_ =	sfence.sel $0x180000  }
0x107: {  	[bflag:$0x0] =	sbarrier.arrive $0xFFFF  }
0x108: {  	p0 =	sne.s32 s1, $0x0;
	_ =	strace $0x9000004D  }
0x109: {  	s0 =	sadd.s32 @!p0 $0x100000, s0;
	[bflag:$0x2] =	sbarrier.arrive $0xFFFF  }
0x10a: {  	[sflag:s0] =	ssyncadd.tile.s32 @!p0 $0x1;
	_ =	shalt  }
.Lfunc_end2:
_tile_overlayer_lowered:
.L_overlay_start_2:
0x10b: {  	(tag) =	ssettag $0x2  }
0x10c: {  	s0 =	rddreg [dreg:$0x0];
	s2 =	stileid.u32  }
0x10d: {  	s1 =	rddreg [dreg:$0x1];
	p0 =	sne.s32 s2, $0x0  }
0x10e: {  	s3 =	rddreg [dreg:$0x2];
	[bflag:$0x3] =	sbarrier.arrive $0xFFFF;
	s2 =	simm.s32 @!p0 $0x1C03  }
0x10f: {  	[timem:s3], [sflag:s2] =	dma.local @!p0 [hbm:s0], s1  }
0x110: {  	s0 =	simm.s32 @!p0 $0x3  }
0x111: {  	_ =	swait.ge @!p0 [sflag:s0], s1  }
0x112: {  	s1 =	ssub.s32 @!p0 $0x0, s1;
	[sflag:s0] =	ssyncset.done @!p0 $0x0  }
0x113: {  	[sflag:s0] =	ssyncadd.s32 @!p0 s1  }
0x114: {  	[bflag:$0x3] =	sbarrier.arrive $0xFFFF  }
0x115: {  	_ =	shalt  }

// kernel: kernel.8.cloned.1.call-start
scs
__scs_entry_jumppad:
0x0: {  	(pc) =	sbr.rel $0x88, $3  }
0x1: {  	(tag) =	ssettag $0x0;
	lr =	simm.s32 $0x1  }
0x2: {  	[smem:$0x3F9B] =	sst lr;
	_ =	strace $0xD0000000  }
0x3: {  	_ = 	snop  }
0x4: {  	_ = 	snop  }
0x5: {  	_ = 	snop  }
0x6: {  	_ = 	snop  }
0x7: {  	_ = 	snop  }
__scs_overlays_trampoline_lowered:
0x8: {  	[smem:$0x3FAA] =	sst s0  }
0x9: {  	[smem:$0x3FAB] =	sst s1  }
0xa: {  	[smem:$0x3FAC] =	sst s2  }
0xb: {  	[smem:$0x3FAD] =	sst s3  }
0xc: {  	[smem:$0x3FAE] =	sst s4  }
0xd: {  	[smem:$0x3FAF] =	sst s5  }
0xe: {  	[smem:$0x3FB0] =	sst s6  }
0xf: {  	[smem:$0x3FB1] =	sst s7  }
0x10: {  	[smem:$0x3FB2] =	sst s8  }
0x11: {  	[smem:$0x3FB3] =	sst s9;
	s0 =	simm.s32 @!p0 $0x0  }
0x12: {  	s1 =	sld [smem:$0x3F99];
	s0 =	simm.s32 @p0 $0x1  }
0x13: {  	[smem:$0x3FB4] =	sst s0;
	s0 =	simm.s32 @!p1 $0x0  }
0x14: {  	s2 =	sld [smem:$0x3F98];
	s0 =	simm.s32 @p1 $0x1  }
0x15: {  	[smem:$0x3FB5] =	sst s0;
	s0 =	simm.s32 @!p2 $0x0  }
0x16: {  	s3 =	sld [smem:$0x3FDB];
	s0 =	simm.s32 @p2 $0x1  }
0x17: {  	s4 =	simm.s32 $0x1BF5;
	[smem:$0x3FB7] =	sst s0  }
0x18: {  	s0 =	sld [smem:$0x3F9A];
	_ =	swait.ge [sflag:s4], $0x0  }
0x19: {  	s7 =	sld [smem:$0x3F9B]  }
0x1a: {  	s8 =	sadd.s32 $0xFFFFE003, lr  }
0x1b: {  	s9 =	sadd.s32 $0xFFFFFEF7, lr;
	s5 =	simm.s32 $0xFFFFFFFF;
	p2 =	slt.u32 s8, $0xFFFFF086  }
0x1c: {  	p1 =	slt.u32 s9, $0xF7A;
	s5 =	simm.s32 @!p2 $0x0  }
0x1d: {  	s5 =	simm.s32 @p1 $0x1;
	p0 =	seq.s32 s7, s2  }
0x1e: {  	s7 =	smul.u32 @!p0 $0xF7A, s2;
	p2 =	seq.s32 @!p0 s5, $0x0  }
0x1f: {  	s9 =	smul.u32 $0xF7A, s1;
	s8 =	simm.s32 @!p0 $0x1BF5;
	p2 =	por !p2, p0  }
0x20: {  	[sflag:s8] =	ssyncset.s32 @!p0 $0xFFFFF086;
	s6 =	sadd.s32 @!p0 s3, s7;
	s7 =	simm.s32 @!p0 $0x108  }
0x21: {  	s3 =	sadd.s32 s3, s9;
	s6 =	sadd.s32 @!p0 $0x88, s6;
	s7 =	simm.s32 @p2 $0x1082  }
0x22: {  	[simem:s7], [sflag:s8] =	dma.local @!p0 [hbm:s6], $0xF7A  }
0x23: {  	s9 =	sor.u32 $0xD0000000, s2;
	s6 =	simm.s32 $0x108;
	_ =	swait.ge @!p0 [sflag:s8], $0x0  }
0x24: {  	s3 =	sadd.s32 $0x88, s3;
	s6 =	simm.s32 @!p1 $0x1082;
	[sflag:s4] =	ssyncset.s32 $0xFFFFF086  }
0x25: {  	[simem:s6], [sflag:s4] =	dma.local [hbm:s3], $0xF7A  }
0x26: {  	[smem:$0x3F9B] =	sst s1;
	(tag) =	ssettag s2;
	_ =	strace s9  }
0x27: {  	s1 =	sld [smem:$0x3FAB]  }
0x28: {  	s2 =	sld [smem:$0x3FAC]  }
0x29: {  	s4 =	sld [smem:$0x3FAE]  }
0x2a: {  	p0 =	seq.s32 s5, $0x0;
	s5 =	sld [smem:$0x3FAF]  }
0x2b: {  	s6 =	sld [smem:$0x3FB0]  }
0x2c: {  	s7 =	sld [smem:$0x3FB1]  }
0x2d: {  	s3 =	simm.s32 $0x108;
	s8 =	sld [smem:$0x3FB2]  }
0x2e: {  	s3 =	simm.s32 @!p0 $0x1082;
	s9 =	sld [smem:$0x3FB3]  }
0x2f: {  	lr =	sadd.s32 s0, s3;
	s0 =	sld [smem:$0x3FAA]  }
0x30: {  	s3 =	sld [smem:$0x3FAD]  }
0x31: {  	[smem:$0x3FB6] =	sst s10  }
0x32: {  	s10 =	sld [smem:$0x3FB4];
	_ =	sdelay $0x3  }
0x33: {  	p0 =	seq.s32 s10, $0x1;
	s10 =	sld [smem:$0x3FB6];
	_ =	sdelay $0x3  }
0x34: {  	[smem:$0x3FB6] =	sst s10  }
0x35: {  	s10 =	sld [smem:$0x3FB5];
	_ =	sdelay $0x3  }
0x36: {  	p1 =	seq.s32 s10, $0x1;
	s10 =	sld [smem:$0x3FB6];
	_ =	sdelay $0x3  }
0x37: {  	[smem:$0x3FB6] =	sst s10  }
0x38: {  	s10 =	sld [smem:$0x3FB7]  }
0x39: {  	_ = 	snop;
	(pc) =	sbr.ind lr, $3  }
0x3a: {  	_ = 	snop  }
0x3b: {  	_ = 	snop  }
0x3c: {  	p2 =	seq.s32 s10, $0x1;
	s10 =	sld [smem:$0x3FB6]  }
0x3d: {  	_ =	shalt  }
0x3e: {  	_ =	shalt  }
0x3f: {  	_ =	shalt  }
0x40: {  	_ =	shalt  }
0x41: {  	_ =	shalt  }
0x42: {  	_ =	shalt  }
0x43: {  	_ =	shalt  }
0x44: {  	_ =	shalt  }
0x45: {  	_ =	shalt  }
0x46: {  	_ =	shalt  }
0x47: {  	_ =	shalt  }
0x48: {  	_ =	shalt  }
0x49: {  	_ =	shalt  }
0x4a: {  	_ =	shalt  }
0x4b: {  	_ =	shalt  }
0x4c: {  	_ =	shalt  }
0x4d: {  	_ =	shalt  }
0x4e: {  	_ =	shalt  }
0x4f: {  	_ =	shalt  }
0x50: {  	_ =	shalt  }
0x51: {  	_ =	shalt  }
0x52: {  	_ =	shalt  }
0x53: {  	_ =	shalt  }
0x54: {  	_ =	shalt  }
0x55: {  	_ =	shalt  }
0x56: {  	_ =	shalt  }
0x57: {  	_ =	shalt  }
0x58: {  	_ =	shalt  }
0x59: {  	_ =	shalt  }
0x5a: {  	_ =	shalt  }
0x5b: {  	_ =	shalt  }
0x5c: {  	_ =	shalt  }
0x5d: {  	_ =	shalt  }
0x5e: {  	_ =	shalt  }
0x5f: {  	_ =	shalt  }
0x60: {  	_ =	shalt  }
0x61: {  	_ =	shalt  }
0x62: {  	_ =	shalt  }
0x63: {  	_ =	shalt  }
0x64: {  	_ =	shalt  }
0x65: {  	_ =	shalt  }
0x66: {  	_ =	shalt  }
0x67: {  	_ =	shalt  }
0x68: {  	_ =	shalt  }
0x69: {  	_ =	shalt  }
0x6a: {  	_ =	shalt  }
0x6b: {  	_ =	shalt  }
0x6c: {  	_ =	shalt  }
0x6d: {  	_ =	shalt  }
0x6e: {  	_ =	shalt  }
0x6f: {  	_ =	shalt  }
0x70: {  	_ =	shalt  }
0x71: {  	_ =	shalt  }
0x72: {  	_ =	shalt  }
0x73: {  	_ =	shalt  }
0x74: {  	_ =	shalt  }
0x75: {  	_ =	shalt  }
0x76: {  	_ =	shalt  }
0x77: {  	_ =	shalt  }
0x78: {  	_ =	shalt  }
0x79: {  	_ =	shalt  }
0x7a: {  	_ =	shalt  }
0x7b: {  	_ =	shalt  }
0x7c: {  	_ =	shalt  }
0x7d: {  	_ =	shalt  }
0x7e: {  	_ =	shalt  }
0x7f: {  	_ =	shalt  }
0x80: {  	_ =	shalt  }
0x81: {  	_ =	shalt  }
0x82: {  	_ =	shalt  }
0x83: {  	_ =	shalt  }
0x84: {  	_ =	shalt  }
0x85: {  	_ =	shalt  }
0x86: {  	_ =	shalt  }
0x87: {  	_ =	shalt  }
.Lfunc_end0:
.L_simem_size_0:
called_computation_lowered:
.L_overlay_start_0:
0x88: {  	s2 =	sld [smem:$0x3FD9]  }
0x89: {  	s3 =	sld [smem:$0x3FFE];
	_ =	sdelay $0x1  }
0x8a: {  	s1 =	srdreg.scid  }
0x8b: {  	s0 =	sand.u32 $0x1, s1  }
0x8c: {  	s16 =	sshll.u32 s0, $0xA;
	s2 =	sadd.s32 s3, s2  }
0x8d: {  	s2 =	sadd.s32 s2, s16  }
0x8e: {  	[smem:$0x3FC2] =	sst s2  }
0x8f: {  	_ = 	snop  }
0x90: {  	(tm) =	ssettm $0x1  }
0x91: {  	s17 =	sld [smem:$0x3FFB];
	_ =	sdelay $0x3  }
0x92: {  	_ =	strace s17  }
0x93: {  	s2 =	sld [smem:$0x3FFC];
	_ =	sdelay $0x3  }
0x94: {  	_ =	strace s2  }
0x95: {  	s2 =	sld [smem:$0x3FFD];
	_ =	sdelay $0x3  }
0x96: {  	_ =	strace s2  }
0x97: {  	_ =	strace $0x8FFFFFFF  }
0x98: {  	s18 =	sld [smem:$0x3FDB];
	_ =	sdelay $0x1  }
0x99: {  	s19 =	simm.s32 $_scs_section_size  }
0x9a: {  	s4 =	simm.s32 $_size__tile_overlayer_lowered;
	s5 =	simm.s32 $_tile_overlayer_lowered  }
0x9b: {  	s22 =	simm.s32 $0x1BFF;
	s21 =	sshll.u32 s5, $0x1;
	s2 =	sadd.s32 s19, s18  }
0x9c: {  	s6 =	simm.s32 $0x0;
	s20 =	sshll.u32 s4, $0x1;
	s4 =	sadd.s32 s21, s2  }
0x9d: {  	[timem:s6], [sflag:s22] =	dma.local [hbm:s4], s20  }
0x9e: {  	_ =	swait.ge [sflag:s22], s20  }
0x9f: {  	s3 =	ssub.s32 $0x0, s20;
	[sflag:s22] =	ssyncset.done $0x0  }
0xa0: {  	[sflag:s22] =	ssyncadd.s32 s3;
	_ =	sdelay $0x1  }
0xa1: {  	s23 =	simm.s32 $0x1B8B  }
0xa2: {  	_ =	swait.ge [sflag:s23], $0x1  }
0xa3: {  	[sflag:s23] =	ssyncset.done $0x0  }
0xa4: {  	s25 =	simm.s32 $0x1B8E;
	s24 =	sld [smem:$0x3FFE];
	[sflag:s23] =	ssyncadd.s32 $0xFFFFFFFF  }
0xa5: {  	s26 =	simm.s32 $execute0_lowered;
	[smem:$0x3FD2] =	sst s25  }
0xa6: {  	s4 =	sshll.u32 s26, $0x1;
	_ =	strace $0x80000046;
	[dreg:$0x1] =	wrdreg $0xFFFFFFFF  }
0xa7: {  	s28 =	simm.s32 $_size_execute0_lowered;
	s2 =	sadd.s32 s2, s4;
	[dreg:$0x0] =	wrdreg $0x0  }
0xa8: {  	s4 =	sshll.u32 s28, $0x1;
	[dreg:$0x2] =	wrdreg s2  }
0xa9: {  	[dreg:$0x3] =	wrdreg s4  }
0xaa: {  	[dreg:$0x4] =	wrdreg $0xC0  }
0xab: {  	_ =	task [dreg:s6], $0x5FFFF  }
0xac: {  	[dreg:$0x1] =	wrdreg $0xFFFFFFFF  }
0xad: {  	[dreg:$0x0] =	wrdreg $0x60  }
0xae: {  	[dreg:$0x2] =	wrdreg s24  }
0xaf: {  	[dreg:$0x3] =	wrdreg $0x17800  }
0xb0: {  	[dreg:$0x4] =	wrdreg $0x9  }
0xb1: {  	_ =	task.clear_ibuf [dreg:s6], $0x5FFFF;
	_ =	strace $0x90000046  }
0xb2: {  	s29 =	simm.s32 $0x9;
	_ =	strace $0x80000048  }
0xb3: {  	_ =	swait.ge [sflag:s29], $0x1  }
0xb4: {  	[sflag:s29] =	ssyncadd.s32 $0xFFFFFFFF  }
0xb5: {  	_ =	strace $0x90000048  }
0xb6: {  	_ =	sfence  }
0xb7: {  	s30 =	sld [smem:$0x0];
	_ =	sdelay $0x2  }
0xb8: {  	s31 =	sshll.u32 s1, $0xD;
	s1 =	sshrl.u32 s1, $0x2  }
0xb9: {  	s3 =	sand.u32 $0x4000, s31;
	s1 =	sadd.s32 s1, s30  }
0xba: {  	s0 =	sor.u32 s3, s0;
	s1 =	sshll.u32 s1, $0x11  }
0xbb: {  	s0 =	sor.u32 s1, s0  }
0xbc: {  	s0 =	sadd.s32 $0x8F2B, s0  }
0xbd: {  	[sflag:s0] =	ssyncadd.remote.s32 $0x1  }
0xbe: {  	_ =	sfence.sel $0xFFFF  }
0xbf: {  	[dreg:$0x0] =	wrdreg $0xFFFFFFFF;
	(pc) =	sbr.abs _section_cstart, $3  }
0xc0: {  	[dreg:$0x1] =	wrdreg $0xFFFFFFFF  }
0xc1: {  	_ =	task.clear_ibuf [dreg:s6], $0x2FFFF;
	_ =	strace $0x9FFFFFFF  }
0xc2: {  	(tm) =	ssettm $0x7FFFFFFF  }
0xc3: {  	_ =	shalt  }
tec
execute0_lowered:
.L_overlay_start_1:
0x0: {  	(tag) =	ssettag $0x1  }
0x1: {  	s4 =	rddreg [dreg:$0x0];
	s0 =	srdreg.scid  }
0x2: {  	s2 =	rddreg [dreg:$0x1];
	s1 =	stileid.u32  }
0x3: {  	s3 =	simm.s32 $0x0;
	s10 =	simm.s32 $0x80;
	s11 =	simm.s32 $0x1400  }
0x4: {  	s12 =	simm.s32 $0x1480;
	s13 =	simm.s32 $0x100;
	s14 =	simm.s32 $0x0  }
0x5: {  	s5 =	sand.u32 $0x1, s0;
	s0 =	rddreg [dreg:$0x2];
	s7 =	smul.u32 $0x500, s1  }
0x6: {  	[smem:$0x7FF] =	sst s3;
	s30 =	smul.u32 $0xA00, s1;
	s6 =	sshll.u32 s5, $0x4  }
0x7: {  	s8 =	sshll.u32 s5, $0x7;
	_ =	strace $0x80000047;
	s6 =	sor.u32 s1, s6  }
0x8: {  	s5 =	ssub.s32 $0x2, s5;
	s7 =	sor.u32 s8, s7;
	s6 =	smul.u32 $0x280, s6  }
0x9: {  	s31 =	sshrl.u32 s5, $0x1;
	s8 =	sshrl.u32 s30, $0x2;
	s7 =	sshrl.u32 s7, $0x3  }
0xa: {  	s9 =	ssub.s32 s5, s31;
	s5 =	sadd.s32 s8, s2;
	s6 =	sadd.s32 s6, s4  }
0xb: {  	s8 =	simm.s32 $0x1;
	s7 =	sadd.s32 s7, s4;
	s4 =	sadd.s32 $0x2E00, s6  }
0xc: {  	v0 =	vimm.f32 $1.000000000e+00;
	v1 =	vimm.f32 $0.0e+00;
	s6 =	sadd.s32 $0x7E00, s7;
	s7 =	smax.u32 s9, $0x1;
	s9 =	simm.s32 $0x1500  }
.LBB2_1:
0xd: {  	[tilespmem:$0x1480] =	vst v0  }
0xe: {  	[tilespmem:$0x1490] =	vst v0  }
0xf: {  	[tilespmem:$0x14A0] =	vst v0  }
0x10: {  	[tilespmem:$0x14B0] =	vst v0  }
0x11: {  	[tilespmem:$0x14C0] =	vst v0  }
0x12: {  	[tilespmem:$0x14D0] =	vst v0  }
0x13: {  	[tilespmem:$0x14E0] =	vst v0  }
0x14: {  	[tilespmem:$0x14F0] =	vst v0  }
0x15: {  	[tilespmem:$0x1500] =	vst v1  }
0x16: {  	[tilespmem:$0x1510] =	vst v1  }
0x17: {  	[tilespmem:$0x1520] =	vst v1  }
0x18: {  	[tilespmem:$0x1530] =	vst v1  }
0x19: {  	[tilespmem:$0x1540] =	vst v1  }
0x1a: {  	[tilespmem:$0x1550] =	vst v1  }
0x1b: {  	[tilespmem:$0x1560] =	vst v1  }
0x1c: {  	[tilespmem:$0x1570] =	vst v1  }
0x1d: {  	[tilespmem:$0x1580] =	vst v1  }
0x1e: {  	[tilespmem:$0x1590] =	vst v1  }
0x1f: {  	[tilespmem:$0x15A0] =	vst v1  }
0x20: {  	[tilespmem:$0x15B0] =	vst v1  }
0x21: {  	[tilespmem:$0x15C0] =	vst v1  }
0x22: {  	[tilespmem:$0x15D0] =	vst v1  }
0x23: {  	[tilespmem:$0x15E0] =	vst v1  }
0x24: {  	[tilespmem:$0x15F0] =	vst v1  }
0x25: {  	[tilespmem:$0x1600] =	vst v1  }
0x26: {  	[tilespmem:$0x1610] =	vst v1  }
0x27: {  	[tilespmem:$0x1620] =	vst v1  }
0x28: {  	[tilespmem:$0x1630] =	vst v1  }
0x29: {  	[tilespmem:$0x1640] =	vst v1  }
0x2a: {  	[tilespmem:$0x1650] =	vst v1  }
0x2b: {  	[tilespmem:$0x1660] =	vst v1  }
0x2c: {  	[tilespmem:$0x1670] =	vst v1  }
0x2d: {  	[tilespmem:$0x1680] =	vst v1  }
0x2e: {  	[tilespmem:$0x1690] =	vst v1  }
0x2f: {  	[tilespmem:$0x16A0] =	vst v1  }
0x30: {  	[tilespmem:$0x16B0] =	vst v1  }
0x31: {  	[tilespmem:$0x16C0] =	vst v1  }
0x32: {  	[tilespmem:$0x16D0] =	vst v1  }
0x33: {  	[tilespmem:$0x16E0] =	vst v1  }
0x34: {  	[tilespmem:$0x16F0] =	vst v1  }
0x35: {  	[tilespmem:$0x1700] =	vst v1  }
0x36: {  	[tilespmem:$0x1710] =	vst v1  }
0x37: {  	[tilespmem:$0x1720] =	vst v1  }
0x38: {  	[tilespmem:$0x1730] =	vst v1  }
0x39: {  	[tilespmem:$0x1740] =	vst v1  }
0x3a: {  	[tilespmem:$0x1750] =	vst v1  }
0x3b: {  	[tilespmem:$0x1760] =	vst v1  }
0x3c: {  	[tilespmem:$0x1770] =	vst v1  }
0x3d: {  	[tilespmem:s3], [sflag:$0x1] =	stream.linear.gather [hbm4b:s4+s3], $0x1400, $0x38;
	[tilespmem:$0x1A00] =	vst v63  }
0x3e: {  	_ =	swait.ge [sflag:s8], $0x1400  }
0x3f: {  	[sflag:s8] =	ssyncset.done $0x0  }
0x40: {  	[sflag:s8] =	ssyncadd.s32 $0xFFFFEC00  }
0x41: {  	[spmem:s5] =	stream.linear.scatter [tilespmem:s9], [sflag:$0x1], $0x280, $0x38;
	[tilespmem:$0x1A00] =	vst v63  }
0x42: {  	_ =	swait.ge [sflag:s8], $0x280  }
0x43: {  	[sflag:s8] =	ssyncset.done $0x0  }
0x44: {  	[sflag:s8] =	ssyncadd.s32 $0xFFFFFD80  }
0x45: {  	s15 =	simm.s32 $0x0;
	[bflag:$0x0] =	sbarrier.arrive $0xFFFF  }
0x46: {  	v2 =	vld [tilespmem:s15+$0x0];
	_ =	sdelay $0x4  }
0x47: {  	[tilespmem:$0x1400] =	vst v2  }
0x48: {  	v2 =	vld [tilespmem:s15+$0x10];
	_ =	sdelay $0x4  }
0x49: {  	[tilespmem:$0x1410] =	vst v2  }
0x4a: {  	v2 =	vld [tilespmem:s15+$0x20];
	_ =	sdelay $0x4  }
0x4b: {  	[tilespmem:$0x1420] =	vst v2  }
0x4c: {  	v2 =	vld [tilespmem:s15+$0x30];
	_ =	sdelay $0x4  }
0x4d: {  	[tilespmem:$0x1430] =	vst v2  }
0x4e: {  	v2 =	vld [tilespmem:s15+$0x40];
	_ =	sdelay $0x4  }
0x4f: {  	[tilespmem:$0x1440] =	vst v2  }
0x50: {  	v2 =	vld [tilespmem:s15+$0x50];
	_ =	sdelay $0x4  }
0x51: {  	[tilespmem:$0x1450] =	vst v2  }
0x52: {  	v2 =	vld [tilespmem:s15+$0x60];
	_ =	sdelay $0x4  }
0x53: {  	[tilespmem:$0x1460] =	vst v2  }
0x54: {  	v2 =	vld [tilespmem:s15+$0x70];
	_ =	sdelay $0x4  }
0x55: {  	[tilespmem:$0x1470] =	vst v2  }
0x56: {  	[spmem:s2] =	stream.indirect.scatter.add.f32 [tilespmem:s12], [sflag:$0x1], $0x1, s11, s10, $0xb8;
	[tilespmem:$0x1A00] =	vst v63  }
0x57: {  	_ =	swait.ge [sflag:s8], $0x80  }
0x58: {  	s17 =	simm.s32 $0x400;
	s15 =	simm.s32 $0x200;
	[sflag:s8] =	ssyncset.done $0x0  }
.LBB2_2:
0x59: {  	s18 =	sshra.s32 s15, $0x2  }
0x5a: {  	[sflag:s8] =	ssyncadd.s32 $0xFFFFFF80;
	s15 =	smov.u32 s17;
	s16 =	sadd.s32 $0x200, s17  }
0x5b: {  	p0 =	sne.s32 s17, $0x4E00;
	v2 =	vld [tilespmem:s18+$0x0];
	_ =	sdelay $0x4  }
0x5c: {  	[tilespmem:$0x1400] =	vst v2  }
0x5d: {  	v2 =	vld [tilespmem:s18+$0x10];
	_ =	sdelay $0x4  }
0x5e: {  	[tilespmem:$0x1410] =	vst v2  }
0x5f: {  	v2 =	vld [tilespmem:s18+$0x20];
	_ =	sdelay $0x4  }
0x60: {  	[tilespmem:$0x1420] =	vst v2  }
0x61: {  	v2 =	vld [tilespmem:s18+$0x30];
	_ =	sdelay $0x4  }
0x62: {  	[tilespmem:$0x1430] =	vst v2  }
0x63: {  	v2 =	vld [tilespmem:s18+$0x40];
	_ =	sdelay $0x4  }
0x64: {  	[tilespmem:$0x1440] =	vst v2  }
0x65: {  	v2 =	vld [tilespmem:s18+$0x50];
	_ =	sdelay $0x4  }
0x66: {  	[tilespmem:$0x1450] =	vst v2  }
0x67: {  	v2 =	vld [tilespmem:s18+$0x60];
	_ =	sdelay $0x4  }
0x68: {  	[tilespmem:$0x1460] =	vst v2  }
0x69: {  	v2 =	vld [tilespmem:s18+$0x70];
	_ =	sdelay $0x3  }
.Ltmp0:
0x6a: {  	(pc) =	sbr.rel @p0 .LBB2_2-.Ltmp0, $4  }
0x6b: {  	[tilespmem:$0x1470] =	vst v2  }
0x6c: {  	[spmem:s2] =	stream.indirect.scatter.add.f32 [tilespmem:s12], [sflag:$0x1], $0x1, s11, s10, $0xb8;
	[tilespmem:$0x1A00] =	vst v63  }
0x6d: {  	_ =	swait.ge [sflag:s8], $0x80  }
0x6e: {  	s17 =	smov.u32 s16;
	[sflag:s8] =	ssyncset.done $0x0  }
0x6f: {  	s15 =	sshra.s32 s15, $0x2;
	[sflag:s8] =	ssyncadd.s32 $0xFFFFFF80  }
0x70: {  	v2 =	vld [tilespmem:s15+$0x0];
	_ =	sdelay $0x4  }
0x71: {  	[tilespmem:$0x1400] =	vst v2  }
0x72: {  	v2 =	vld [tilespmem:s15+$0x10];
	_ =	sdelay $0x4  }
0x73: {  	[tilespmem:$0x1410] =	vst v2  }
0x74: {  	v2 =	vld [tilespmem:s15+$0x20];
	_ =	sdelay $0x4  }
0x75: {  	[tilespmem:$0x1420] =	vst v2  }
0x76: {  	v2 =	vld [tilespmem:s15+$0x30];
	_ =	sdelay $0x4  }
0x77: {  	[tilespmem:$0x1430] =	vst v2  }
0x78: {  	v2 =	vld [tilespmem:s15+$0x40];
	_ =	sdelay $0x4  }
0x79: {  	[tilespmem:$0x1440] =	vst v2  }
0x7a: {  	v2 =	vld [tilespmem:s15+$0x50];
	_ =	sdelay $0x4  }
0x7b: {  	[tilespmem:$0x1450] =	vst v2  }
0x7c: {  	v2 =	vld [tilespmem:s15+$0x60];
	_ =	sdelay $0x4  }
0x7d: {  	[tilespmem:$0x1460] =	vst v2  }
0x7e: {  	v2 =	vld [tilespmem:s15+$0x70];
	_ =	sdelay $0x4  }
0x7f: {  	[tilespmem:$0x1470] =	vst v2  }
0x80: {  	[spmem:s2] =	stream.indirect.scatter.add.f32 [tilespmem:s12], [sflag:$0x1], $0x1, s11, s10, $0xb8;
	[tilespmem:$0x1A00] =	vst v63  }
0x81: {  	_ =	swait.ge [sflag:s8], $0x80  }
0x82: {  	[sflag:s8] =	ssyncset.done $0x0  }
0x83: {  	[sflag:s8] =	ssyncadd.s32 $0xFFFFFF80  }
0x84: {  	[bflag:$0x0] =	sbarrier.arrive $0xFFFF  }
0x85: {  	[tilespmem:s9], [sflag:$0x1] =	stream.linear.gather [spmem:s5], $0x280, $0x38;
	[tilespmem:$0x1A00] =	vst v63  }
0x86: {  	s14 =	sadd.s32 $0x1, s14;
	_ =	swait.ge [sflag:s8], $0x280  }
0x87: {  	p0 =	sne.s32 s14, s7;
	[sflag:s8] =	ssyncset.done $0x0  }
.Ltmp1:
0x88: {  	[sflag:s8] =	ssyncadd.s32 $0xFFFFFD80;
	(pc) =	sbr.rel @p0 .LBB2_1-.Ltmp1, $4  }
0x89: {  	[hbm4b:s6+s10] =	stream.strided.scatter [tilespmem:s9], [sflag:$0x1], $0x280, s13, s10, $0x38;
	[tilespmem:$0x1A00] =	vst v63  }
0x8a: {  	_ =	swait.ge [sflag:s8], $0x280  }
0x8b: {  	[sflag:s8] =	ssyncset.done $0x0  }
0x8c: {  	[sflag:s8] =	ssyncadd.s32 $0xFFFFFD80  }
0x8d: {  	_ =	sfence.sel $0x180000  }
0x8e: {  	[bflag:$0x0] =	sbarrier.arrive $0xFFFF  }
0x8f: {  	p0 =	sne.s32 s1, $0x0;
	_ =	strace $0x90000047  }
0x90: {  	s0 =	sadd.s32 @!p0 $0x100000, s0;
	[bflag:$0x2] =	sbarrier.arrive $0xFFFF  }
0x91: {  	[sflag:s0] =	ssyncadd.tile.s32 @!p0 $0x1;
	_ =	shalt  }
.Lfunc_end2:
_tile_overlayer_lowered:
.L_overlay_start_2:
0x92: {  	(tag) =	ssettag $0x2  }
0x93: {  	s0 =	rddreg [dreg:$0x0];
	s2 =	stileid.u32  }
0x94: {  	s1 =	rddreg [dreg:$0x1];
	p0 =	sne.s32 s2, $0x0  }
0x95: {  	s3 =	rddreg [dreg:$0x2];
	[bflag:$0x3] =	sbarrier.arrive $0xFFFF;
	s2 =	simm.s32 @!p0 $0x1C01  }
0x96: {  	[timem:s3], [sflag:s2] =	dma.local @!p0 [hbm:s0], s1  }
0x97: {  	s0 =	simm.s32 @!p0 $0x1  }
0x98: {  	_ =	swait.ge @!p0 [sflag:s0], s1  }
0x99: {  	s1 =	ssub.s32 @!p0 $0x0, s1;
	[sflag:s0] =	ssyncset.done @!p0 $0x0  }
0x9a: {  	[sflag:s0] =	ssyncadd.s32 @!p0 s1  }
0x9b: {  	[bflag:$0x3] =	sbarrier.arrive $0xFFFF  }
0x9c: {  	_ =	shalt  }

</sc_bundles>
